<compile_context>
chip_gen: v7x
topology: tpu7x:2x2x1
jax: 0.10.2.dev20260603
libtpu: 0.0.44.dev20260713+nightly
codegen_flags: <defaults>
</compile_context>

<pallas_src>
import functools

import jax
import jax.numpy as jnp
import numpy as np
from jax import lax
from jax.experimental import pallas as pl
from jax.experimental.pallas import tpu as pltpu
from jax.experimental.pallas import tpu_sc as plsc

N_TOTAL = 20000
N_SUB = 10000
E = 320000
D_FEAT = 128
HID = 128
NL = 4
DK = 32
OUT_DIM = 64
T = 2048

NC = 2
NS = 16
CH = 32

NPAD = 10240
PADROW = 10200
NCHUNK = -2 * (-(E // NS) // (2 * CH))
EPT = NCHUNK * CH
E_PAD = EPT * NS
RPT = NPAD // NS
DR = NPAD // 32
TPT = T // NS

_mesh = plsc.VectorSubcoreMesh(core_axis_name="c", subcore_axis_name="s")
_sc_params = pltpu.CompilerParams(needs_layout_passes=False)



def _proj_body(x_ref, w_ref, b_ref, o_ref):
    o_ref[...] = jnp.dot(x_ref[0], w_ref[0],
                         preferred_element_type=jnp.float32) + b_ref[0]


def _type_proj(feats01, W, b):
    return pl.pallas_call(
        _proj_body,
        grid=(2, 5),
        in_specs=[
            pl.BlockSpec((1, 2000, D_FEAT), lambda t, i: (t, i, 0)),
            pl.BlockSpec((1, D_FEAT, HID), lambda t, i: (t, 0, 0)),
            pl.BlockSpec((1, 1, HID), lambda t, i: (t, 0, 0)),
        ],
        out_specs=pl.BlockSpec((2000, HID), lambda t, i: (t * 5 + i, 0)),
        out_shape=jax.ShapeDtypeStruct((N_TOTAL, HID), jnp.float32),
    )(feats01, W, b)


def _latent_body(x_ref, w_ref, b_ref, o_ref):
    o_ref[0] = jnp.tanh(jnp.dot(x_ref[0], w_ref[0],
                                preferred_element_type=jnp.float32)
                        + b_ref[0])


def _latent_proj(feats, Wf, bf):
    return pl.pallas_call(
        _latent_body,
        grid=(2, 8),
        in_specs=[
            pl.BlockSpec((1, NPAD // 8, HID), lambda b, i: (b, i, 0)),
            pl.BlockSpec((1, HID, HID), lambda b, i: (b, 0, 0)),
            pl.BlockSpec((1, 1, HID), lambda b, i: (b, 0, 0)),
        ],
        out_specs=pl.BlockSpec((1, NPAD // 8, HID), lambda b, i: (b, i, 0)),
        out_shape=jax.ShapeDtypeStruct((2, NPAD, HID), jnp.float32),
    )(feats, Wf, bf)


def _final_body(n_ref, d_ref, r_ref, w_ref, b_ref, o_ref):
    denr = jnp.dot(d_ref[0], r_ref[...], preferred_element_type=jnp.float32)
    emb = n_ref[0] / (denr + 1e-9)
    o_ref[0] = jnp.dot(emb, w_ref[0],
                       preferred_element_type=jnp.float32) + b_ref[0]


def _final_proj(num_t, den_t, rep, W, b):
    return pl.pallas_call(
        _final_body,
        grid=(2,),
        in_specs=[
            pl.BlockSpec((1, T, HID), lambda b_: (b_, 0, 0)),
            pl.BlockSpec((1, T, NL), lambda b_: (b_, 0, 0)),
            pl.BlockSpec((NL, HID), lambda b_: (0, 0)),
            pl.BlockSpec((1, HID, OUT_DIM), lambda b_: (b_, 0, 0)),
            pl.BlockSpec((1, 1, OUT_DIM), lambda b_: (b_, 0, 0)),
        ],
        out_specs=pl.BlockSpec((1, T, OUT_DIM), lambda b_: (b_, 0, 0)),
        out_shape=jax.ShapeDtypeStruct((2, T, OUT_DIM), jnp.float32),
    )(num_t, den_t, rep, W, b)



@functools.partial(
    pl.kernel, mesh=_mesh, compiler_params=_sc_params,
    out_type=pltpu.HBM((2 * NPAD, HID), jnp.float32),
    scratch_types=[
        pltpu.VMEM((128,), jnp.int32),
        pltpu.VMEM((128, HID), jnp.float32),
        pltpu.SemaphoreType.DMA,
    ],
)
def _node_gather(trans_hbm, idx_hbm, out_hbm, idx_v, rows_v, sem):
    cid = lax.axis_index("c")
    sid = lax.axis_index("s")
    base = (cid * NS + sid) * (2 * NPAD // (NC * NS))

    def chunk(i, carry):
        off = base + i * 128
        pltpu.sync_copy(idx_hbm.at[pl.ds(off, 128)], idx_v)
        pltpu.async_copy(trans_hbm.at[idx_v], rows_v, sem).wait()
        pltpu.sync_copy(rows_v, out_hbm.at[pl.ds(off, 128)])
        return carry

    lax.fori_loop(0, 2 * NPAD // (NC * NS) // 128, chunk, 0)


@functools.partial(
    pl.kernel, mesh=_mesh, compiler_params=_sc_params,
    out_type=[
        pltpu.HBM((2 * T, HID), jnp.float32),
        pltpu.HBM((2, T * NL), jnp.float32),
    ],
    scratch_types=[
        pltpu.VMEM_SHARED((NPAD, HID), jnp.float32),
        pltpu.VMEM_SHARED((DR, HID), jnp.float32),
        pltpu.VMEM((CH,), jnp.int32),
        pltpu.VMEM((CH,), jnp.int32),
        pltpu.VMEM((CH,), jnp.int32),
        pltpu.VMEM((CH,), jnp.int32),
        pltpu.VMEM((CH, HID), jnp.float32),
        pltpu.VMEM((CH, HID), jnp.float32),
        pltpu.VMEM((CH, HID), jnp.float32),
        pltpu.VMEM((CH, HID), jnp.float32),
        pltpu.VMEM((CH,), jnp.int32),
        pltpu.VMEM((CH,), jnp.int32),
        pltpu.VMEM((CH,), jnp.int32),
        pltpu.VMEM((CH,), jnp.int32),
        pltpu.VMEM((CH, HID), jnp.float32),
        pltpu.VMEM((CH, HID), jnp.float32),
        pltpu.VMEM((CH, HID), jnp.float32),
        pltpu.VMEM((CH, HID), jnp.float32),
        pltpu.VMEM((TPT,), jnp.int32),
        pltpu.VMEM((TPT * NL,), jnp.float32),
        pltpu.SemaphoreType.DMA,
        pltpu.SemaphoreType.DMA,
        pltpu.SemaphoreType.DMA,
        pltpu.SemaphoreType.DMA,
        pltpu.SemaphoreType.DMA,
        pltpu.SemaphoreType.DMA,
    ],
)
def _edge_pass(z_hbm, src_hbm, dstz_hbm, targ_hbm, zeros_hbm,
               onum_hbm, oden_hbm, num_sh, den_sh,
               s0_v, dz0_v, s1_v, dz1_v,
               zs0_v, zd0_v, zs1_v, zd1_v,
               dlc0_v, ddc0_v, dlc1_v, ddc1_v,
               outv0, outd0, outv1, outd1, tg_v, dgath_v,
               isem0, isem1, zsem0, zsem1, ssem0, ssem1):
    cid = lax.axis_index("c")
    sid = lax.axis_index("s")

    pltpu.sync_copy(zeros_hbm.at[pl.ds(sid * RPT, RPT)],
                    num_sh.at[pl.ds(sid * RPT, RPT)])

    @pl.when(sid < DR // 32)
    def _zero_den():
        pltpu.sync_copy(zeros_hbm.at[pl.ds(sid * 32, 32)],
                        den_sh.at[pl.ds(sid * 32, 32)])

    plsc.subcore_barrier()

    base_e = cid * E_PAD + sid * EPT
    iota = lax.iota(jnp.int32, 16)
    zero16 = jnp.zeros((16,), jnp.float32)
    perms = [(iota ^ jnp.full((16,), s, jnp.int32)).reshape(16, 1)
             for s in (1, 2, 4, 8)]
    _dn = lax.GatherDimensionNumbers(
        offset_dims=(), collapsed_slice_dims=(0,), start_index_map=(0,))

    def gat(v, p):
        return lax.gather(v, p, _dn, slice_sizes=(1,),
                          mode=lax.GatherScatterMode.PROMISE_IN_BOUNDS)

    def lane_sum(v):
        for p in perms:
            v = v + gat(v, p)
        return v

    bufs = ((s0_v, dz0_v, None, isem0, zs0_v, zd0_v, zsem0,
             outv0, outd0, dlc0_v, ddc0_v, ssem0),
            (s1_v, dz1_v, None, isem1, zs1_v, zd1_v, zsem1,
             outv1, outd1, dlc1_v, ddc1_v, ssem1))
    zoff = cid * NPAD

    def issue_idx(c, b):
        eb = base_e + c * CH
        pltpu.async_copy(src_hbm.at[pl.ds(eb, CH)], b[0], b[3])
        pltpu.async_copy(dstz_hbm.at[pl.ds(eb, CH)], b[1], b[3])

    def wait_idx(b):
        for r in (b[0], b[1]):
            pltpu.make_async_copy(src_hbm.at[pl.ds(0, CH)], r, b[3]).wait()

    def issue_z(b):
        pltpu.async_copy(z_hbm.at[b[0]], b[4], b[6])
        pltpu.async_copy(z_hbm.at[b[1]], b[5], b[6])

    def wait_z(b):
        for r in (b[4], b[5]):
            pltpu.make_async_copy(z_hbm.at[pl.ds(0, CH)], r, b[6]).wait()

    def prep(b):
        didxz_v, dlc_v, ddc_v = b[1], b[9], b[10]

        def body(t, c2):
            d16 = didxz_v[pl.ds(16 * t, 16)] - zoff
            dlc_v[pl.ds(16 * t, 16)] = d16
            ddc_v[pl.ds(16 * t, 16)] = lax.shift_right_logical(d16, 5)
            return c2

        lax.fori_loop(0, CH // 16, body, 0)

    def wait_scatter(b):
        pltpu.make_async_copy(outv0, num_sh.at[b[9]], b[11]).wait()
        pltpu.make_async_copy(outd0, den_sh.at[b[10]], b[11]).wait()

    def edges_and_scatter(b):
        zsrc_v, zdst_v = b[4], b[5]
        outv, outd_v, dlc_v = b[7], b[8], b[9]

        idxq = ((iota & 3) * 4).reshape(16, 1)
        bcast = [jnp.full((16, 1), 4 * k, jnp.int32) for k in range(NL)]

        @plsc.parallel_loop(0, CH, 1, unroll=2)
        def edge(e):
            zs = [zsrc_v[e, pl.ds(16 * j, 16)] for j in range(8)]
            zd = [zdst_v[e, pl.ds(16 * j, 16)] for j in range(8)]
            dsts16 = dlc_v[pl.ds((e >> 4) * 16, 16)]
            dstv = gat(dsts16, jnp.full((16, 1), e & 15, jnp.int32))
            ofs = (dstv & 3) * 4
            slotv = lax.shift_right_logical(dstv & 31, 2)
            ps = []
            for k in range(NL):
                p = zs[2 * k] * zd[2 * k] + zs[2 * k + 1] * zd[2 * k + 1]
                p = p + gat(p, perms[0])
                p = p + gat(p, perms[1])
                ps.append(p)
            q = jnp.where(iota < 4, gat(ps[0], idxq),
                          jnp.where(iota < 8, gat(ps[1], idxq),
                                    jnp.where(iota < 12, gat(ps[2], idxq),
                                              gat(ps[3], idxq))))
            q = q + gat(q, perms[0])
            q = q + gat(q, perms[1])
            wall = jnp.exp(jnp.where(q > 0.0, q, 0.2 * q))
            for k in range(NL):
                wv = gat(wall, bcast[k])
                outv[e, pl.ds(32 * k, 16)] = wv * zs[2 * k]
                outv[e, pl.ds(32 * k + 16, 16)] = wv * zs[2 * k + 1]
            wmask = (iota >= ofs) & (iota < ofs + 4)
            wsrc = (((iota - ofs) & 3) * 4).reshape(16, 1)
            wden = jnp.where(wmask, gat(wall, wsrc), zero16)
            for j in range(8):
                outd_v[e, pl.ds(16 * j, 16)] = jnp.where(
                    slotv == j, wden, zero16)

        pltpu.async_copy(outv, num_sh.at[dlc_v], b[11], add=True)
        pltpu.async_copy(outd_v, den_sh.at[b[10]], b[11], add=True)

    issue_idx(0, bufs[0])
    wait_idx(bufs[0])
    issue_z(bufs[0])
    issue_idx(1, bufs[1])
    for b in bufs:
        pltpu.async_copy(zeros_hbm.at[pl.ds(0, CH)], b[7], b[11])
        pltpu.async_copy(zeros_hbm.at[pl.ds(0, CH)], b[8], b[11])

    def phase(t, b, bo):
        wait_idx(bo)
        issue_z(bo)
        wait_z(b)
        wait_scatter(b)
        prep(b)
        issue_idx(jnp.minimum(t + 2, NCHUNK - 1), b)
        edges_and_scatter(b)

    def piter(g, carry):
        t = 2 * g
        phase(t, bufs[0], bufs[1])
        phase(t + 1, bufs[1], bufs[0])
        return carry

    lax.fori_loop(0, NCHUNK // 2, piter, 0)
    wait_idx(bufs[1])
    wait_z(bufs[0])
    wait_scatter(bufs[0])
    wait_scatter(bufs[1])
    plsc.subcore_barrier()

    tb = cid * T + sid * TPT
    pltpu.sync_copy(targ_hbm.at[pl.ds(tb, TPT)], tg_v)
    for hp in range(TPT // 32):
        pltpu.async_copy(num_sh.at[tg_v.at[pl.ds(hp * 32, 32)]],
                         zs0_v.at[pl.ds(0, 32)], zsem0).wait()
        pltpu.sync_copy(zs0_v.at[pl.ds(0, 32)],
                        onum_hbm.at[pl.ds(tb + hp * 32, 32)])

        def trow(t, c2):
            t16 = tg_v[pl.ds(hp * 32 + 16 * t, 16)]
            ddc0_v[pl.ds(16 * t, 16)] = lax.shift_right_logical(t16, 5)
            return c2

        lax.fori_loop(0, 2, trow, 0)
        pltpu.async_copy(den_sh.at[ddc0_v.at[pl.ds(0, 32)]],
                         zd0_v.at[pl.ds(0, 32)], zsem0).wait()

        def dext(m, c2):
            t16 = tg_v[pl.ds(hp * 32 + (m // 4) * 16, 16)]
            sel = (iota // 4 + (4 * m) % 16).reshape(16, 1)
            tsel = gat(t16, sel)
            rowv = iota // 4 + 4 * m
            colv = (tsel & 31) * 4 + (iota & 3)
            vals = plsc.load_gather(zd0_v, [rowv, colv])
            dgath_v[pl.ds((hp * 8 + m) * 16, 16)] = vals
            return c2

        lax.fori_loop(0, 8, dext, 0)
    pltpu.sync_copy(dgath_v, oden_hbm.at[cid, pl.ds(sid * TPT * NL, TPT * NL)])



def kernel(feat0, feat1, type_mask, node_idx_gene, node_idx_dis,
           edge_index_gene, edge_index_dis, target_idx_gene, target_idx_dis,
           fc_type_W, fc_type_b, gene_Wf, gene_bf, gene_fc1_W, gene_fc1_b,
           gene_fc2_W, gene_fcout_W, gene_fcout_b, dis_Wf, dis_bf, dis_fc1_W,
           dis_fc1_b, dis_fc2_W, dis_fcout_W, dis_fcout_b):
    f32 = jnp.float32
    i32 = jnp.int32

    feats01 = jnp.stack([feat0, feat1])
    trans = _type_proj(feats01, fc_type_W, fc_type_b.reshape(2, 1, HID))

    zpad = jnp.zeros((NPAD - N_SUB,), i32)
    node_cat = jnp.concatenate(
        [node_idx_gene, zpad, node_idx_dis, zpad]).astype(i32)
    feats = _node_gather(trans, node_cat)

    Wf_flat = jnp.stack([
        jnp.concatenate([gene_Wf[k] for k in range(NL)], axis=1),
        jnp.concatenate([dis_Wf[k] for k in range(NL)], axis=1),
    ])
    bf_flat = jnp.stack([gene_bf.reshape(1, HID), dis_bf.reshape(1, HID)])
    Z = _latent_proj(feats.reshape(2, NPAD, HID), Wf_flat, bf_flat)
    Zflat = Z.reshape(2 * NPAD, HID)

    npad_e = E_PAD - E

    def edge_arrays(ei, zoff):
        pad_g = jnp.full((npad_e,), zoff + PADROW, i32)
        src = jnp.concatenate([ei[0] + zoff, pad_g])
        dstz = jnp.concatenate([ei[1] + zoff, pad_g])
        return src, dstz

    sg, dzg = edge_arrays(edge_index_gene, 0)
    sd, dzd = edge_arrays(edge_index_dis, NPAD)
    src_cat = jnp.concatenate([sg, sd])
    dstz_cat = jnp.concatenate([dzg, dzd])
    targ_cat = jnp.concatenate([target_idx_gene, target_idx_dis]).astype(i32)
    zeros_init = jnp.zeros((NPAD, HID), f32)

    onum, oden = _edge_pass(Zflat, src_cat, dstz_cat, targ_cat, zeros_init)

    num_t = onum.reshape(2, T, HID)
    den_t = oden.reshape(2, T, NL)
    rep = np.zeros((NL, HID), np.float32)
    for k in range(NL):
        rep[k, k * DK:(k + 1) * DK] = 1.0
    foW = jnp.stack([gene_fcout_W, dis_fcout_W])
    fob = jnp.stack([gene_fcout_b.reshape(1, OUT_DIM),
                     dis_fcout_b.reshape(1, OUT_DIM)])
    res = _final_proj(num_t, den_t, jnp.asarray(rep), foW, fob)
    return res[0], res[1]

# --- scband reference (transcript-rebuilt; emitter-appended) ---
"""Pipeline reference for scband-factor-hne-lp-7593502179680 (READ-ONLY COPY).

The authoritative reference and input builder live on the scoring server;
editing this copy changes nothing except your own understanding.
"""

import jax, jax.numpy as jnp
import numpy as np

N_TOTAL = 20000
N_TYPE = 10000
N_SUB = 10000
E = 320000
D_FEAT = 128
HID = 128
NUM_LATENT = 4
DK = HID // NUM_LATENT
OUT_DIM = 64
T = 2048

def setup_inputs(seed: int = 0):
    key = jax.random.key(seed)
    ks = jax.random.split(key, 24)
    def nrm(i, shape, scale):
        return jax.random.normal(ks[i], shape, jnp.float32) * scale
    inp = {}
    inp['feat0'] = nrm(0, (N_TYPE, D_FEAT), 1.0)
    inp['feat1'] = nrm(1, (N_TYPE, D_FEAT), 1.0)
    inp['type_mask'] = jnp.concatenate([jnp.zeros((N_TYPE,), jnp.int32), jnp.ones((N_TYPE,), jnp.int32)])
    inp['node_idx_gene'] = jax.random.randint(ks[2], (N_SUB,), 0, N_TOTAL, jnp.int32)
    inp['node_idx_dis'] = jax.random.randint(ks[3], (N_SUB,), 0, N_TOTAL, jnp.int32)
    inp['edge_index_gene'] = jax.random.randint(ks[4], (2, E), 0, N_SUB, jnp.int32)
    inp['edge_index_dis'] = jax.random.randint(ks[5], (2, E), 0, N_SUB, jnp.int32)
    inp['target_idx_gene'] = jax.random.randint(ks[6], (T,), 0, N_SUB, jnp.int32)
    inp['target_idx_dis'] = jax.random.randint(ks[7], (T,), 0, N_SUB, jnp.int32)
    inp['fc_type_W'] = nrm(8, (2, D_FEAT, HID), 0.1)
    inp['fc_type_b'] = jnp.zeros((2, HID), jnp.float32)
    inp['gene_Wf'] = nrm(9, (NUM_LATENT, HID, DK), 0.12)
    inp['gene_bf'] = jnp.zeros((NUM_LATENT, DK), jnp.float32)
    inp['gene_fc1_W'] = nrm(10, (HID, HID), 0.12)
    inp['gene_fc1_b'] = jnp.zeros((HID,), jnp.float32)
    inp['gene_fc2_W'] = nrm(11, (HID, 1), 0.12)
    inp['gene_fcout_W'] = nrm(12, (HID, OUT_DIM), 0.12)
    inp['gene_fcout_b'] = jnp.zeros((OUT_DIM,), jnp.float32)
    inp['dis_Wf'] = nrm(13, (NUM_LATENT, HID, DK), 0.12)
    inp['dis_bf'] = jnp.zeros((NUM_LATENT, DK), jnp.float32)
    inp['dis_fc1_W'] = nrm(14, (HID, HID), 0.12)
    inp['dis_fc1_b'] = jnp.zeros((HID,), jnp.float32)
    inp['dis_fc2_W'] = nrm(15, (HID, 1), 0.12)
    inp['dis_fcout_W'] = nrm(16, (HID, OUT_DIM), 0.12)
    inp['dis_fcout_b'] = jnp.zeros((OUT_DIM,), jnp.float32)
    return inp

def _factor_gnn(feat, src, dst, Wf, bf):
    # disentangled factor GNN: per-latent projection + edge attention (segment softmax) + scatter-add aggregation
    n = feat.shape[0]
    outs = []
    for k in range(NUM_LATENT):
        z = jnp.tanh(feat @ Wf[k] + bf[k])
        e = jax.nn.leaky_relu(jnp.sum(z[src] * z[dst], axis=-1), 0.2)
        emax = jax.ops.segment_max(e, dst, num_segments=n)
        emax = jnp.where(jnp.isfinite(emax), emax, 0.0)
        ee = jnp.exp(e - emax[dst])
        denom = jax.ops.segment_sum(ee, dst, num_segments=n)
        att = ee / (denom[dst] + 1e-9)
        outs.append(jax.ops.segment_sum(att[:, None] * z[src], dst, num_segments=n))
    return jnp.concatenate(outs, axis=-1)

def _hne_branch(trans, node_idx, edge_index, target_idx, Wf, bf, fc1_W, fc1_b, fc2_W, fcout_W, fcout_b):
    feat = trans[node_idx]
    emb = _factor_gnn(feat, edge_index[0], edge_index[1], Wf, bf)
    mout = emb[target_idx].reshape(-1, HID)
    # semantic attention over metapaths (num_paths=1 here, softmax over a single beta)
    f1 = jnp.tanh(mout @ fc1_W + fc1_b)
    beta = jnp.mean(f1, axis=0) @ fc2_W
    beta = jax.nn.softmax(beta, axis=0)
    h = beta[0] * mout
    return h @ fcout_W + fcout_b

def reference(feat0, feat1, type_mask, node_idx_gene, node_idx_dis, edge_index_gene, edge_index_dis, target_idx_gene, target_idx_dis, fc_type_W, fc_type_b, gene_Wf, gene_bf, gene_fc1_W, gene_fc1_b, gene_fc2_W, gene_fcout_W, gene_fcout_b, dis_Wf, dis_bf, dis_fc1_W, dis_fc1_b, dis_fc2_W, dis_fcout_W, dis_fcout_b):
    trans = jnp.zeros((N_TOTAL, HID), jnp.float32)
    for i, f in enumerate([feat0, feat1]):
        idx = jnp.nonzero(type_mask == i, size=N_TYPE)[0]
        trans = trans.at[idx].set(f @ fc_type_W[i] + fc_type_b[i])
    logits_gene = _hne_branch(trans, node_idx_gene, edge_index_gene, target_idx_gene, gene_Wf, gene_bf, gene_fc1_W, gene_fc1_b, gene_fc2_W, gene_fcout_W, gene_fcout_b)
    logits_dis = _hne_branch(trans, node_idx_dis, edge_index_dis, target_idx_dis, dis_Wf, dis_bf, dis_fc1_W, dis_fc1_b, dis_fc2_W, dis_fcout_W, dis_fcout_b)
    return (logits_gene, logits_dis)

if __name__ == "__main__":
    import jax
    _d = setup_inputs()
    print(jax.jit(kernel)(*tuple(_d.values())))

</pallas_src>

<mosaic_0001>
#map = affine_map<(d0, d1) -> (0, 0)>
#map1 = affine_map<(d0, d1) -> (0)>
module attributes {stable_mosaic.version = 14 : i64} {
  func.func @_node_gather(%arg0: i32, %arg1: i32, %arg2: memref<20000x128xf32, #tpu.memory_space<hbm>>, %arg3: memref<20480xi32, #tpu.memory_space<hbm>>, %arg4: memref<20480x128xf32, #tpu.memory_space<hbm>>, %arg5: memref<128xi32, #tpu.memory_space<vmem>>, %arg6: memref<128x128xf32, #tpu.memory_space<vmem>>, %arg7: memref<!tpu.dma_semaphore, #tpu.memory_space<semaphore_mem>>) attributes {dimension_semantics = [#tpu.dimension_semantics<core_parallel>, #tpu.dimension_semantics<subcore_parallel>], iteration_bounds = array<i64: 2, 16>, scalar_prefetch = 0 : i64, scratch_operands = 3 : i64, tpu.core_type = #tpu.core_type<sc_vector_subcore>, window_params = [{transform_indices = #map}, {transform_indices = #map1}, {transform_indices = #map}]} {
    %mul3A = arith.constant 16 : i32
    %mul3A_0 = arith.muli %arg0, %mul3A : i32
    %add3A = arith.addi %mul3A_0, %arg1 : i32
    %mul3A_1 = arith.constant 640 : i32
    %mul3A_2 = arith.muli %add3A, %mul3A_1 : i32
    %scan3A = arith.constant 0 : i32
    %scan3A_3 = arith.constant 0 : i32
    %scan3A_4 = arith.constant 5 : i32
    %scan3A_5 = arith.addi %scan3A_3, %scan3A_4 : i32
    %scan3A_6 = arith.constant 1 : i32
    scf.for %scan3A_8 = %scan3A_3 to %scan3A_5 step %scan3A_6  : i32 {
      %mul3A_9 = arith.constant 128 : i32
      %mul3A_10 = arith.muli %scan3A_8, %mul3A_9 : i32
      %add3A_11 = arith.addi %mul3A_2, %mul3A_10 : i32
      "tpu.region"() ({
        %run_scoped3A = tpu.sem_alloc : memref<!tpu.dma_semaphore, #tpu.memory_space<semaphore_mem>>
        %dma_start3A_16 = tpu.memref_slice %arg3[%add3A_11] : memref<20480xi32, #tpu.memory_space<hbm>> -> memref<128xi32, #tpu.memory_space<hbm>>
        %dma_start3A_17 = tpu.memref_slice %arg3[%add3A_11] : memref<20480xi32, #tpu.memory_space<hbm>> -> memref<128xi32, #tpu.memory_space<hbm>>
        tpu.enqueue_dma source(%dma_start3A_17 : memref<128xi32, #tpu.memory_space<hbm>>) target(%arg5 : memref<128xi32, #tpu.memory_space<vmem>>) target_semaphore(%run_scoped3A : memref<!tpu.dma_semaphore, #tpu.memory_space<semaphore_mem>>)
        %dma_wait3A_18 = tpu.memref_slice %arg3[%add3A_11] : memref<20480xi32, #tpu.memory_space<hbm>> -> memref<128xi32, #tpu.memory_space<hbm>>
        %dma_wait3A_19 = tpu.memref_slice %arg3[%add3A_11] : memref<20480xi32, #tpu.memory_space<hbm>> -> memref<128xi32, #tpu.memory_space<hbm>>
        tpu.wait_dma2 semaphore(%run_scoped3A : memref<!tpu.dma_semaphore, #tpu.memory_space<semaphore_mem>>) src(%dma_wait3A_19 : memref<128xi32, #tpu.memory_space<hbm>>) dst(%arg5 : memref<128xi32, #tpu.memory_space<vmem>>)
        tpu.yield
      }) : () -> ()
      %dma_start3A = arith.constant 0 : i32
      %dma_start3A_12 = arith.constant 0 : i32
      %dma_start3A_13 = tpu.memref_slice %arg2[%dma_start3A, %dma_start3A_12] : memref<20000x128xf32, #tpu.memory_space<hbm>> -> memref<20000x128xf32, #tpu.memory_space<hbm>>
      tpu.enqueue_indirect_dma source(%dma_start3A_13 : memref<20000x128xf32, #tpu.memory_space<hbm>>) target(%arg6 : memref<128x128xf32, #tpu.memory_space<vmem>>) offsets(%arg5 : memref<128xi32, #tpu.memory_space<vmem>>) semaphore(%arg7 : memref<!tpu.dma_semaphore, #tpu.memory_space<semaphore_mem>>)
      %dma_wait3A = arith.constant 0 : i32
      %dma_wait3A_14 = arith.constant 0 : i32
      %dma_wait3A_15 = tpu.memref_slice %arg2[%dma_wait3A, %dma_wait3A_14] : memref<20000x128xf32, #tpu.memory_space<hbm>> -> memref<20000x128xf32, #tpu.memory_space<hbm>>
      tpu.wait_indirect_dma semaphore(%arg7 : memref<!tpu.dma_semaphore, #tpu.memory_space<semaphore_mem>>) src(%dma_wait3A_15 : memref<20000x128xf32, #tpu.memory_space<hbm>>) dst(%arg6 : memref<128x128xf32, #tpu.memory_space<vmem>>)
      "tpu.region"() ({
        %run_scoped3A = tpu.sem_alloc : memref<!tpu.dma_semaphore, #tpu.memory_space<semaphore_mem>>
        %dma_start3A_16 = arith.constant 0 : i32
        %dma_start3A_17 = tpu.memref_slice %arg4[%add3A_11, %dma_start3A_16] : memref<20480x128xf32, #tpu.memory_space<hbm>> -> memref<128x128xf32, #tpu.memory_space<hbm>>
        %dma_start3A_18 = arith.constant 0 : i32
        %dma_start3A_19 = tpu.memref_slice %arg4[%add3A_11, %dma_start3A_18] : memref<20480x128xf32, #tpu.memory_space<hbm>> -> memref<128x128xf32, #tpu.memory_space<hbm>>
        tpu.enqueue_dma source(%arg6 : memref<128x128xf32, #tpu.memory_space<vmem>>) target(%dma_start3A_19 : memref<128x128xf32, #tpu.memory_space<hbm>>) target_semaphore(%run_scoped3A : memref<!tpu.dma_semaphore, #tpu.memory_space<semaphore_mem>>)
        %dma_wait3A_20 = arith.constant 0 : i32
        %dma_wait3A_21 = tpu.memref_slice %arg4[%add3A_11, %dma_wait3A_20] : memref<20480x128xf32, #tpu.memory_space<hbm>> -> memref<128x128xf32, #tpu.memory_space<hbm>>
        %dma_wait3A_22 = arith.constant 0 : i32
        %dma_wait3A_23 = tpu.memref_slice %arg4[%add3A_11, %dma_wait3A_22] : memref<20480x128xf32, #tpu.memory_space<hbm>> -> memref<128x128xf32, #tpu.memory_space<hbm>>
        tpu.wait_dma2 semaphore(%run_scoped3A : memref<!tpu.dma_semaphore, #tpu.memory_space<semaphore_mem>>) src(%arg6 : memref<128x128xf32, #tpu.memory_space<vmem>>) dst(%dma_wait3A_23 : memref<128x128xf32, #tpu.memory_space<hbm>>)
        tpu.yield
      }) : () -> ()
    }
    %scan3A_7 = arith.constant 5 : i32
    return
  }
}

#map = affine_map<(d0, d1) -> (0, 0)>
#map1 = affine_map<(d0, d1) -> (0)>
module attributes {stable_mosaic.version = 14 : i64} {
  func.func @_edge_pass(%arg0: i32, %arg1: i32, %arg2: memref<20480x128xf32, #tpu.memory_space<hbm>>, %arg3: memref<641024xi32, #tpu.memory_space<hbm>>, %arg4: memref<641024xi32, #tpu.memory_space<hbm>>, %arg5: memref<4096xi32, #tpu.memory_space<hbm>>, %arg6: memref<10240x128xf32, #tpu.memory_space<hbm>>, %arg7: memref<4096x128xf32, #tpu.memory_space<hbm>>, %arg8: memref<2x8192xf32, #tpu.memory_space<hbm>>, %arg9: memref<10240x128xf32, #tpu.memory_space<vmem_shared>>, %arg10: memref<320x128xf32, #tpu.memory_space<vmem_shared>>, %arg11: memref<32xi32, #tpu.memory_space<vmem>>, %arg12: memref<32xi32, #tpu.memory_space<vmem>>, %arg13: memref<32xi32, #tpu.memory_space<vmem>>, %arg14: memref<32xi32, #tpu.memory_space<vmem>>, %arg15: memref<32x128xf32, #tpu.memory_space<vmem>>, %arg16: memref<32x128xf32, #tpu.memory_space<vmem>>, %arg17: memref<32x128xf32, #tpu.memory_space<vmem>>, %arg18: memref<32x128xf32, #tpu.memory_space<vmem>>, %arg19: memref<32xi32, #tpu.memory_space<vmem>>, %arg20: memref<32xi32, #tpu.memory_space<vmem>>, %arg21: memref<32xi32, #tpu.memory_space<vmem>>, %arg22: memref<32xi32, #tpu.memory_space<vmem>>, %arg23: memref<32x128xf32, #tpu.memory_space<vmem>>, %arg24: memref<32x128xf32, #tpu.memory_space<vmem>>, %arg25: memref<32x128xf32, #tpu.memory_space<vmem>>, %arg26: memref<32x128xf32, #tpu.memory_space<vmem>>, %arg27: memref<128xi32, #tpu.memory_space<vmem>>, %arg28: memref<512xf32, #tpu.memory_space<vmem>>, %arg29: memref<!tpu.dma_semaphore, #tpu.memory_space<semaphore_mem>>, %arg30: memref<!tpu.dma_semaphore, #tpu.memory_space<semaphore_mem>>, %arg31: memref<!tpu.dma_semaphore, #tpu.memory_space<semaphore_mem>>, %arg32: memref<!tpu.dma_semaphore, #tpu.memory_space<semaphore_mem>>, %arg33: memref<!tpu.dma_semaphore, #tpu.memory_space<semaphore_mem>>, %arg34: memref<!tpu.dma_semaphore, #tpu.memory_space<semaphore_mem>>) attributes {dimension_semantics = [#tpu.dimension_semantics<core_parallel>, #tpu.dimension_semantics<subcore_parallel>], iteration_bounds = array<i64: 2, 16>, scalar_prefetch = 0 : i64, scratch_operands = 26 : i64, tpu.core_type = #tpu.core_type<sc_vector_subcore>, window_params = [{transform_indices = #map}, {transform_indices = #map1}, {transform_indices = #map1}, {transform_indices = #map1}, {transform_indices = #map}, {transform_indices = #map}, {transform_indices = #map}]} {
    %mul3A = arith.constant 640 : i32
    %mul3A_0 = arith.muli %arg1, %mul3A : i32
    %mul3A_1 = arith.constant 640 : i32
    %mul3A_2 = arith.muli %arg1, %mul3A_1 : i32
    "tpu.region"() ({
      %run_scoped3A = tpu.sem_alloc : memref<!tpu.dma_semaphore, #tpu.memory_space<semaphore_mem>>
      %dma_start3A_305 = arith.constant 0 : i32
      %dma_start3A_306 = tpu.memref_slice %arg9[%mul3A_2, %dma_start3A_305] : memref<10240x128xf32, #tpu.memory_space<vmem_shared>> -> memref<640x128xf32, #tpu.memory_space<vmem_shared>>
      %dma_start3A_307 = arith.constant 0 : i32
      %dma_start3A_308 = tpu.memref_slice %arg6[%mul3A_0, %dma_start3A_307] : memref<10240x128xf32, #tpu.memory_space<hbm>> -> memref<640x128xf32, #tpu.memory_space<hbm>>
      tpu.enqueue_dma source(%dma_start3A_308 : memref<640x128xf32, #tpu.memory_space<hbm>>) target(%dma_start3A_306 : memref<640x128xf32, #tpu.memory_space<vmem_shared>>) target_semaphore(%run_scoped3A : memref<!tpu.dma_semaphore, #tpu.memory_space<semaphore_mem>>)
      %dma_wait3A_309 = arith.constant 0 : i32
      %dma_wait3A_310 = tpu.memref_slice %arg9[%mul3A_2, %dma_wait3A_309] : memref<10240x128xf32, #tpu.memory_space<vmem_shared>> -> memref<640x128xf32, #tpu.memory_space<vmem_shared>>
      %dma_wait3A_311 = arith.constant 0 : i32
      %dma_wait3A_312 = tpu.memref_slice %arg6[%mul3A_0, %dma_wait3A_311] : memref<10240x128xf32, #tpu.memory_space<hbm>> -> memref<640x128xf32, #tpu.memory_space<hbm>>
      tpu.wait_dma2 semaphore(%run_scoped3A : memref<!tpu.dma_semaphore, #tpu.memory_space<semaphore_mem>>) src(%dma_wait3A_312 : memref<640x128xf32, #tpu.memory_space<hbm>>) dst(%dma_wait3A_310 : memref<640x128xf32, #tpu.memory_space<vmem_shared>>)
      tpu.yield
    }) : () -> ()
    %lt3A = arith.constant 10 : i32
    %lt3A_3 = arith.cmpi slt, %arg1, %lt3A : i32
    %convert_element_type3A = arith.extui %lt3A_3 : i1 to i32
    %cond3A = arith.constant 0 : i32
    %cond3A_4 = arith.cmpi ne, %convert_element_type3A, %cond3A : i32
    scf.if %cond3A_4 {
      %mul3A_305 = arith.constant 32 : i32
      %mul3A_306 = arith.muli %arg1, %mul3A_305 : i32
      %mul3A_307 = arith.constant 32 : i32
      %mul3A_308 = arith.muli %arg1, %mul3A_307 : i32
      "tpu.region"() ({
        %run_scoped3A = tpu.sem_alloc : memref<!tpu.dma_semaphore, #tpu.memory_space<semaphore_mem>>
        %dma_start3A_309 = arith.constant 0 : i32
        %dma_start3A_310 = tpu.memref_slice %arg10[%mul3A_308, %dma_start3A_309] : memref<320x128xf32, #tpu.memory_space<vmem_shared>> -> memref<32x128xf32, #tpu.memory_space<vmem_shared>>
        %dma_start3A_311 = arith.constant 0 : i32
        %dma_start3A_312 = tpu.memref_slice %arg6[%mul3A_306, %dma_start3A_311] : memref<10240x128xf32, #tpu.memory_space<hbm>> -> memref<32x128xf32, #tpu.memory_space<hbm>>
        tpu.enqueue_dma source(%dma_start3A_312 : memref<32x128xf32, #tpu.memory_space<hbm>>) target(%dma_start3A_310 : memref<32x128xf32, #tpu.memory_space<vmem_shared>>) target_semaphore(%run_scoped3A : memref<!tpu.dma_semaphore, #tpu.memory_space<semaphore_mem>>)
        %dma_wait3A_313 = arith.constant 0 : i32
        %dma_wait3A_314 = tpu.memref_slice %arg10[%mul3A_308, %dma_wait3A_313] : memref<320x128xf32, #tpu.memory_space<vmem_shared>> -> memref<32x128xf32, #tpu.memory_space<vmem_shared>>
        %dma_wait3A_315 = arith.constant 0 : i32
        %dma_wait3A_316 = tpu.memref_slice %arg6[%mul3A_306, %dma_wait3A_315] : memref<10240x128xf32, #tpu.memory_space<hbm>> -> memref<32x128xf32, #tpu.memory_space<hbm>>
        tpu.wait_dma2 semaphore(%run_scoped3A : memref<!tpu.dma_semaphore, #tpu.memory_space<semaphore_mem>>) src(%dma_wait3A_316 : memref<32x128xf32, #tpu.memory_space<hbm>>) dst(%dma_wait3A_314 : memref<32x128xf32, #tpu.memory_space<vmem_shared>>)
        tpu.yield
      }) : () -> ()
    } else {
    }
    %barrier3A = arith.constant 0 : index
    tpu.barrier barrier_id(%barrier3A)
    %mul3A_5 = arith.constant 320512 : i32
    %mul3A_6 = arith.muli %arg0, %mul3A_5 : i32
    %mul3A_7 = arith.constant 20032 : i32
    %mul3A_8 = arith.muli %arg1, %mul3A_7 : i32
    %add3A = arith.addi %mul3A_6, %mul3A_8 : i32
    %iota3A = tpu.iota {dimensions = array<i32: 0>} : vector<16xi32>
    %broadcast_in_dim3A = arith.constant 0.000000e+00 : f32
    %broadcast_in_dim3A_9 = vector.broadcast %broadcast_in_dim3A : f32 to vector<16xf32>
    %broadcast_in_dim3A_10 = arith.constant 1 : i32
    %broadcast_in_dim3A_11 = vector.broadcast %broadcast_in_dim3A_10 : i32 to vector<16xi32>
    %xor3A = arith.xori %iota3A, %broadcast_in_dim3A_11 : vector<16xi32>
    %reshape3A = vector.shape_cast %xor3A : vector<16xi32> to vector<16x1xi32>
    %broadcast_in_dim3A_12 = arith.constant 2 : i32
    %broadcast_in_dim3A_13 = vector.broadcast %broadcast_in_dim3A_12 : i32 to vector<16xi32>
    %xor3A_14 = arith.xori %iota3A, %broadcast_in_dim3A_13 : vector<16xi32>
    %reshape3A_15 = vector.shape_cast %xor3A_14 : vector<16xi32> to vector<16x1xi32>
    %broadcast_in_dim3A_16 = arith.constant 4 : i32
    %broadcast_in_dim3A_17 = vector.broadcast %broadcast_in_dim3A_16 : i32 to vector<16xi32>
    %xor3A_18 = arith.xori %iota3A, %broadcast_in_dim3A_17 : vector<16xi32>
    %reshape3A_19 = vector.shape_cast %xor3A_18 : vector<16xi32> to vector<16x1xi32>
    %broadcast_in_dim3A_20 = arith.constant 8 : i32
    %broadcast_in_dim3A_21 = vector.broadcast %broadcast_in_dim3A_20 : i32 to vector<16xi32>
    %xor3A_22 = arith.xori %iota3A, %broadcast_in_dim3A_21 : vector<16xi32>
    %reshape3A_23 = vector.shape_cast %xor3A_22 : vector<16xi32> to vector<16x1xi32>
    %mul3A_24 = arith.constant 10240 : i32
    %mul3A_25 = arith.muli %arg0, %mul3A_24 : i32
    %add3A_26 = arith.constant 0 : i32
    %add3A_27 = arith.addi %add3A, %add3A_26 : i32
    %dma_start3A = tpu.memref_slice %arg3[%add3A_27] : memref<641024xi32, #tpu.memory_space<hbm>> -> memref<32xi32, #tpu.memory_space<hbm>>
    %dma_start3A_28 = tpu.memref_slice %arg3[%add3A_27] : memref<641024xi32, #tpu.memory_space<hbm>> -> memref<32xi32, #tpu.memory_space<hbm>>
    tpu.enqueue_dma source(%dma_start3A_28 : memref<32xi32, #tpu.memory_space<hbm>>) target(%arg11 : memref<32xi32, #tpu.memory_space<vmem>>) target_semaphore(%arg29 : memref<!tpu.dma_semaphore, #tpu.memory_space<semaphore_mem>>)
    %dma_start3A_29 = tpu.memref_slice %arg4[%add3A_27] : memref<641024xi32, #tpu.memory_space<hbm>> -> memref<32xi32, #tpu.memory_space<hbm>>
    %dma_start3A_30 = tpu.memref_slice %arg4[%add3A_27] : memref<641024xi32, #tpu.memory_space<hbm>> -> memref<32xi32, #tpu.memory_space<hbm>>
    tpu.enqueue_dma source(%dma_start3A_30 : memref<32xi32, #tpu.memory_space<hbm>>) target(%arg12 : memref<32xi32, #tpu.memory_space<vmem>>) target_semaphore(%arg29 : memref<!tpu.dma_semaphore, #tpu.memory_space<semaphore_mem>>)
    %dma_wait3A = arith.constant 0 : i32
    %dma_wait3A_31 = tpu.memref_slice %arg3[%dma_wait3A] : memref<641024xi32, #tpu.memory_space<hbm>> -> memref<32xi32, #tpu.memory_space<hbm>>
    %dma_wait3A_32 = arith.constant 0 : i32
    %dma_wait3A_33 = tpu.memref_slice %arg3[%dma_wait3A_32] : memref<641024xi32, #tpu.memory_space<hbm>> -> memref<32xi32, #tpu.memory_space<hbm>>
    tpu.wait_dma2 semaphore(%arg29 : memref<!tpu.dma_semaphore, #tpu.memory_space<semaphore_mem>>) src(%dma_wait3A_33 : memref<32xi32, #tpu.memory_space<hbm>>) dst(%arg11 : memref<32xi32, #tpu.memory_space<vmem>>)
    %dma_wait3A_34 = arith.constant 0 : i32
    %dma_wait3A_35 = tpu.memref_slice %arg3[%dma_wait3A_34] : memref<641024xi32, #tpu.memory_space<hbm>> -> memref<32xi32, #tpu.memory_space<hbm>>
    %dma_wait3A_36 = arith.constant 0 : i32
    %dma_wait3A_37 = tpu.memref_slice %arg3[%dma_wait3A_36] : memref<641024xi32, #tpu.memory_space<hbm>> -> memref<32xi32, #tpu.memory_space<hbm>>
    tpu.wait_dma2 semaphore(%arg29 : memref<!tpu.dma_semaphore, #tpu.memory_space<semaphore_mem>>) src(%dma_wait3A_37 : memref<32xi32, #tpu.memory_space<hbm>>) dst(%arg12 : memref<32xi32, #tpu.memory_space<vmem>>)
    %dma_start3A_38 = arith.constant 0 : i32
    %dma_start3A_39 = arith.constant 0 : i32
    %dma_start3A_40 = tpu.memref_slice %arg2[%dma_start3A_38, %dma_start3A_39] : memref<20480x128xf32, #tpu.memory_space<hbm>> -> memref<20480x128xf32, #tpu.memory_space<hbm>>
    tpu.enqueue_indirect_dma source(%dma_start3A_40 : memref<20480x128xf32, #tpu.memory_space<hbm>>) target(%arg15 : memref<32x128xf32, #tpu.memory_space<vmem>>) offsets(%arg11 : memref<32xi32, #tpu.memory_space<vmem>>) semaphore(%arg31 : memref<!tpu.dma_semaphore, #tpu.memory_space<semaphore_mem>>)
    %dma_start3A_41 = arith.constant 0 : i32
    %dma_start3A_42 = arith.constant 0 : i32
    %dma_start3A_43 = tpu.memref_slice %arg2[%dma_start3A_41, %dma_start3A_42] : memref<20480x128xf32, #tpu.memory_space<hbm>> -> memref<20480x128xf32, #tpu.memory_space<hbm>>
    tpu.enqueue_indirect_dma source(%dma_start3A_43 : memref<20480x128xf32, #tpu.memory_space<hbm>>) target(%arg16 : memref<32x128xf32, #tpu.memory_space<vmem>>) offsets(%arg12 : memref<32xi32, #tpu.memory_space<vmem>>) semaphore(%arg31 : memref<!tpu.dma_semaphore, #tpu.memory_space<semaphore_mem>>)
    %add3A_44 = arith.constant 32 : i32
    %add3A_45 = arith.addi %add3A, %add3A_44 : i32
    %dma_start3A_46 = tpu.memref_slice %arg3[%add3A_45] : memref<641024xi32, #tpu.memory_space<hbm>> -> memref<32xi32, #tpu.memory_space<hbm>>
    %dma_start3A_47 = tpu.memref_slice %arg3[%add3A_45] : memref<641024xi32, #tpu.memory_space<hbm>> -> memref<32xi32, #tpu.memory_space<hbm>>
    tpu.enqueue_dma source(%dma_start3A_47 : memref<32xi32, #tpu.memory_space<hbm>>) target(%arg13 : memref<32xi32, #tpu.memory_space<vmem>>) target_semaphore(%arg30 : memref<!tpu.dma_semaphore, #tpu.memory_space<semaphore_mem>>)
    %dma_start3A_48 = tpu.memref_slice %arg4[%add3A_45] : memref<641024xi32, #tpu.memory_space<hbm>> -> memref<32xi32, #tpu.memory_space<hbm>>
    %dma_start3A_49 = tpu.memref_slice %arg4[%add3A_45] : memref<641024xi32, #tpu.memory_space<hbm>> -> memref<32xi32, #tpu.memory_space<hbm>>
    tpu.enqueue_dma source(%dma_start3A_49 : memref<32xi32, #tpu.memory_space<hbm>>) target(%arg14 : memref<32xi32, #tpu.memory_space<vmem>>) target_semaphore(%arg30 : memref<!tpu.dma_semaphore, #tpu.memory_space<semaphore_mem>>)
    %dma_start3A_50 = arith.constant 0 : i32
    %dma_start3A_51 = arith.constant 0 : i32
    %dma_start3A_52 = tpu.memref_slice %arg6[%dma_start3A_50, %dma_start3A_51] : memref<10240x128xf32, #tpu.memory_space<hbm>> -> memref<32x128xf32, #tpu.memory_space<hbm>>
    %dma_start3A_53 = arith.constant 0 : i32
    %dma_start3A_54 = arith.constant 0 : i32
    %dma_start3A_55 = tpu.memref_slice %arg6[%dma_start3A_53, %dma_start3A_54] : memref<10240x128xf32, #tpu.memory_space<hbm>> -> memref<32x128xf32, #tpu.memory_space<hbm>>
    tpu.enqueue_dma source(%dma_start3A_55 : memref<32x128xf32, #tpu.memory_space<hbm>>) target(%arg23 : memref<32x128xf32, #tpu.memory_space<vmem>>) target_semaphore(%arg33 : memref<!tpu.dma_semaphore, #tpu.memory_space<semaphore_mem>>)
    %dma_start3A_56 = arith.constant 0 : i32
    %dma_start3A_57 = arith.constant 0 : i32
    %dma_start3A_58 = tpu.memref_slice %arg6[%dma_start3A_56, %dma_start3A_57] : memref<10240x128xf32, #tpu.memory_space<hbm>> -> memref<32x128xf32, #tpu.memory_space<hbm>>
    %dma_start3A_59 = arith.constant 0 : i32
    %dma_start3A_60 = arith.constant 0 : i32
    %dma_start3A_61 = tpu.memref_slice %arg6[%dma_start3A_59, %dma_start3A_60] : memref<10240x128xf32, #tpu.memory_space<hbm>> -> memref<32x128xf32, #tpu.memory_space<hbm>>
    tpu.enqueue_dma source(%dma_start3A_61 : memref<32x128xf32, #tpu.memory_space<hbm>>) target(%arg24 : memref<32x128xf32, #tpu.memory_space<vmem>>) target_semaphore(%arg33 : memref<!tpu.dma_semaphore, #tpu.memory_space<semaphore_mem>>)
    %dma_start3A_62 = arith.constant 0 : i32
    %dma_start3A_63 = arith.constant 0 : i32
    %dma_start3A_64 = tpu.memref_slice %arg6[%dma_start3A_62, %dma_start3A_63] : memref<10240x128xf32, #tpu.memory_space<hbm>> -> memref<32x128xf32, #tpu.memory_space<hbm>>
    %dma_start3A_65 = arith.constant 0 : i32
    %dma_start3A_66 = arith.constant 0 : i32
    %dma_start3A_67 = tpu.memref_slice %arg6[%dma_start3A_65, %dma_start3A_66] : memref<10240x128xf32, #tpu.memory_space<hbm>> -> memref<32x128xf32, #tpu.memory_space<hbm>>
    tpu.enqueue_dma source(%dma_start3A_67 : memref<32x128xf32, #tpu.memory_space<hbm>>) target(%arg25 : memref<32x128xf32, #tpu.memory_space<vmem>>) target_semaphore(%arg34 : memref<!tpu.dma_semaphore, #tpu.memory_space<semaphore_mem>>)
    %dma_start3A_68 = arith.constant 0 : i32
    %dma_start3A_69 = arith.constant 0 : i32
    %dma_start3A_70 = tpu.memref_slice %arg6[%dma_start3A_68, %dma_start3A_69] : memref<10240x128xf32, #tpu.memory_space<hbm>> -> memref<32x128xf32, #tpu.memory_space<hbm>>
    %dma_start3A_71 = arith.constant 0 : i32
    %dma_start3A_72 = arith.constant 0 : i32
    %dma_start3A_73 = tpu.memref_slice %arg6[%dma_start3A_71, %dma_start3A_72] : memref<10240x128xf32, #tpu.memory_space<hbm>> -> memref<32x128xf32, #tpu.memory_space<hbm>>
    tpu.enqueue_dma source(%dma_start3A_73 : memref<32x128xf32, #tpu.memory_space<hbm>>) target(%arg26 : memref<32x128xf32, #tpu.memory_space<vmem>>) target_semaphore(%arg34 : memref<!tpu.dma_semaphore, #tpu.memory_space<semaphore_mem>>)
    %scan3A = arith.constant 0 : i32
    %scan3A_74 = arith.constant 0 : i32
    %scan3A_75 = arith.constant 313 : i32
    %scan3A_76 = arith.addi %scan3A_74, %scan3A_75 : i32
    %scan3A_77 = arith.constant 1 : i32
    scf.for %scan3A_305 = %scan3A_74 to %scan3A_76 step %scan3A_77  : i32 {
      %mul3A_306 = arith.constant 2 : i32
      %mul3A_307 = arith.muli %mul3A_306, %scan3A_305 : i32
      %dma_wait3A_308 = arith.constant 0 : i32
      %dma_wait3A_309 = tpu.memref_slice %arg3[%dma_wait3A_308] : memref<641024xi32, #tpu.memory_space<hbm>> -> memref<32xi32, #tpu.memory_space<hbm>>
      %dma_wait3A_310 = arith.constant 0 : i32
      %dma_wait3A_311 = tpu.memref_slice %arg3[%dma_wait3A_310] : memref<641024xi32, #tpu.memory_space<hbm>> -> memref<32xi32, #tpu.memory_space<hbm>>
      tpu.wait_dma2 semaphore(%arg30 : memref<!tpu.dma_semaphore, #tpu.memory_space<semaphore_mem>>) src(%dma_wait3A_311 : memref<32xi32, #tpu.memory_space<hbm>>) dst(%arg13 : memref<32xi32, #tpu.memory_space<vmem>>)
      %dma_wait3A_312 = arith.constant 0 : i32
      %dma_wait3A_313 = tpu.memref_slice %arg3[%dma_wait3A_312] : memref<641024xi32, #tpu.memory_space<hbm>> -> memref<32xi32, #tpu.memory_space<hbm>>
      %dma_wait3A_314 = arith.constant 0 : i32
      %dma_wait3A_315 = tpu.memref_slice %arg3[%dma_wait3A_314] : memref<641024xi32, #tpu.memory_space<hbm>> -> memref<32xi32, #tpu.memory_space<hbm>>
      tpu.wait_dma2 semaphore(%arg30 : memref<!tpu.dma_semaphore, #tpu.memory_space<semaphore_mem>>) src(%dma_wait3A_315 : memref<32xi32, #tpu.memory_space<hbm>>) dst(%arg14 : memref<32xi32, #tpu.memory_space<vmem>>)
      %dma_start3A_316 = arith.constant 0 : i32
      %dma_start3A_317 = arith.constant 0 : i32
      %dma_start3A_318 = tpu.memref_slice %arg2[%dma_start3A_316, %dma_start3A_317] : memref<20480x128xf32, #tpu.memory_space<hbm>> -> memref<20480x128xf32, #tpu.memory_space<hbm>>
      tpu.enqueue_indirect_dma source(%dma_start3A_318 : memref<20480x128xf32, #tpu.memory_space<hbm>>) target(%arg17 : memref<32x128xf32, #tpu.memory_space<vmem>>) offsets(%arg13 : memref<32xi32, #tpu.memory_space<vmem>>) semaphore(%arg32 : memref<!tpu.dma_semaphore, #tpu.memory_space<semaphore_mem>>)
      %dma_start3A_319 = arith.constant 0 : i32
      %dma_start3A_320 = arith.constant 0 : i32
      %dma_start3A_321 = tpu.memref_slice %arg2[%dma_start3A_319, %dma_start3A_320] : memref<20480x128xf32, #tpu.memory_space<hbm>> -> memref<20480x128xf32, #tpu.memory_space<hbm>>
      tpu.enqueue_indirect_dma source(%dma_start3A_321 : memref<20480x128xf32, #tpu.memory_space<hbm>>) target(%arg18 : memref<32x128xf32, #tpu.memory_space<vmem>>) offsets(%arg14 : memref<32xi32, #tpu.memory_space<vmem>>) semaphore(%arg32 : memref<!tpu.dma_semaphore, #tpu.memory_space<semaphore_mem>>)
      %dma_wait3A_322 = arith.constant 0 : i32
      %dma_wait3A_323 = arith.constant 0 : i32
      %dma_wait3A_324 = tpu.memref_slice %arg2[%dma_wait3A_322, %dma_wait3A_323] : memref<20480x128xf32, #tpu.memory_space<hbm>> -> memref<32x128xf32, #tpu.memory_space<hbm>>
      %dma_wait3A_325 = arith.constant 0 : i32
      %dma_wait3A_326 = arith.constant 0 : i32
      %dma_wait3A_327 = tpu.memref_slice %arg2[%dma_wait3A_325, %dma_wait3A_326] : memref<20480x128xf32, #tpu.memory_space<hbm>> -> memref<32x128xf32, #tpu.memory_space<hbm>>
      tpu.wait_dma2 semaphore(%arg31 : memref<!tpu.dma_semaphore, #tpu.memory_space<semaphore_mem>>) src(%dma_wait3A_327 : memref<32x128xf32, #tpu.memory_space<hbm>>) dst(%arg15 : memref<32x128xf32, #tpu.memory_space<vmem>>)
      %dma_wait3A_328 = arith.constant 0 : i32
      %dma_wait3A_329 = arith.constant 0 : i32
      %dma_wait3A_330 = tpu.memref_slice %arg2[%dma_wait3A_328, %dma_wait3A_329] : memref<20480x128xf32, #tpu.memory_space<hbm>> -> memref<32x128xf32, #tpu.memory_space<hbm>>
      %dma_wait3A_331 = arith.constant 0 : i32
      %dma_wait3A_332 = arith.constant 0 : i32
      %dma_wait3A_333 = tpu.memref_slice %arg2[%dma_wait3A_331, %dma_wait3A_332] : memref<20480x128xf32, #tpu.memory_space<hbm>> -> memref<32x128xf32, #tpu.memory_space<hbm>>
      tpu.wait_dma2 semaphore(%arg31 : memref<!tpu.dma_semaphore, #tpu.memory_space<semaphore_mem>>) src(%dma_wait3A_333 : memref<32x128xf32, #tpu.memory_space<hbm>>) dst(%arg16 : memref<32x128xf32, #tpu.memory_space<vmem>>)
      %dma_wait3A_334 = arith.constant 0 : i32
      %dma_wait3A_335 = arith.constant 0 : i32
      %dma_wait3A_336 = tpu.memref_slice %arg9[%dma_wait3A_334, %dma_wait3A_335] : memref<10240x128xf32, #tpu.memory_space<vmem_shared>> -> memref<10240x128xf32, #tpu.memory_space<vmem_shared>>
      tpu.wait_indirect_dma semaphore(%arg33 : memref<!tpu.dma_semaphore, #tpu.memory_space<semaphore_mem>>) src(%arg23 : memref<32x128xf32, #tpu.memory_space<vmem>>) dst(%dma_wait3A_336 : memref<10240x128xf32, #tpu.memory_space<vmem_shared>>)
      %dma_wait3A_337 = arith.constant 0 : i32
      %dma_wait3A_338 = arith.constant 0 : i32
      %dma_wait3A_339 = tpu.memref_slice %arg10[%dma_wait3A_337, %dma_wait3A_338] : memref<320x128xf32, #tpu.memory_space<vmem_shared>> -> memref<320x128xf32, #tpu.memory_space<vmem_shared>>
      tpu.wait_indirect_dma semaphore(%arg33 : memref<!tpu.dma_semaphore, #tpu.memory_space<semaphore_mem>>) src(%arg24 : memref<32x128xf32, #tpu.memory_space<vmem>>) dst(%dma_wait3A_339 : memref<320x128xf32, #tpu.memory_space<vmem_shared>>)
      %scan3A_340 = arith.constant 0 : i32
      %scan3A_341 = arith.constant 0 : i32
      %scan3A_342 = arith.constant 2 : i32
      %scan3A_343 = arith.addi %scan3A_341, %scan3A_342 : i32
      %scan3A_344 = arith.constant 1 : i32
      scf.for %scan3A_453 = %scan3A_341 to %scan3A_343 step %scan3A_344  : i32 {
        %mul3A_454 = arith.constant 16 : i32
        %mul3A_455 = arith.muli %mul3A_454, %scan3A_453 : i32
        %get3A = arith.index_cast %mul3A_455 : i32 to index
        %get3A_456 = tpu.vector_load %arg12[%get3A] {strides = array<i32>} : memref<32xi32, #tpu.memory_space<vmem>>, vector<16xi32>,
        %sub3A = vector.broadcast %mul3A_25 : i32 to vector<16xi32>
        %sub3A_457 = arith.subi %get3A_456, %sub3A : vector<16xi32>
        %mul3A_458 = arith.constant 16 : i32
        %mul3A_459 = arith.muli %mul3A_458, %scan3A_453 : i32
        %swap3A = arith.index_cast %mul3A_459 : i32 to index
        %swap3A_460 = tpu.vector_load %arg19[%swap3A] {strides = array<i32>} : memref<32xi32, #tpu.memory_space<vmem>>, vector<16xi32>,
        tpu.vector_store %arg19[%swap3A], %sub3A_457 {strides = array<i32>} : memref<32xi32, #tpu.memory_space<vmem>>, vector<16xi32>,
        %shift_right_logical3A = arith.constant 5 : i32
        %shift_right_logical3A_461 = vector.broadcast %shift_right_logical3A : i32 to vector<16xi32>
        %shift_right_logical3A_462 = arith.shrui %sub3A_457, %shift_right_logical3A_461 : vector<16xi32>
        %mul3A_463 = arith.constant 16 : i32
        %mul3A_464 = arith.muli %mul3A_463, %scan3A_453 : i32
        %swap3A_465 = arith.index_cast %mul3A_464 : i32 to index
        %swap3A_466 = tpu.vector_load %arg20[%swap3A_465] {strides = array<i32>} : memref<32xi32, #tpu.memory_space<vmem>>, vector<16xi32>,
        tpu.vector_store %arg20[%swap3A_465], %shift_right_logical3A_462 {strides = array<i32>} : memref<32xi32, #tpu.memory_space<vmem>>, vector<16xi32>,
      }
      %scan3A_345 = arith.constant 2 : i32
      %add3A_346 = arith.constant 2 : i32
      %add3A_347 = arith.addi %mul3A_307, %add3A_346 : i32
      %min3A = arith.constant 625 : i32
      %min3A_348 = arith.minsi %add3A_347, %min3A : i32
      %mul3A_349 = arith.constant 32 : i32
      %mul3A_350 = arith.muli %min3A_348, %mul3A_349 : i32
      %add3A_351 = arith.addi %add3A, %mul3A_350 : i32
      %dma_start3A_352 = tpu.memref_slice %arg3[%add3A_351] : memref<641024xi32, #tpu.memory_space<hbm>> -> memref<32xi32, #tpu.memory_space<hbm>>
      %dma_start3A_353 = tpu.memref_slice %arg3[%add3A_351] : memref<641024xi32, #tpu.memory_space<hbm>> -> memref<32xi32, #tpu.memory_space<hbm>>
      tpu.enqueue_dma source(%dma_start3A_353 : memref<32xi32, #tpu.memory_space<hbm>>) target(%arg11 : memref<32xi32, #tpu.memory_space<vmem>>) target_semaphore(%arg29 : memref<!tpu.dma_semaphore, #tpu.memory_space<semaphore_mem>>)
      %dma_start3A_354 = tpu.memref_slice %arg4[%add3A_351] : memref<641024xi32, #tpu.memory_space<hbm>> -> memref<32xi32, #tpu.memory_space<hbm>>
      %dma_start3A_355 = tpu.memref_slice %arg4[%add3A_351] : memref<641024xi32, #tpu.memory_space<hbm>> -> memref<32xi32, #tpu.memory_space<hbm>>
      tpu.enqueue_dma source(%dma_start3A_355 : memref<32xi32, #tpu.memory_space<hbm>>) target(%arg12 : memref<32xi32, #tpu.memory_space<vmem>>) target_semaphore(%arg29 : memref<!tpu.dma_semaphore, #tpu.memory_space<semaphore_mem>>)
      %and3A = arith.constant 3 : i32
      %and3A_356 = vector.broadcast %and3A : i32 to vector<16xi32>
      %and3A_357 = arith.andi %iota3A, %and3A_356 : vector<16xi32>
      %mul3A_358 = arith.constant 4 : i32
      %mul3A_359 = vector.broadcast %mul3A_358 : i32 to vector<16xi32>
      %mul3A_360 = arith.muli %and3A_357, %mul3A_359 : vector<16xi32>
      %reshape3A_361 = vector.shape_cast %mul3A_360 : vector<16xi32> to vector<16x1xi32>
      %broadcast_in_dim3A_362 = arith.constant 0 : i32
      %broadcast_in_dim3A_363 = vector.broadcast %broadcast_in_dim3A_362 : i32 to vector<16x1xi32>
      %broadcast_in_dim3A_364 = arith.constant 4 : i32
      %broadcast_in_dim3A_365 = vector.broadcast %broadcast_in_dim3A_364 : i32 to vector<16x1xi32>
      %broadcast_in_dim3A_366 = arith.constant 8 : i32
      %broadcast_in_dim3A_367 = vector.broadcast %broadcast_in_dim3A_366 : i32 to vector<16x1xi32>
      %broadcast_in_dim3A_368 = arith.constant 12 : i32
      %broadcast_in_dim3A_369 = vector.broadcast %broadcast_in_dim3A_368 : i32 to vector<16x1xi32>
      %parallel_loop3A = arith.constant 0 : i32
      %parallel_loop3A_370 = arith.constant 32 : i32
      %parallel_loop3A_371 = arith.constant 1 : i32
      scf.for %parallel_loop3A_453 = %parallel_loop3A to %parallel_loop3A_370 step %parallel_loop3A_371  : i32 {
        %parallel_loop3A_454 = arith.index_cast %parallel_loop3A_453 : i32 to index
        %parallel_loop3A_455 = arith.constant 0 : index
        %parallel_loop3A_456 = tpu.vector_load %arg15[%parallel_loop3A_454, %parallel_loop3A_455] {strides = array<i32>} : memref<32x128xf32, #tpu.memory_space<vmem>>, vector<16xf32>,
        %parallel_loop3A_457 = arith.index_cast %parallel_loop3A_453 : i32 to index
        %parallel_loop3A_458 = arith.constant 16 : index
        %parallel_loop3A_459 = tpu.vector_load %arg15[%parallel_loop3A_457, %parallel_loop3A_458] {strides = array<i32>} : memref<32x128xf32, #tpu.memory_space<vmem>>, vector<16xf32>,
        %parallel_loop3A_460 = arith.index_cast %parallel_loop3A_453 : i32 to index
        %parallel_loop3A_461 = arith.constant 32 : index
        %parallel_loop3A_462 = tpu.vector_load %arg15[%parallel_loop3A_460, %parallel_loop3A_461] {strides = array<i32>} : memref<32x128xf32, #tpu.memory_space<vmem>>, vector<16xf32>,
        %parallel_loop3A_463 = arith.index_cast %parallel_loop3A_453 : i32 to index
        %parallel_loop3A_464 = arith.constant 48 : index
        %parallel_loop3A_465 = tpu.vector_load %arg15[%parallel_loop3A_463, %parallel_loop3A_464] {strides = array<i32>} : memref<32x128xf32, #tpu.memory_space<vmem>>, vector<16xf32>,
        %parallel_loop3A_466 = arith.index_cast %parallel_loop3A_453 : i32 to index
        %parallel_loop3A_467 = arith.constant 64 : index
        %parallel_loop3A_468 = tpu.vector_load %arg15[%parallel_loop3A_466, %parallel_loop3A_467] {strides = array<i32>} : memref<32x128xf32, #tpu.memory_space<vmem>>, vector<16xf32>,
        %parallel_loop3A_469 = arith.index_cast %parallel_loop3A_453 : i32 to index
        %parallel_loop3A_470 = arith.constant 80 : index
        %parallel_loop3A_471 = tpu.vector_load %arg15[%parallel_loop3A_469, %parallel_loop3A_470] {strides = array<i32>} : memref<32x128xf32, #tpu.memory_space<vmem>>, vector<16xf32>,
        %parallel_loop3A_472 = arith.index_cast %parallel_loop3A_453 : i32 to index
        %parallel_loop3A_473 = arith.constant 96 : index
        %parallel_loop3A_474 = tpu.vector_load %arg15[%parallel_loop3A_472, %parallel_loop3A_473] {strides = array<i32>} : memref<32x128xf32, #tpu.memory_space<vmem>>, vector<16xf32>,
        %parallel_loop3A_475 = arith.index_cast %parallel_loop3A_453 : i32 to index
        %parallel_loop3A_476 = arith.constant 112 : index
        %parallel_loop3A_477 = tpu.vector_load %arg15[%parallel_loop3A_475, %parallel_loop3A_476] {strides = array<i32>} : memref<32x128xf32, #tpu.memory_space<vmem>>, vector<16xf32>,
        %parallel_loop3A_478 = arith.index_cast %parallel_loop3A_453 : i32 to index
        %parallel_loop3A_479 = arith.constant 0 : index
        %parallel_loop3A_480 = tpu.vector_load %arg16[%parallel_loop3A_478, %parallel_loop3A_479] {strides = array<i32>} : memref<32x128xf32, #tpu.memory_space<vmem>>, vector<16xf32>,
        %parallel_loop3A_481 = arith.index_cast %parallel_loop3A_453 : i32 to index
        %parallel_loop3A_482 = arith.constant 16 : index
        %parallel_loop3A_483 = tpu.vector_load %arg16[%parallel_loop3A_481, %parallel_loop3A_482] {strides = array<i32>} : memref<32x128xf32, #tpu.memory_space<vmem>>, vector<16xf32>,
        %parallel_loop3A_484 = arith.index_cast %parallel_loop3A_453 : i32 to index
        %parallel_loop3A_485 = arith.constant 32 : index
        %parallel_loop3A_486 = tpu.vector_load %arg16[%parallel_loop3A_484, %parallel_loop3A_485] {strides = array<i32>} : memref<32x128xf32, #tpu.memory_space<vmem>>, vector<16xf32>,
        %parallel_loop3A_487 = arith.index_cast %parallel_loop3A_453 : i32 to index
        %parallel_loop3A_488 = arith.constant 48 : index
        %parallel_loop3A_489 = tpu.vector_load %arg16[%parallel_loop3A_487, %parallel_loop3A_488] {strides = array<i32>} : memref<32x128xf32, #tpu.memory_space<vmem>>, vector<16xf32>,
        %parallel_loop3A_490 = arith.index_cast %parallel_loop3A_453 : i32 to index
        %parallel_loop3A_491 = arith.constant 64 : index
        %parallel_loop3A_492 = tpu.vector_load %arg16[%parallel_loop3A_490, %parallel_loop3A_491] {strides = array<i32>} : memref<32x128xf32, #tpu.memory_space<vmem>>, vector<16xf32>,
        %parallel_loop3A_493 = arith.index_cast %parallel_loop3A_453 : i32 to index
        %parallel_loop3A_494 = arith.constant 80 : index
        %parallel_loop3A_495 = tpu.vector_load %arg16[%parallel_loop3A_493, %parallel_loop3A_494] {strides = array<i32>} : memref<32x128xf32, #tpu.memory_space<vmem>>, vector<16xf32>,
        %parallel_loop3A_496 = arith.index_cast %parallel_loop3A_453 : i32 to index
        %parallel_loop3A_497 = arith.constant 96 : index
        %parallel_loop3A_498 = tpu.vector_load %arg16[%parallel_loop3A_496, %parallel_loop3A_497] {strides = array<i32>} : memref<32x128xf32, #tpu.memory_space<vmem>>, vector<16xf32>,
        %parallel_loop3A_499 = arith.index_cast %parallel_loop3A_453 : i32 to index
        %parallel_loop3A_500 = arith.constant 112 : index
        %parallel_loop3A_501 = tpu.vector_load %arg16[%parallel_loop3A_499, %parallel_loop3A_500] {strides = array<i32>} : memref<32x128xf32, #tpu.memory_space<vmem>>, vector<16xf32>,
        %parallel_loop3A_502 = arith.constant 4 : i32
        %parallel_loop3A_503 = arith.shrsi %parallel_loop3A_453, %parallel_loop3A_502 : i32
        %parallel_loop3A_504 = arith.constant 16 : i32
        %parallel_loop3A_505 = arith.muli %parallel_loop3A_503, %parallel_loop3A_504 : i32
        %parallel_loop3A_506 = arith.index_cast %parallel_loop3A_505 : i32 to index
        %parallel_loop3A_507 = tpu.vector_load %arg19[%parallel_loop3A_506] {strides = array<i32>} : memref<32xi32, #tpu.memory_space<vmem>>, vector<16xi32>,
        %parallel_loop3A_508 = arith.constant 15 : i32
        %parallel_loop3A_509 = arith.andi %parallel_loop3A_453, %parallel_loop3A_508 : i32
        %parallel_loop3A_510 = vector.broadcast %parallel_loop3A_509 : i32 to vector<16x1xi32>
        %parallel_loop3A_511 = vector.shape_cast %parallel_loop3A_510 : vector<16x1xi32> to vector<16xi32>
        %parallel_loop3A_512 = tpu.dynamic_gather %parallel_loop3A_507[%parallel_loop3A_511] in [0] : vector<16xi32>, vector<16xi32> -> vector<16xi32>
        %parallel_loop3A_513 = arith.constant 3 : i32
        %parallel_loop3A_514 = vector.broadcast %parallel_loop3A_513 : i32 to vector<16xi32>
        %parallel_loop3A_515 = arith.andi %parallel_loop3A_512, %parallel_loop3A_514 : vector<16xi32>
        %parallel_loop3A_516 = arith.constant 4 : i32
        %parallel_loop3A_517 = vector.broadcast %parallel_loop3A_516 : i32 to vector<16xi32>
        %parallel_loop3A_518 = arith.muli %parallel_loop3A_515, %parallel_loop3A_517 : vector<16xi32>
        %parallel_loop3A_519 = arith.constant 31 : i32
        %parallel_loop3A_520 = vector.broadcast %parallel_loop3A_519 : i32 to vector<16xi32>
        %parallel_loop3A_521 = arith.andi %parallel_loop3A_512, %parallel_loop3A_520 : vector<16xi32>
        %parallel_loop3A_522 = arith.constant 2 : i32
        %parallel_loop3A_523 = vector.broadcast %parallel_loop3A_522 : i32 to vector<16xi32>
        %parallel_loop3A_524 = arith.shrui %parallel_loop3A_521, %parallel_loop3A_523 : vector<16xi32>
        %parallel_loop3A_525 = arith.mulf %parallel_loop3A_456, %parallel_loop3A_480 : vector<16xf32>
        %parallel_loop3A_526 = arith.mulf %parallel_loop3A_459, %parallel_loop3A_483 : vector<16xf32>
        %parallel_loop3A_527 = arith.addf %parallel_loop3A_525, %parallel_loop3A_526 : vector<16xf32>
        %parallel_loop3A_528 = vector.shape_cast %reshape3A : vector<16x1xi32> to vector<16xi32>
        %parallel_loop3A_529 = tpu.dynamic_gather %parallel_loop3A_527[%parallel_loop3A_528] in [0] : vector<16xf32>, vector<16xi32> -> vector<16xf32>
        %parallel_loop3A_530 = arith.addf %parallel_loop3A_527, %parallel_loop3A_529 : vector<16xf32>
        %parallel_loop3A_531 = vector.shape_cast %reshape3A_15 : vector<16x1xi32> to vector<16xi32>
        %parallel_loop3A_532 = tpu.dynamic_gather %parallel_loop3A_530[%parallel_loop3A_531] in [0] : vector<16xf32>, vector<16xi32> -> vector<16xf32>
        %parallel_loop3A_533 = arith.addf %parallel_loop3A_530, %parallel_loop3A_532 : vector<16xf32>
        %parallel_loop3A_534 = arith.mulf %parallel_loop3A_462, %parallel_loop3A_486 : vector<16xf32>
        %parallel_loop3A_535 = arith.mulf %parallel_loop3A_465, %parallel_loop3A_489 : vector<16xf32>
        %parallel_loop3A_536 = arith.addf %parallel_loop3A_534, %parallel_loop3A_535 : vector<16xf32>
        %parallel_loop3A_537 = vector.shape_cast %reshape3A : vector<16x1xi32> to vector<16xi32>
        %parallel_loop3A_538 = tpu.dynamic_gather %parallel_loop3A_536[%parallel_loop3A_537] in [0] : vector<16xf32>, vector<16xi32> -> vector<16xf32>
        %parallel_loop3A_539 = arith.addf %parallel_loop3A_536, %parallel_loop3A_538 : vector<16xf32>
        %parallel_loop3A_540 = vector.shape_cast %reshape3A_15 : vector<16x1xi32> to vector<16xi32>
        %parallel_loop3A_541 = tpu.dynamic_gather %parallel_loop3A_539[%parallel_loop3A_540] in [0] : vector<16xf32>, vector<16xi32> -> vector<16xf32>
        %parallel_loop3A_542 = arith.addf %parallel_loop3A_539, %parallel_loop3A_541 : vector<16xf32>
        %parallel_loop3A_543 = arith.mulf %parallel_loop3A_468, %parallel_loop3A_492 : vector<16xf32>
        %parallel_loop3A_544 = arith.mulf %parallel_loop3A_471, %parallel_loop3A_495 : vector<16xf32>
        %parallel_loop3A_545 = arith.addf %parallel_loop3A_543, %parallel_loop3A_544 : vector<16xf32>
        %parallel_loop3A_546 = vector.shape_cast %reshape3A : vector<16x1xi32> to vector<16xi32>
        %parallel_loop3A_547 = tpu.dynamic_gather %parallel_loop3A_545[%parallel_loop3A_546] in [0] : vector<16xf32>, vector<16xi32> -> vector<16xf32>
        %parallel_loop3A_548 = arith.addf %parallel_loop3A_545, %parallel_loop3A_547 : vector<16xf32>
        %parallel_loop3A_549 = vector.shape_cast %reshape3A_15 : vector<16x1xi32> to vector<16xi32>
        %parallel_loop3A_550 = tpu.dynamic_gather %parallel_loop3A_548[%parallel_loop3A_549] in [0] : vector<16xf32>, vector<16xi32> -> vector<16xf32>
        %parallel_loop3A_551 = arith.addf %parallel_loop3A_548, %parallel_loop3A_550 : vector<16xf32>
        %parallel_loop3A_552 = arith.mulf %parallel_loop3A_474, %parallel_loop3A_498 : vector<16xf32>
        %parallel_loop3A_553 = arith.mulf %parallel_loop3A_477, %parallel_loop3A_501 : vector<16xf32>
        %parallel_loop3A_554 = arith.addf %parallel_loop3A_552, %parallel_loop3A_553 : vector<16xf32>
        %parallel_loop3A_555 = vector.shape_cast %reshape3A : vector<16x1xi32> to vector<16xi32>
        %parallel_loop3A_556 = tpu.dynamic_gather %parallel_loop3A_554[%parallel_loop3A_555] in [0] : vector<16xf32>, vector<16xi32> -> vector<16xf32>
        %parallel_loop3A_557 = arith.addf %parallel_loop3A_554, %parallel_loop3A_556 : vector<16xf32>
        %parallel_loop3A_558 = vector.shape_cast %reshape3A_15 : vector<16x1xi32> to vector<16xi32>
        %parallel_loop3A_559 = tpu.dynamic_gather %parallel_loop3A_557[%parallel_loop3A_558] in [0] : vector<16xf32>, vector<16xi32> -> vector<16xf32>
        %parallel_loop3A_560 = arith.addf %parallel_loop3A_557, %parallel_loop3A_559 : vector<16xf32>
        %parallel_loop3A_561 = arith.constant 4 : i32
        %parallel_loop3A_562 = vector.broadcast %parallel_loop3A_561 : i32 to vector<16xi32>
        %parallel_loop3A_563 = arith.cmpi slt, %iota3A, %parallel_loop3A_562 : vector<16xi32>
        %parallel_loop3A_564 = vector.shape_cast %reshape3A_361 : vector<16x1xi32> to vector<16xi32>
        %parallel_loop3A_565 = tpu.dynamic_gather %parallel_loop3A_533[%parallel_loop3A_564] in [0] : vector<16xf32>, vector<16xi32> -> vector<16xf32>
        %parallel_loop3A_566 = arith.constant 8 : i32
        %parallel_loop3A_567 = vector.broadcast %parallel_loop3A_566 : i32 to vector<16xi32>
        %parallel_loop3A_568 = arith.cmpi slt, %iota3A, %parallel_loop3A_567 : vector<16xi32>
        %parallel_loop3A_569 = vector.shape_cast %reshape3A_361 : vector<16x1xi32> to vector<16xi32>
        %parallel_loop3A_570 = tpu.dynamic_gather %parallel_loop3A_542[%parallel_loop3A_569] in [0] : vector<16xf32>, vector<16xi32> -> vector<16xf32>
        %parallel_loop3A_571 = arith.constant 12 : i32
        %parallel_loop3A_572 = vector.broadcast %parallel_loop3A_571 : i32 to vector<16xi32>
        %parallel_loop3A_573 = arith.cmpi slt, %iota3A, %parallel_loop3A_572 : vector<16xi32>
        %parallel_loop3A_574 = vector.shape_cast %reshape3A_361 : vector<16x1xi32> to vector<16xi32>
        %parallel_loop3A_575 = tpu.dynamic_gather %parallel_loop3A_551[%parallel_loop3A_574] in [0] : vector<16xf32>, vector<16xi32> -> vector<16xf32>
        %parallel_loop3A_576 = vector.shape_cast %reshape3A_361 : vector<16x1xi32> to vector<16xi32>
        %parallel_loop3A_577 = tpu.dynamic_gather %parallel_loop3A_560[%parallel_loop3A_576] in [0] : vector<16xf32>, vector<16xi32> -> vector<16xf32>
        %parallel_loop3A_578 = arith.select %parallel_loop3A_573, %parallel_loop3A_575, %parallel_loop3A_577 : vector<16xi1>, vector<16xf32>
        %parallel_loop3A_579 = arith.select %parallel_loop3A_568, %parallel_loop3A_570, %parallel_loop3A_578 : vector<16xi1>, vector<16xf32>
        %parallel_loop3A_580 = arith.select %parallel_loop3A_563, %parallel_loop3A_565, %parallel_loop3A_579 : vector<16xi1>, vector<16xf32>
        %parallel_loop3A_581 = vector.shape_cast %reshape3A : vector<16x1xi32> to vector<16xi32>
        %parallel_loop3A_582 = tpu.dynamic_gather %parallel_loop3A_580[%parallel_loop3A_581] in [0] : vector<16xf32>, vector<16xi32> -> vector<16xf32>
        %parallel_loop3A_583 = arith.addf %parallel_loop3A_580, %parallel_loop3A_582 : vector<16xf32>
        %parallel_loop3A_584 = vector.shape_cast %reshape3A_15 : vector<16x1xi32> to vector<16xi32>
        %parallel_loop3A_585 = tpu.dynamic_gather %parallel_loop3A_583[%parallel_loop3A_584] in [0] : vector<16xf32>, vector<16xi32> -> vector<16xf32>
        %parallel_loop3A_586 = arith.addf %parallel_loop3A_583, %parallel_loop3A_585 : vector<16xf32>
        %parallel_loop3A_587 = arith.constant 0.000000e+00 : f32
        %parallel_loop3A_588 = vector.broadcast %parallel_loop3A_587 : f32 to vector<16xf32>
        %parallel_loop3A_589 = arith.cmpf ogt, %parallel_loop3A_586, %parallel_loop3A_588 : vector<16xf32>
        %parallel_loop3A_590 = arith.constant 2.000000e-01 : f32
        %parallel_loop3A_591 = vector.broadcast %parallel_loop3A_590 : f32 to vector<16xf32>
        %parallel_loop3A_592 = arith.mulf %parallel_loop3A_591, %parallel_loop3A_586 : vector<16xf32>
        %parallel_loop3A_593 = arith.select %parallel_loop3A_589, %parallel_loop3A_586, %parallel_loop3A_592 : vector<16xi1>, vector<16xf32>
        %parallel_loop3A_594 = math.exp %parallel_loop3A_593 : vector<16xf32>
        %parallel_loop3A_595 = vector.shape_cast %broadcast_in_dim3A_363 : vector<16x1xi32> to vector<16xi32>
        %parallel_loop3A_596 = tpu.dynamic_gather %parallel_loop3A_594[%parallel_loop3A_595] in [0] : vector<16xf32>, vector<16xi32> -> vector<16xf32>
        %parallel_loop3A_597 = arith.mulf %parallel_loop3A_596, %parallel_loop3A_456 : vector<16xf32>
        %parallel_loop3A_598 = arith.index_cast %parallel_loop3A_453 : i32 to index
        %parallel_loop3A_599 = arith.constant 0 : index
        %parallel_loop3A_600 = tpu.vector_load %arg23[%parallel_loop3A_598, %parallel_loop3A_599] {strides = array<i32>} : memref<32x128xf32, #tpu.memory_space<vmem>>, vector<16xf32>,
        tpu.vector_store %arg23[%parallel_loop3A_598, %parallel_loop3A_599], %parallel_loop3A_597 {strides = array<i32>} : memref<32x128xf32, #tpu.memory_space<vmem>>, vector<16xf32>,
        %parallel_loop3A_601 = arith.mulf %parallel_loop3A_596, %parallel_loop3A_459 : vector<16xf32>
        %parallel_loop3A_602 = arith.index_cast %parallel_loop3A_453 : i32 to index
        %parallel_loop3A_603 = arith.constant 16 : index
        %parallel_loop3A_604 = tpu.vector_load %arg23[%parallel_loop3A_602, %parallel_loop3A_603] {strides = array<i32>} : memref<32x128xf32, #tpu.memory_space<vmem>>, vector<16xf32>,
        tpu.vector_store %arg23[%parallel_loop3A_602, %parallel_loop3A_603], %parallel_loop3A_601 {strides = array<i32>} : memref<32x128xf32, #tpu.memory_space<vmem>>, vector<16xf32>,
        %parallel_loop3A_605 = vector.shape_cast %broadcast_in_dim3A_365 : vector<16x1xi32> to vector<16xi32>
        %parallel_loop3A_606 = tpu.dynamic_gather %parallel_loop3A_594[%parallel_loop3A_605] in [0] : vector<16xf32>, vector<16xi32> -> vector<16xf32>
        %parallel_loop3A_607 = arith.mulf %parallel_loop3A_606, %parallel_loop3A_462 : vector<16xf32>
        %parallel_loop3A_608 = arith.index_cast %parallel_loop3A_453 : i32 to index
        %parallel_loop3A_609 = arith.constant 32 : index
        %parallel_loop3A_610 = tpu.vector_load %arg23[%parallel_loop3A_608, %parallel_loop3A_609] {strides = array<i32>} : memref<32x128xf32, #tpu.memory_space<vmem>>, vector<16xf32>,
        tpu.vector_store %arg23[%parallel_loop3A_608, %parallel_loop3A_609], %parallel_loop3A_607 {strides = array<i32>} : memref<32x128xf32, #tpu.memory_space<vmem>>, vector<16xf32>,
        %parallel_loop3A_611 = arith.mulf %parallel_loop3A_606, %parallel_loop3A_465 : vector<16xf32>
        %parallel_loop3A_612 = arith.index_cast %parallel_loop3A_453 : i32 to index
        %parallel_loop3A_613 = arith.constant 48 : index
        %parallel_loop3A_614 = tpu.vector_load %arg23[%parallel_loop3A_612, %parallel_loop3A_613] {strides = array<i32>} : memref<32x128xf32, #tpu.memory_space<vmem>>, vector<16xf32>,
        tpu.vector_store %arg23[%parallel_loop3A_612, %parallel_loop3A_613], %parallel_loop3A_611 {strides = array<i32>} : memref<32x128xf32, #tpu.memory_space<vmem>>, vector<16xf32>,
        %parallel_loop3A_615 = vector.shape_cast %broadcast_in_dim3A_367 : vector<16x1xi32> to vector<16xi32>
        %parallel_loop3A_616 = tpu.dynamic_gather %parallel_loop3A_594[%parallel_loop3A_615] in [0] : vector<16xf32>, vector<16xi32> -> vector<16xf32>
        %parallel_loop3A_617 = arith.mulf %parallel_loop3A_616, %parallel_loop3A_468 : vector<16xf32>
        %parallel_loop3A_618 = arith.index_cast %parallel_loop3A_453 : i32 to index
        %parallel_loop3A_619 = arith.constant 64 : index
        %parallel_loop3A_620 = tpu.vector_load %arg23[%parallel_loop3A_618, %parallel_loop3A_619] {strides = array<i32>} : memref<32x128xf32, #tpu.memory_space<vmem>>, vector<16xf32>,
        tpu.vector_store %arg23[%parallel_loop3A_618, %parallel_loop3A_619], %parallel_loop3A_617 {strides = array<i32>} : memref<32x128xf32, #tpu.memory_space<vmem>>, vector<16xf32>,
        %parallel_loop3A_621 = arith.mulf %parallel_loop3A_616, %parallel_loop3A_471 : vector<16xf32>
        %parallel_loop3A_622 = arith.index_cast %parallel_loop3A_453 : i32 to index
        %parallel_loop3A_623 = arith.constant 80 : index
        %parallel_loop3A_624 = tpu.vector_load %arg23[%parallel_loop3A_622, %parallel_loop3A_623] {strides = array<i32>} : memref<32x128xf32, #tpu.memory_space<vmem>>, vector<16xf32>,
        tpu.vector_store %arg23[%parallel_loop3A_622, %parallel_loop3A_623], %parallel_loop3A_621 {strides = array<i32>} : memref<32x128xf32, #tpu.memory_space<vmem>>, vector<16xf32>,
        %parallel_loop3A_625 = vector.shape_cast %broadcast_in_dim3A_369 : vector<16x1xi32> to vector<16xi32>
        %parallel_loop3A_626 = tpu.dynamic_gather %parallel_loop3A_594[%parallel_loop3A_625] in [0] : vector<16xf32>, vector<16xi32> -> vector<16xf32>
        %parallel_loop3A_627 = arith.mulf %parallel_loop3A_626, %parallel_loop3A_474 : vector<16xf32>
        %parallel_loop3A_628 = arith.index_cast %parallel_loop3A_453 : i32 to index
        %parallel_loop3A_629 = arith.constant 96 : index
        %parallel_loop3A_630 = tpu.vector_load %arg23[%parallel_loop3A_628, %parallel_loop3A_629] {strides = array<i32>} : memref<32x128xf32, #tpu.memory_space<vmem>>, vector<16xf32>,
        tpu.vector_store %arg23[%parallel_loop3A_628, %parallel_loop3A_629], %parallel_loop3A_627 {strides = array<i32>} : memref<32x128xf32, #tpu.memory_space<vmem>>, vector<16xf32>,
        %parallel_loop3A_631 = arith.mulf %parallel_loop3A_626, %parallel_loop3A_477 : vector<16xf32>
        %parallel_loop3A_632 = arith.index_cast %parallel_loop3A_453 : i32 to index
        %parallel_loop3A_633 = arith.constant 112 : index
        %parallel_loop3A_634 = tpu.vector_load %arg23[%parallel_loop3A_632, %parallel_loop3A_633] {strides = array<i32>} : memref<32x128xf32, #tpu.memory_space<vmem>>, vector<16xf32>,
        tpu.vector_store %arg23[%parallel_loop3A_632, %parallel_loop3A_633], %parallel_loop3A_631 {strides = array<i32>} : memref<32x128xf32, #tpu.memory_space<vmem>>, vector<16xf32>,
        %parallel_loop3A_635 = arith.cmpi sge, %iota3A, %parallel_loop3A_518 : vector<16xi32>
        %parallel_loop3A_636 = arith.constant 4 : i32
        %parallel_loop3A_637 = vector.broadcast %parallel_loop3A_636 : i32 to vector<16xi32>
        %parallel_loop3A_638 = arith.addi %parallel_loop3A_518, %parallel_loop3A_637 : vector<16xi32>
        %parallel_loop3A_639 = arith.cmpi slt, %iota3A, %parallel_loop3A_638 : vector<16xi32>
        %parallel_loop3A_640 = arith.andi %parallel_loop3A_635, %parallel_loop3A_639 : vector<16xi1>
        %parallel_loop3A_641 = arith.subi %iota3A, %parallel_loop3A_518 : vector<16xi32>
        %parallel_loop3A_642 = arith.constant 3 : i32
        %parallel_loop3A_643 = vector.broadcast %parallel_loop3A_642 : i32 to vector<16xi32>
        %parallel_loop3A_644 = arith.andi %parallel_loop3A_641, %parallel_loop3A_643 : vector<16xi32>
        %parallel_loop3A_645 = arith.constant 4 : i32
        %parallel_loop3A_646 = vector.broadcast %parallel_loop3A_645 : i32 to vector<16xi32>
        %parallel_loop3A_647 = arith.muli %parallel_loop3A_644, %parallel_loop3A_646 : vector<16xi32>
        %parallel_loop3A_648 = vector.shape_cast %parallel_loop3A_647 : vector<16xi32> to vector<16x1xi32>
        %parallel_loop3A_649 = vector.shape_cast %parallel_loop3A_648 : vector<16x1xi32> to vector<16xi32>
        %parallel_loop3A_650 = tpu.dynamic_gather %parallel_loop3A_594[%parallel_loop3A_649] in [0] : vector<16xf32>, vector<16xi32> -> vector<16xf32>
        %parallel_loop3A_651 = arith.select %parallel_loop3A_640, %parallel_loop3A_650, %broadcast_in_dim3A_9 : vector<16xi1>, vector<16xf32>
        %parallel_loop3A_652 = arith.constant 0 : i32
        %parallel_loop3A_653 = vector.broadcast %parallel_loop3A_652 : i32 to vector<16xi32>
        %parallel_loop3A_654 = arith.cmpi eq, %parallel_loop3A_524, %parallel_loop3A_653 : vector<16xi32>
        %parallel_loop3A_655 = arith.select %parallel_loop3A_654, %parallel_loop3A_651, %broadcast_in_dim3A_9 : vector<16xi1>, vector<16xf32>
        %parallel_loop3A_656 = arith.index_cast %parallel_loop3A_453 : i32 to index
        %parallel_loop3A_657 = arith.constant 0 : index
        %parallel_loop3A_658 = tpu.vector_load %arg24[%parallel_loop3A_656, %parallel_loop3A_657] {strides = array<i32>} : memref<32x128xf32, #tpu.memory_space<vmem>>, vector<16xf32>,
        tpu.vector_store %arg24[%parallel_loop3A_656, %parallel_loop3A_657], %parallel_loop3A_655 {strides = array<i32>} : memref<32x128xf32, #tpu.memory_space<vmem>>, vector<16xf32>,
        %parallel_loop3A_659 = arith.constant 1 : i32
        %parallel_loop3A_660 = vector.broadcast %parallel_loop3A_659 : i32 to vector<16xi32>
        %parallel_loop3A_661 = arith.cmpi eq, %parallel_loop3A_524, %parallel_loop3A_660 : vector<16xi32>
        %parallel_loop3A_662 = arith.select %parallel_loop3A_661, %parallel_loop3A_651, %broadcast_in_dim3A_9 : vector<16xi1>, vector<16xf32>
        %parallel_loop3A_663 = arith.index_cast %parallel_loop3A_453 : i32 to index
        %parallel_loop3A_664 = arith.constant 16 : index
        %parallel_loop3A_665 = tpu.vector_load %arg24[%parallel_loop3A_663, %parallel_loop3A_664] {strides = array<i32>} : memref<32x128xf32, #tpu.memory_space<vmem>>, vector<16xf32>,
        tpu.vector_store %arg24[%parallel_loop3A_663, %parallel_loop3A_664], %parallel_loop3A_662 {strides = array<i32>} : memref<32x128xf32, #tpu.memory_space<vmem>>, vector<16xf32>,
        %parallel_loop3A_666 = arith.constant 2 : i32
        %parallel_loop3A_667 = vector.broadcast %parallel_loop3A_666 : i32 to vector<16xi32>
        %parallel_loop3A_668 = arith.cmpi eq, %parallel_loop3A_524, %parallel_loop3A_667 : vector<16xi32>
        %parallel_loop3A_669 = arith.select %parallel_loop3A_668, %parallel_loop3A_651, %broadcast_in_dim3A_9 : vector<16xi1>, vector<16xf32>
        %parallel_loop3A_670 = arith.index_cast %parallel_loop3A_453 : i32 to index
        %parallel_loop3A_671 = arith.constant 32 : index
        %parallel_loop3A_672 = tpu.vector_load %arg24[%parallel_loop3A_670, %parallel_loop3A_671] {strides = array<i32>} : memref<32x128xf32, #tpu.memory_space<vmem>>, vector<16xf32>,
        tpu.vector_store %arg24[%parallel_loop3A_670, %parallel_loop3A_671], %parallel_loop3A_669 {strides = array<i32>} : memref<32x128xf32, #tpu.memory_space<vmem>>, vector<16xf32>,
        %parallel_loop3A_673 = arith.constant 3 : i32
        %parallel_loop3A_674 = vector.broadcast %parallel_loop3A_673 : i32 to vector<16xi32>
        %parallel_loop3A_675 = arith.cmpi eq, %parallel_loop3A_524, %parallel_loop3A_674 : vector<16xi32>
        %parallel_loop3A_676 = arith.select %parallel_loop3A_675, %parallel_loop3A_651, %broadcast_in_dim3A_9 : vector<16xi1>, vector<16xf32>
        %parallel_loop3A_677 = arith.index_cast %parallel_loop3A_453 : i32 to index
        %parallel_loop3A_678 = arith.constant 48 : index
        %parallel_loop3A_679 = tpu.vector_load %arg24[%parallel_loop3A_677, %parallel_loop3A_678] {strides = array<i32>} : memref<32x128xf32, #tpu.memory_space<vmem>>, vector<16xf32>,
        tpu.vector_store %arg24[%parallel_loop3A_677, %parallel_loop3A_678], %parallel_loop3A_676 {strides = array<i32>} : memref<32x128xf32, #tpu.memory_space<vmem>>, vector<16xf32>,
        %parallel_loop3A_680 = arith.constant 4 : i32
        %parallel_loop3A_681 = vector.broadcast %parallel_loop3A_680 : i32 to vector<16xi32>
        %parallel_loop3A_682 = arith.cmpi eq, %parallel_loop3A_524, %parallel_loop3A_681 : vector<16xi32>
        %parallel_loop3A_683 = arith.select %parallel_loop3A_682, %parallel_loop3A_651, %broadcast_in_dim3A_9 : vector<16xi1>, vector<16xf32>
        %parallel_loop3A_684 = arith.index_cast %parallel_loop3A_453 : i32 to index
        %parallel_loop3A_685 = arith.constant 64 : index
        %parallel_loop3A_686 = tpu.vector_load %arg24[%parallel_loop3A_684, %parallel_loop3A_685] {strides = array<i32>} : memref<32x128xf32, #tpu.memory_space<vmem>>, vector<16xf32>,
        tpu.vector_store %arg24[%parallel_loop3A_684, %parallel_loop3A_685], %parallel_loop3A_683 {strides = array<i32>} : memref<32x128xf32, #tpu.memory_space<vmem>>, vector<16xf32>,
        %parallel_loop3A_687 = arith.constant 5 : i32
        %parallel_loop3A_688 = vector.broadcast %parallel_loop3A_687 : i32 to vector<16xi32>
        %parallel_loop3A_689 = arith.cmpi eq, %parallel_loop3A_524, %parallel_loop3A_688 : vector<16xi32>
        %parallel_loop3A_690 = arith.select %parallel_loop3A_689, %parallel_loop3A_651, %broadcast_in_dim3A_9 : vector<16xi1>, vector<16xf32>
        %parallel_loop3A_691 = arith.index_cast %parallel_loop3A_453 : i32 to index
        %parallel_loop3A_692 = arith.constant 80 : index
        %parallel_loop3A_693 = tpu.vector_load %arg24[%parallel_loop3A_691, %parallel_loop3A_692] {strides = array<i32>} : memref<32x128xf32, #tpu.memory_space<vmem>>, vector<16xf32>,
        tpu.vector_store %arg24[%parallel_loop3A_691, %parallel_loop3A_692], %parallel_loop3A_690 {strides = array<i32>} : memref<32x128xf32, #tpu.memory_space<vmem>>, vector<16xf32>,
        %parallel_loop3A_694 = arith.constant 6 : i32
        %parallel_loop3A_695 = vector.broadcast %parallel_loop3A_694 : i32 to vector<16xi32>
        %parallel_loop3A_696 = arith.cmpi eq, %parallel_loop3A_524, %parallel_loop3A_695 : vector<16xi32>
        %parallel_loop3A_697 = arith.select %parallel_loop3A_696, %parallel_loop3A_651, %broadcast_in_dim3A_9 : vector<16xi1>, vector<16xf32>
        %parallel_loop3A_698 = arith.index_cast %parallel_loop3A_453 : i32 to index
        %parallel_loop3A_699 = arith.constant 96 : index
        %parallel_loop3A_700 = tpu.vector_load %arg24[%parallel_loop3A_698, %parallel_loop3A_699] {strides = array<i32>} : memref<32x128xf32, #tpu.memory_space<vmem>>, vector<16xf32>,
        tpu.vector_store %arg24[%parallel_loop3A_698, %parallel_loop3A_699], %parallel_loop3A_697 {strides = array<i32>} : memref<32x128xf32, #tpu.memory_space<vmem>>, vector<16xf32>,
        %parallel_loop3A_701 = arith.constant 7 : i32
        %parallel_loop3A_702 = vector.broadcast %parallel_loop3A_701 : i32 to vector<16xi32>
        %parallel_loop3A_703 = arith.cmpi eq, %parallel_loop3A_524, %parallel_loop3A_702 : vector<16xi32>
        %parallel_loop3A_704 = arith.select %parallel_loop3A_703, %parallel_loop3A_651, %broadcast_in_dim3A_9 : vector<16xi1>, vector<16xf32>
        %parallel_loop3A_705 = arith.index_cast %parallel_loop3A_453 : i32 to index
        %parallel_loop3A_706 = arith.constant 112 : index
        %parallel_loop3A_707 = tpu.vector_load %arg24[%parallel_loop3A_705, %parallel_loop3A_706] {strides = array<i32>} : memref<32x128xf32, #tpu.memory_space<vmem>>, vector<16xf32>,
        tpu.vector_store %arg24[%parallel_loop3A_705, %parallel_loop3A_706], %parallel_loop3A_704 {strides = array<i32>} : memref<32x128xf32, #tpu.memory_space<vmem>>, vector<16xf32>,
      } {sc.loop_unroll_factor = 2 : i64, sc.parallel_access}
      %dma_start3A_372 = arith.constant 0 : i32
      %dma_start3A_373 = arith.constant 0 : i32
      %dma_start3A_374 = tpu.memref_slice %arg9[%dma_start3A_372, %dma_start3A_373] : memref<10240x128xf32, #tpu.memory_space<vmem_shared>> -> memref<10240x128xf32, #tpu.memory_space<vmem_shared>>
      tpu.enqueue_indirect_dma source(%arg23 : memref<32x128xf32, #tpu.memory_space<vmem>>) target(%dma_start3A_374 : memref<10240x128xf32, #tpu.memory_space<vmem_shared>>) offsets(%arg19 : memref<32xi32, #tpu.memory_space<vmem>>) semaphore(%arg33 : memref<!tpu.dma_semaphore, #tpu.memory_space<semaphore_mem>>) {add = true}
      %dma_start3A_375 = arith.constant 0 : i32
      %dma_start3A_376 = arith.constant 0 : i32
      %dma_start3A_377 = tpu.memref_slice %arg10[%dma_start3A_375, %dma_start3A_376] : memref<320x128xf32, #tpu.memory_space<vmem_shared>> -> memref<320x128xf32, #tpu.memory_space<vmem_shared>>
      tpu.enqueue_indirect_dma source(%arg24 : memref<32x128xf32, #tpu.memory_space<vmem>>) target(%dma_start3A_377 : memref<320x128xf32, #tpu.memory_space<vmem_shared>>) offsets(%arg20 : memref<32xi32, #tpu.memory_space<vmem>>) semaphore(%arg33 : memref<!tpu.dma_semaphore, #tpu.memory_space<semaphore_mem>>) {add = true}
      %add3A_378 = arith.constant 1 : i32
      %add3A_379 = arith.addi %mul3A_307, %add3A_378 : i32
      %dma_wait3A_380 = arith.constant 0 : i32
      %dma_wait3A_381 = tpu.memref_slice %arg3[%dma_wait3A_380] : memref<641024xi32, #tpu.memory_space<hbm>> -> memref<32xi32, #tpu.memory_space<hbm>>
      %dma_wait3A_382 = arith.constant 0 : i32
      %dma_wait3A_383 = tpu.memref_slice %arg3[%dma_wait3A_382] : memref<641024xi32, #tpu.memory_space<hbm>> -> memref<32xi32, #tpu.memory_space<hbm>>
      tpu.wait_dma2 semaphore(%arg29 : memref<!tpu.dma_semaphore, #tpu.memory_space<semaphore_mem>>) src(%dma_wait3A_383 : memref<32xi32, #tpu.memory_space<hbm>>) dst(%arg11 : memref<32xi32, #tpu.memory_space<vmem>>)
      %dma_wait3A_384 = arith.constant 0 : i32
      %dma_wait3A_385 = tpu.memref_slice %arg3[%dma_wait3A_384] : memref<641024xi32, #tpu.memory_space<hbm>> -> memref<32xi32, #tpu.memory_space<hbm>>
      %dma_wait3A_386 = arith.constant 0 : i32
      %dma_wait3A_387 = tpu.memref_slice %arg3[%dma_wait3A_386] : memref<641024xi32, #tpu.memory_space<hbm>> -> memref<32xi32, #tpu.memory_space<hbm>>
      tpu.wait_dma2 semaphore(%arg29 : memref<!tpu.dma_semaphore, #tpu.memory_space<semaphore_mem>>) src(%dma_wait3A_387 : memref<32xi32, #tpu.memory_space<hbm>>) dst(%arg12 : memref<32xi32, #tpu.memory_space<vmem>>)
      %dma_start3A_388 = arith.constant 0 : i32
      %dma_start3A_389 = arith.constant 0 : i32
      %dma_start3A_390 = tpu.memref_slice %arg2[%dma_start3A_388, %dma_start3A_389] : memref<20480x128xf32, #tpu.memory_space<hbm>> -> memref<20480x128xf32, #tpu.memory_space<hbm>>
      tpu.enqueue_indirect_dma source(%dma_start3A_390 : memref<20480x128xf32, #tpu.memory_space<hbm>>) target(%arg15 : memref<32x128xf32, #tpu.memory_space<vmem>>) offsets(%arg11 : memref<32xi32, #tpu.memory_space<vmem>>) semaphore(%arg31 : memref<!tpu.dma_semaphore, #tpu.memory_space<semaphore_mem>>)
      %dma_start3A_391 = arith.constant 0 : i32
      %dma_start3A_392 = arith.constant 0 : i32
      %dma_start3A_393 = tpu.memref_slice %arg2[%dma_start3A_391, %dma_start3A_392] : memref<20480x128xf32, #tpu.memory_space<hbm>> -> memref<20480x128xf32, #tpu.memory_space<hbm>>
      tpu.enqueue_indirect_dma source(%dma_start3A_393 : memref<20480x128xf32, #tpu.memory_space<hbm>>) target(%arg16 : memref<32x128xf32, #tpu.memory_space<vmem>>) offsets(%arg12 : memref<32xi32, #tpu.memory_space<vmem>>) semaphore(%arg31 : memref<!tpu.dma_semaphore, #tpu.memory_space<semaphore_mem>>)
      %dma_wait3A_394 = arith.constant 0 : i32
      %dma_wait3A_395 = arith.constant 0 : i32
      %dma_wait3A_396 = tpu.memref_slice %arg2[%dma_wait3A_394, %dma_wait3A_395] : memref<20480x128xf32, #tpu.memory_space<hbm>> -> memref<32x128xf32, #tpu.memory_space<hbm>>
      %dma_wait3A_397 = arith.constant 0 : i32
      %dma_wait3A_398 = arith.constant 0 : i32
      %dma_wait3A_399 = tpu.memref_slice %arg2[%dma_wait3A_397, %dma_wait3A_398] : memref<20480x128xf32, #tpu.memory_space<hbm>> -> memref<32x128xf32, #tpu.memory_space<hbm>>
      tpu.wait_dma2 semaphore(%arg32 : memref<!tpu.dma_semaphore, #tpu.memory_space<semaphore_mem>>) src(%dma_wait3A_399 : memref<32x128xf32, #tpu.memory_space<hbm>>) dst(%arg17 : memref<32x128xf32, #tpu.memory_space<vmem>>)
      %dma_wait3A_400 = arith.constant 0 : i32
      %dma_wait3A_401 = arith.constant 0 : i32
      %dma_wait3A_402 = tpu.memref_slice %arg2[%dma_wait3A_400, %dma_wait3A_401] : memref<20480x128xf32, #tpu.memory_space<hbm>> -> memref<32x128xf32, #tpu.memory_space<hbm>>
      %dma_wait3A_403 = arith.constant 0 : i32
      %dma_wait3A_404 = arith.constant 0 : i32
      %dma_wait3A_405 = tpu.memref_slice %arg2[%dma_wait3A_403, %dma_wait3A_404] : memref<20480x128xf32, #tpu.memory_space<hbm>> -> memref<32x128xf32, #tpu.memory_space<hbm>>
      tpu.wait_dma2 semaphore(%arg32 : memref<!tpu.dma_semaphore, #tpu.memory_space<semaphore_mem>>) src(%dma_wait3A_405 : memref<32x128xf32, #tpu.memory_space<hbm>>) dst(%arg18 : memref<32x128xf32, #tpu.memory_space<vmem>>)
      %dma_wait3A_406 = arith.constant 0 : i32
      %dma_wait3A_407 = arith.constant 0 : i32
      %dma_wait3A_408 = tpu.memref_slice %arg9[%dma_wait3A_406, %dma_wait3A_407] : memref<10240x128xf32, #tpu.memory_space<vmem_shared>> -> memref<10240x128xf32, #tpu.memory_space<vmem_shared>>
      tpu.wait_indirect_dma semaphore(%arg34 : memref<!tpu.dma_semaphore, #tpu.memory_space<semaphore_mem>>) src(%arg23 : memref<32x128xf32, #tpu.memory_space<vmem>>) dst(%dma_wait3A_408 : memref<10240x128xf32, #tpu.memory_space<vmem_shared>>)
      %dma_wait3A_409 = arith.constant 0 : i32
      %dma_wait3A_410 = arith.constant 0 : i32
      %dma_wait3A_411 = tpu.memref_slice %arg10[%dma_wait3A_409, %dma_wait3A_410] : memref<320x128xf32, #tpu.memory_space<vmem_shared>> -> memref<320x128xf32, #tpu.memory_space<vmem_shared>>
      tpu.wait_indirect_dma semaphore(%arg34 : memref<!tpu.dma_semaphore, #tpu.memory_space<semaphore_mem>>) src(%arg24 : memref<32x128xf32, #tpu.memory_space<vmem>>) dst(%dma_wait3A_411 : memref<320x128xf32, #tpu.memory_space<vmem_shared>>)
      %scan3A_412 = arith.constant 0 : i32
      %scan3A_413 = arith.constant 0 : i32
      %scan3A_414 = arith.constant 2 : i32
      %scan3A_415 = arith.addi %scan3A_413, %scan3A_414 : i32
      %scan3A_416 = arith.constant 1 : i32
      scf.for %scan3A_453 = %scan3A_413 to %scan3A_415 step %scan3A_416  : i32 {
        %mul3A_454 = arith.constant 16 : i32
        %mul3A_455 = arith.muli %mul3A_454, %scan3A_453 : i32
        %get3A = arith.index_cast %mul3A_455 : i32 to index
        %get3A_456 = tpu.vector_load %arg14[%get3A] {strides = array<i32>} : memref<32xi32, #tpu.memory_space<vmem>>, vector<16xi32>,
        %sub3A = vector.broadcast %mul3A_25 : i32 to vector<16xi32>
        %sub3A_457 = arith.subi %get3A_456, %sub3A : vector<16xi32>
        %mul3A_458 = arith.constant 16 : i32
        %mul3A_459 = arith.muli %mul3A_458, %scan3A_453 : i32
        %swap3A = arith.index_cast %mul3A_459 : i32 to index
        %swap3A_460 = tpu.vector_load %arg21[%swap3A] {strides = array<i32>} : memref<32xi32, #tpu.memory_space<vmem>>, vector<16xi32>,
        tpu.vector_store %arg21[%swap3A], %sub3A_457 {strides = array<i32>} : memref<32xi32, #tpu.memory_space<vmem>>, vector<16xi32>,
        %shift_right_logical3A = arith.constant 5 : i32
        %shift_right_logical3A_461 = vector.broadcast %shift_right_logical3A : i32 to vector<16xi32>
        %shift_right_logical3A_462 = arith.shrui %sub3A_457, %shift_right_logical3A_461 : vector<16xi32>
        %mul3A_463 = arith.constant 16 : i32
        %mul3A_464 = arith.muli %mul3A_463, %scan3A_453 : i32
        %swap3A_465 = arith.index_cast %mul3A_464 : i32 to index
        %swap3A_466 = tpu.vector_load %arg22[%swap3A_465] {strides = array<i32>} : memref<32xi32, #tpu.memory_space<vmem>>, vector<16xi32>,
        tpu.vector_store %arg22[%swap3A_465], %shift_right_logical3A_462 {strides = array<i32>} : memref<32xi32, #tpu.memory_space<vmem>>, vector<16xi32>,
      }
      %scan3A_417 = arith.constant 2 : i32
      %add3A_418 = arith.constant 2 : i32
      %add3A_419 = arith.addi %add3A_379, %add3A_418 : i32
      %min3A_420 = arith.constant 625 : i32
      %min3A_421 = arith.minsi %add3A_419, %min3A_420 : i32
      %mul3A_422 = arith.constant 32 : i32
      %mul3A_423 = arith.muli %min3A_421, %mul3A_422 : i32
      %add3A_424 = arith.addi %add3A, %mul3A_423 : i32
      %dma_start3A_425 = tpu.memref_slice %arg3[%add3A_424] : memref<641024xi32, #tpu.memory_space<hbm>> -> memref<32xi32, #tpu.memory_space<hbm>>
      %dma_start3A_426 = tpu.memref_slice %arg3[%add3A_424] : memref<641024xi32, #tpu.memory_space<hbm>> -> memref<32xi32, #tpu.memory_space<hbm>>
      tpu.enqueue_dma source(%dma_start3A_426 : memref<32xi32, #tpu.memory_space<hbm>>) target(%arg13 : memref<32xi32, #tpu.memory_space<vmem>>) target_semaphore(%arg30 : memref<!tpu.dma_semaphore, #tpu.memory_space<semaphore_mem>>)
      %dma_start3A_427 = tpu.memref_slice %arg4[%add3A_424] : memref<641024xi32, #tpu.memory_space<hbm>> -> memref<32xi32, #tpu.memory_space<hbm>>
      %dma_start3A_428 = tpu.memref_slice %arg4[%add3A_424] : memref<641024xi32, #tpu.memory_space<hbm>> -> memref<32xi32, #tpu.memory_space<hbm>>
      tpu.enqueue_dma source(%dma_start3A_428 : memref<32xi32, #tpu.memory_space<hbm>>) target(%arg14 : memref<32xi32, #tpu.memory_space<vmem>>) target_semaphore(%arg30 : memref<!tpu.dma_semaphore, #tpu.memory_space<semaphore_mem>>)
      %and3A_429 = arith.constant 3 : i32
      %and3A_430 = vector.broadcast %and3A_429 : i32 to vector<16xi32>
      %and3A_431 = arith.andi %iota3A, %and3A_430 : vector<16xi32>
      %mul3A_432 = arith.constant 4 : i32
      %mul3A_433 = vector.broadcast %mul3A_432 : i32 to vector<16xi32>
      %mul3A_434 = arith.muli %and3A_431, %mul3A_433 : vector<16xi32>
      %reshape3A_435 = vector.shape_cast %mul3A_434 : vector<16xi32> to vector<16x1xi32>
      %broadcast_in_dim3A_436 = arith.constant 0 : i32
      %broadcast_in_dim3A_437 = vector.broadcast %broadcast_in_dim3A_436 : i32 to vector<16x1xi32>
      %broadcast_in_dim3A_438 = arith.constant 4 : i32
      %broadcast_in_dim3A_439 = vector.broadcast %broadcast_in_dim3A_438 : i32 to vector<16x1xi32>
      %broadcast_in_dim3A_440 = arith.constant 8 : i32
      %broadcast_in_dim3A_441 = vector.broadcast %broadcast_in_dim3A_440 : i32 to vector<16x1xi32>
      %broadcast_in_dim3A_442 = arith.constant 12 : i32
      %broadcast_in_dim3A_443 = vector.broadcast %broadcast_in_dim3A_442 : i32 to vector<16x1xi32>
      %parallel_loop3A_444 = arith.constant 0 : i32
      %parallel_loop3A_445 = arith.constant 32 : i32
      %parallel_loop3A_446 = arith.constant 1 : i32
      scf.for %parallel_loop3A_453 = %parallel_loop3A_444 to %parallel_loop3A_445 step %parallel_loop3A_446  : i32 {
        %parallel_loop3A_454 = arith.index_cast %parallel_loop3A_453 : i32 to index
        %parallel_loop3A_455 = arith.constant 0 : index
        %parallel_loop3A_456 = tpu.vector_load %arg17[%parallel_loop3A_454, %parallel_loop3A_455] {strides = array<i32>} : memref<32x128xf32, #tpu.memory_space<vmem>>, vector<16xf32>,
        %parallel_loop3A_457 = arith.index_cast %parallel_loop3A_453 : i32 to index
        %parallel_loop3A_458 = arith.constant 16 : index
        %parallel_loop3A_459 = tpu.vector_load %arg17[%parallel_loop3A_457, %parallel_loop3A_458] {strides = array<i32>} : memref<32x128xf32, #tpu.memory_space<vmem>>, vector<16xf32>,
        %parallel_loop3A_460 = arith.index_cast %parallel_loop3A_453 : i32 to index
        %parallel_loop3A_461 = arith.constant 32 : index
        %parallel_loop3A_462 = tpu.vector_load %arg17[%parallel_loop3A_460, %parallel_loop3A_461] {strides = array<i32>} : memref<32x128xf32, #tpu.memory_space<vmem>>, vector<16xf32>,
        %parallel_loop3A_463 = arith.index_cast %parallel_loop3A_453 : i32 to index
        %parallel_loop3A_464 = arith.constant 48 : index
        %parallel_loop3A_465 = tpu.vector_load %arg17[%parallel_loop3A_463, %parallel_loop3A_464] {strides = array<i32>} : memref<32x128xf32, #tpu.memory_space<vmem>>, vector<16xf32>,
        %parallel_loop3A_466 = arith.index_cast %parallel_loop3A_453 : i32 to index
        %parallel_loop3A_467 = arith.constant 64 : index
        %parallel_loop3A_468 = tpu.vector_load %arg17[%parallel_loop3A_466, %parallel_loop3A_467] {strides = array<i32>} : memref<32x128xf32, #tpu.memory_space<vmem>>, vector<16xf32>,
        %parallel_loop3A_469 = arith.index_cast %parallel_loop3A_453 : i32 to index
        %parallel_loop3A_470 = arith.constant 80 : index
        %parallel_loop3A_471 = tpu.vector_load %arg17[%parallel_loop3A_469, %parallel_loop3A_470] {strides = array<i32>} : memref<32x128xf32, #tpu.memory_space<vmem>>, vector<16xf32>,
        %parallel_loop3A_472 = arith.index_cast %parallel_loop3A_453 : i32 to index
        %parallel_loop3A_473 = arith.constant 96 : index
        %parallel_loop3A_474 = tpu.vector_load %arg17[%parallel_loop3A_472, %parallel_loop3A_473] {strides = array<i32>} : memref<32x128xf32, #tpu.memory_space<vmem>>, vector<16xf32>,
        %parallel_loop3A_475 = arith.index_cast %parallel_loop3A_453 : i32 to index
        %parallel_loop3A_476 = arith.constant 112 : index
        %parallel_loop3A_477 = tpu.vector_load %arg17[%parallel_loop3A_475, %parallel_loop3A_476] {strides = array<i32>} : memref<32x128xf32, #tpu.memory_space<vmem>>, vector<16xf32>,
        %parallel_loop3A_478 = arith.index_cast %parallel_loop3A_453 : i32 to index
        %parallel_loop3A_479 = arith.constant 0 : index
        %parallel_loop3A_480 = tpu.vector_load %arg18[%parallel_loop3A_478, %parallel_loop3A_479] {strides = array<i32>} : memref<32x128xf32, #tpu.memory_space<vmem>>, vector<16xf32>,
        %parallel_loop3A_481 = arith.index_cast %parallel_loop3A_453 : i32 to index
        %parallel_loop3A_482 = arith.constant 16 : index
        %parallel_loop3A_483 = tpu.vector_load %arg18[%parallel_loop3A_481, %parallel_loop3A_482] {strides = array<i32>} : memref<32x128xf32, #tpu.memory_space<vmem>>, vector<16xf32>,
        %parallel_loop3A_484 = arith.index_cast %parallel_loop3A_453 : i32 to index
        %parallel_loop3A_485 = arith.constant 32 : index
        %parallel_loop3A_486 = tpu.vector_load %arg18[%parallel_loop3A_484, %parallel_loop3A_485] {strides = array<i32>} : memref<32x128xf32, #tpu.memory_space<vmem>>, vector<16xf32>,
        %parallel_loop3A_487 = arith.index_cast %parallel_loop3A_453 : i32 to index
        %parallel_loop3A_488 = arith.constant 48 : index
        %parallel_loop3A_489 = tpu.vector_load %arg18[%parallel_loop3A_487, %parallel_loop3A_488] {strides = array<i32>} : memref<32x128xf32, #tpu.memory_space<vmem>>, vector<16xf32>,
        %parallel_loop3A_490 = arith.index_cast %parallel_loop3A_453 : i32 to index
        %parallel_loop3A_491 = arith.constant 64 : index
        %parallel_loop3A_492 = tpu.vector_load %arg18[%parallel_loop3A_490, %parallel_loop3A_491] {strides = array<i32>} : memref<32x128xf32, #tpu.memory_space<vmem>>, vector<16xf32>,
        %parallel_loop3A_493 = arith.index_cast %parallel_loop3A_453 : i32 to index
        %parallel_loop3A_494 = arith.constant 80 : index
        %parallel_loop3A_495 = tpu.vector_load %arg18[%parallel_loop3A_493, %parallel_loop3A_494] {strides = array<i32>} : memref<32x128xf32, #tpu.memory_space<vmem>>, vector<16xf32>,
        %parallel_loop3A_496 = arith.index_cast %parallel_loop3A_453 : i32 to index
        %parallel_loop3A_497 = arith.constant 96 : index
        %parallel_loop3A_498 = tpu.vector_load %arg18[%parallel_loop3A_496, %parallel_loop3A_497] {strides = array<i32>} : memref<32x128xf32, #tpu.memory_space<vmem>>, vector<16xf32>,
        %parallel_loop3A_499 = arith.index_cast %parallel_loop3A_453 : i32 to index
        %parallel_loop3A_500 = arith.constant 112 : index
        %parallel_loop3A_501 = tpu.vector_load %arg18[%parallel_loop3A_499, %parallel_loop3A_500] {strides = array<i32>} : memref<32x128xf32, #tpu.memory_space<vmem>>, vector<16xf32>,
        %parallel_loop3A_502 = arith.constant 4 : i32
        %parallel_loop3A_503 = arith.shrsi %parallel_loop3A_453, %parallel_loop3A_502 : i32
        %parallel_loop3A_504 = arith.constant 16 : i32
        %parallel_loop3A_505 = arith.muli %parallel_loop3A_503, %parallel_loop3A_504 : i32
        %parallel_loop3A_506 = arith.index_cast %parallel_loop3A_505 : i32 to index
        %parallel_loop3A_507 = tpu.vector_load %arg21[%parallel_loop3A_506] {strides = array<i32>} : memref<32xi32, #tpu.memory_space<vmem>>, vector<16xi32>,
        %parallel_loop3A_508 = arith.constant 15 : i32
        %parallel_loop3A_509 = arith.andi %parallel_loop3A_453, %parallel_loop3A_508 : i32
        %parallel_loop3A_510 = vector.broadcast %parallel_loop3A_509 : i32 to vector<16x1xi32>
        %parallel_loop3A_511 = vector.shape_cast %parallel_loop3A_510 : vector<16x1xi32> to vector<16xi32>
        %parallel_loop3A_512 = tpu.dynamic_gather %parallel_loop3A_507[%parallel_loop3A_511] in [0] : vector<16xi32>, vector<16xi32> -> vector<16xi32>
        %parallel_loop3A_513 = arith.constant 3 : i32
        %parallel_loop3A_514 = vector.broadcast %parallel_loop3A_513 : i32 to vector<16xi32>
        %parallel_loop3A_515 = arith.andi %parallel_loop3A_512, %parallel_loop3A_514 : vector<16xi32>
        %parallel_loop3A_516 = arith.constant 4 : i32
        %parallel_loop3A_517 = vector.broadcast %parallel_loop3A_516 : i32 to vector<16xi32>
        %parallel_loop3A_518 = arith.muli %parallel_loop3A_515, %parallel_loop3A_517 : vector<16xi32>
        %parallel_loop3A_519 = arith.constant 31 : i32
        %parallel_loop3A_520 = vector.broadcast %parallel_loop3A_519 : i32 to vector<16xi32>
        %parallel_loop3A_521 = arith.andi %parallel_loop3A_512, %parallel_loop3A_520 : vector<16xi32>
        %parallel_loop3A_522 = arith.constant 2 : i32
        %parallel_loop3A_523 = vector.broadcast %parallel_loop3A_522 : i32 to vector<16xi32>
        %parallel_loop3A_524 = arith.shrui %parallel_loop3A_521, %parallel_loop3A_523 : vector<16xi32>
        %parallel_loop3A_525 = arith.mulf %parallel_loop3A_456, %parallel_loop3A_480 : vector<16xf32>
        %parallel_loop3A_526 = arith.mulf %parallel_loop3A_459, %parallel_loop3A_483 : vector<16xf32>
        %parallel_loop3A_527 = arith.addf %parallel_loop3A_525, %parallel_loop3A_526 : vector<16xf32>
        %parallel_loop3A_528 = vector.shape_cast %reshape3A : vector<16x1xi32> to vector<16xi32>
        %parallel_loop3A_529 = tpu.dynamic_gather %parallel_loop3A_527[%parallel_loop3A_528] in [0] : vector<16xf32>, vector<16xi32> -> vector<16xf32>
        %parallel_loop3A_530 = arith.addf %parallel_loop3A_527, %parallel_loop3A_529 : vector<16xf32>
        %parallel_loop3A_531 = vector.shape_cast %reshape3A_15 : vector<16x1xi32> to vector<16xi32>
        %parallel_loop3A_532 = tpu.dynamic_gather %parallel_loop3A_530[%parallel_loop3A_531] in [0] : vector<16xf32>, vector<16xi32> -> vector<16xf32>
        %parallel_loop3A_533 = arith.addf %parallel_loop3A_530, %parallel_loop3A_532 : vector<16xf32>
        %parallel_loop3A_534 = arith.mulf %parallel_loop3A_462, %parallel_loop3A_486 : vector<16xf32>
        %parallel_loop3A_535 = arith.mulf %parallel_loop3A_465, %parallel_loop3A_489 : vector<16xf32>
        %parallel_loop3A_536 = arith.addf %parallel_loop3A_534, %parallel_loop3A_535 : vector<16xf32>
        %parallel_loop3A_537 = vector.shape_cast %reshape3A : vector<16x1xi32> to vector<16xi32>
        %parallel_loop3A_538 = tpu.dynamic_gather %parallel_loop3A_536[%parallel_loop3A_537] in [0] : vector<16xf32>, vector<16xi32> -> vector<16xf32>
        %parallel_loop3A_539 = arith.addf %parallel_loop3A_536, %parallel_loop3A_538 : vector<16xf32>
        %parallel_loop3A_540 = vector.shape_cast %reshape3A_15 : vector<16x1xi32> to vector<16xi32>
        %parallel_loop3A_541 = tpu.dynamic_gather %parallel_loop3A_539[%parallel_loop3A_540] in [0] : vector<16xf32>, vector<16xi32> -> vector<16xf32>
        %parallel_loop3A_542 = arith.addf %parallel_loop3A_539, %parallel_loop3A_541 : vector<16xf32>
        %parallel_loop3A_543 = arith.mulf %parallel_loop3A_468, %parallel_loop3A_492 : vector<16xf32>
        %parallel_loop3A_544 = arith.mulf %parallel_loop3A_471, %parallel_loop3A_495 : vector<16xf32>
        %parallel_loop3A_545 = arith.addf %parallel_loop3A_543, %parallel_loop3A_544 : vector<16xf32>
        %parallel_loop3A_546 = vector.shape_cast %reshape3A : vector<16x1xi32> to vector<16xi32>
        %parallel_loop3A_547 = tpu.dynamic_gather %parallel_loop3A_545[%parallel_loop3A_546] in [0] : vector<16xf32>, vector<16xi32> -> vector<16xf32>
        %parallel_loop3A_548 = arith.addf %parallel_loop3A_545, %parallel_loop3A_547 : vector<16xf32>
        %parallel_loop3A_549 = vector.shape_cast %reshape3A_15 : vector<16x1xi32> to vector<16xi32>
        %parallel_loop3A_550 = tpu.dynamic_gather %parallel_loop3A_548[%parallel_loop3A_549] in [0] : vector<16xf32>, vector<16xi32> -> vector<16xf32>
        %parallel_loop3A_551 = arith.addf %parallel_loop3A_548, %parallel_loop3A_550 : vector<16xf32>
        %parallel_loop3A_552 = arith.mulf %parallel_loop3A_474, %parallel_loop3A_498 : vector<16xf32>
        %parallel_loop3A_553 = arith.mulf %parallel_loop3A_477, %parallel_loop3A_501 : vector<16xf32>
        %parallel_loop3A_554 = arith.addf %parallel_loop3A_552, %parallel_loop3A_553 : vector<16xf32>
        %parallel_loop3A_555 = vector.shape_cast %reshape3A : vector<16x1xi32> to vector<16xi32>
        %parallel_loop3A_556 = tpu.dynamic_gather %parallel_loop3A_554[%parallel_loop3A_555] in [0] : vector<16xf32>, vector<16xi32> -> vector<16xf32>
        %parallel_loop3A_557 = arith.addf %parallel_loop3A_554, %parallel_loop3A_556 : vector<16xf32>
        %parallel_loop3A_558 = vector.shape_cast %reshape3A_15 : vector<16x1xi32> to vector<16xi32>
        %parallel_loop3A_559 = tpu.dynamic_gather %parallel_loop3A_557[%parallel_loop3A_558] in [0] : vector<16xf32>, vector<16xi32> -> vector<16xf32>
        %parallel_loop3A_560 = arith.addf %parallel_loop3A_557, %parallel_loop3A_559 : vector<16xf32>
        %parallel_loop3A_561 = arith.constant 4 : i32
        %parallel_loop3A_562 = vector.broadcast %parallel_loop3A_561 : i32 to vector<16xi32>
        %parallel_loop3A_563 = arith.cmpi slt, %iota3A, %parallel_loop3A_562 : vector<16xi32>
        %parallel_loop3A_564 = vector.shape_cast %reshape3A_435 : vector<16x1xi32> to vector<16xi32>
        %parallel_loop3A_565 = tpu.dynamic_gather %parallel_loop3A_533[%parallel_loop3A_564] in [0] : vector<16xf32>, vector<16xi32> -> vector<16xf32>
        %parallel_loop3A_566 = arith.constant 8 : i32
        %parallel_loop3A_567 = vector.broadcast %parallel_loop3A_566 : i32 to vector<16xi32>
        %parallel_loop3A_568 = arith.cmpi slt, %iota3A, %parallel_loop3A_567 : vector<16xi32>
        %parallel_loop3A_569 = vector.shape_cast %reshape3A_435 : vector<16x1xi32> to vector<16xi32>
        %parallel_loop3A_570 = tpu.dynamic_gather %parallel_loop3A_542[%parallel_loop3A_569] in [0] : vector<16xf32>, vector<16xi32> -> vector<16xf32>
        %parallel_loop3A_571 = arith.constant 12 : i32
        %parallel_loop3A_572 = vector.broadcast %parallel_loop3A_571 : i32 to vector<16xi32>
        %parallel_loop3A_573 = arith.cmpi slt, %iota3A, %parallel_loop3A_572 : vector<16xi32>
        %parallel_loop3A_574 = vector.shape_cast %reshape3A_435 : vector<16x1xi32> to vector<16xi32>
        %parallel_loop3A_575 = tpu.dynamic_gather %parallel_loop3A_551[%parallel_loop3A_574] in [0] : vector<16xf32>, vector<16xi32> -> vector<16xf32>
        %parallel_loop3A_576 = vector.shape_cast %reshape3A_435 : vector<16x1xi32> to vector<16xi32>
        %parallel_loop3A_577 = tpu.dynamic_gather %parallel_loop3A_560[%parallel_loop3A_576] in [0] : vector<16xf32>, vector<16xi32> -> vector<16xf32>
        %parallel_loop3A_578 = arith.select %parallel_loop3A_573, %parallel_loop3A_575, %parallel_loop3A_577 : vector<16xi1>, vector<16xf32>
        %parallel_loop3A_579 = arith.select %parallel_loop3A_568, %parallel_loop3A_570, %parallel_loop3A_578 : vector<16xi1>, vector<16xf32>
        %parallel_loop3A_580 = arith.select %parallel_loop3A_563, %parallel_loop3A_565, %parallel_loop3A_579 : vector<16xi1>, vector<16xf32>
        %parallel_loop3A_581 = vector.shape_cast %reshape3A : vector<16x1xi32> to vector<16xi32>
        %parallel_loop3A_582 = tpu.dynamic_gather %parallel_loop3A_580[%parallel_loop3A_581] in [0] : vector<16xf32>, vector<16xi32> -> vector<16xf32>
        %parallel_loop3A_583 = arith.addf %parallel_loop3A_580, %parallel_loop3A_582 : vector<16xf32>
        %parallel_loop3A_584 = vector.shape_cast %reshape3A_15 : vector<16x1xi32> to vector<16xi32>
        %parallel_loop3A_585 = tpu.dynamic_gather %parallel_loop3A_583[%parallel_loop3A_584] in [0] : vector<16xf32>, vector<16xi32> -> vector<16xf32>
        %parallel_loop3A_586 = arith.addf %parallel_loop3A_583, %parallel_loop3A_585 : vector<16xf32>
        %parallel_loop3A_587 = arith.constant 0.000000e+00 : f32
        %parallel_loop3A_588 = vector.broadcast %parallel_loop3A_587 : f32 to vector<16xf32>
        %parallel_loop3A_589 = arith.cmpf ogt, %parallel_loop3A_586, %parallel_loop3A_588 : vector<16xf32>
        %parallel_loop3A_590 = arith.constant 2.000000e-01 : f32
        %parallel_loop3A_591 = vector.broadcast %parallel_loop3A_590 : f32 to vector<16xf32>
        %parallel_loop3A_592 = arith.mulf %parallel_loop3A_591, %parallel_loop3A_586 : vector<16xf32>
        %parallel_loop3A_593 = arith.select %parallel_loop3A_589, %parallel_loop3A_586, %parallel_loop3A_592 : vector<16xi1>, vector<16xf32>
        %parallel_loop3A_594 = math.exp %parallel_loop3A_593 : vector<16xf32>
        %parallel_loop3A_595 = vector.shape_cast %broadcast_in_dim3A_437 : vector<16x1xi32> to vector<16xi32>
        %parallel_loop3A_596 = tpu.dynamic_gather %parallel_loop3A_594[%parallel_loop3A_595] in [0] : vector<16xf32>, vector<16xi32> -> vector<16xf32>
        %parallel_loop3A_597 = arith.mulf %parallel_loop3A_596, %parallel_loop3A_456 : vector<16xf32>
        %parallel_loop3A_598 = arith.index_cast %parallel_loop3A_453 : i32 to index
        %parallel_loop3A_599 = arith.constant 0 : index
        %parallel_loop3A_600 = tpu.vector_load %arg25[%parallel_loop3A_598, %parallel_loop3A_599] {strides = array<i32>} : memref<32x128xf32, #tpu.memory_space<vmem>>, vector<16xf32>,
        tpu.vector_store %arg25[%parallel_loop3A_598, %parallel_loop3A_599], %parallel_loop3A_597 {strides = array<i32>} : memref<32x128xf32, #tpu.memory_space<vmem>>, vector<16xf32>,
        %parallel_loop3A_601 = arith.mulf %parallel_loop3A_596, %parallel_loop3A_459 : vector<16xf32>
        %parallel_loop3A_602 = arith.index_cast %parallel_loop3A_453 : i32 to index
        %parallel_loop3A_603 = arith.constant 16 : index
        %parallel_loop3A_604 = tpu.vector_load %arg25[%parallel_loop3A_602, %parallel_loop3A_603] {strides = array<i32>} : memref<32x128xf32, #tpu.memory_space<vmem>>, vector<16xf32>,
        tpu.vector_store %arg25[%parallel_loop3A_602, %parallel_loop3A_603], %parallel_loop3A_601 {strides = array<i32>} : memref<32x128xf32, #tpu.memory_space<vmem>>, vector<16xf32>,
        %parallel_loop3A_605 = vector.shape_cast %broadcast_in_dim3A_439 : vector<16x1xi32> to vector<16xi32>
        %parallel_loop3A_606 = tpu.dynamic_gather %parallel_loop3A_594[%parallel_loop3A_605] in [0] : vector<16xf32>, vector<16xi32> -> vector<16xf32>
        %parallel_loop3A_607 = arith.mulf %parallel_loop3A_606, %parallel_loop3A_462 : vector<16xf32>
        %parallel_loop3A_608 = arith.index_cast %parallel_loop3A_453 : i32 to index
        %parallel_loop3A_609 = arith.constant 32 : index
        %parallel_loop3A_610 = tpu.vector_load %arg25[%parallel_loop3A_608, %parallel_loop3A_609] {strides = array<i32>} : memref<32x128xf32, #tpu.memory_space<vmem>>, vector<16xf32>,
        tpu.vector_store %arg25[%parallel_loop3A_608, %parallel_loop3A_609], %parallel_loop3A_607 {strides = array<i32>} : memref<32x128xf32, #tpu.memory_space<vmem>>, vector<16xf32>,
        %parallel_loop3A_611 = arith.mulf %parallel_loop3A_606, %parallel_loop3A_465 : vector<16xf32>
        %parallel_loop3A_612 = arith.index_cast %parallel_loop3A_453 : i32 to index
        %parallel_loop3A_613 = arith.constant 48 : index
        %parallel_loop3A_614 = tpu.vector_load %arg25[%parallel_loop3A_612, %parallel_loop3A_613] {strides = array<i32>} : memref<32x128xf32, #tpu.memory_space<vmem>>, vector<16xf32>,
        tpu.vector_store %arg25[%parallel_loop3A_612, %parallel_loop3A_613], %parallel_loop3A_611 {strides = array<i32>} : memref<32x128xf32, #tpu.memory_space<vmem>>, vector<16xf32>,
        %parallel_loop3A_615 = vector.shape_cast %broadcast_in_dim3A_441 : vector<16x1xi32> to vector<16xi32>
        %parallel_loop3A_616 = tpu.dynamic_gather %parallel_loop3A_594[%parallel_loop3A_615] in [0] : vector<16xf32>, vector<16xi32> -> vector<16xf32>
        %parallel_loop3A_617 = arith.mulf %parallel_loop3A_616, %parallel_loop3A_468 : vector<16xf32>
        %parallel_loop3A_618 = arith.index_cast %parallel_loop3A_453 : i32 to index
        %parallel_loop3A_619 = arith.constant 64 : index
        %parallel_loop3A_620 = tpu.vector_load %arg25[%parallel_loop3A_618, %parallel_loop3A_619] {strides = array<i32>} : memref<32x128xf32, #tpu.memory_space<vmem>>, vector<16xf32>,
        tpu.vector_store %arg25[%parallel_loop3A_618, %parallel_loop3A_619], %parallel_loop3A_617 {strides = array<i32>} : memref<32x128xf32, #tpu.memory_space<vmem>>, vector<16xf32>,
        %parallel_loop3A_621 = arith.mulf %parallel_loop3A_616, %parallel_loop3A_471 : vector<16xf32>
        %parallel_loop3A_622 = arith.index_cast %parallel_loop3A_453 : i32 to index
        %parallel_loop3A_623 = arith.constant 80 : index
        %parallel_loop3A_624 = tpu.vector_load %arg25[%parallel_loop3A_622, %parallel_loop3A_623] {strides = array<i32>} : memref<32x128xf32, #tpu.memory_space<vmem>>, vector<16xf32>,
        tpu.vector_store %arg25[%parallel_loop3A_622, %parallel_loop3A_623], %parallel_loop3A_621 {strides = array<i32>} : memref<32x128xf32, #tpu.memory_space<vmem>>, vector<16xf32>,
        %parallel_loop3A_625 = vector.shape_cast %broadcast_in_dim3A_443 : vector<16x1xi32> to vector<16xi32>
        %parallel_loop3A_626 = tpu.dynamic_gather %parallel_loop3A_594[%parallel_loop3A_625] in [0] : vector<16xf32>, vector<16xi32> -> vector<16xf32>
        %parallel_loop3A_627 = arith.mulf %parallel_loop3A_626, %parallel_loop3A_474 : vector<16xf32>
        %parallel_loop3A_628 = arith.index_cast %parallel_loop3A_453 : i32 to index
        %parallel_loop3A_629 = arith.constant 96 : index
        %parallel_loop3A_630 = tpu.vector_load %arg25[%parallel_loop3A_628, %parallel_loop3A_629] {strides = array<i32>} : memref<32x128xf32, #tpu.memory_space<vmem>>, vector<16xf32>,
        tpu.vector_store %arg25[%parallel_loop3A_628, %parallel_loop3A_629], %parallel_loop3A_627 {strides = array<i32>} : memref<32x128xf32, #tpu.memory_space<vmem>>, vector<16xf32>,
        %parallel_loop3A_631 = arith.mulf %parallel_loop3A_626, %parallel_loop3A_477 : vector<16xf32>
        %parallel_loop3A_632 = arith.index_cast %parallel_loop3A_453 : i32 to index
        %parallel_loop3A_633 = arith.constant 112 : index
        %parallel_loop3A_634 = tpu.vector_load %arg25[%parallel_loop3A_632, %parallel_loop3A_633] {strides = array<i32>} : memref<32x128xf32, #tpu.memory_space<vmem>>, vector<16xf32>,
        tpu.vector_store %arg25[%parallel_loop3A_632, %parallel_loop3A_633], %parallel_loop3A_631 {strides = array<i32>} : memref<32x128xf32, #tpu.memory_space<vmem>>, vector<16xf32>,
        %parallel_loop3A_635 = arith.cmpi sge, %iota3A, %parallel_loop3A_518 : vector<16xi32>
        %parallel_loop3A_636 = arith.constant 4 : i32
        %parallel_loop3A_637 = vector.broadcast %parallel_loop3A_636 : i32 to vector<16xi32>
        %parallel_loop3A_638 = arith.addi %parallel_loop3A_518, %parallel_loop3A_637 : vector<16xi32>
        %parallel_loop3A_639 = arith.cmpi slt, %iota3A, %parallel_loop3A_638 : vector<16xi32>
        %parallel_loop3A_640 = arith.andi %parallel_loop3A_635, %parallel_loop3A_639 : vector<16xi1>
        %parallel_loop3A_641 = arith.subi %iota3A, %parallel_loop3A_518 : vector<16xi32>
        %parallel_loop3A_642 = arith.constant 3 : i32
        %parallel_loop3A_643 = vector.broadcast %parallel_loop3A_642 : i32 to vector<16xi32>
        %parallel_loop3A_644 = arith.andi %parallel_loop3A_641, %parallel_loop3A_643 : vector<16xi32>
        %parallel_loop3A_645 = arith.constant 4 : i32
        %parallel_loop3A_646 = vector.broadcast %parallel_loop3A_645 : i32 to vector<16xi32>
        %parallel_loop3A_647 = arith.muli %parallel_loop3A_644, %parallel_loop3A_646 : vector<16xi32>
        %parallel_loop3A_648 = vector.shape_cast %parallel_loop3A_647 : vector<16xi32> to vector<16x1xi32>
        %parallel_loop3A_649 = vector.shape_cast %parallel_loop3A_648 : vector<16x1xi32> to vector<16xi32>
        %parallel_loop3A_650 = tpu.dynamic_gather %parallel_loop3A_594[%parallel_loop3A_649] in [0] : vector<16xf32>, vector<16xi32> -> vector<16xf32>
        %parallel_loop3A_651 = arith.select %parallel_loop3A_640, %parallel_loop3A_650, %broadcast_in_dim3A_9 : vector<16xi1>, vector<16xf32>
        %parallel_loop3A_652 = arith.constant 0 : i32
        %parallel_loop3A_653 = vector.broadcast %parallel_loop3A_652 : i32 to vector<16xi32>
        %parallel_loop3A_654 = arith.cmpi eq, %parallel_loop3A_524, %parallel_loop3A_653 : vector<16xi32>
        %parallel_loop3A_655 = arith.select %parallel_loop3A_654, %parallel_loop3A_651, %broadcast_in_dim3A_9 : vector<16xi1>, vector<16xf32>
        %parallel_loop3A_656 = arith.index_cast %parallel_loop3A_453 : i32 to index
        %parallel_loop3A_657 = arith.constant 0 : index
        %parallel_loop3A_658 = tpu.vector_load %arg26[%parallel_loop3A_656, %parallel_loop3A_657] {strides = array<i32>} : memref<32x128xf32, #tpu.memory_space<vmem>>, vector<16xf32>,
        tpu.vector_store %arg26[%parallel_loop3A_656, %parallel_loop3A_657], %parallel_loop3A_655 {strides = array<i32>} : memref<32x128xf32, #tpu.memory_space<vmem>>, vector<16xf32>,
        %parallel_loop3A_659 = arith.constant 1 : i32
        %parallel_loop3A_660 = vector.broadcast %parallel_loop3A_659 : i32 to vector<16xi32>
        %parallel_loop3A_661 = arith.cmpi eq, %parallel_loop3A_524, %parallel_loop3A_660 : vector<16xi32>
        %parallel_loop3A_662 = arith.select %parallel_loop3A_661, %parallel_loop3A_651, %broadcast_in_dim3A_9 : vector<16xi1>, vector<16xf32>
        %parallel_loop3A_663 = arith.index_cast %parallel_loop3A_453 : i32 to index
        %parallel_loop3A_664 = arith.constant 16 : index
        %parallel_loop3A_665 = tpu.vector_load %arg26[%parallel_loop3A_663, %parallel_loop3A_664] {strides = array<i32>} : memref<32x128xf32, #tpu.memory_space<vmem>>, vector<16xf32>,
        tpu.vector_store %arg26[%parallel_loop3A_663, %parallel_loop3A_664], %parallel_loop3A_662 {strides = array<i32>} : memref<32x128xf32, #tpu.memory_space<vmem>>, vector<16xf32>,
        %parallel_loop3A_666 = arith.constant 2 : i32
        %parallel_loop3A_667 = vector.broadcast %parallel_loop3A_666 : i32 to vector<16xi32>
        %parallel_loop3A_668 = arith.cmpi eq, %parallel_loop3A_524, %parallel_loop3A_667 : vector<16xi32>
        %parallel_loop3A_669 = arith.select %parallel_loop3A_668, %parallel_loop3A_651, %broadcast_in_dim3A_9 : vector<16xi1>, vector<16xf32>
        %parallel_loop3A_670 = arith.index_cast %parallel_loop3A_453 : i32 to index
        %parallel_loop3A_671 = arith.constant 32 : index
        %parallel_loop3A_672 = tpu.vector_load %arg26[%parallel_loop3A_670, %parallel_loop3A_671] {strides = array<i32>} : memref<32x128xf32, #tpu.memory_space<vmem>>, vector<16xf32>,
        tpu.vector_store %arg26[%parallel_loop3A_670, %parallel_loop3A_671], %parallel_loop3A_669 {strides = array<i32>} : memref<32x128xf32, #tpu.memory_space<vmem>>, vector<16xf32>,
        %parallel_loop3A_673 = arith.constant 3 : i32
        %parallel_loop3A_674 = vector.broadcast %parallel_loop3A_673 : i32 to vector<16xi32>
        %parallel_loop3A_675 = arith.cmpi eq, %parallel_loop3A_524, %parallel_loop3A_674 : vector<16xi32>
        %parallel_loop3A_676 = arith.select %parallel_loop3A_675, %parallel_loop3A_651, %broadcast_in_dim3A_9 : vector<16xi1>, vector<16xf32>
        %parallel_loop3A_677 = arith.index_cast %parallel_loop3A_453 : i32 to index
        %parallel_loop3A_678 = arith.constant 48 : index
        %parallel_loop3A_679 = tpu.vector_load %arg26[%parallel_loop3A_677, %parallel_loop3A_678] {strides = array<i32>} : memref<32x128xf32, #tpu.memory_space<vmem>>, vector<16xf32>,
        tpu.vector_store %arg26[%parallel_loop3A_677, %parallel_loop3A_678], %parallel_loop3A_676 {strides = array<i32>} : memref<32x128xf32, #tpu.memory_space<vmem>>, vector<16xf32>,
        %parallel_loop3A_680 = arith.constant 4 : i32
        %parallel_loop3A_681 = vector.broadcast %parallel_loop3A_680 : i32 to vector<16xi32>
        %parallel_loop3A_682 = arith.cmpi eq, %parallel_loop3A_524, %parallel_loop3A_681 : vector<16xi32>
        %parallel_loop3A_683 = arith.select %parallel_loop3A_682, %parallel_loop3A_651, %broadcast_in_dim3A_9 : vector<16xi1>, vector<16xf32>
        %parallel_loop3A_684 = arith.index_cast %parallel_loop3A_453 : i32 to index
        %parallel_loop3A_685 = arith.constant 64 : index
        %parallel_loop3A_686 = tpu.vector_load %arg26[%parallel_loop3A_684, %parallel_loop3A_685] {strides = array<i32>} : memref<32x128xf32, #tpu.memory_space<vmem>>, vector<16xf32>,
        tpu.vector_store %arg26[%parallel_loop3A_684, %parallel_loop3A_685], %parallel_loop3A_683 {strides = array<i32>} : memref<32x128xf32, #tpu.memory_space<vmem>>, vector<16xf32>,
        %parallel_loop3A_687 = arith.constant 5 : i32
        %parallel_loop3A_688 = vector.broadcast %parallel_loop3A_687 : i32 to vector<16xi32>
        %parallel_loop3A_689 = arith.cmpi eq, %parallel_loop3A_524, %parallel_loop3A_688 : vector<16xi32>
        %parallel_loop3A_690 = arith.select %parallel_loop3A_689, %parallel_loop3A_651, %broadcast_in_dim3A_9 : vector<16xi1>, vector<16xf32>
        %parallel_loop3A_691 = arith.index_cast %parallel_loop3A_453 : i32 to index
        %parallel_loop3A_692 = arith.constant 80 : index
        %parallel_loop3A_693 = tpu.vector_load %arg26[%parallel_loop3A_691, %parallel_loop3A_692] {strides = array<i32>} : memref<32x128xf32, #tpu.memory_space<vmem>>, vector<16xf32>,
        tpu.vector_store %arg26[%parallel_loop3A_691, %parallel_loop3A_692], %parallel_loop3A_690 {strides = array<i32>} : memref<32x128xf32, #tpu.memory_space<vmem>>, vector<16xf32>,
        %parallel_loop3A_694 = arith.constant 6 : i32
        %parallel_loop3A_695 = vector.broadcast %parallel_loop3A_694 : i32 to vector<16xi32>
        %parallel_loop3A_696 = arith.cmpi eq, %parallel_loop3A_524, %parallel_loop3A_695 : vector<16xi32>
        %parallel_loop3A_697 = arith.select %parallel_loop3A_696, %parallel_loop3A_651, %broadcast_in_dim3A_9 : vector<16xi1>, vector<16xf32>
        %parallel_loop3A_698 = arith.index_cast %parallel_loop3A_453 : i32 to index
        %parallel_loop3A_699 = arith.constant 96 : index
        %parallel_loop3A_700 = tpu.vector_load %arg26[%parallel_loop3A_698, %parallel_loop3A_699] {strides = array<i32>} : memref<32x128xf32, #tpu.memory_space<vmem>>, vector<16xf32>,
        tpu.vector_store %arg26[%parallel_loop3A_698, %parallel_loop3A_699], %parallel_loop3A_697 {strides = array<i32>} : memref<32x128xf32, #tpu.memory_space<vmem>>, vector<16xf32>,
        %parallel_loop3A_701 = arith.constant 7 : i32
        %parallel_loop3A_702 = vector.broadcast %parallel_loop3A_701 : i32 to vector<16xi32>
        %parallel_loop3A_703 = arith.cmpi eq, %parallel_loop3A_524, %parallel_loop3A_702 : vector<16xi32>
        %parallel_loop3A_704 = arith.select %parallel_loop3A_703, %parallel_loop3A_651, %broadcast_in_dim3A_9 : vector<16xi1>, vector<16xf32>
        %parallel_loop3A_705 = arith.index_cast %parallel_loop3A_453 : i32 to index
        %parallel_loop3A_706 = arith.constant 112 : index
        %parallel_loop3A_707 = tpu.vector_load %arg26[%parallel_loop3A_705, %parallel_loop3A_706] {strides = array<i32>} : memref<32x128xf32, #tpu.memory_space<vmem>>, vector<16xf32>,
        tpu.vector_store %arg26[%parallel_loop3A_705, %parallel_loop3A_706], %parallel_loop3A_704 {strides = array<i32>} : memref<32x128xf32, #tpu.memory_space<vmem>>, vector<16xf32>,
      } {sc.loop_unroll_factor = 2 : i64, sc.parallel_access}
      %dma_start3A_447 = arith.constant 0 : i32
      %dma_start3A_448 = arith.constant 0 : i32
      %dma_start3A_449 = tpu.memref_slice %arg9[%dma_start3A_447, %dma_start3A_448] : memref<10240x128xf32, #tpu.memory_space<vmem_shared>> -> memref<10240x128xf32, #tpu.memory_space<vmem_shared>>
      tpu.enqueue_indirect_dma source(%arg25 : memref<32x128xf32, #tpu.memory_space<vmem>>) target(%dma_start3A_449 : memref<10240x128xf32, #tpu.memory_space<vmem_shared>>) offsets(%arg21 : memref<32xi32, #tpu.memory_space<vmem>>) semaphore(%arg34 : memref<!tpu.dma_semaphore, #tpu.memory_space<semaphore_mem>>) {add = true}
      %dma_start3A_450 = arith.constant 0 : i32
      %dma_start3A_451 = arith.constant 0 : i32
      %dma_start3A_452 = tpu.memref_slice %arg10[%dma_start3A_450, %dma_start3A_451] : memref<320x128xf32, #tpu.memory_space<vmem_shared>> -> memref<320x128xf32, #tpu.memory_space<vmem_shared>>
      tpu.enqueue_indirect_dma source(%arg26 : memref<32x128xf32, #tpu.memory_space<vmem>>) target(%dma_start3A_452 : memref<320x128xf32, #tpu.memory_space<vmem_shared>>) offsets(%arg22 : memref<32xi32, #tpu.memory_space<vmem>>) semaphore(%arg34 : memref<!tpu.dma_semaphore, #tpu.memory_space<semaphore_mem>>) {add = true}
    }
    %scan3A_78 = arith.constant 313 : i32
    %dma_wait3A_79 = arith.constant 0 : i32
    %dma_wait3A_80 = tpu.memref_slice %arg3[%dma_wait3A_79] : memref<641024xi32, #tpu.memory_space<hbm>> -> memref<32xi32, #tpu.memory_space<hbm>>
    %dma_wait3A_81 = arith.constant 0 : i32
    %dma_wait3A_82 = tpu.memref_slice %arg3[%dma_wait3A_81] : memref<641024xi32, #tpu.memory_space<hbm>> -> memref<32xi32, #tpu.memory_space<hbm>>
    tpu.wait_dma2 semaphore(%arg30 : memref<!tpu.dma_semaphore, #tpu.memory_space<semaphore_mem>>) src(%dma_wait3A_82 : memref<32xi32, #tpu.memory_space<hbm>>) dst(%arg13 : memref<32xi32, #tpu.memory_space<vmem>>)
    %dma_wait3A_83 = arith.constant 0 : i32
    %dma_wait3A_84 = tpu.memref_slice %arg3[%dma_wait3A_83] : memref<641024xi32, #tpu.memory_space<hbm>> -> memref<32xi32, #tpu.memory_space<hbm>>
    %dma_wait3A_85 = arith.constant 0 : i32
    %dma_wait3A_86 = tpu.memref_slice %arg3[%dma_wait3A_85] : memref<641024xi32, #tpu.memory_space<hbm>> -> memref<32xi32, #tpu.memory_space<hbm>>
    tpu.wait_dma2 semaphore(%arg30 : memref<!tpu.dma_semaphore, #tpu.memory_space<semaphore_mem>>) src(%dma_wait3A_86 : memref<32xi32, #tpu.memory_space<hbm>>) dst(%arg14 : memref<32xi32, #tpu.memory_space<vmem>>)
    %dma_wait3A_87 = arith.constant 0 : i32
    %dma_wait3A_88 = arith.constant 0 : i32
    %dma_wait3A_89 = tpu.memref_slice %arg2[%dma_wait3A_87, %dma_wait3A_88] : memref<20480x128xf32, #tpu.memory_space<hbm>> -> memref<32x128xf32, #tpu.memory_space<hbm>>
    %dma_wait3A_90 = arith.constant 0 : i32
    %dma_wait3A_91 = arith.constant 0 : i32
    %dma_wait3A_92 = tpu.memref_slice %arg2[%dma_wait3A_90, %dma_wait3A_91] : memref<20480x128xf32, #tpu.memory_space<hbm>> -> memref<32x128xf32, #tpu.memory_space<hbm>>
    tpu.wait_dma2 semaphore(%arg31 : memref<!tpu.dma_semaphore, #tpu.memory_space<semaphore_mem>>) src(%dma_wait3A_92 : memref<32x128xf32, #tpu.memory_space<hbm>>) dst(%arg15 : memref<32x128xf32, #tpu.memory_space<vmem>>)
    %dma_wait3A_93 = arith.constant 0 : i32
    %dma_wait3A_94 = arith.constant 0 : i32
    %dma_wait3A_95 = tpu.memref_slice %arg2[%dma_wait3A_93, %dma_wait3A_94] : memref<20480x128xf32, #tpu.memory_space<hbm>> -> memref<32x128xf32, #tpu.memory_space<hbm>>
    %dma_wait3A_96 = arith.constant 0 : i32
    %dma_wait3A_97 = arith.constant 0 : i32
    %dma_wait3A_98 = tpu.memref_slice %arg2[%dma_wait3A_96, %dma_wait3A_97] : memref<20480x128xf32, #tpu.memory_space<hbm>> -> memref<32x128xf32, #tpu.memory_space<hbm>>
    tpu.wait_dma2 semaphore(%arg31 : memref<!tpu.dma_semaphore, #tpu.memory_space<semaphore_mem>>) src(%dma_wait3A_98 : memref<32x128xf32, #tpu.memory_space<hbm>>) dst(%arg16 : memref<32x128xf32, #tpu.memory_space<vmem>>)
    %dma_wait3A_99 = arith.constant 0 : i32
    %dma_wait3A_100 = arith.constant 0 : i32
    %dma_wait3A_101 = tpu.memref_slice %arg9[%dma_wait3A_99, %dma_wait3A_100] : memref<10240x128xf32, #tpu.memory_space<vmem_shared>> -> memref<10240x128xf32, #tpu.memory_space<vmem_shared>>
    tpu.wait_indirect_dma semaphore(%arg33 : memref<!tpu.dma_semaphore, #tpu.memory_space<semaphore_mem>>) src(%arg23 : memref<32x128xf32, #tpu.memory_space<vmem>>) dst(%dma_wait3A_101 : memref<10240x128xf32, #tpu.memory_space<vmem_shared>>)
    %dma_wait3A_102 = arith.constant 0 : i32
    %dma_wait3A_103 = arith.constant 0 : i32
    %dma_wait3A_104 = tpu.memref_slice %arg10[%dma_wait3A_102, %dma_wait3A_103] : memref<320x128xf32, #tpu.memory_space<vmem_shared>> -> memref<320x128xf32, #tpu.memory_space<vmem_shared>>
    tpu.wait_indirect_dma semaphore(%arg33 : memref<!tpu.dma_semaphore, #tpu.memory_space<semaphore_mem>>) src(%arg24 : memref<32x128xf32, #tpu.memory_space<vmem>>) dst(%dma_wait3A_104 : memref<320x128xf32, #tpu.memory_space<vmem_shared>>)
    %dma_wait3A_105 = arith.constant 0 : i32
    %dma_wait3A_106 = arith.constant 0 : i32
    %dma_wait3A_107 = tpu.memref_slice %arg9[%dma_wait3A_105, %dma_wait3A_106] : memref<10240x128xf32, #tpu.memory_space<vmem_shared>> -> memref<10240x128xf32, #tpu.memory_space<vmem_shared>>
    tpu.wait_indirect_dma semaphore(%arg34 : memref<!tpu.dma_semaphore, #tpu.memory_space<semaphore_mem>>) src(%arg23 : memref<32x128xf32, #tpu.memory_space<vmem>>) dst(%dma_wait3A_107 : memref<10240x128xf32, #tpu.memory_space<vmem_shared>>)
    %dma_wait3A_108 = arith.constant 0 : i32
    %dma_wait3A_109 = arith.constant 0 : i32
    %dma_wait3A_110 = tpu.memref_slice %arg10[%dma_wait3A_108, %dma_wait3A_109] : memref<320x128xf32, #tpu.memory_space<vmem_shared>> -> memref<320x128xf32, #tpu.memory_space<vmem_shared>>
    tpu.wait_indirect_dma semaphore(%arg34 : memref<!tpu.dma_semaphore, #tpu.memory_space<semaphore_mem>>) src(%arg24 : memref<32x128xf32, #tpu.memory_space<vmem>>) dst(%dma_wait3A_110 : memref<320x128xf32, #tpu.memory_space<vmem_shared>>)
    %barrier3A_111 = arith.constant 0 : index
    tpu.barrier barrier_id(%barrier3A_111)
    %mul3A_112 = arith.constant 2048 : i32
    %mul3A_113 = arith.muli %arg0, %mul3A_112 : i32
    %mul3A_114 = arith.constant 128 : i32
    %mul3A_115 = arith.muli %arg1, %mul3A_114 : i32
    %add3A_116 = arith.addi %mul3A_113, %mul3A_115 : i32
    "tpu.region"() ({
      %run_scoped3A = tpu.sem_alloc : memref<!tpu.dma_semaphore, #tpu.memory_space<semaphore_mem>>
      %dma_start3A_305 = tpu.memref_slice %arg5[%add3A_116] : memref<4096xi32, #tpu.memory_space<hbm>> -> memref<128xi32, #tpu.memory_space<hbm>>
      %dma_start3A_306 = tpu.memref_slice %arg5[%add3A_116] : memref<4096xi32, #tpu.memory_space<hbm>> -> memref<128xi32, #tpu.memory_space<hbm>>
      tpu.enqueue_dma source(%dma_start3A_306 : memref<128xi32, #tpu.memory_space<hbm>>) target(%arg27 : memref<128xi32, #tpu.memory_space<vmem>>) target_semaphore(%run_scoped3A : memref<!tpu.dma_semaphore, #tpu.memory_space<semaphore_mem>>)
      %dma_wait3A_307 = tpu.memref_slice %arg5[%add3A_116] : memref<4096xi32, #tpu.memory_space<hbm>> -> memref<128xi32, #tpu.memory_space<hbm>>
      %dma_wait3A_308 = tpu.memref_slice %arg5[%add3A_116] : memref<4096xi32, #tpu.memory_space<hbm>> -> memref<128xi32, #tpu.memory_space<hbm>>
      tpu.wait_dma2 semaphore(%run_scoped3A : memref<!tpu.dma_semaphore, #tpu.memory_space<semaphore_mem>>) src(%dma_wait3A_308 : memref<128xi32, #tpu.memory_space<hbm>>) dst(%arg27 : memref<128xi32, #tpu.memory_space<vmem>>)
      tpu.yield
    }) : () -> ()
    %dma_start3A_117 = arith.constant 0 : i32
    %dma_start3A_118 = arith.constant 0 : i32
    %dma_start3A_119 = tpu.memref_slice %arg15[%dma_start3A_117, %dma_start3A_118] : memref<32x128xf32, #tpu.memory_space<vmem>> -> memref<32x128xf32, #tpu.memory_space<vmem>>
    %dma_start3A_120 = arith.constant 0 : i32
    %dma_start3A_121 = tpu.memref_slice %arg27[%dma_start3A_120] : memref<128xi32, #tpu.memory_space<vmem>> -> memref<32xi32, #tpu.memory_space<vmem>>
    %dma_start3A_122 = arith.constant 0 : i32
    %dma_start3A_123 = arith.constant 0 : i32
    %dma_start3A_124 = tpu.memref_slice %arg9[%dma_start3A_122, %dma_start3A_123] : memref<10240x128xf32, #tpu.memory_space<vmem_shared>> -> memref<10240x128xf32, #tpu.memory_space<vmem_shared>>
    tpu.enqueue_indirect_dma source(%dma_start3A_124 : memref<10240x128xf32, #tpu.memory_space<vmem_shared>>) target(%dma_start3A_119 : memref<32x128xf32, #tpu.memory_space<vmem>>) offsets(%dma_start3A_121 : memref<32xi32, #tpu.memory_space<vmem>>) semaphore(%arg31 : memref<!tpu.dma_semaphore, #tpu.memory_space<semaphore_mem>>)
    %dma_wait3A_125 = arith.constant 0 : i32
    %dma_wait3A_126 = arith.constant 0 : i32
    %dma_wait3A_127 = tpu.memref_slice %arg15[%dma_wait3A_125, %dma_wait3A_126] : memref<32x128xf32, #tpu.memory_space<vmem>> -> memref<32x128xf32, #tpu.memory_space<vmem>>
    %dma_wait3A_128 = arith.constant 0 : i32
    %dma_wait3A_129 = tpu.memref_slice %arg27[%dma_wait3A_128] : memref<128xi32, #tpu.memory_space<vmem>> -> memref<32xi32, #tpu.memory_space<vmem>>
    %dma_wait3A_130 = arith.constant 0 : i32
    %dma_wait3A_131 = arith.constant 0 : i32
    %dma_wait3A_132 = tpu.memref_slice %arg9[%dma_wait3A_130, %dma_wait3A_131] : memref<10240x128xf32, #tpu.memory_space<vmem_shared>> -> memref<10240x128xf32, #tpu.memory_space<vmem_shared>>
    tpu.wait_indirect_dma semaphore(%arg31 : memref<!tpu.dma_semaphore, #tpu.memory_space<semaphore_mem>>) src(%dma_wait3A_132 : memref<10240x128xf32, #tpu.memory_space<vmem_shared>>) dst(%dma_wait3A_127 : memref<32x128xf32, #tpu.memory_space<vmem>>)
    %add3A_133 = arith.constant 0 : i32
    %add3A_134 = arith.addi %add3A_116, %add3A_133 : i32
    "tpu.region"() ({
      %run_scoped3A = tpu.sem_alloc : memref<!tpu.dma_semaphore, #tpu.memory_space<semaphore_mem>>
      %dma_start3A_305 = arith.constant 0 : i32
      %dma_start3A_306 = arith.constant 0 : i32
      %dma_start3A_307 = tpu.memref_slice %arg15[%dma_start3A_305, %dma_start3A_306] : memref<32x128xf32, #tpu.memory_space<vmem>> -> memref<32x128xf32, #tpu.memory_space<vmem>>
      %dma_start3A_308 = arith.constant 0 : i32
      %dma_start3A_309 = tpu.memref_slice %arg7[%add3A_134, %dma_start3A_308] : memref<4096x128xf32, #tpu.memory_space<hbm>> -> memref<32x128xf32, #tpu.memory_space<hbm>>
      %dma_start3A_310 = arith.constant 0 : i32
      %dma_start3A_311 = tpu.memref_slice %arg7[%add3A_134, %dma_start3A_310] : memref<4096x128xf32, #tpu.memory_space<hbm>> -> memref<32x128xf32, #tpu.memory_space<hbm>>
      %dma_start3A_312 = arith.constant 0 : i32
      %dma_start3A_313 = arith.constant 0 : i32
      %dma_start3A_314 = tpu.memref_slice %arg15[%dma_start3A_312, %dma_start3A_313] : memref<32x128xf32, #tpu.memory_space<vmem>> -> memref<32x128xf32, #tpu.memory_space<vmem>>
      tpu.enqueue_dma source(%dma_start3A_314 : memref<32x128xf32, #tpu.memory_space<vmem>>) target(%dma_start3A_311 : memref<32x128xf32, #tpu.memory_space<hbm>>) target_semaphore(%run_scoped3A : memref<!tpu.dma_semaphore, #tpu.memory_space<semaphore_mem>>)
      %dma_wait3A_315 = arith.constant 0 : i32
      %dma_wait3A_316 = arith.constant 0 : i32
      %dma_wait3A_317 = tpu.memref_slice %arg15[%dma_wait3A_315, %dma_wait3A_316] : memref<32x128xf32, #tpu.memory_space<vmem>> -> memref<32x128xf32, #tpu.memory_space<vmem>>
      %dma_wait3A_318 = arith.constant 0 : i32
      %dma_wait3A_319 = tpu.memref_slice %arg7[%add3A_134, %dma_wait3A_318] : memref<4096x128xf32, #tpu.memory_space<hbm>> -> memref<32x128xf32, #tpu.memory_space<hbm>>
      %dma_wait3A_320 = arith.constant 0 : i32
      %dma_wait3A_321 = tpu.memref_slice %arg7[%add3A_134, %dma_wait3A_320] : memref<4096x128xf32, #tpu.memory_space<hbm>> -> memref<32x128xf32, #tpu.memory_space<hbm>>
      %dma_wait3A_322 = arith.constant 0 : i32
      %dma_wait3A_323 = arith.constant 0 : i32
      %dma_wait3A_324 = tpu.memref_slice %arg15[%dma_wait3A_322, %dma_wait3A_323] : memref<32x128xf32, #tpu.memory_space<vmem>> -> memref<32x128xf32, #tpu.memory_space<vmem>>
      tpu.wait_dma2 semaphore(%run_scoped3A : memref<!tpu.dma_semaphore, #tpu.memory_space<semaphore_mem>>) src(%dma_wait3A_324 : memref<32x128xf32, #tpu.memory_space<vmem>>) dst(%dma_wait3A_321 : memref<32x128xf32, #tpu.memory_space<hbm>>)
      tpu.yield
    }) : () -> ()
    %scan3A_135 = arith.constant 0 : i32
    %scan3A_136 = arith.constant 0 : i32
    %scan3A_137 = arith.constant 2 : i32
    %scan3A_138 = arith.addi %scan3A_136, %scan3A_137 : i32
    %scan3A_139 = arith.constant 1 : i32
    scf.for %scan3A_305 = %scan3A_136 to %scan3A_138 step %scan3A_139  : i32 {
      %mul3A_306 = arith.constant 16 : i32
      %mul3A_307 = arith.muli %mul3A_306, %scan3A_305 : i32
      %add3A_308 = arith.constant 0 : i32
      %add3A_309 = arith.addi %add3A_308, %mul3A_307 : i32
      %get3A = arith.index_cast %add3A_309 : i32 to index
      %get3A_310 = tpu.vector_load %arg27[%get3A] {strides = array<i32>} : memref<128xi32, #tpu.memory_space<vmem>>, vector<16xi32>,
      %shift_right_logical3A = arith.constant 5 : i32
      %shift_right_logical3A_311 = vector.broadcast %shift_right_logical3A : i32 to vector<16xi32>
      %shift_right_logical3A_312 = arith.shrui %get3A_310, %shift_right_logical3A_311 : vector<16xi32>
      %mul3A_313 = arith.constant 16 : i32
      %mul3A_314 = arith.muli %mul3A_313, %scan3A_305 : i32
      %swap3A = arith.index_cast %mul3A_314 : i32 to index
      %swap3A_315 = tpu.vector_load %arg20[%swap3A] {strides = array<i32>} : memref<32xi32, #tpu.memory_space<vmem>>, vector<16xi32>,
      tpu.vector_store %arg20[%swap3A], %shift_right_logical3A_312 {strides = array<i32>} : memref<32xi32, #tpu.memory_space<vmem>>, vector<16xi32>,
    }
    %scan3A_140 = arith.constant 2 : i32
    %dma_start3A_141 = arith.constant 0 : i32
    %dma_start3A_142 = arith.constant 0 : i32
    %dma_start3A_143 = tpu.memref_slice %arg16[%dma_start3A_141, %dma_start3A_142] : memref<32x128xf32, #tpu.memory_space<vmem>> -> memref<32x128xf32, #tpu.memory_space<vmem>>
    %dma_start3A_144 = arith.constant 0 : i32
    %dma_start3A_145 = tpu.memref_slice %arg20[%dma_start3A_144] : memref<32xi32, #tpu.memory_space<vmem>> -> memref<32xi32, #tpu.memory_space<vmem>>
    %dma_start3A_146 = arith.constant 0 : i32
    %dma_start3A_147 = arith.constant 0 : i32
    %dma_start3A_148 = tpu.memref_slice %arg10[%dma_start3A_146, %dma_start3A_147] : memref<320x128xf32, #tpu.memory_space<vmem_shared>> -> memref<320x128xf32, #tpu.memory_space<vmem_shared>>
    tpu.enqueue_indirect_dma source(%dma_start3A_148 : memref<320x128xf32, #tpu.memory_space<vmem_shared>>) target(%dma_start3A_143 : memref<32x128xf32, #tpu.memory_space<vmem>>) offsets(%dma_start3A_145 : memref<32xi32, #tpu.memory_space<vmem>>) semaphore(%arg31 : memref<!tpu.dma_semaphore, #tpu.memory_space<semaphore_mem>>)
    %dma_wait3A_149 = arith.constant 0 : i32
    %dma_wait3A_150 = arith.constant 0 : i32
    %dma_wait3A_151 = tpu.memref_slice %arg16[%dma_wait3A_149, %dma_wait3A_150] : memref<32x128xf32, #tpu.memory_space<vmem>> -> memref<32x128xf32, #tpu.memory_space<vmem>>
    %dma_wait3A_152 = arith.constant 0 : i32
    %dma_wait3A_153 = tpu.memref_slice %arg20[%dma_wait3A_152] : memref<32xi32, #tpu.memory_space<vmem>> -> memref<32xi32, #tpu.memory_space<vmem>>
    %dma_wait3A_154 = arith.constant 0 : i32
    %dma_wait3A_155 = arith.constant 0 : i32
    %dma_wait3A_156 = tpu.memref_slice %arg10[%dma_wait3A_154, %dma_wait3A_155] : memref<320x128xf32, #tpu.memory_space<vmem_shared>> -> memref<320x128xf32, #tpu.memory_space<vmem_shared>>
    tpu.wait_indirect_dma semaphore(%arg31 : memref<!tpu.dma_semaphore, #tpu.memory_space<semaphore_mem>>) src(%dma_wait3A_156 : memref<320x128xf32, #tpu.memory_space<vmem_shared>>) dst(%dma_wait3A_151 : memref<32x128xf32, #tpu.memory_space<vmem>>)
    %scan3A_157 = arith.constant 0 : i32
    %scan3A_158 = arith.constant 0 : i32
    %scan3A_159 = arith.constant 8 : i32
    %scan3A_160 = arith.addi %scan3A_158, %scan3A_159 : i32
    %scan3A_161 = arith.constant 1 : i32
    scf.for %scan3A_305 = %scan3A_158 to %scan3A_160 step %scan3A_161  : i32 {
      %jit3A = arith.constant 4 : i32
      %div3A = arith.divsi %scan3A_305, %jit3A : i32
      %sign3A = arith.constant 0 : i32
      %sign3A_306 = arith.cmpi sgt, %scan3A_305, %sign3A : i32
      %sign3A_307 = arith.extui %sign3A_306 : i1 to i32
      %sign3A_308 = arith.constant 0 : i32
      %sign3A_309 = arith.cmpi slt, %scan3A_305, %sign3A_308 : i32
      %sign3A_310 = arith.extui %sign3A_309 : i1 to i32
      %sign3A_311 = arith.subi %sign3A_307, %sign3A_310 : i32
      %sign3A_312 = arith.constant 0 : i32
      %sign3A_313 = arith.cmpi sgt, %jit3A, %sign3A_312 : i32
      %sign3A_314 = arith.extui %sign3A_313 : i1 to i32
      %sign3A_315 = arith.constant 0 : i32
      %sign3A_316 = arith.cmpi slt, %jit3A, %sign3A_315 : i32
      %sign3A_317 = arith.extui %sign3A_316 : i1 to i32
      %sign3A_318 = arith.subi %sign3A_314, %sign3A_317 : i32
      %ne3A = arith.cmpi ne, %sign3A_311, %sign3A_318 : i32
      %rem3A = arith.remsi %scan3A_305, %jit3A : i32
      %ne3A_319 = arith.constant 0 : i32
      %ne3A_320 = arith.cmpi ne, %rem3A, %ne3A_319 : i32
      %and3A = arith.andi %ne3A, %ne3A_320 : i1
      %sub3A = arith.constant 1 : i32
      %sub3A_321 = arith.subi %div3A, %sub3A : i32
      %select_n3A = arith.select %and3A, %sub3A_321, %div3A : i32
      %mul3A_322 = arith.constant 16 : i32
      %mul3A_323 = arith.muli %select_n3A, %mul3A_322 : i32
      %add3A_324 = arith.constant 0 : i32
      %add3A_325 = arith.addi %add3A_324, %mul3A_323 : i32
      %get3A = arith.index_cast %add3A_325 : i32 to index
      %get3A_326 = tpu.vector_load %arg27[%get3A] {strides = array<i32>} : memref<128xi32, #tpu.memory_space<vmem>>, vector<16xi32>,
      %jit3A_327 = arith.constant 4 : i32
      %div3A_328 = vector.broadcast %jit3A_327 : i32 to vector<16xi32>
      %div3A_329 = arith.divsi %iota3A, %div3A_328 : vector<16xi32>
      %sign3A_330 = arith.constant 0 : i32
      %sign3A_331 = vector.broadcast %sign3A_330 : i32 to vector<16xi32>
      %sign3A_332 = arith.cmpi sgt, %iota3A, %sign3A_331 : vector<16xi32>
      %sign3A_333 = arith.extui %sign3A_332 : vector<16xi1> to vector<16xi32>
      %sign3A_334 = arith.constant 0 : i32
      %sign3A_335 = vector.broadcast %sign3A_334 : i32 to vector<16xi32>
      %sign3A_336 = arith.cmpi slt, %iota3A, %sign3A_335 : vector<16xi32>
      %sign3A_337 = arith.extui %sign3A_336 : vector<16xi1> to vector<16xi32>
      %sign3A_338 = arith.subi %sign3A_333, %sign3A_337 : vector<16xi32>
      %sign3A_339 = arith.constant 0 : i32
      %sign3A_340 = arith.cmpi sgt, %jit3A_327, %sign3A_339 : i32
      %sign3A_341 = arith.extui %sign3A_340 : i1 to i32
      %sign3A_342 = arith.constant 0 : i32
      %sign3A_343 = arith.cmpi slt, %jit3A_327, %sign3A_342 : i32
      %sign3A_344 = arith.extui %sign3A_343 : i1 to i32
      %sign3A_345 = arith.subi %sign3A_341, %sign3A_344 : i32
      %ne3A_346 = vector.broadcast %sign3A_345 : i32 to vector<16xi32>
      %ne3A_347 = arith.cmpi ne, %sign3A_338, %ne3A_346 : vector<16xi32>
      %rem3A_348 = vector.broadcast %jit3A_327 : i32 to vector<16xi32>
      %rem3A_349 = arith.remsi %iota3A, %rem3A_348 : vector<16xi32>
      %ne3A_350 = arith.constant 0 : i32
      %ne3A_351 = vector.broadcast %ne3A_350 : i32 to vector<16xi32>
      %ne3A_352 = arith.cmpi ne, %rem3A_349, %ne3A_351 : vector<16xi32>
      %and3A_353 = arith.andi %ne3A_347, %ne3A_352 : vector<16xi1>
      %sub3A_354 = arith.constant 1 : i32
      %sub3A_355 = vector.broadcast %sub3A_354 : i32 to vector<16xi32>
      %sub3A_356 = arith.subi %div3A_329, %sub3A_355 : vector<16xi32>
      %select_n3A_357 = arith.select %and3A_353, %sub3A_356, %div3A_329 : vector<16xi1>, vector<16xi32>
      %mul3A_358 = arith.constant 4 : i32
      %mul3A_359 = arith.muli %mul3A_358, %scan3A_305 : i32
      %jit3A_360 = arith.constant 16 : i32
      %eq3A = arith.constant 0 : i32
      %eq3A_361 = arith.cmpi eq, %jit3A_360, %eq3A : i32
      %jit3A_362 = arith.constant 1 : i32
      %select_n3A_363 = arith.select %eq3A_361, %jit3A_362, %jit3A_360 : i32
      %rem3A_364 = arith.remsi %mul3A_359, %select_n3A_363 : i32
      %ne3A_365 = arith.constant 0 : i32
      %ne3A_366 = arith.cmpi ne, %rem3A_364, %ne3A_365 : i32
      %lt3A_367 = arith.constant 0 : i32
      %lt3A_368 = arith.cmpi slt, %rem3A_364, %lt3A_367 : i32
      %lt3A_369 = arith.constant 0 : i32
      %lt3A_370 = arith.cmpi slt, %select_n3A_363, %lt3A_369 : i32
      %ne3A_371 = arith.xori %lt3A_368, %lt3A_370 : i1
      %and3A_372 = arith.andi %ne3A_371, %ne3A_366 : i1
      %add3A_373 = arith.addi %rem3A_364, %select_n3A_363 : i32
      %select_n3A_374 = arith.select %and3A_372, %add3A_373, %rem3A_364 : i32
      %add3A_375 = vector.broadcast %select_n3A_374 : i32 to vector<16xi32>
      %add3A_376 = arith.addi %select_n3A_357, %add3A_375 : vector<16xi32>
      %reshape3A_377 = vector.shape_cast %add3A_376 : vector<16xi32> to vector<16x1xi32>
      %gather3A = vector.shape_cast %reshape3A_377 : vector<16x1xi32> to vector<16xi32>
      %gather3A_378 = tpu.dynamic_gather %get3A_326[%gather3A] in [0] : vector<16xi32>, vector<16xi32> -> vector<16xi32>
      %jit3A_379 = arith.constant 4 : i32
      %div3A_380 = vector.broadcast %jit3A_379 : i32 to vector<16xi32>
      %div3A_381 = arith.divsi %iota3A, %div3A_380 : vector<16xi32>
      %sign3A_382 = arith.constant 0 : i32
      %sign3A_383 = vector.broadcast %sign3A_382 : i32 to vector<16xi32>
      %sign3A_384 = arith.cmpi sgt, %iota3A, %sign3A_383 : vector<16xi32>
      %sign3A_385 = arith.extui %sign3A_384 : vector<16xi1> to vector<16xi32>
      %sign3A_386 = arith.constant 0 : i32
      %sign3A_387 = vector.broadcast %sign3A_386 : i32 to vector<16xi32>
      %sign3A_388 = arith.cmpi slt, %iota3A, %sign3A_387 : vector<16xi32>
      %sign3A_389 = arith.extui %sign3A_388 : vector<16xi1> to vector<16xi32>
      %sign3A_390 = arith.subi %sign3A_385, %sign3A_389 : vector<16xi32>
      %sign3A_391 = arith.constant 0 : i32
      %sign3A_392 = arith.cmpi sgt, %jit3A_379, %sign3A_391 : i32
      %sign3A_393 = arith.extui %sign3A_392 : i1 to i32
      %sign3A_394 = arith.constant 0 : i32
      %sign3A_395 = arith.cmpi slt, %jit3A_379, %sign3A_394 : i32
      %sign3A_396 = arith.extui %sign3A_395 : i1 to i32
      %sign3A_397 = arith.subi %sign3A_393, %sign3A_396 : i32
      %ne3A_398 = vector.broadcast %sign3A_397 : i32 to vector<16xi32>
      %ne3A_399 = arith.cmpi ne, %sign3A_390, %ne3A_398 : vector<16xi32>
      %rem3A_400 = vector.broadcast %jit3A_379 : i32 to vector<16xi32>
      %rem3A_401 = arith.remsi %iota3A, %rem3A_400 : vector<16xi32>
      %ne3A_402 = arith.constant 0 : i32
      %ne3A_403 = vector.broadcast %ne3A_402 : i32 to vector<16xi32>
      %ne3A_404 = arith.cmpi ne, %rem3A_401, %ne3A_403 : vector<16xi32>
      %and3A_405 = arith.andi %ne3A_399, %ne3A_404 : vector<16xi1>
      %sub3A_406 = arith.constant 1 : i32
      %sub3A_407 = vector.broadcast %sub3A_406 : i32 to vector<16xi32>
      %sub3A_408 = arith.subi %div3A_381, %sub3A_407 : vector<16xi32>
      %select_n3A_409 = arith.select %and3A_405, %sub3A_408, %div3A_381 : vector<16xi1>, vector<16xi32>
      %mul3A_410 = arith.constant 4 : i32
      %mul3A_411 = arith.muli %mul3A_410, %scan3A_305 : i32
      %add3A_412 = vector.broadcast %mul3A_411 : i32 to vector<16xi32>
      %add3A_413 = arith.addi %select_n3A_409, %add3A_412 : vector<16xi32>
      %and3A_414 = arith.constant 31 : i32
      %and3A_415 = vector.broadcast %and3A_414 : i32 to vector<16xi32>
      %and3A_416 = arith.andi %gather3A_378, %and3A_415 : vector<16xi32>
      %mul3A_417 = arith.constant 4 : i32
      %mul3A_418 = vector.broadcast %mul3A_417 : i32 to vector<16xi32>
      %mul3A_419 = arith.muli %and3A_416, %mul3A_418 : vector<16xi32>
      %and3A_420 = arith.constant 3 : i32
      %and3A_421 = vector.broadcast %and3A_420 : i32 to vector<16xi32>
      %and3A_422 = arith.andi %iota3A, %and3A_421 : vector<16xi32>
      %add3A_423 = arith.addi %mul3A_419, %and3A_422 : vector<16xi32>
      %gather3A_424 = tpu.vector_load_idx %arg16[%add3A_413, %add3A_423] : memref<32x128xf32, #tpu.memory_space<vmem>>[vector<16xi32>, vector<16xi32>], vector<16xf32>,
      %add3A_425 = arith.constant 0 : i32
      %add3A_426 = arith.addi %add3A_425, %scan3A_305 : i32
      %mul3A_427 = arith.constant 16 : i32
      %mul3A_428 = arith.muli %add3A_426, %mul3A_427 : i32
      %swap3A = arith.index_cast %mul3A_428 : i32 to index
      %swap3A_429 = tpu.vector_load %arg28[%swap3A] {strides = array<i32>} : memref<512xf32, #tpu.memory_space<vmem>>, vector<16xf32>,
      tpu.vector_store %arg28[%swap3A], %gather3A_424 {strides = array<i32>} : memref<512xf32, #tpu.memory_space<vmem>>, vector<16xf32>,
    }
    %scan3A_162 = arith.constant 8 : i32
    %dma_start3A_163 = arith.constant 0 : i32
    %dma_start3A_164 = arith.constant 0 : i32
    %dma_start3A_165 = tpu.memref_slice %arg15[%dma_start3A_163, %dma_start3A_164] : memref<32x128xf32, #tpu.memory_space<vmem>> -> memref<32x128xf32, #tpu.memory_space<vmem>>
    %dma_start3A_166 = arith.constant 32 : i32
    %dma_start3A_167 = tpu.memref_slice %arg27[%dma_start3A_166] : memref<128xi32, #tpu.memory_space<vmem>> -> memref<32xi32, #tpu.memory_space<vmem>>
    %dma_start3A_168 = arith.constant 0 : i32
    %dma_start3A_169 = arith.constant 0 : i32
    %dma_start3A_170 = tpu.memref_slice %arg9[%dma_start3A_168, %dma_start3A_169] : memref<10240x128xf32, #tpu.memory_space<vmem_shared>> -> memref<10240x128xf32, #tpu.memory_space<vmem_shared>>
    tpu.enqueue_indirect_dma source(%dma_start3A_170 : memref<10240x128xf32, #tpu.memory_space<vmem_shared>>) target(%dma_start3A_165 : memref<32x128xf32, #tpu.memory_space<vmem>>) offsets(%dma_start3A_167 : memref<32xi32, #tpu.memory_space<vmem>>) semaphore(%arg31 : memref<!tpu.dma_semaphore, #tpu.memory_space<semaphore_mem>>)
    %dma_wait3A_171 = arith.constant 0 : i32
    %dma_wait3A_172 = arith.constant 0 : i32
    %dma_wait3A_173 = tpu.memref_slice %arg15[%dma_wait3A_171, %dma_wait3A_172] : memref<32x128xf32, #tpu.memory_space<vmem>> -> memref<32x128xf32, #tpu.memory_space<vmem>>
    %dma_wait3A_174 = arith.constant 32 : i32
    %dma_wait3A_175 = tpu.memref_slice %arg27[%dma_wait3A_174] : memref<128xi32, #tpu.memory_space<vmem>> -> memref<32xi32, #tpu.memory_space<vmem>>
    %dma_wait3A_176 = arith.constant 0 : i32
    %dma_wait3A_177 = arith.constant 0 : i32
    %dma_wait3A_178 = tpu.memref_slice %arg9[%dma_wait3A_176, %dma_wait3A_177] : memref<10240x128xf32, #tpu.memory_space<vmem_shared>> -> memref<10240x128xf32, #tpu.memory_space<vmem_shared>>
    tpu.wait_indirect_dma semaphore(%arg31 : memref<!tpu.dma_semaphore, #tpu.memory_space<semaphore_mem>>) src(%dma_wait3A_178 : memref<10240x128xf32, #tpu.memory_space<vmem_shared>>) dst(%dma_wait3A_173 : memref<32x128xf32, #tpu.memory_space<vmem>>)
    %add3A_179 = arith.constant 32 : i32
    %add3A_180 = arith.addi %add3A_116, %add3A_179 : i32
    "tpu.region"() ({
      %run_scoped3A = tpu.sem_alloc : memref<!tpu.dma_semaphore, #tpu.memory_space<semaphore_mem>>
      %dma_start3A_305 = arith.constant 0 : i32
      %dma_start3A_306 = arith.constant 0 : i32
      %dma_start3A_307 = tpu.memref_slice %arg15[%dma_start3A_305, %dma_start3A_306] : memref<32x128xf32, #tpu.memory_space<vmem>> -> memref<32x128xf32, #tpu.memory_space<vmem>>
      %dma_start3A_308 = arith.constant 0 : i32
      %dma_start3A_309 = tpu.memref_slice %arg7[%add3A_180, %dma_start3A_308] : memref<4096x128xf32, #tpu.memory_space<hbm>> -> memref<32x128xf32, #tpu.memory_space<hbm>>
      %dma_start3A_310 = arith.constant 0 : i32
      %dma_start3A_311 = tpu.memref_slice %arg7[%add3A_180, %dma_start3A_310] : memref<4096x128xf32, #tpu.memory_space<hbm>> -> memref<32x128xf32, #tpu.memory_space<hbm>>
      %dma_start3A_312 = arith.constant 0 : i32
      %dma_start3A_313 = arith.constant 0 : i32
      %dma_start3A_314 = tpu.memref_slice %arg15[%dma_start3A_312, %dma_start3A_313] : memref<32x128xf32, #tpu.memory_space<vmem>> -> memref<32x128xf32, #tpu.memory_space<vmem>>
      tpu.enqueue_dma source(%dma_start3A_314 : memref<32x128xf32, #tpu.memory_space<vmem>>) target(%dma_start3A_311 : memref<32x128xf32, #tpu.memory_space<hbm>>) target_semaphore(%run_scoped3A : memref<!tpu.dma_semaphore, #tpu.memory_space<semaphore_mem>>)
      %dma_wait3A_315 = arith.constant 0 : i32
      %dma_wait3A_316 = arith.constant 0 : i32
      %dma_wait3A_317 = tpu.memref_slice %arg15[%dma_wait3A_315, %dma_wait3A_316] : memref<32x128xf32, #tpu.memory_space<vmem>> -> memref<32x128xf32, #tpu.memory_space<vmem>>
      %dma_wait3A_318 = arith.constant 0 : i32
      %dma_wait3A_319 = tpu.memref_slice %arg7[%add3A_180, %dma_wait3A_318] : memref<4096x128xf32, #tpu.memory_space<hbm>> -> memref<32x128xf32, #tpu.memory_space<hbm>>
      %dma_wait3A_320 = arith.constant 0 : i32
      %dma_wait3A_321 = tpu.memref_slice %arg7[%add3A_180, %dma_wait3A_320] : memref<4096x128xf32, #tpu.memory_space<hbm>> -> memref<32x128xf32, #tpu.memory_space<hbm>>
      %dma_wait3A_322 = arith.constant 0 : i32
      %dma_wait3A_323 = arith.constant 0 : i32
      %dma_wait3A_324 = tpu.memref_slice %arg15[%dma_wait3A_322, %dma_wait3A_323] : memref<32x128xf32, #tpu.memory_space<vmem>> -> memref<32x128xf32, #tpu.memory_space<vmem>>
      tpu.wait_dma2 semaphore(%run_scoped3A : memref<!tpu.dma_semaphore, #tpu.memory_space<semaphore_mem>>) src(%dma_wait3A_324 : memref<32x128xf32, #tpu.memory_space<vmem>>) dst(%dma_wait3A_321 : memref<32x128xf32, #tpu.memory_space<hbm>>)
      tpu.yield
    }) : () -> ()
    %scan3A_181 = arith.constant 0 : i32
    %scan3A_182 = arith.constant 0 : i32
    %scan3A_183 = arith.constant 2 : i32
    %scan3A_184 = arith.addi %scan3A_182, %scan3A_183 : i32
    %scan3A_185 = arith.constant 1 : i32
    scf.for %scan3A_305 = %scan3A_182 to %scan3A_184 step %scan3A_185  : i32 {
      %mul3A_306 = arith.constant 16 : i32
      %mul3A_307 = arith.muli %mul3A_306, %scan3A_305 : i32
      %add3A_308 = arith.constant 32 : i32
      %add3A_309 = arith.addi %add3A_308, %mul3A_307 : i32
      %get3A = arith.index_cast %add3A_309 : i32 to index
      %get3A_310 = tpu.vector_load %arg27[%get3A] {strides = array<i32>} : memref<128xi32, #tpu.memory_space<vmem>>, vector<16xi32>,
      %shift_right_logical3A = arith.constant 5 : i32
      %shift_right_logical3A_311 = vector.broadcast %shift_right_logical3A : i32 to vector<16xi32>
      %shift_right_logical3A_312 = arith.shrui %get3A_310, %shift_right_logical3A_311 : vector<16xi32>
      %mul3A_313 = arith.constant 16 : i32
      %mul3A_314 = arith.muli %mul3A_313, %scan3A_305 : i32
      %swap3A = arith.index_cast %mul3A_314 : i32 to index
      %swap3A_315 = tpu.vector_load %arg20[%swap3A] {strides = array<i32>} : memref<32xi32, #tpu.memory_space<vmem>>, vector<16xi32>,
      tpu.vector_store %arg20[%swap3A], %shift_right_logical3A_312 {strides = array<i32>} : memref<32xi32, #tpu.memory_space<vmem>>, vector<16xi32>,
    }
    %scan3A_186 = arith.constant 2 : i32
    %dma_start3A_187 = arith.constant 0 : i32
    %dma_start3A_188 = arith.constant 0 : i32
    %dma_start3A_189 = tpu.memref_slice %arg16[%dma_start3A_187, %dma_start3A_188] : memref<32x128xf32, #tpu.memory_space<vmem>> -> memref<32x128xf32, #tpu.memory_space<vmem>>
    %dma_start3A_190 = arith.constant 0 : i32
    %dma_start3A_191 = tpu.memref_slice %arg20[%dma_start3A_190] : memref<32xi32, #tpu.memory_space<vmem>> -> memref<32xi32, #tpu.memory_space<vmem>>
    %dma_start3A_192 = arith.constant 0 : i32
    %dma_start3A_193 = arith.constant 0 : i32
    %dma_start3A_194 = tpu.memref_slice %arg10[%dma_start3A_192, %dma_start3A_193] : memref<320x128xf32, #tpu.memory_space<vmem_shared>> -> memref<320x128xf32, #tpu.memory_space<vmem_shared>>
    tpu.enqueue_indirect_dma source(%dma_start3A_194 : memref<320x128xf32, #tpu.memory_space<vmem_shared>>) target(%dma_start3A_189 : memref<32x128xf32, #tpu.memory_space<vmem>>) offsets(%dma_start3A_191 : memref<32xi32, #tpu.memory_space<vmem>>) semaphore(%arg31 : memref<!tpu.dma_semaphore, #tpu.memory_space<semaphore_mem>>)
    %dma_wait3A_195 = arith.constant 0 : i32
    %dma_wait3A_196 = arith.constant 0 : i32
    %dma_wait3A_197 = tpu.memref_slice %arg16[%dma_wait3A_195, %dma_wait3A_196] : memref<32x128xf32, #tpu.memory_space<vmem>> -> memref<32x128xf32, #tpu.memory_space<vmem>>
    %dma_wait3A_198 = arith.constant 0 : i32
    %dma_wait3A_199 = tpu.memref_slice %arg20[%dma_wait3A_198] : memref<32xi32, #tpu.memory_space<vmem>> -> memref<32xi32, #tpu.memory_space<vmem>>
    %dma_wait3A_200 = arith.constant 0 : i32
    %dma_wait3A_201 = arith.constant 0 : i32
    %dma_wait3A_202 = tpu.memref_slice %arg10[%dma_wait3A_200, %dma_wait3A_201] : memref<320x128xf32, #tpu.memory_space<vmem_shared>> -> memref<320x128xf32, #tpu.memory_space<vmem_shared>>
    tpu.wait_indirect_dma semaphore(%arg31 : memref<!tpu.dma_semaphore, #tpu.memory_space<semaphore_mem>>) src(%dma_wait3A_202 : memref<320x128xf32, #tpu.memory_space<vmem_shared>>) dst(%dma_wait3A_197 : memref<32x128xf32, #tpu.memory_space<vmem>>)
    %scan3A_203 = arith.constant 0 : i32
    %scan3A_204 = arith.constant 0 : i32
    %scan3A_205 = arith.constant 8 : i32
    %scan3A_206 = arith.addi %scan3A_204, %scan3A_205 : i32
    %scan3A_207 = arith.constant 1 : i32
    scf.for %scan3A_305 = %scan3A_204 to %scan3A_206 step %scan3A_207  : i32 {
      %jit3A = arith.constant 4 : i32
      %div3A = arith.divsi %scan3A_305, %jit3A : i32
      %sign3A = arith.constant 0 : i32
      %sign3A_306 = arith.cmpi sgt, %scan3A_305, %sign3A : i32
      %sign3A_307 = arith.extui %sign3A_306 : i1 to i32
      %sign3A_308 = arith.constant 0 : i32
      %sign3A_309 = arith.cmpi slt, %scan3A_305, %sign3A_308 : i32
      %sign3A_310 = arith.extui %sign3A_309 : i1 to i32
      %sign3A_311 = arith.subi %sign3A_307, %sign3A_310 : i32
      %sign3A_312 = arith.constant 0 : i32
      %sign3A_313 = arith.cmpi sgt, %jit3A, %sign3A_312 : i32
      %sign3A_314 = arith.extui %sign3A_313 : i1 to i32
      %sign3A_315 = arith.constant 0 : i32
      %sign3A_316 = arith.cmpi slt, %jit3A, %sign3A_315 : i32
      %sign3A_317 = arith.extui %sign3A_316 : i1 to i32
      %sign3A_318 = arith.subi %sign3A_314, %sign3A_317 : i32
      %ne3A = arith.cmpi ne, %sign3A_311, %sign3A_318 : i32
      %rem3A = arith.remsi %scan3A_305, %jit3A : i32
      %ne3A_319 = arith.constant 0 : i32
      %ne3A_320 = arith.cmpi ne, %rem3A, %ne3A_319 : i32
      %and3A = arith.andi %ne3A, %ne3A_320 : i1
      %sub3A = arith.constant 1 : i32
      %sub3A_321 = arith.subi %div3A, %sub3A : i32
      %select_n3A = arith.select %and3A, %sub3A_321, %div3A : i32
      %mul3A_322 = arith.constant 16 : i32
      %mul3A_323 = arith.muli %select_n3A, %mul3A_322 : i32
      %add3A_324 = arith.constant 32 : i32
      %add3A_325 = arith.addi %add3A_324, %mul3A_323 : i32
      %get3A = arith.index_cast %add3A_325 : i32 to index
      %get3A_326 = tpu.vector_load %arg27[%get3A] {strides = array<i32>} : memref<128xi32, #tpu.memory_space<vmem>>, vector<16xi32>,
      %jit3A_327 = arith.constant 4 : i32
      %div3A_328 = vector.broadcast %jit3A_327 : i32 to vector<16xi32>
      %div3A_329 = arith.divsi %iota3A, %div3A_328 : vector<16xi32>
      %sign3A_330 = arith.constant 0 : i32
      %sign3A_331 = vector.broadcast %sign3A_330 : i32 to vector<16xi32>
      %sign3A_332 = arith.cmpi sgt, %iota3A, %sign3A_331 : vector<16xi32>
      %sign3A_333 = arith.extui %sign3A_332 : vector<16xi1> to vector<16xi32>
      %sign3A_334 = arith.constant 0 : i32
      %sign3A_335 = vector.broadcast %sign3A_334 : i32 to vector<16xi32>
      %sign3A_336 = arith.cmpi slt, %iota3A, %sign3A_335 : vector<16xi32>
      %sign3A_337 = arith.extui %sign3A_336 : vector<16xi1> to vector<16xi32>
      %sign3A_338 = arith.subi %sign3A_333, %sign3A_337 : vector<16xi32>
      %sign3A_339 = arith.constant 0 : i32
      %sign3A_340 = arith.cmpi sgt, %jit3A_327, %sign3A_339 : i32
      %sign3A_341 = arith.extui %sign3A_340 : i1 to i32
      %sign3A_342 = arith.constant 0 : i32
      %sign3A_343 = arith.cmpi slt, %jit3A_327, %sign3A_342 : i32
      %sign3A_344 = arith.extui %sign3A_343 : i1 to i32
      %sign3A_345 = arith.subi %sign3A_341, %sign3A_344 : i32
      %ne3A_346 = vector.broadcast %sign3A_345 : i32 to vector<16xi32>
      %ne3A_347 = arith.cmpi ne, %sign3A_338, %ne3A_346 : vector<16xi32>
      %rem3A_348 = vector.broadcast %jit3A_327 : i32 to vector<16xi32>
      %rem3A_349 = arith.remsi %iota3A, %rem3A_348 : vector<16xi32>
      %ne3A_350 = arith.constant 0 : i32
      %ne3A_351 = vector.broadcast %ne3A_350 : i32 to vector<16xi32>
      %ne3A_352 = arith.cmpi ne, %rem3A_349, %ne3A_351 : vector<16xi32>
      %and3A_353 = arith.andi %ne3A_347, %ne3A_352 : vector<16xi1>
      %sub3A_354 = arith.constant 1 : i32
      %sub3A_355 = vector.broadcast %sub3A_354 : i32 to vector<16xi32>
      %sub3A_356 = arith.subi %div3A_329, %sub3A_355 : vector<16xi32>
      %select_n3A_357 = arith.select %and3A_353, %sub3A_356, %div3A_329 : vector<16xi1>, vector<16xi32>
      %mul3A_358 = arith.constant 4 : i32
      %mul3A_359 = arith.muli %mul3A_358, %scan3A_305 : i32
      %jit3A_360 = arith.constant 16 : i32
      %eq3A = arith.constant 0 : i32
      %eq3A_361 = arith.cmpi eq, %jit3A_360, %eq3A : i32
      %jit3A_362 = arith.constant 1 : i32
      %select_n3A_363 = arith.select %eq3A_361, %jit3A_362, %jit3A_360 : i32
      %rem3A_364 = arith.remsi %mul3A_359, %select_n3A_363 : i32
      %ne3A_365 = arith.constant 0 : i32
      %ne3A_366 = arith.cmpi ne, %rem3A_364, %ne3A_365 : i32
      %lt3A_367 = arith.constant 0 : i32
      %lt3A_368 = arith.cmpi slt, %rem3A_364, %lt3A_367 : i32
      %lt3A_369 = arith.constant 0 : i32
      %lt3A_370 = arith.cmpi slt, %select_n3A_363, %lt3A_369 : i32
      %ne3A_371 = arith.xori %lt3A_368, %lt3A_370 : i1
      %and3A_372 = arith.andi %ne3A_371, %ne3A_366 : i1
      %add3A_373 = arith.addi %rem3A_364, %select_n3A_363 : i32
      %select_n3A_374 = arith.select %and3A_372, %add3A_373, %rem3A_364 : i32
      %add3A_375 = vector.broadcast %select_n3A_374 : i32 to vector<16xi32>
      %add3A_376 = arith.addi %select_n3A_357, %add3A_375 : vector<16xi32>
      %reshape3A_377 = vector.shape_cast %add3A_376 : vector<16xi32> to vector<16x1xi32>
      %gather3A = vector.shape_cast %reshape3A_377 : vector<16x1xi32> to vector<16xi32>
      %gather3A_378 = tpu.dynamic_gather %get3A_326[%gather3A] in [0] : vector<16xi32>, vector<16xi32> -> vector<16xi32>
      %jit3A_379 = arith.constant 4 : i32
      %div3A_380 = vector.broadcast %jit3A_379 : i32 to vector<16xi32>
      %div3A_381 = arith.divsi %iota3A, %div3A_380 : vector<16xi32>
      %sign3A_382 = arith.constant 0 : i32
      %sign3A_383 = vector.broadcast %sign3A_382 : i32 to vector<16xi32>
      %sign3A_384 = arith.cmpi sgt, %iota3A, %sign3A_383 : vector<16xi32>
      %sign3A_385 = arith.extui %sign3A_384 : vector<16xi1> to vector<16xi32>
      %sign3A_386 = arith.constant 0 : i32
      %sign3A_387 = vector.broadcast %sign3A_386 : i32 to vector<16xi32>
      %sign3A_388 = arith.cmpi slt, %iota3A, %sign3A_387 : vector<16xi32>
      %sign3A_389 = arith.extui %sign3A_388 : vector<16xi1> to vector<16xi32>
      %sign3A_390 = arith.subi %sign3A_385, %sign3A_389 : vector<16xi32>
      %sign3A_391 = arith.constant 0 : i32
      %sign3A_392 = arith.cmpi sgt, %jit3A_379, %sign3A_391 : i32
      %sign3A_393 = arith.extui %sign3A_392 : i1 to i32
      %sign3A_394 = arith.constant 0 : i32
      %sign3A_395 = arith.cmpi slt, %jit3A_379, %sign3A_394 : i32
      %sign3A_396 = arith.extui %sign3A_395 : i1 to i32
      %sign3A_397 = arith.subi %sign3A_393, %sign3A_396 : i32
      %ne3A_398 = vector.broadcast %sign3A_397 : i32 to vector<16xi32>
      %ne3A_399 = arith.cmpi ne, %sign3A_390, %ne3A_398 : vector<16xi32>
      %rem3A_400 = vector.broadcast %jit3A_379 : i32 to vector<16xi32>
      %rem3A_401 = arith.remsi %iota3A, %rem3A_400 : vector<16xi32>
      %ne3A_402 = arith.constant 0 : i32
      %ne3A_403 = vector.broadcast %ne3A_402 : i32 to vector<16xi32>
      %ne3A_404 = arith.cmpi ne, %rem3A_401, %ne3A_403 : vector<16xi32>
      %and3A_405 = arith.andi %ne3A_399, %ne3A_404 : vector<16xi1>
      %sub3A_406 = arith.constant 1 : i32
      %sub3A_407 = vector.broadcast %sub3A_406 : i32 to vector<16xi32>
      %sub3A_408 = arith.subi %div3A_381, %sub3A_407 : vector<16xi32>
      %select_n3A_409 = arith.select %and3A_405, %sub3A_408, %div3A_381 : vector<16xi1>, vector<16xi32>
      %mul3A_410 = arith.constant 4 : i32
      %mul3A_411 = arith.muli %mul3A_410, %scan3A_305 : i32
      %add3A_412 = vector.broadcast %mul3A_411 : i32 to vector<16xi32>
      %add3A_413 = arith.addi %select_n3A_409, %add3A_412 : vector<16xi32>
      %and3A_414 = arith.constant 31 : i32
      %and3A_415 = vector.broadcast %and3A_414 : i32 to vector<16xi32>
      %and3A_416 = arith.andi %gather3A_378, %and3A_415 : vector<16xi32>
      %mul3A_417 = arith.constant 4 : i32
      %mul3A_418 = vector.broadcast %mul3A_417 : i32 to vector<16xi32>
      %mul3A_419 = arith.muli %and3A_416, %mul3A_418 : vector<16xi32>
      %and3A_420 = arith.constant 3 : i32
      %and3A_421 = vector.broadcast %and3A_420 : i32 to vector<16xi32>
      %and3A_422 = arith.andi %iota3A, %and3A_421 : vector<16xi32>
      %add3A_423 = arith.addi %mul3A_419, %and3A_422 : vector<16xi32>
      %gather3A_424 = tpu.vector_load_idx %arg16[%add3A_413, %add3A_423] : memref<32x128xf32, #tpu.memory_space<vmem>>[vector<16xi32>, vector<16xi32>], vector<16xf32>,
      %add3A_425 = arith.constant 8 : i32
      %add3A_426 = arith.addi %add3A_425, %scan3A_305 : i32
      %mul3A_427 = arith.constant 16 : i32
      %mul3A_428 = arith.muli %add3A_426, %mul3A_427 : i32
      %swap3A = arith.index_cast %mul3A_428 : i32 to index
      %swap3A_429 = tpu.vector_load %arg28[%swap3A] {strides = array<i32>} : memref<512xf32, #tpu.memory_space<vmem>>, vector<16xf32>,
      tpu.vector_store %arg28[%swap3A], %gather3A_424 {strides = array<i32>} : memref<512xf32, #tpu.memory_space<vmem>>, vector<16xf32>,
    }
    %scan3A_208 = arith.constant 8 : i32
    %dma_start3A_209 = arith.constant 0 : i32
    %dma_start3A_210 = arith.constant 0 : i32
    %dma_start3A_211 = tpu.memref_slice %arg15[%dma_start3A_209, %dma_start3A_210] : memref<32x128xf32, #tpu.memory_space<vmem>> -> memref<32x128xf32, #tpu.memory_space<vmem>>
    %dma_start3A_212 = arith.constant 64 : i32
    %dma_start3A_213 = tpu.memref_slice %arg27[%dma_start3A_212] : memref<128xi32, #tpu.memory_space<vmem>> -> memref<32xi32, #tpu.memory_space<vmem>>
    %dma_start3A_214 = arith.constant 0 : i32
    %dma_start3A_215 = arith.constant 0 : i32
    %dma_start3A_216 = tpu.memref_slice %arg9[%dma_start3A_214, %dma_start3A_215] : memref<10240x128xf32, #tpu.memory_space<vmem_shared>> -> memref<10240x128xf32, #tpu.memory_space<vmem_shared>>
    tpu.enqueue_indirect_dma source(%dma_start3A_216 : memref<10240x128xf32, #tpu.memory_space<vmem_shared>>) target(%dma_start3A_211 : memref<32x128xf32, #tpu.memory_space<vmem>>) offsets(%dma_start3A_213 : memref<32xi32, #tpu.memory_space<vmem>>) semaphore(%arg31 : memref<!tpu.dma_semaphore, #tpu.memory_space<semaphore_mem>>)
    %dma_wait3A_217 = arith.constant 0 : i32
    %dma_wait3A_218 = arith.constant 0 : i32
    %dma_wait3A_219 = tpu.memref_slice %arg15[%dma_wait3A_217, %dma_wait3A_218] : memref<32x128xf32, #tpu.memory_space<vmem>> -> memref<32x128xf32, #tpu.memory_space<vmem>>
    %dma_wait3A_220 = arith.constant 64 : i32
    %dma_wait3A_221 = tpu.memref_slice %arg27[%dma_wait3A_220] : memref<128xi32, #tpu.memory_space<vmem>> -> memref<32xi32, #tpu.memory_space<vmem>>
    %dma_wait3A_222 = arith.constant 0 : i32
    %dma_wait3A_223 = arith.constant 0 : i32
    %dma_wait3A_224 = tpu.memref_slice %arg9[%dma_wait3A_222, %dma_wait3A_223] : memref<10240x128xf32, #tpu.memory_space<vmem_shared>> -> memref<10240x128xf32, #tpu.memory_space<vmem_shared>>
    tpu.wait_indirect_dma semaphore(%arg31 : memref<!tpu.dma_semaphore, #tpu.memory_space<semaphore_mem>>) src(%dma_wait3A_224 : memref<10240x128xf32, #tpu.memory_space<vmem_shared>>) dst(%dma_wait3A_219 : memref<32x128xf32, #tpu.memory_space<vmem>>)
    %add3A_225 = arith.constant 64 : i32
    %add3A_226 = arith.addi %add3A_116, %add3A_225 : i32
    "tpu.region"() ({
      %run_scoped3A = tpu.sem_alloc : memref<!tpu.dma_semaphore, #tpu.memory_space<semaphore_mem>>
      %dma_start3A_305 = arith.constant 0 : i32
      %dma_start3A_306 = arith.constant 0 : i32
      %dma_start3A_307 = tpu.memref_slice %arg15[%dma_start3A_305, %dma_start3A_306] : memref<32x128xf32, #tpu.memory_space<vmem>> -> memref<32x128xf32, #tpu.memory_space<vmem>>
      %dma_start3A_308 = arith.constant 0 : i32
      %dma_start3A_309 = tpu.memref_slice %arg7[%add3A_226, %dma_start3A_308] : memref<4096x128xf32, #tpu.memory_space<hbm>> -> memref<32x128xf32, #tpu.memory_space<hbm>>
      %dma_start3A_310 = arith.constant 0 : i32
      %dma_start3A_311 = tpu.memref_slice %arg7[%add3A_226, %dma_start3A_310] : memref<4096x128xf32, #tpu.memory_space<hbm>> -> memref<32x128xf32, #tpu.memory_space<hbm>>
      %dma_start3A_312 = arith.constant 0 : i32
      %dma_start3A_313 = arith.constant 0 : i32
      %dma_start3A_314 = tpu.memref_slice %arg15[%dma_start3A_312, %dma_start3A_313] : memref<32x128xf32, #tpu.memory_space<vmem>> -> memref<32x128xf32, #tpu.memory_space<vmem>>
      tpu.enqueue_dma source(%dma_start3A_314 : memref<32x128xf32, #tpu.memory_space<vmem>>) target(%dma_start3A_311 : memref<32x128xf32, #tpu.memory_space<hbm>>) target_semaphore(%run_scoped3A : memref<!tpu.dma_semaphore, #tpu.memory_space<semaphore_mem>>)
      %dma_wait3A_315 = arith.constant 0 : i32
      %dma_wait3A_316 = arith.constant 0 : i32
      %dma_wait3A_317 = tpu.memref_slice %arg15[%dma_wait3A_315, %dma_wait3A_316] : memref<32x128xf32, #tpu.memory_space<vmem>> -> memref<32x128xf32, #tpu.memory_space<vmem>>
      %dma_wait3A_318 = arith.constant 0 : i32
      %dma_wait3A_319 = tpu.memref_slice %arg7[%add3A_226, %dma_wait3A_318] : memref<4096x128xf32, #tpu.memory_space<hbm>> -> memref<32x128xf32, #tpu.memory_space<hbm>>
      %dma_wait3A_320 = arith.constant 0 : i32
      %dma_wait3A_321 = tpu.memref_slice %arg7[%add3A_226, %dma_wait3A_320] : memref<4096x128xf32, #tpu.memory_space<hbm>> -> memref<32x128xf32, #tpu.memory_space<hbm>>
      %dma_wait3A_322 = arith.constant 0 : i32
      %dma_wait3A_323 = arith.constant 0 : i32
      %dma_wait3A_324 = tpu.memref_slice %arg15[%dma_wait3A_322, %dma_wait3A_323] : memref<32x128xf32, #tpu.memory_space<vmem>> -> memref<32x128xf32, #tpu.memory_space<vmem>>
      tpu.wait_dma2 semaphore(%run_scoped3A : memref<!tpu.dma_semaphore, #tpu.memory_space<semaphore_mem>>) src(%dma_wait3A_324 : memref<32x128xf32, #tpu.memory_space<vmem>>) dst(%dma_wait3A_321 : memref<32x128xf32, #tpu.memory_space<hbm>>)
      tpu.yield
    }) : () -> ()
    %scan3A_227 = arith.constant 0 : i32
    %scan3A_228 = arith.constant 0 : i32
    %scan3A_229 = arith.constant 2 : i32
    %scan3A_230 = arith.addi %scan3A_228, %scan3A_229 : i32
    %scan3A_231 = arith.constant 1 : i32
    scf.for %scan3A_305 = %scan3A_228 to %scan3A_230 step %scan3A_231  : i32 {
      %mul3A_306 = arith.constant 16 : i32
      %mul3A_307 = arith.muli %mul3A_306, %scan3A_305 : i32
      %add3A_308 = arith.constant 64 : i32
      %add3A_309 = arith.addi %add3A_308, %mul3A_307 : i32
      %get3A = arith.index_cast %add3A_309 : i32 to index
      %get3A_310 = tpu.vector_load %arg27[%get3A] {strides = array<i32>} : memref<128xi32, #tpu.memory_space<vmem>>, vector<16xi32>,
      %shift_right_logical3A = arith.constant 5 : i32
      %shift_right_logical3A_311 = vector.broadcast %shift_right_logical3A : i32 to vector<16xi32>
      %shift_right_logical3A_312 = arith.shrui %get3A_310, %shift_right_logical3A_311 : vector<16xi32>
      %mul3A_313 = arith.constant 16 : i32
      %mul3A_314 = arith.muli %mul3A_313, %scan3A_305 : i32
      %swap3A = arith.index_cast %mul3A_314 : i32 to index
      %swap3A_315 = tpu.vector_load %arg20[%swap3A] {strides = array<i32>} : memref<32xi32, #tpu.memory_space<vmem>>, vector<16xi32>,
      tpu.vector_store %arg20[%swap3A], %shift_right_logical3A_312 {strides = array<i32>} : memref<32xi32, #tpu.memory_space<vmem>>, vector<16xi32>,
    }
    %scan3A_232 = arith.constant 2 : i32
    %dma_start3A_233 = arith.constant 0 : i32
    %dma_start3A_234 = arith.constant 0 : i32
    %dma_start3A_235 = tpu.memref_slice %arg16[%dma_start3A_233, %dma_start3A_234] : memref<32x128xf32, #tpu.memory_space<vmem>> -> memref<32x128xf32, #tpu.memory_space<vmem>>
    %dma_start3A_236 = arith.constant 0 : i32
    %dma_start3A_237 = tpu.memref_slice %arg20[%dma_start3A_236] : memref<32xi32, #tpu.memory_space<vmem>> -> memref<32xi32, #tpu.memory_space<vmem>>
    %dma_start3A_238 = arith.constant 0 : i32
    %dma_start3A_239 = arith.constant 0 : i32
    %dma_start3A_240 = tpu.memref_slice %arg10[%dma_start3A_238, %dma_start3A_239] : memref<320x128xf32, #tpu.memory_space<vmem_shared>> -> memref<320x128xf32, #tpu.memory_space<vmem_shared>>
    tpu.enqueue_indirect_dma source(%dma_start3A_240 : memref<320x128xf32, #tpu.memory_space<vmem_shared>>) target(%dma_start3A_235 : memref<32x128xf32, #tpu.memory_space<vmem>>) offsets(%dma_start3A_237 : memref<32xi32, #tpu.memory_space<vmem>>) semaphore(%arg31 : memref<!tpu.dma_semaphore, #tpu.memory_space<semaphore_mem>>)
    %dma_wait3A_241 = arith.constant 0 : i32
    %dma_wait3A_242 = arith.constant 0 : i32
    %dma_wait3A_243 = tpu.memref_slice %arg16[%dma_wait3A_241, %dma_wait3A_242] : memref<32x128xf32, #tpu.memory_space<vmem>> -> memref<32x128xf32, #tpu.memory_space<vmem>>
    %dma_wait3A_244 = arith.constant 0 : i32
    %dma_wait3A_245 = tpu.memref_slice %arg20[%dma_wait3A_244] : memref<32xi32, #tpu.memory_space<vmem>> -> memref<32xi32, #tpu.memory_space<vmem>>
    %dma_wait3A_246 = arith.constant 0 : i32
    %dma_wait3A_247 = arith.constant 0 : i32
    %dma_wait3A_248 = tpu.memref_slice %arg10[%dma_wait3A_246, %dma_wait3A_247] : memref<320x128xf32, #tpu.memory_space<vmem_shared>> -> memref<320x128xf32, #tpu.memory_space<vmem_shared>>
    tpu.wait_indirect_dma semaphore(%arg31 : memref<!tpu.dma_semaphore, #tpu.memory_space<semaphore_mem>>) src(%dma_wait3A_248 : memref<320x128xf32, #tpu.memory_space<vmem_shared>>) dst(%dma_wait3A_243 : memref<32x128xf32, #tpu.memory_space<vmem>>)
    %scan3A_249 = arith.constant 0 : i32
    %scan3A_250 = arith.constant 0 : i32
    %scan3A_251 = arith.constant 8 : i32
    %scan3A_252 = arith.addi %scan3A_250, %scan3A_251 : i32
    %scan3A_253 = arith.constant 1 : i32
    scf.for %scan3A_305 = %scan3A_250 to %scan3A_252 step %scan3A_253  : i32 {
      %jit3A = arith.constant 4 : i32
      %div3A = arith.divsi %scan3A_305, %jit3A : i32
      %sign3A = arith.constant 0 : i32
      %sign3A_306 = arith.cmpi sgt, %scan3A_305, %sign3A : i32
      %sign3A_307 = arith.extui %sign3A_306 : i1 to i32
      %sign3A_308 = arith.constant 0 : i32
      %sign3A_309 = arith.cmpi slt, %scan3A_305, %sign3A_308 : i32
      %sign3A_310 = arith.extui %sign3A_309 : i1 to i32
      %sign3A_311 = arith.subi %sign3A_307, %sign3A_310 : i32
      %sign3A_312 = arith.constant 0 : i32
      %sign3A_313 = arith.cmpi sgt, %jit3A, %sign3A_312 : i32
      %sign3A_314 = arith.extui %sign3A_313 : i1 to i32
      %sign3A_315 = arith.constant 0 : i32
      %sign3A_316 = arith.cmpi slt, %jit3A, %sign3A_315 : i32
      %sign3A_317 = arith.extui %sign3A_316 : i1 to i32
      %sign3A_318 = arith.subi %sign3A_314, %sign3A_317 : i32
      %ne3A = arith.cmpi ne, %sign3A_311, %sign3A_318 : i32
      %rem3A = arith.remsi %scan3A_305, %jit3A : i32
      %ne3A_319 = arith.constant 0 : i32
      %ne3A_320 = arith.cmpi ne, %rem3A, %ne3A_319 : i32
      %and3A = arith.andi %ne3A, %ne3A_320 : i1
      %sub3A = arith.constant 1 : i32
      %sub3A_321 = arith.subi %div3A, %sub3A : i32
      %select_n3A = arith.select %and3A, %sub3A_321, %div3A : i32
      %mul3A_322 = arith.constant 16 : i32
      %mul3A_323 = arith.muli %select_n3A, %mul3A_322 : i32
      %add3A_324 = arith.constant 64 : i32
      %add3A_325 = arith.addi %add3A_324, %mul3A_323 : i32
      %get3A = arith.index_cast %add3A_325 : i32 to index
      %get3A_326 = tpu.vector_load %arg27[%get3A] {strides = array<i32>} : memref<128xi32, #tpu.memory_space<vmem>>, vector<16xi32>,
      %jit3A_327 = arith.constant 4 : i32
      %div3A_328 = vector.broadcast %jit3A_327 : i32 to vector<16xi32>
      %div3A_329 = arith.divsi %iota3A, %div3A_328 : vector<16xi32>
      %sign3A_330 = arith.constant 0 : i32
      %sign3A_331 = vector.broadcast %sign3A_330 : i32 to vector<16xi32>
      %sign3A_332 = arith.cmpi sgt, %iota3A, %sign3A_331 : vector<16xi32>
      %sign3A_333 = arith.extui %sign3A_332 : vector<16xi1> to vector<16xi32>
      %sign3A_334 = arith.constant 0 : i32
      %sign3A_335 = vector.broadcast %sign3A_334 : i32 to vector<16xi32>
      %sign3A_336 = arith.cmpi slt, %iota3A, %sign3A_335 : vector<16xi32>
      %sign3A_337 = arith.extui %sign3A_336 : vector<16xi1> to vector<16xi32>
      %sign3A_338 = arith.subi %sign3A_333, %sign3A_337 : vector<16xi32>
      %sign3A_339 = arith.constant 0 : i32
      %sign3A_340 = arith.cmpi sgt, %jit3A_327, %sign3A_339 : i32
      %sign3A_341 = arith.extui %sign3A_340 : i1 to i32
      %sign3A_342 = arith.constant 0 : i32
      %sign3A_343 = arith.cmpi slt, %jit3A_327, %sign3A_342 : i32
      %sign3A_344 = arith.extui %sign3A_343 : i1 to i32
      %sign3A_345 = arith.subi %sign3A_341, %sign3A_344 : i32
      %ne3A_346 = vector.broadcast %sign3A_345 : i32 to vector<16xi32>
      %ne3A_347 = arith.cmpi ne, %sign3A_338, %ne3A_346 : vector<16xi32>
      %rem3A_348 = vector.broadcast %jit3A_327 : i32 to vector<16xi32>
      %rem3A_349 = arith.remsi %iota3A, %rem3A_348 : vector<16xi32>
      %ne3A_350 = arith.constant 0 : i32
      %ne3A_351 = vector.broadcast %ne3A_350 : i32 to vector<16xi32>
      %ne3A_352 = arith.cmpi ne, %rem3A_349, %ne3A_351 : vector<16xi32>
      %and3A_353 = arith.andi %ne3A_347, %ne3A_352 : vector<16xi1>
      %sub3A_354 = arith.constant 1 : i32
      %sub3A_355 = vector.broadcast %sub3A_354 : i32 to vector<16xi32>
      %sub3A_356 = arith.subi %div3A_329, %sub3A_355 : vector<16xi32>
      %select_n3A_357 = arith.select %and3A_353, %sub3A_356, %div3A_329 : vector<16xi1>, vector<16xi32>
      %mul3A_358 = arith.constant 4 : i32
      %mul3A_359 = arith.muli %mul3A_358, %scan3A_305 : i32
      %jit3A_360 = arith.constant 16 : i32
      %eq3A = arith.constant 0 : i32
      %eq3A_361 = arith.cmpi eq, %jit3A_360, %eq3A : i32
      %jit3A_362 = arith.constant 1 : i32
      %select_n3A_363 = arith.select %eq3A_361, %jit3A_362, %jit3A_360 : i32
      %rem3A_364 = arith.remsi %mul3A_359, %select_n3A_363 : i32
      %ne3A_365 = arith.constant 0 : i32
      %ne3A_366 = arith.cmpi ne, %rem3A_364, %ne3A_365 : i32
      %lt3A_367 = arith.constant 0 : i32
      %lt3A_368 = arith.cmpi slt, %rem3A_364, %lt3A_367 : i32
      %lt3A_369 = arith.constant 0 : i32
      %lt3A_370 = arith.cmpi slt, %select_n3A_363, %lt3A_369 : i32
      %ne3A_371 = arith.xori %lt3A_368, %lt3A_370 : i1
      %and3A_372 = arith.andi %ne3A_371, %ne3A_366 : i1
      %add3A_373 = arith.addi %rem3A_364, %select_n3A_363 : i32
      %select_n3A_374 = arith.select %and3A_372, %add3A_373, %rem3A_364 : i32
      %add3A_375 = vector.broadcast %select_n3A_374 : i32 to vector<16xi32>
      %add3A_376 = arith.addi %select_n3A_357, %add3A_375 : vector<16xi32>
      %reshape3A_377 = vector.shape_cast %add3A_376 : vector<16xi32> to vector<16x1xi32>
      %gather3A = vector.shape_cast %reshape3A_377 : vector<16x1xi32> to vector<16xi32>
      %gather3A_378 = tpu.dynamic_gather %get3A_326[%gather3A] in [0] : vector<16xi32>, vector<16xi32> -> vector<16xi32>
      %jit3A_379 = arith.constant 4 : i32
      %div3A_380 = vector.broadcast %jit3A_379 : i32 to vector<16xi32>
      %div3A_381 = arith.divsi %iota3A, %div3A_380 : vector<16xi32>
      %sign3A_382 = arith.constant 0 : i32
      %sign3A_383 = vector.broadcast %sign3A_382 : i32 to vector<16xi32>
      %sign3A_384 = arith.cmpi sgt, %iota3A, %sign3A_383 : vector<16xi32>
      %sign3A_385 = arith.extui %sign3A_384 : vector<16xi1> to vector<16xi32>
      %sign3A_386 = arith.constant 0 : i32
      %sign3A_387 = vector.broadcast %sign3A_386 : i32 to vector<16xi32>
      %sign3A_388 = arith.cmpi slt, %iota3A, %sign3A_387 : vector<16xi32>
      %sign3A_389 = arith.extui %sign3A_388 : vector<16xi1> to vector<16xi32>
      %sign3A_390 = arith.subi %sign3A_385, %sign3A_389 : vector<16xi32>
      %sign3A_391 = arith.constant 0 : i32
      %sign3A_392 = arith.cmpi sgt, %jit3A_379, %sign3A_391 : i32
      %sign3A_393 = arith.extui %sign3A_392 : i1 to i32
      %sign3A_394 = arith.constant 0 : i32
      %sign3A_395 = arith.cmpi slt, %jit3A_379, %sign3A_394 : i32
      %sign3A_396 = arith.extui %sign3A_395 : i1 to i32
      %sign3A_397 = arith.subi %sign3A_393, %sign3A_396 : i32
      %ne3A_398 = vector.broadcast %sign3A_397 : i32 to vector<16xi32>
      %ne3A_399 = arith.cmpi ne, %sign3A_390, %ne3A_398 : vector<16xi32>
      %rem3A_400 = vector.broadcast %jit3A_379 : i32 to vector<16xi32>
      %rem3A_401 = arith.remsi %iota3A, %rem3A_400 : vector<16xi32>
      %ne3A_402 = arith.constant 0 : i32
      %ne3A_403 = vector.broadcast %ne3A_402 : i32 to vector<16xi32>
      %ne3A_404 = arith.cmpi ne, %rem3A_401, %ne3A_403 : vector<16xi32>
      %and3A_405 = arith.andi %ne3A_399, %ne3A_404 : vector<16xi1>
      %sub3A_406 = arith.constant 1 : i32
      %sub3A_407 = vector.broadcast %sub3A_406 : i32 to vector<16xi32>
      %sub3A_408 = arith.subi %div3A_381, %sub3A_407 : vector<16xi32>
      %select_n3A_409 = arith.select %and3A_405, %sub3A_408, %div3A_381 : vector<16xi1>, vector<16xi32>
      %mul3A_410 = arith.constant 4 : i32
      %mul3A_411 = arith.muli %mul3A_410, %scan3A_305 : i32
      %add3A_412 = vector.broadcast %mul3A_411 : i32 to vector<16xi32>
      %add3A_413 = arith.addi %select_n3A_409, %add3A_412 : vector<16xi32>
      %and3A_414 = arith.constant 31 : i32
      %and3A_415 = vector.broadcast %and3A_414 : i32 to vector<16xi32>
      %and3A_416 = arith.andi %gather3A_378, %and3A_415 : vector<16xi32>
      %mul3A_417 = arith.constant 4 : i32
      %mul3A_418 = vector.broadcast %mul3A_417 : i32 to vector<16xi32>
      %mul3A_419 = arith.muli %and3A_416, %mul3A_418 : vector<16xi32>
      %and3A_420 = arith.constant 3 : i32
      %and3A_421 = vector.broadcast %and3A_420 : i32 to vector<16xi32>
      %and3A_422 = arith.andi %iota3A, %and3A_421 : vector<16xi32>
      %add3A_423 = arith.addi %mul3A_419, %and3A_422 : vector<16xi32>
      %gather3A_424 = tpu.vector_load_idx %arg16[%add3A_413, %add3A_423] : memref<32x128xf32, #tpu.memory_space<vmem>>[vector<16xi32>, vector<16xi32>], vector<16xf32>,
      %add3A_425 = arith.constant 16 : i32
      %add3A_426 = arith.addi %add3A_425, %scan3A_305 : i32
      %mul3A_427 = arith.constant 16 : i32
      %mul3A_428 = arith.muli %add3A_426, %mul3A_427 : i32
      %swap3A = arith.index_cast %mul3A_428 : i32 to index
      %swap3A_429 = tpu.vector_load %arg28[%swap3A] {strides = array<i32>} : memref<512xf32, #tpu.memory_space<vmem>>, vector<16xf32>,
      tpu.vector_store %arg28[%swap3A], %gather3A_424 {strides = array<i32>} : memref<512xf32, #tpu.memory_space<vmem>>, vector<16xf32>,
    }
    %scan3A_254 = arith.constant 8 : i32
    %dma_start3A_255 = arith.constant 0 : i32
    %dma_start3A_256 = arith.constant 0 : i32
    %dma_start3A_257 = tpu.memref_slice %arg15[%dma_start3A_255, %dma_start3A_256] : memref<32x128xf32, #tpu.memory_space<vmem>> -> memref<32x128xf32, #tpu.memory_space<vmem>>
    %dma_start3A_258 = arith.constant 96 : i32
    %dma_start3A_259 = tpu.memref_slice %arg27[%dma_start3A_258] : memref<128xi32, #tpu.memory_space<vmem>> -> memref<32xi32, #tpu.memory_space<vmem>>
    %dma_start3A_260 = arith.constant 0 : i32
    %dma_start3A_261 = arith.constant 0 : i32
    %dma_start3A_262 = tpu.memref_slice %arg9[%dma_start3A_260, %dma_start3A_261] : memref<10240x128xf32, #tpu.memory_space<vmem_shared>> -> memref<10240x128xf32, #tpu.memory_space<vmem_shared>>
    tpu.enqueue_indirect_dma source(%dma_start3A_262 : memref<10240x128xf32, #tpu.memory_space<vmem_shared>>) target(%dma_start3A_257 : memref<32x128xf32, #tpu.memory_space<vmem>>) offsets(%dma_start3A_259 : memref<32xi32, #tpu.memory_space<vmem>>) semaphore(%arg31 : memref<!tpu.dma_semaphore, #tpu.memory_space<semaphore_mem>>)
    %dma_wait3A_263 = arith.constant 0 : i32
    %dma_wait3A_264 = arith.constant 0 : i32
    %dma_wait3A_265 = tpu.memref_slice %arg15[%dma_wait3A_263, %dma_wait3A_264] : memref<32x128xf32, #tpu.memory_space<vmem>> -> memref<32x128xf32, #tpu.memory_space<vmem>>
    %dma_wait3A_266 = arith.constant 96 : i32
    %dma_wait3A_267 = tpu.memref_slice %arg27[%dma_wait3A_266] : memref<128xi32, #tpu.memory_space<vmem>> -> memref<32xi32, #tpu.memory_space<vmem>>
    %dma_wait3A_268 = arith.constant 0 : i32
    %dma_wait3A_269 = arith.constant 0 : i32
    %dma_wait3A_270 = tpu.memref_slice %arg9[%dma_wait3A_268, %dma_wait3A_269] : memref<10240x128xf32, #tpu.memory_space<vmem_shared>> -> memref<10240x128xf32, #tpu.memory_space<vmem_shared>>
    tpu.wait_indirect_dma semaphore(%arg31 : memref<!tpu.dma_semaphore, #tpu.memory_space<semaphore_mem>>) src(%dma_wait3A_270 : memref<10240x128xf32, #tpu.memory_space<vmem_shared>>) dst(%dma_wait3A_265 : memref<32x128xf32, #tpu.memory_space<vmem>>)
    %add3A_271 = arith.constant 96 : i32
    %add3A_272 = arith.addi %add3A_116, %add3A_271 : i32
    "tpu.region"() ({
      %run_scoped3A = tpu.sem_alloc : memref<!tpu.dma_semaphore, #tpu.memory_space<semaphore_mem>>
      %dma_start3A_305 = arith.constant 0 : i32
      %dma_start3A_306 = arith.constant 0 : i32
      %dma_start3A_307 = tpu.memref_slice %arg15[%dma_start3A_305, %dma_start3A_306] : memref<32x128xf32, #tpu.memory_space<vmem>> -> memref<32x128xf32, #tpu.memory_space<vmem>>
      %dma_start3A_308 = arith.constant 0 : i32
      %dma_start3A_309 = tpu.memref_slice %arg7[%add3A_272, %dma_start3A_308] : memref<4096x128xf32, #tpu.memory_space<hbm>> -> memref<32x128xf32, #tpu.memory_space<hbm>>
      %dma_start3A_310 = arith.constant 0 : i32
      %dma_start3A_311 = tpu.memref_slice %arg7[%add3A_272, %dma_start3A_310] : memref<4096x128xf32, #tpu.memory_space<hbm>> -> memref<32x128xf32, #tpu.memory_space<hbm>>
      %dma_start3A_312 = arith.constant 0 : i32
      %dma_start3A_313 = arith.constant 0 : i32
      %dma_start3A_314 = tpu.memref_slice %arg15[%dma_start3A_312, %dma_start3A_313] : memref<32x128xf32, #tpu.memory_space<vmem>> -> memref<32x128xf32, #tpu.memory_space<vmem>>
      tpu.enqueue_dma source(%dma_start3A_314 : memref<32x128xf32, #tpu.memory_space<vmem>>) target(%dma_start3A_311 : memref<32x128xf32, #tpu.memory_space<hbm>>) target_semaphore(%run_scoped3A : memref<!tpu.dma_semaphore, #tpu.memory_space<semaphore_mem>>)
      %dma_wait3A_315 = arith.constant 0 : i32
      %dma_wait3A_316 = arith.constant 0 : i32
      %dma_wait3A_317 = tpu.memref_slice %arg15[%dma_wait3A_315, %dma_wait3A_316] : memref<32x128xf32, #tpu.memory_space<vmem>> -> memref<32x128xf32, #tpu.memory_space<vmem>>
      %dma_wait3A_318 = arith.constant 0 : i32
      %dma_wait3A_319 = tpu.memref_slice %arg7[%add3A_272, %dma_wait3A_318] : memref<4096x128xf32, #tpu.memory_space<hbm>> -> memref<32x128xf32, #tpu.memory_space<hbm>>
      %dma_wait3A_320 = arith.constant 0 : i32
      %dma_wait3A_321 = tpu.memref_slice %arg7[%add3A_272, %dma_wait3A_320] : memref<4096x128xf32, #tpu.memory_space<hbm>> -> memref<32x128xf32, #tpu.memory_space<hbm>>
      %dma_wait3A_322 = arith.constant 0 : i32
      %dma_wait3A_323 = arith.constant 0 : i32
      %dma_wait3A_324 = tpu.memref_slice %arg15[%dma_wait3A_322, %dma_wait3A_323] : memref<32x128xf32, #tpu.memory_space<vmem>> -> memref<32x128xf32, #tpu.memory_space<vmem>>
      tpu.wait_dma2 semaphore(%run_scoped3A : memref<!tpu.dma_semaphore, #tpu.memory_space<semaphore_mem>>) src(%dma_wait3A_324 : memref<32x128xf32, #tpu.memory_space<vmem>>) dst(%dma_wait3A_321 : memref<32x128xf32, #tpu.memory_space<hbm>>)
      tpu.yield
    }) : () -> ()
    %scan3A_273 = arith.constant 0 : i32
    %scan3A_274 = arith.constant 0 : i32
    %scan3A_275 = arith.constant 2 : i32
    %scan3A_276 = arith.addi %scan3A_274, %scan3A_275 : i32
    %scan3A_277 = arith.constant 1 : i32
    scf.for %scan3A_305 = %scan3A_274 to %scan3A_276 step %scan3A_277  : i32 {
      %mul3A_306 = arith.constant 16 : i32
      %mul3A_307 = arith.muli %mul3A_306, %scan3A_305 : i32
      %add3A_308 = arith.constant 96 : i32
      %add3A_309 = arith.addi %add3A_308, %mul3A_307 : i32
      %get3A = arith.index_cast %add3A_309 : i32 to index
      %get3A_310 = tpu.vector_load %arg27[%get3A] {strides = array<i32>} : memref<128xi32, #tpu.memory_space<vmem>>, vector<16xi32>,
      %shift_right_logical3A = arith.constant 5 : i32
      %shift_right_logical3A_311 = vector.broadcast %shift_right_logical3A : i32 to vector<16xi32>
      %shift_right_logical3A_312 = arith.shrui %get3A_310, %shift_right_logical3A_311 : vector<16xi32>
      %mul3A_313 = arith.constant 16 : i32
      %mul3A_314 = arith.muli %mul3A_313, %scan3A_305 : i32
      %swap3A = arith.index_cast %mul3A_314 : i32 to index
      %swap3A_315 = tpu.vector_load %arg20[%swap3A] {strides = array<i32>} : memref<32xi32, #tpu.memory_space<vmem>>, vector<16xi32>,
      tpu.vector_store %arg20[%swap3A], %shift_right_logical3A_312 {strides = array<i32>} : memref<32xi32, #tpu.memory_space<vmem>>, vector<16xi32>,
    }
    %scan3A_278 = arith.constant 2 : i32
    %dma_start3A_279 = arith.constant 0 : i32
    %dma_start3A_280 = arith.constant 0 : i32
    %dma_start3A_281 = tpu.memref_slice %arg16[%dma_start3A_279, %dma_start3A_280] : memref<32x128xf32, #tpu.memory_space<vmem>> -> memref<32x128xf32, #tpu.memory_space<vmem>>
    %dma_start3A_282 = arith.constant 0 : i32
    %dma_start3A_283 = tpu.memref_slice %arg20[%dma_start3A_282] : memref<32xi32, #tpu.memory_space<vmem>> -> memref<32xi32, #tpu.memory_space<vmem>>
    %dma_start3A_284 = arith.constant 0 : i32
    %dma_start3A_285 = arith.constant 0 : i32
    %dma_start3A_286 = tpu.memref_slice %arg10[%dma_start3A_284, %dma_start3A_285] : memref<320x128xf32, #tpu.memory_space<vmem_shared>> -> memref<320x128xf32, #tpu.memory_space<vmem_shared>>
    tpu.enqueue_indirect_dma source(%dma_start3A_286 : memref<320x128xf32, #tpu.memory_space<vmem_shared>>) target(%dma_start3A_281 : memref<32x128xf32, #tpu.memory_space<vmem>>) offsets(%dma_start3A_283 : memref<32xi32, #tpu.memory_space<vmem>>) semaphore(%arg31 : memref<!tpu.dma_semaphore, #tpu.memory_space<semaphore_mem>>)
    %dma_wait3A_287 = arith.constant 0 : i32
    %dma_wait3A_288 = arith.constant 0 : i32
    %dma_wait3A_289 = tpu.memref_slice %arg16[%dma_wait3A_287, %dma_wait3A_288] : memref<32x128xf32, #tpu.memory_space<vmem>> -> memref<32x128xf32, #tpu.memory_space<vmem>>
    %dma_wait3A_290 = arith.constant 0 : i32
    %dma_wait3A_291 = tpu.memref_slice %arg20[%dma_wait3A_290] : memref<32xi32, #tpu.memory_space<vmem>> -> memref<32xi32, #tpu.memory_space<vmem>>
    %dma_wait3A_292 = arith.constant 0 : i32
    %dma_wait3A_293 = arith.constant 0 : i32
    %dma_wait3A_294 = tpu.memref_slice %arg10[%dma_wait3A_292, %dma_wait3A_293] : memref<320x128xf32, #tpu.memory_space<vmem_shared>> -> memref<320x128xf32, #tpu.memory_space<vmem_shared>>
    tpu.wait_indirect_dma semaphore(%arg31 : memref<!tpu.dma_semaphore, #tpu.memory_space<semaphore_mem>>) src(%dma_wait3A_294 : memref<320x128xf32, #tpu.memory_space<vmem_shared>>) dst(%dma_wait3A_289 : memref<32x128xf32, #tpu.memory_space<vmem>>)
    %scan3A_295 = arith.constant 0 : i32
    %scan3A_296 = arith.constant 0 : i32
    %scan3A_297 = arith.constant 8 : i32
    %scan3A_298 = arith.addi %scan3A_296, %scan3A_297 : i32
    %scan3A_299 = arith.constant 1 : i32
    scf.for %scan3A_305 = %scan3A_296 to %scan3A_298 step %scan3A_299  : i32 {
      %jit3A = arith.constant 4 : i32
      %div3A = arith.divsi %scan3A_305, %jit3A : i32
      %sign3A = arith.constant 0 : i32
      %sign3A_306 = arith.cmpi sgt, %scan3A_305, %sign3A : i32
      %sign3A_307 = arith.extui %sign3A_306 : i1 to i32
      %sign3A_308 = arith.constant 0 : i32
      %sign3A_309 = arith.cmpi slt, %scan3A_305, %sign3A_308 : i32
      %sign3A_310 = arith.extui %sign3A_309 : i1 to i32
      %sign3A_311 = arith.subi %sign3A_307, %sign3A_310 : i32
      %sign3A_312 = arith.constant 0 : i32
      %sign3A_313 = arith.cmpi sgt, %jit3A, %sign3A_312 : i32
      %sign3A_314 = arith.extui %sign3A_313 : i1 to i32
      %sign3A_315 = arith.constant 0 : i32
      %sign3A_316 = arith.cmpi slt, %jit3A, %sign3A_315 : i32
      %sign3A_317 = arith.extui %sign3A_316 : i1 to i32
      %sign3A_318 = arith.subi %sign3A_314, %sign3A_317 : i32
      %ne3A = arith.cmpi ne, %sign3A_311, %sign3A_318 : i32
      %rem3A = arith.remsi %scan3A_305, %jit3A : i32
      %ne3A_319 = arith.constant 0 : i32
      %ne3A_320 = arith.cmpi ne, %rem3A, %ne3A_319 : i32
      %and3A = arith.andi %ne3A, %ne3A_320 : i1
      %sub3A = arith.constant 1 : i32
      %sub3A_321 = arith.subi %div3A, %sub3A : i32
      %select_n3A = arith.select %and3A, %sub3A_321, %div3A : i32
      %mul3A_322 = arith.constant 16 : i32
      %mul3A_323 = arith.muli %select_n3A, %mul3A_322 : i32
      %add3A_324 = arith.constant 96 : i32
      %add3A_325 = arith.addi %add3A_324, %mul3A_323 : i32
      %get3A = arith.index_cast %add3A_325 : i32 to index
      %get3A_326 = tpu.vector_load %arg27[%get3A] {strides = array<i32>} : memref<128xi32, #tpu.memory_space<vmem>>, vector<16xi32>,
      %jit3A_327 = arith.constant 4 : i32
      %div3A_328 = vector.broadcast %jit3A_327 : i32 to vector<16xi32>
      %div3A_329 = arith.divsi %iota3A, %div3A_328 : vector<16xi32>
      %sign3A_330 = arith.constant 0 : i32
      %sign3A_331 = vector.broadcast %sign3A_330 : i32 to vector<16xi32>
      %sign3A_332 = arith.cmpi sgt, %iota3A, %sign3A_331 : vector<16xi32>
      %sign3A_333 = arith.extui %sign3A_332 : vector<16xi1> to vector<16xi32>
      %sign3A_334 = arith.constant 0 : i32
      %sign3A_335 = vector.broadcast %sign3A_334 : i32 to vector<16xi32>
      %sign3A_336 = arith.cmpi slt, %iota3A, %sign3A_335 : vector<16xi32>
      %sign3A_337 = arith.extui %sign3A_336 : vector<16xi1> to vector<16xi32>
      %sign3A_338 = arith.subi %sign3A_333, %sign3A_337 : vector<16xi32>
      %sign3A_339 = arith.constant 0 : i32
      %sign3A_340 = arith.cmpi sgt, %jit3A_327, %sign3A_339 : i32
      %sign3A_341 = arith.extui %sign3A_340 : i1 to i32
      %sign3A_342 = arith.constant 0 : i32
      %sign3A_343 = arith.cmpi slt, %jit3A_327, %sign3A_342 : i32
      %sign3A_344 = arith.extui %sign3A_343 : i1 to i32
      %sign3A_345 = arith.subi %sign3A_341, %sign3A_344 : i32
      %ne3A_346 = vector.broadcast %sign3A_345 : i32 to vector<16xi32>
      %ne3A_347 = arith.cmpi ne, %sign3A_338, %ne3A_346 : vector<16xi32>
      %rem3A_348 = vector.broadcast %jit3A_327 : i32 to vector<16xi32>
      %rem3A_349 = arith.remsi %iota3A, %rem3A_348 : vector<16xi32>
      %ne3A_350 = arith.constant 0 : i32
      %ne3A_351 = vector.broadcast %ne3A_350 : i32 to vector<16xi32>
      %ne3A_352 = arith.cmpi ne, %rem3A_349, %ne3A_351 : vector<16xi32>
      %and3A_353 = arith.andi %ne3A_347, %ne3A_352 : vector<16xi1>
      %sub3A_354 = arith.constant 1 : i32
      %sub3A_355 = vector.broadcast %sub3A_354 : i32 to vector<16xi32>
      %sub3A_356 = arith.subi %div3A_329, %sub3A_355 : vector<16xi32>
      %select_n3A_357 = arith.select %and3A_353, %sub3A_356, %div3A_329 : vector<16xi1>, vector<16xi32>
      %mul3A_358 = arith.constant 4 : i32
      %mul3A_359 = arith.muli %mul3A_358, %scan3A_305 : i32
      %jit3A_360 = arith.constant 16 : i32
      %eq3A = arith.constant 0 : i32
      %eq3A_361 = arith.cmpi eq, %jit3A_360, %eq3A : i32
      %jit3A_362 = arith.constant 1 : i32
      %select_n3A_363 = arith.select %eq3A_361, %jit3A_362, %jit3A_360 : i32
      %rem3A_364 = arith.remsi %mul3A_359, %select_n3A_363 : i32
      %ne3A_365 = arith.constant 0 : i32
      %ne3A_366 = arith.cmpi ne, %rem3A_364, %ne3A_365 : i32
      %lt3A_367 = arith.constant 0 : i32
      %lt3A_368 = arith.cmpi slt, %rem3A_364, %lt3A_367 : i32
      %lt3A_369 = arith.constant 0 : i32
      %lt3A_370 = arith.cmpi slt, %select_n3A_363, %lt3A_369 : i32
      %ne3A_371 = arith.xori %lt3A_368, %lt3A_370 : i1
      %and3A_372 = arith.andi %ne3A_371, %ne3A_366 : i1
      %add3A_373 = arith.addi %rem3A_364, %select_n3A_363 : i32
      %select_n3A_374 = arith.select %and3A_372, %add3A_373, %rem3A_364 : i32
      %add3A_375 = vector.broadcast %select_n3A_374 : i32 to vector<16xi32>
      %add3A_376 = arith.addi %select_n3A_357, %add3A_375 : vector<16xi32>
      %reshape3A_377 = vector.shape_cast %add3A_376 : vector<16xi32> to vector<16x1xi32>
      %gather3A = vector.shape_cast %reshape3A_377 : vector<16x1xi32> to vector<16xi32>
      %gather3A_378 = tpu.dynamic_gather %get3A_326[%gather3A] in [0] : vector<16xi32>, vector<16xi32> -> vector<16xi32>
      %jit3A_379 = arith.constant 4 : i32
      %div3A_380 = vector.broadcast %jit3A_379 : i32 to vector<16xi32>
      %div3A_381 = arith.divsi %iota3A, %div3A_380 : vector<16xi32>
      %sign3A_382 = arith.constant 0 : i32
      %sign3A_383 = vector.broadcast %sign3A_382 : i32 to vector<16xi32>
      %sign3A_384 = arith.cmpi sgt, %iota3A, %sign3A_383 : vector<16xi32>
      %sign3A_385 = arith.extui %sign3A_384 : vector<16xi1> to vector<16xi32>
      %sign3A_386 = arith.constant 0 : i32
      %sign3A_387 = vector.broadcast %sign3A_386 : i32 to vector<16xi32>
      %sign3A_388 = arith.cmpi slt, %iota3A, %sign3A_387 : vector<16xi32>
      %sign3A_389 = arith.extui %sign3A_388 : vector<16xi1> to vector<16xi32>
      %sign3A_390 = arith.subi %sign3A_385, %sign3A_389 : vector<16xi32>
      %sign3A_391 = arith.constant 0 : i32
      %sign3A_392 = arith.cmpi sgt, %jit3A_379, %sign3A_391 : i32
      %sign3A_393 = arith.extui %sign3A_392 : i1 to i32
      %sign3A_394 = arith.constant 0 : i32
      %sign3A_395 = arith.cmpi slt, %jit3A_379, %sign3A_394 : i32
      %sign3A_396 = arith.extui %sign3A_395 : i1 to i32
      %sign3A_397 = arith.subi %sign3A_393, %sign3A_396 : i32
      %ne3A_398 = vector.broadcast %sign3A_397 : i32 to vector<16xi32>
      %ne3A_399 = arith.cmpi ne, %sign3A_390, %ne3A_398 : vector<16xi32>
      %rem3A_400 = vector.broadcast %jit3A_379 : i32 to vector<16xi32>
      %rem3A_401 = arith.remsi %iota3A, %rem3A_400 : vector<16xi32>
      %ne3A_402 = arith.constant 0 : i32
      %ne3A_403 = vector.broadcast %ne3A_402 : i32 to vector<16xi32>
      %ne3A_404 = arith.cmpi ne, %rem3A_401, %ne3A_403 : vector<16xi32>
      %and3A_405 = arith.andi %ne3A_399, %ne3A_404 : vector<16xi1>
      %sub3A_406 = arith.constant 1 : i32
      %sub3A_407 = vector.broadcast %sub3A_406 : i32 to vector<16xi32>
      %sub3A_408 = arith.subi %div3A_381, %sub3A_407 : vector<16xi32>
      %select_n3A_409 = arith.select %and3A_405, %sub3A_408, %div3A_381 : vector<16xi1>, vector<16xi32>
      %mul3A_410 = arith.constant 4 : i32
      %mul3A_411 = arith.muli %mul3A_410, %scan3A_305 : i32
      %add3A_412 = vector.broadcast %mul3A_411 : i32 to vector<16xi32>
      %add3A_413 = arith.addi %select_n3A_409, %add3A_412 : vector<16xi32>
      %and3A_414 = arith.constant 31 : i32
      %and3A_415 = vector.broadcast %and3A_414 : i32 to vector<16xi32>
      %and3A_416 = arith.andi %gather3A_378, %and3A_415 : vector<16xi32>
      %mul3A_417 = arith.constant 4 : i32
      %mul3A_418 = vector.broadcast %mul3A_417 : i32 to vector<16xi32>
      %mul3A_419 = arith.muli %and3A_416, %mul3A_418 : vector<16xi32>
      %and3A_420 = arith.constant 3 : i32
      %and3A_421 = vector.broadcast %and3A_420 : i32 to vector<16xi32>
      %and3A_422 = arith.andi %iota3A, %and3A_421 : vector<16xi32>
      %add3A_423 = arith.addi %mul3A_419, %and3A_422 : vector<16xi32>
      %gather3A_424 = tpu.vector_load_idx %arg16[%add3A_413, %add3A_423] : memref<32x128xf32, #tpu.memory_space<vmem>>[vector<16xi32>, vector<16xi32>], vector<16xf32>,
      %add3A_425 = arith.constant 24 : i32
      %add3A_426 = arith.addi %add3A_425, %scan3A_305 : i32
      %mul3A_427 = arith.constant 16 : i32
      %mul3A_428 = arith.muli %add3A_426, %mul3A_427 : i32
      %swap3A = arith.index_cast %mul3A_428 : i32 to index
      %swap3A_429 = tpu.vector_load %arg28[%swap3A] {strides = array<i32>} : memref<512xf32, #tpu.memory_space<vmem>>, vector<16xf32>,
      tpu.vector_store %arg28[%swap3A], %gather3A_424 {strides = array<i32>} : memref<512xf32, #tpu.memory_space<vmem>>, vector<16xf32>,
    }
    %scan3A_300 = arith.constant 8 : i32
    %mul3A_301 = arith.constant 128 : i32
    %mul3A_302 = arith.muli %arg1, %mul3A_301 : i32
    %mul3A_303 = arith.constant 4 : i32
    %mul3A_304 = arith.muli %mul3A_302, %mul3A_303 : i32
    "tpu.region"() ({
      %run_scoped3A = tpu.sem_alloc : memref<!tpu.dma_semaphore, #tpu.memory_space<semaphore_mem>>
      %dma_start3A_305 = tpu.memref_slice %arg8[%arg0, %mul3A_304] : memref<2x8192xf32, #tpu.memory_space<hbm>> -> memref<1x512xf32, #tpu.memory_space<hbm>>
      %dma_start3A_306 = tpu.memref_squeeze %dma_start3A_305 : memref<1x512xf32, #tpu.memory_space<hbm>> -> memref<512xf32, #tpu.memory_space<hbm>>
      %dma_start3A_307 = tpu.memref_slice %arg8[%arg0, %mul3A_304] : memref<2x8192xf32, #tpu.memory_space<hbm>> -> memref<1x512xf32, #tpu.memory_space<hbm>>
      %dma_start3A_308 = tpu.memref_squeeze %dma_start3A_307 : memref<1x512xf32, #tpu.memory_space<hbm>> -> memref<512xf32, #tpu.memory_space<hbm>>
      tpu.enqueue_dma source(%arg28 : memref<512xf32, #tpu.memory_space<vmem>>) target(%dma_start3A_308 : memref<512xf32, #tpu.memory_space<hbm>>) target_semaphore(%run_scoped3A : memref<!tpu.dma_semaphore, #tpu.memory_space<semaphore_mem>>)
      %dma_wait3A_309 = tpu.memref_slice %arg8[%arg0, %mul3A_304] : memref<2x8192xf32, #tpu.memory_space<hbm>> -> memref<1x512xf32, #tpu.memory_space<hbm>>
      %dma_wait3A_310 = tpu.memref_squeeze %dma_wait3A_309 : memref<1x512xf32, #tpu.memory_space<hbm>> -> memref<512xf32, #tpu.memory_space<hbm>>
      %dma_wait3A_311 = tpu.memref_slice %arg8[%arg0, %mul3A_304] : memref<2x8192xf32, #tpu.memory_space<hbm>> -> memref<1x512xf32, #tpu.memory_space<hbm>>
      %dma_wait3A_312 = tpu.memref_squeeze %dma_wait3A_311 : memref<1x512xf32, #tpu.memory_space<hbm>> -> memref<512xf32, #tpu.memory_space<hbm>>
      tpu.wait_dma2 semaphore(%run_scoped3A : memref<!tpu.dma_semaphore, #tpu.memory_space<semaphore_mem>>) src(%arg28 : memref<512xf32, #tpu.memory_space<vmem>>) dst(%dma_wait3A_312 : memref<512xf32, #tpu.memory_space<hbm>>)
      tpu.yield
    }) : () -> ()
    return
  }
}

module attributes {stable_mosaic.version = 14 : i64} {
  func.func @_proj_body(%arg0: i32, %arg1: i32, %arg2: memref<1x2000x128xf32, #tpu.memory_space<vmem>>, %arg3: memref<1x128x128xf32, #tpu.memory_space<vmem>>, %arg4: memref<1x1x128xf32, #tpu.memory_space<vmem>>, %arg5: memref<2000x128xf32, #tpu.memory_space<vmem>>) attributes {dimension_semantics = [#tpu.dimension_semantics<arbitrary>, #tpu.dimension_semantics<arbitrary>], iteration_bounds = array<i64: 2, 5>, scalar_prefetch = 0 : i64, scratch_operands = 0 : i64, tpu.core_type = #tpu.core_type<tc>, window_params = [{transform_indices = @transform_0, window_bounds = array<i64: 1, 2000, 128>}, {transform_indices = @transform_1, window_bounds = array<i64: 1, 128, 128>}, {transform_indices = @transform_2, window_bounds = array<i64: 1, 1, 128>}, {transform_indices = @transform_3, window_bounds = array<i64: 2000, 128>}]} {
    %get3A = arith.constant 0 : index
    %get3A_0 = arith.constant 0 : index
    %get3A_1 = arith.constant 0 : index
    %get3A_2 = vector.load %arg2[%get3A, %get3A_0, %get3A_1] : memref<1x2000x128xf32, #tpu.memory_space<vmem>>, vector<1x2000x128xf32>
    %get3A_3 = vector.shape_cast %get3A_2 : vector<1x2000x128xf32> to vector<2000x128xf32>
    %get3A_4 = arith.constant 0 : index
    %get3A_5 = arith.constant 0 : index
    %get3A_6 = arith.constant 0 : index
    %get3A_7 = vector.load %arg3[%get3A_4, %get3A_5, %get3A_6] : memref<1x128x128xf32, #tpu.memory_space<vmem>>, vector<1x128x128xf32>
    %get3A_8 = vector.shape_cast %get3A_7 : vector<1x128x128xf32> to vector<128x128xf32>
    %dot_general3A = arith.constant dense<0.000000e+00> : vector<2000x128xf32>
    %dot_general3A_9 = tpu.matmul %get3A_3, %get3A_8, %dot_general3A {dimension_numbers = #tpu.dot_dimension_numbers<[1], [0], [0], [1], [0, 0, 1, 1], [], []>, transpose_lhs_hint = false} : vector<2000x128xf32>, vector<128x128xf32>, vector<2000x128xf32> -> vector<2000x128xf32>
    %get3A_10 = arith.constant 0 : index
    %get3A_11 = arith.constant 0 : index
    %get3A_12 = arith.constant 0 : index
    %get3A_13 = vector.load %arg4[%get3A_10, %get3A_11, %get3A_12] : memref<1x1x128xf32, #tpu.memory_space<vmem>>, vector<1x1x128xf32>
    %get3A_14 = vector.shape_cast %get3A_13 : vector<1x1x128xf32> to vector<1x128xf32>
    %add3A = vector.broadcast %get3A_14 : vector<1x128xf32> to vector<2000x128xf32>
    %add3A_15 = arith.addf %dot_general3A_9, %add3A : vector<2000x128xf32>
    %swap3A = arith.constant 0 : index
    %swap3A_16 = arith.constant 0 : index
    %swap3A_17 = vector.load %arg5[%swap3A, %swap3A_16] : memref<2000x128xf32, #tpu.memory_space<vmem>>, vector<2000x128xf32>
    tpu.vector_store %arg5[%swap3A, %swap3A_16], %add3A_15 {strides = array<i32>} : memref<2000x128xf32, #tpu.memory_space<vmem>>, vector<2000x128xf32>,
    return
  }
  func.func @transform_0(%arg0: i32, %arg1: i32) -> (i32, i32, i32) {
    %c0_i32 = arith.constant 0 : i32
    %c0_i32_0 = arith.constant 0 : i32
    return %arg0, %arg1, %c0_i32 : i32, i32, i32
  }
  func.func @transform_1(%arg0: i32, %arg1: i32) -> (i32, i32, i32) {
    %c0_i32 = arith.constant 0 : i32
    %c0_i32_0 = arith.constant 0 : i32
    %c0_i32_1 = arith.constant 0 : i32
    return %arg0, %c0_i32, %c0_i32_0 : i32, i32, i32
  }
  func.func @transform_2(%arg0: i32, %arg1: i32) -> (i32, i32, i32) {
    %c0_i32 = arith.constant 0 : i32
    %c0_i32_0 = arith.constant 0 : i32
    %c0_i32_1 = arith.constant 0 : i32
    return %arg0, %c0_i32, %c0_i32_0 : i32, i32, i32
  }
  func.func @transform_3(%arg0: i32, %arg1: i32) -> (i32, i32) {
    %mul3A = arith.constant 5 : i32
    %mul3A_0 = arith.muli %arg0, %mul3A : i32
    %add3A = arith.addi %mul3A_0, %arg1 : i32
    %c0_i32 = arith.constant 0 : i32
    %c0_i32_1 = arith.constant 0 : i32
    return %add3A, %c0_i32 : i32, i32
  }
}

module attributes {stable_mosaic.version = 14 : i64} {
  func.func @_latent_body(%arg0: i32, %arg1: i32, %arg2: memref<1x1280x128xf32, #tpu.memory_space<vmem>>, %arg3: memref<1x128x128xf32, #tpu.memory_space<vmem>>, %arg4: memref<1x1x128xf32, #tpu.memory_space<vmem>>, %arg5: memref<1x1280x128xf32, #tpu.memory_space<vmem>>) attributes {dimension_semantics = [#tpu.dimension_semantics<arbitrary>, #tpu.dimension_semantics<arbitrary>], iteration_bounds = array<i64: 2, 8>, scalar_prefetch = 0 : i64, scratch_operands = 0 : i64, tpu.core_type = #tpu.core_type<tc>, window_params = [{transform_indices = @transform_0, window_bounds = array<i64: 1, 1280, 128>}, {transform_indices = @transform_1, window_bounds = array<i64: 1, 128, 128>}, {transform_indices = @transform_2, window_bounds = array<i64: 1, 1, 128>}, {transform_indices = @transform_3, window_bounds = array<i64: 1, 1280, 128>}]} {
    %get3A = arith.constant 0 : index
    %get3A_0 = arith.constant 0 : index
    %get3A_1 = arith.constant 0 : index
    %get3A_2 = vector.load %arg2[%get3A, %get3A_0, %get3A_1] : memref<1x1280x128xf32, #tpu.memory_space<vmem>>, vector<1x1280x128xf32>
    %get3A_3 = vector.shape_cast %get3A_2 : vector<1x1280x128xf32> to vector<1280x128xf32>
    %get3A_4 = arith.constant 0 : index
    %get3A_5 = arith.constant 0 : index
    %get3A_6 = arith.constant 0 : index
    %get3A_7 = vector.load %arg3[%get3A_4, %get3A_5, %get3A_6] : memref<1x128x128xf32, #tpu.memory_space<vmem>>, vector<1x128x128xf32>
    %get3A_8 = vector.shape_cast %get3A_7 : vector<1x128x128xf32> to vector<128x128xf32>
    %dot_general3A = arith.constant dense<0.000000e+00> : vector<1280x128xf32>
    %dot_general3A_9 = tpu.matmul %get3A_3, %get3A_8, %dot_general3A {dimension_numbers = #tpu.dot_dimension_numbers<[1], [0], [0], [1], [0, 0, 1, 1], [], []>, transpose_lhs_hint = false} : vector<1280x128xf32>, vector<128x128xf32>, vector<1280x128xf32> -> vector<1280x128xf32>
    %get3A_10 = arith.constant 0 : index
    %get3A_11 = arith.constant 0 : index
    %get3A_12 = arith.constant 0 : index
    %get3A_13 = vector.load %arg4[%get3A_10, %get3A_11, %get3A_12] : memref<1x1x128xf32, #tpu.memory_space<vmem>>, vector<1x1x128xf32>
    %get3A_14 = vector.shape_cast %get3A_13 : vector<1x1x128xf32> to vector<1x128xf32>
    %add3A = vector.broadcast %get3A_14 : vector<1x128xf32> to vector<1280x128xf32>
    %add3A_15 = arith.addf %dot_general3A_9, %add3A : vector<1280x128xf32>
    %tanh3A = math.tanh %add3A_15 : vector<1280x128xf32>
    %swap3A = arith.constant 0 : index
    %swap3A_16 = arith.constant 0 : index
    %swap3A_17 = arith.constant 0 : index
    %swap3A_18 = vector.load %arg5[%swap3A, %swap3A_16, %swap3A_17] : memref<1x1280x128xf32, #tpu.memory_space<vmem>>, vector<1x1280x128xf32>
    %swap3A_19 = vector.shape_cast %swap3A_18 : vector<1x1280x128xf32> to vector<1280x128xf32>
    %swap3A_20 = vector.shape_cast %tanh3A : vector<1280x128xf32> to vector<1x1280x128xf32>
    tpu.vector_store %arg5[%swap3A, %swap3A_16, %swap3A_17], %swap3A_20 {strides = array<i32>} : memref<1x1280x128xf32, #tpu.memory_space<vmem>>, vector<1x1280x128xf32>,
    return
  }
  func.func @transform_0(%arg0: i32, %arg1: i32) -> (i32, i32, i32) {
    %c0_i32 = arith.constant 0 : i32
    %c0_i32_0 = arith.constant 0 : i32
    return %arg0, %arg1, %c0_i32 : i32, i32, i32
  }
  func.func @transform_1(%arg0: i32, %arg1: i32) -> (i32, i32, i32) {
    %c0_i32 = arith.constant 0 : i32
    %c0_i32_0 = arith.constant 0 : i32
    %c0_i32_1 = arith.constant 0 : i32
    return %arg0, %c0_i32, %c0_i32_0 : i32, i32, i32
  }
  func.func @transform_2(%arg0: i32, %arg1: i32) -> (i32, i32, i32) {
    %c0_i32 = arith.constant 0 : i32
    %c0_i32_0 = arith.constant 0 : i32
    %c0_i32_1 = arith.constant 0 : i32
    return %arg0, %c0_i32, %c0_i32_0 : i32, i32, i32
  }
  func.func @transform_3(%arg0: i32, %arg1: i32) -> (i32, i32, i32) {
    %c0_i32 = arith.constant 0 : i32
    %c0_i32_0 = arith.constant 0 : i32
    return %arg0, %arg1, %c0_i32 : i32, i32, i32
  }
}

module attributes {stable_mosaic.version = 14 : i64} {
  func.func @_final_body(%arg0: i32, %arg1: memref<1x2048x128xf32, #tpu.memory_space<vmem>>, %arg2: memref<1x2048x4xf32, #tpu.memory_space<vmem>>, %arg3: memref<4x128xf32, #tpu.memory_space<vmem>>, %arg4: memref<1x128x64xf32, #tpu.memory_space<vmem>>, %arg5: memref<1x1x64xf32, #tpu.memory_space<vmem>>, %arg6: memref<1x2048x64xf32, #tpu.memory_space<vmem>>) attributes {dimension_semantics = [#tpu.dimension_semantics<arbitrary>], iteration_bounds = array<i64: 2>, scalar_prefetch = 0 : i64, scratch_operands = 0 : i64, tpu.core_type = #tpu.core_type<tc>, window_params = [{transform_indices = @transform_0, window_bounds = array<i64: 1, 2048, 128>}, {transform_indices = @transform_1, window_bounds = array<i64: 1, 2048, 4>}, {pipeline_mode = #tpu.pipeline_mode<synchronous>, transform_indices = @transform_2, window_bounds = array<i64: 4, 128>}, {transform_indices = @transform_3, window_bounds = array<i64: 1, 128, 64>}, {transform_indices = @transform_4, window_bounds = array<i64: 1, 1, 64>}, {transform_indices = @transform_5, window_bounds = array<i64: 1, 2048, 64>}]} {
    %get3A = arith.constant 0 : index
    %get3A_0 = arith.constant 0 : index
    %get3A_1 = arith.constant 0 : index
    %get3A_2 = vector.load %arg2[%get3A, %get3A_0, %get3A_1] : memref<1x2048x4xf32, #tpu.memory_space<vmem>>, vector<1x2048x4xf32>
    %get3A_3 = vector.shape_cast %get3A_2 : vector<1x2048x4xf32> to vector<2048x4xf32>
    %get3A_4 = arith.constant 0 : index
    %get3A_5 = arith.constant 0 : index
    %get3A_6 = vector.load %arg3[%get3A_4, %get3A_5] : memref<4x128xf32, #tpu.memory_space<vmem>>, vector<4x128xf32>
    %dot_general3A = arith.constant dense<0.000000e+00> : vector<2048x128xf32>
    %dot_general3A_7 = tpu.matmul %get3A_3, %get3A_6, %dot_general3A {dimension_numbers = #tpu.dot_dimension_numbers<[1], [0], [0], [1], [0, 0, 1, 1], [], []>, transpose_lhs_hint = false} : vector<2048x4xf32>, vector<4x128xf32>, vector<2048x128xf32> -> vector<2048x128xf32>
    %get3A_8 = arith.constant 0 : index
    %get3A_9 = arith.constant 0 : index
    %get3A_10 = arith.constant 0 : index
    %get3A_11 = vector.load %arg1[%get3A_8, %get3A_9, %get3A_10] : memref<1x2048x128xf32, #tpu.memory_space<vmem>>, vector<1x2048x128xf32>
    %get3A_12 = vector.shape_cast %get3A_11 : vector<1x2048x128xf32> to vector<2048x128xf32>
    %add3A = arith.constant 9.99999971E-10 : f32
    %add3A_13 = vector.broadcast %add3A : f32 to vector<2048x128xf32>
    %add3A_14 = arith.addf %dot_general3A_7, %add3A_13 : vector<2048x128xf32>
    %div3A = arith.divf %get3A_12, %add3A_14 : vector<2048x128xf32>
    %get3A_15 = arith.constant 0 : index
    %get3A_16 = arith.constant 0 : index
    %get3A_17 = arith.constant 0 : index
    %get3A_18 = vector.load %arg4[%get3A_15, %get3A_16, %get3A_17] : memref<1x128x64xf32, #tpu.memory_space<vmem>>, vector<1x128x64xf32>
    %get3A_19 = vector.shape_cast %get3A_18 : vector<1x128x64xf32> to vector<128x64xf32>
    %dot_general3A_20 = arith.constant dense<0.000000e+00> : vector<2048x64xf32>
    %dot_general3A_21 = tpu.matmul %div3A, %get3A_19, %dot_general3A_20 {dimension_numbers = #tpu.dot_dimension_numbers<[1], [0], [0], [1], [0, 0, 1, 1], [], []>, transpose_lhs_hint = false} : vector<2048x128xf32>, vector<128x64xf32>, vector<2048x64xf32> -> vector<2048x64xf32>
    %get3A_22 = arith.constant 0 : index
    %get3A_23 = arith.constant 0 : index
    %get3A_24 = arith.constant 0 : index
    %get3A_25 = vector.load %arg5[%get3A_22, %get3A_23, %get3A_24] : memref<1x1x64xf32, #tpu.memory_space<vmem>>, vector<1x1x64xf32>
    %get3A_26 = vector.shape_cast %get3A_25 : vector<1x1x64xf32> to vector<1x64xf32>
    %add3A_27 = vector.broadcast %get3A_26 : vector<1x64xf32> to vector<2048x64xf32>
    %add3A_28 = arith.addf %dot_general3A_21, %add3A_27 : vector<2048x64xf32>
    %swap3A = arith.constant 0 : index
    %swap3A_29 = arith.constant 0 : index
    %swap3A_30 = arith.constant 0 : index
    %swap3A_31 = vector.load %arg6[%swap3A, %swap3A_29, %swap3A_30] : memref<1x2048x64xf32, #tpu.memory_space<vmem>>, vector<1x2048x64xf32>
    %swap3A_32 = vector.shape_cast %swap3A_31 : vector<1x2048x64xf32> to vector<2048x64xf32>
    %swap3A_33 = vector.shape_cast %add3A_28 : vector<2048x64xf32> to vector<1x2048x64xf32>
    tpu.vector_store %arg6[%swap3A, %swap3A_29, %swap3A_30], %swap3A_33 {strides = array<i32>} : memref<1x2048x64xf32, #tpu.memory_space<vmem>>, vector<1x2048x64xf32>,
    return
  }
  func.func @transform_0(%arg0: i32) -> (i32, i32, i32) {
    %c0_i32 = arith.constant 0 : i32
    %c0_i32_0 = arith.constant 0 : i32
    %c0_i32_1 = arith.constant 0 : i32
    return %arg0, %c0_i32, %c0_i32_0 : i32, i32, i32
  }
  func.func @transform_1(%arg0: i32) -> (i32, i32, i32) {
    %c0_i32 = arith.constant 0 : i32
    %c0_i32_0 = arith.constant 0 : i32
    %c0_i32_1 = arith.constant 0 : i32
    return %arg0, %c0_i32, %c0_i32_0 : i32, i32, i32
  }
  func.func @transform_2(%arg0: i32) -> (i32, i32) {
    %c0_i32 = arith.constant 0 : i32
    %c0_i32_0 = arith.constant 0 : i32
    %c0_i32_1 = arith.constant 0 : i32
    return %c0_i32, %c0_i32_0 : i32, i32
  }
  func.func @transform_3(%arg0: i32) -> (i32, i32, i32) {
    %c0_i32 = arith.constant 0 : i32
    %c0_i32_0 = arith.constant 0 : i32
    %c0_i32_1 = arith.constant 0 : i32
    return %arg0, %c0_i32, %c0_i32_0 : i32, i32, i32
  }
  func.func @transform_4(%arg0: i32) -> (i32, i32, i32) {
    %c0_i32 = arith.constant 0 : i32
    %c0_i32_0 = arith.constant 0 : i32
    %c0_i32_1 = arith.constant 0 : i32
    return %arg0, %c0_i32, %c0_i32_0 : i32, i32, i32
  }
  func.func @transform_5(%arg0: i32) -> (i32, i32, i32) {
    %c0_i32 = arith.constant 0 : i32
    %c0_i32_0 = arith.constant 0 : i32
    %c0_i32_1 = arith.constant 0 : i32
    return %arg0, %c0_i32, %c0_i32_0 : i32, i32, i32
  }
}

</mosaic_0001>

<sc_bundles>
// kernel: kernel.10.cloned.1.call-start
scs
__scs_entry_jumppad:
0x0: {  	(pc) =	sbr.rel $0x88, $3  }
0x1: {  	(tag) =	ssettag $0x0;
	lr =	simm.s32 $0x1  }
0x2: {  	[smem:$0x3F8F] =	sst lr;
	_ =	strace $0xD0000000  }
0x3: {  	_ = 	snop  }
0x4: {  	_ = 	snop  }
0x5: {  	_ = 	snop  }
0x6: {  	_ = 	snop  }
0x7: {  	_ = 	snop  }
__scs_overlays_trampoline_lowered:
0x8: {  	[smem:$0x3F9E] =	sst s0  }
0x9: {  	[smem:$0x3F9F] =	sst s1  }
0xa: {  	[smem:$0x3FA0] =	sst s2  }
0xb: {  	[smem:$0x3FA1] =	sst s3  }
0xc: {  	[smem:$0x3FA2] =	sst s4  }
0xd: {  	[smem:$0x3FA3] =	sst s5  }
0xe: {  	[smem:$0x3FA4] =	sst s6  }
0xf: {  	[smem:$0x3FA5] =	sst s7  }
0x10: {  	[smem:$0x3FA6] =	sst s8  }
0x11: {  	[smem:$0x3FA7] =	sst s9;
	s0 =	simm.s32 @!p0 $0x0  }
0x12: {  	s1 =	sld [smem:$0x3F8D];
	s0 =	simm.s32 @p0 $0x1  }
0x13: {  	[smem:$0x3FA8] =	sst s0;
	s0 =	simm.s32 @!p1 $0x0  }
0x14: {  	s2 =	sld [smem:$0x3F8C];
	s0 =	simm.s32 @p1 $0x1  }
0x15: {  	[smem:$0x3FA9] =	sst s0;
	s0 =	simm.s32 @!p2 $0x0  }
0x16: {  	s3 =	sld [smem:$0x3FDB];
	s0 =	simm.s32 @p2 $0x1  }
0x17: {  	s4 =	simm.s32 $0x1BF5;
	[smem:$0x3FAB] =	sst s0  }
0x18: {  	s0 =	sld [smem:$0x3F8E];
	_ =	swait.ge [sflag:s4], $0x0  }
0x19: {  	s7 =	sld [smem:$0x3F8F]  }
0x1a: {  	s8 =	sadd.s32 $0xFFFFE003, lr  }
0x1b: {  	s9 =	sadd.s32 $0xFFFFFEF7, lr;
	s5 =	simm.s32 $0xFFFFFFFF;
	p2 =	slt.u32 s8, $0xFFFFF086  }
0x1c: {  	p1 =	slt.u32 s9, $0xF7A;
	s5 =	simm.s32 @!p2 $0x0  }
0x1d: {  	s5 =	simm.s32 @p1 $0x1;
	p0 =	seq.s32 s7, s2  }
0x1e: {  	s7 =	smul.u32 @!p0 $0xF7A, s2;
	p2 =	seq.s32 @!p0 s5, $0x0  }
0x1f: {  	s9 =	smul.u32 $0xF7A, s1;
	s8 =	simm.s32 @!p0 $0x1BF5;
	p2 =	por !p2, p0  }
0x20: {  	[sflag:s8] =	ssyncset.s32 @!p0 $0xFFFFF086;
	s6 =	sadd.s32 @!p0 s3, s7;
	s7 =	simm.s32 @!p0 $0x108  }
0x21: {  	s3 =	sadd.s32 s3, s9;
	s6 =	sadd.s32 @!p0 $0x88, s6;
	s7 =	simm.s32 @p2 $0x1082  }
0x22: {  	[simem:s7], [sflag:s8] =	dma.local @!p0 [hbm:s6], $0xF7A  }
0x23: {  	s9 =	sor.u32 $0xD0000000, s2;
	s6 =	simm.s32 $0x108;
	_ =	swait.ge @!p0 [sflag:s8], $0x0  }
0x24: {  	s3 =	sadd.s32 $0x88, s3;
	s6 =	simm.s32 @!p1 $0x1082;
	[sflag:s4] =	ssyncset.s32 $0xFFFFF086  }
0x25: {  	[simem:s6], [sflag:s4] =	dma.local [hbm:s3], $0xF7A  }
0x26: {  	[smem:$0x3F8F] =	sst s1;
	(tag) =	ssettag s2;
	_ =	strace s9  }
0x27: {  	s1 =	sld [smem:$0x3F9F]  }
0x28: {  	s2 =	sld [smem:$0x3FA0]  }
0x29: {  	s4 =	sld [smem:$0x3FA2]  }
0x2a: {  	p0 =	seq.s32 s5, $0x0;
	s5 =	sld [smem:$0x3FA3]  }
0x2b: {  	s6 =	sld [smem:$0x3FA4]  }
0x2c: {  	s7 =	sld [smem:$0x3FA5]  }
0x2d: {  	s3 =	simm.s32 $0x108;
	s8 =	sld [smem:$0x3FA6]  }
0x2e: {  	s3 =	simm.s32 @!p0 $0x1082;
	s9 =	sld [smem:$0x3FA7]  }
0x2f: {  	lr =	sadd.s32 s0, s3;
	s0 =	sld [smem:$0x3F9E]  }
0x30: {  	s3 =	sld [smem:$0x3FA1]  }
0x31: {  	[smem:$0x3FAA] =	sst s10  }
0x32: {  	s10 =	sld [smem:$0x3FA8];
	_ =	sdelay $0x3  }
0x33: {  	p0 =	seq.s32 s10, $0x1;
	s10 =	sld [smem:$0x3FAA];
	_ =	sdelay $0x3  }
0x34: {  	[smem:$0x3FAA] =	sst s10  }
0x35: {  	s10 =	sld [smem:$0x3FA9];
	_ =	sdelay $0x3  }
0x36: {  	p1 =	seq.s32 s10, $0x1;
	s10 =	sld [smem:$0x3FAA];
	_ =	sdelay $0x3  }
0x37: {  	[smem:$0x3FAA] =	sst s10  }
0x38: {  	s10 =	sld [smem:$0x3FAB]  }
0x39: {  	_ = 	snop;
	(pc) =	sbr.ind lr, $3  }
0x3a: {  	_ = 	snop  }
0x3b: {  	_ = 	snop  }
0x3c: {  	p2 =	seq.s32 s10, $0x1;
	s10 =	sld [smem:$0x3FAA]  }
0x3d: {  	_ =	shalt  }
0x3e: {  	_ =	shalt  }
0x3f: {  	_ =	shalt  }
0x40: {  	_ =	shalt  }
0x41: {  	_ =	shalt  }
0x42: {  	_ =	shalt  }
0x43: {  	_ =	shalt  }
0x44: {  	_ =	shalt  }
0x45: {  	_ =	shalt  }
0x46: {  	_ =	shalt  }
0x47: {  	_ =	shalt  }
0x48: {  	_ =	shalt  }
0x49: {  	_ =	shalt  }
0x4a: {  	_ =	shalt  }
0x4b: {  	_ =	shalt  }
0x4c: {  	_ =	shalt  }
0x4d: {  	_ =	shalt  }
0x4e: {  	_ =	shalt  }
0x4f: {  	_ =	shalt  }
0x50: {  	_ =	shalt  }
0x51: {  	_ =	shalt  }
0x52: {  	_ =	shalt  }
0x53: {  	_ =	shalt  }
0x54: {  	_ =	shalt  }
0x55: {  	_ =	shalt  }
0x56: {  	_ =	shalt  }
0x57: {  	_ =	shalt  }
0x58: {  	_ =	shalt  }
0x59: {  	_ =	shalt  }
0x5a: {  	_ =	shalt  }
0x5b: {  	_ =	shalt  }
0x5c: {  	_ =	shalt  }
0x5d: {  	_ =	shalt  }
0x5e: {  	_ =	shalt  }
0x5f: {  	_ =	shalt  }
0x60: {  	_ =	shalt  }
0x61: {  	_ =	shalt  }
0x62: {  	_ =	shalt  }
0x63: {  	_ =	shalt  }
0x64: {  	_ =	shalt  }
0x65: {  	_ =	shalt  }
0x66: {  	_ =	shalt  }
0x67: {  	_ =	shalt  }
0x68: {  	_ =	shalt  }
0x69: {  	_ =	shalt  }
0x6a: {  	_ =	shalt  }
0x6b: {  	_ =	shalt  }
0x6c: {  	_ =	shalt  }
0x6d: {  	_ =	shalt  }
0x6e: {  	_ =	shalt  }
0x6f: {  	_ =	shalt  }
0x70: {  	_ =	shalt  }
0x71: {  	_ =	shalt  }
0x72: {  	_ =	shalt  }
0x73: {  	_ =	shalt  }
0x74: {  	_ =	shalt  }
0x75: {  	_ =	shalt  }
0x76: {  	_ =	shalt  }
0x77: {  	_ =	shalt  }
0x78: {  	_ =	shalt  }
0x79: {  	_ =	shalt  }
0x7a: {  	_ =	shalt  }
0x7b: {  	_ =	shalt  }
0x7c: {  	_ =	shalt  }
0x7d: {  	_ =	shalt  }
0x7e: {  	_ =	shalt  }
0x7f: {  	_ =	shalt  }
0x80: {  	_ =	shalt  }
0x81: {  	_ =	shalt  }
0x82: {  	_ =	shalt  }
0x83: {  	_ =	shalt  }
0x84: {  	_ =	shalt  }
0x85: {  	_ =	shalt  }
0x86: {  	_ =	shalt  }
0x87: {  	_ =	shalt  }
.Lfunc_end0:
.L_simem_size_0:
called_computation.1_lowered:
.L_overlay_start_0:
0x88: {  	s2 =	sld [smem:$0x3FD9]  }
0x89: {  	s3 =	sld [smem:$0x3FFE];
	_ =	sdelay $0x1  }
0x8a: {  	s1 =	srdreg.scid  }
0x8b: {  	s0 =	sand.u32 $0x1, s1  }
0x8c: {  	s14 =	sshll.u32 s0, $0xA;
	s2 =	sadd.s32 s3, s2  }
0x8d: {  	s2 =	sadd.s32 s2, s14  }
0x8e: {  	[smem:$0x3FB6] =	sst s2  }
0x8f: {  	_ = 	snop  }
0x90: {  	s2 =	sld [smem:$0x3FD0];
	_ =	sdelay $0x2  }
0x91: {  	s15 =	simm.s32 $0xA;
	s4 =	simm.s32 $0x10  }
0x92: {  	[smem:s4], [sflag:s15] =	dma.local [hbm:s2], $0x1  }
0x93: {  	_ =	swait.eq [sflag:s15], $0x1  }
0x94: {  	[sflag:s15] =	ssyncset.done $0x0  }
0x95: {  	s16 =	sld [smem:$0x10];
	[sflag:s15] =	ssyncadd.s32 $0xFFFFFFFF  }
0x96: {  	s17 =	sld [smem:$0x11];
	(tm) =	ssettm $0x1  }
0x97: {  	s18 =	sld [smem:$0x3FFB];
	_ =	sdelay $0x3  }
0x98: {  	_ =	strace s18  }
0x99: {  	s4 =	sld [smem:$0x3FFC];
	_ =	sdelay $0x3  }
0x9a: {  	_ =	strace s4  }
0x9b: {  	s4 =	sld [smem:$0x3FFD];
	_ =	sdelay $0x3  }
0x9c: {  	_ =	strace s4  }
0x9d: {  	_ =	strace $0x8FFFFFFF  }
0x9e: {  	s19 =	sld [smem:$0x3FDB];
	_ =	sdelay $0x1  }
0x9f: {  	s5 =	simm.s32 $_scs_section_size  }
0xa0: {  	s6 =	simm.s32 $_size__tile_overlayer_lowered;
	s7 =	simm.s32 $_tile_overlayer_lowered  }
0xa1: {  	s22 =	simm.s32 $0x1BFF;
	s21 =	sshll.u32 s7, $0x1;
	s4 =	sadd.s32 s5, s19  }
0xa2: {  	s8 =	simm.s32 $0x0;
	s20 =	sshll.u32 s6, $0x1;
	s6 =	sadd.s32 s21, s4  }
0xa3: {  	[timem:s8], [sflag:s22] =	dma.local [hbm:s6], s20  }
0xa4: {  	_ =	swait.ge [sflag:s22], s20  }
0xa5: {  	s5 =	ssub.s32 $0x0, s20;
	[sflag:s22] =	ssyncset.done $0x0  }
0xa6: {  	[sflag:s22] =	ssyncadd.s32 s5;
	_ =	sdelay $0x1  }
0xa7: {  	s23 =	simm.s32 $0x1B8B  }
0xa8: {  	_ =	swait.ge [sflag:s23], $0x1  }
0xa9: {  	[sflag:s23] =	ssyncset.done $0x0  }
0xaa: {  	s25 =	simm.s32 $0x1B8E;
	s24 =	sld [smem:$0x3FFE];
	[sflag:s23] =	ssyncadd.s32 $0xFFFFFFFF  }
0xab: {  	s26 =	simm.s32 $execute0_lowered;
	[smem:$0x3FD2] =	sst s25  }
0xac: {  	s6 =	sshll.u32 s26, $0x1;
	_ =	strace $0x80000049;
	[dreg:$0x1] =	wrdreg $0xFFFFFFFF  }
0xad: {  	s28 =	simm.s32 $_size_execute0_lowered;
	s4 =	sadd.s32 s4, s6;
	[dreg:$0x0] =	wrdreg $0x0  }
0xae: {  	s6 =	sshll.u32 s28, $0x1;
	[dreg:$0x2] =	wrdreg s4  }
0xaf: {  	[dreg:$0x3] =	wrdreg s6  }
0xb0: {  	[dreg:$0x4] =	wrdreg $0xC0  }
0xb1: {  	_ =	task [dreg:s8], $0x5FFFF  }
0xb2: {  	[dreg:$0x1] =	wrdreg $0xFFFFFFFF  }
0xb3: {  	[dreg:$0x0] =	wrdreg $0x60  }
0xb4: {  	[dreg:$0x2] =	wrdreg s24  }
0xb5: {  	[dreg:$0x3] =	wrdreg s16  }
0xb6: {  	[dreg:$0x4] =	wrdreg s17  }
0xb7: {  	[dreg:$0x5] =	wrdreg $0x0  }
0xb8: {  	[dreg:$0x6] =	wrdreg $0x140000  }
0xb9: {  	[dreg:$0x7] =	wrdreg $0x9  }
0xba: {  	_ =	task.clear_ibuf [dreg:s8], $0x8FFFF;
	_ =	strace $0x90000049  }
0xbb: {  	s29 =	simm.s32 $0x9;
	_ =	strace $0x8000004B  }
0xbc: {  	_ =	swait.ge [sflag:s29], $0x1  }
0xbd: {  	[sflag:s29] =	ssyncadd.s32 $0xFFFFFFFF  }
0xbe: {  	_ =	strace $0x9000004B  }
0xbf: {  	_ =	sfence  }
0xc0: {  	s30 =	sld [smem:$0x0];
	_ =	sdelay $0x2  }
0xc1: {  	s31 =	sshll.u32 s1, $0xD;
	s1 =	sshrl.u32 s1, $0x2  }
0xc2: {  	s3 =	sand.u32 $0x4000, s31;
	s1 =	sadd.s32 s1, s30  }
0xc3: {  	s0 =	sor.u32 s3, s0;
	s1 =	sshll.u32 s1, $0x11  }
0xc4: {  	s0 =	sor.u32 s1, s0  }
0xc5: {  	s0 =	sadd.s32 $0x8F2B, s0  }
0xc6: {  	[sflag:s0] =	ssyncadd.remote.s32 $0x1  }
0xc7: {  	_ =	sfence.sel $0xFFFF  }
0xc8: {  	[dreg:$0x0] =	wrdreg $0xFFFFFFFF;
	(pc) =	sbr.abs _section_cstart, $3  }
0xc9: {  	[dreg:$0x1] =	wrdreg $0xFFFFFFFF  }
0xca: {  	_ =	task.clear_ibuf [dreg:s8], $0x2FFFF;
	_ =	strace $0x9FFFFFFF  }
0xcb: {  	(tm) =	ssettm $0x7FFFFFFF  }
tec
execute0_lowered:
.L_overlay_start_1:
0x0: {  	(tag) =	ssettag $0x1  }
0x1: {  	s0 =	rddreg [dreg:$0x0]  }
0x2: {  	s4 =	rddreg [dreg:$0x1]  }
0x3: {  	s8 =	rddreg [dreg:$0x2]  }
0x4: {  	s1 =	rddreg [dreg:$0x3]  }
0x5: {  	s2 =	rddreg [dreg:$0x4]  }
0x6: {  	s3 =	simm.s32 $0x0;
	s7 =	srdreg.scid;
	s19 =	stileid.u32  }
0x7: {  	s29 =	simm.s32 $0x14A00;
	s30 =	simm.s32 $0x14A80;
	s31 =	simm.s32 $0x1  }
0x8: {  	[smem:$0x7FF] =	sst s3;
	s5 =	sadd.s32 $0x2800, s0;
	s6 =	sadd.s32 $0xB4400, s0  }
0x9: {  	s9 =	sand.u32 $0x1, s7;
	s7 =	sadd.s32 $0xA0A00, s0;
	s12 =	smul.u32 $0x50000, s19  }
0xa: {  	s11 =	sshll.u32 s19, $0x7;
	s18 =	sadd.s32 $0x52800, s0;
	s15 =	smul.u32 $0x2800, s19  }
0xb: {  	s22 =	smul.u32 $0x4E40, s19;
	s23 =	sshll.u32 s19, $0x6;
	s24 =	sshll.u32 s19, $0xC  }
0xc: {  	s25 =	sshll.u32 s19, $0x9;
	p0 =	sgt.u32 s19, $0x9;
	s19 =	simm.s32 $0x2  }
0xd: {  	_ =	strace $0x8000004A;
	s10 =	sshll.u32 s9, $0xB;
	s14 =	ssub.s32 $0x2, s9  }
0xe: {  	s16 =	smul.u32 $0x4E400, s9;
	[dreg:$0x6] =	wrdreg s18;
	s20 =	sshll.u32 s9, $0x4  }
0xf: {  	s10 =	sor.u32 s11, s10;
	s21 =	sshrl.u32 s14, $0x1;
	s12 =	sshrl.u32 s12, $0x2  }
0x10: {  	s15 =	sadd.s32 s18, s15;
	s13 =	sshll.u32 s10, $0x4;
	s12 =	sadd.s32 s12, s1  }
0x11: {  	[dreg:$0x7] =	wrdreg s15;
	s15 =	sor.u32 $0x1C07, s23;
	s10 =	sshrl.u32 s10, $0x3  }
0x12: {  	s0 =	sadd.s32 s13, s0;
	s13 =	ssub.s32 s14, s21;
	[dreg:$0x8] =	wrdreg s15  }
0x13: {  	s14 =	sadd.s32 s22, s16;
	s15 =	sadd.s32 s24, s2;
	s16 =	sadd.s32 s18, s25  }
0x14: {  	s4 =	sadd.s32 s4, s10;
	s10 =	simm.s32 $0x6;
	[dreg:$0x9] =	wrdreg s16  }
0x15: {  	s17 =	sshrl.u32 s14, $0x3;
	[dreg:$0xc] =	wrdreg s4;
	s22 =	sadd.s32 $0x40, s14  }
0x16: {  	s16 =	smul.u32 $0x2800, s9;
	s23 =	sadd.s32 $0x7A800, s0;
	[dreg:$0x17] =	wrdreg s22  }
0x17: {  	s4 =	sadd.s32 s8, s20;
	s24 =	sadd.s32 $0x7AA00, s0;
	[dreg:$0x10] =	wrdreg s23  }
0x18: {  	v0 =	vimm.s32 $0xEFCDAB89;
	s25 =	sadd.s32 $0x7AC00, s0;
	s0 =	sadd.s32 $0x7AE00, s0;
	[dreg:$0x11] =	wrdreg s24  }
0x19: {  	v1 =	vimm.s32 $0x67452301;
	v2 =	vimm.s32 $0xDCFE98BA;
	s20 =	simm.s32 $0x7;
	s9 =	simm.s32 $0x15C00;
	[dreg:$0x12] =	wrdreg s25  }
0x1a: {  	v3 =	vimm.s32 $0x54761032;
	vm2 =	vcmask $0x2F20;
	vm1 =	vcmask $0x1F10;
	s8 =	simm.s32 $0x0;
	s26 =	sadd.s32 s6, s17;
	[dreg:$0x13] =	wrdreg s0  }
0x1b: {  	vm5 =	vmmov $0xf;
	v0 =	vunpack.c.l.s4.s8 v0;
	v1 =	vunpack.c.l.s4.s8 v1;
	s28 =	sadd.s32 s7, s17;
	s17 =	sor.u32 $0x4, s17;
	[dreg:$0xa] =	wrdreg s26  }
0x1c: {  	v7 =	vimm.s32 $0x0;
	v2 =	vunpack.c.l.s4.s8 v2;
	v3 =	vunpack.c.l.s4.s8 v3;
	s4 =	sadd.s32 s11, s4;
	s0 =	sshrl.u32 @!p0 s15, $0x3;
	[dreg:$0xb] =	wrdreg s28  }
0x1d: {  	v8 =	vimm.s32 $0x4;
	v0 =	vunpack.c.0.s8.s32 v0;
	v1 =	vunpack.c.0.s8.s32 v1;
	s11 =	simm.s32 $0x14B00;
	s22 =	simm.s32 $0x3;
	[dreg:$0xf] =	wrdreg s4  }
0x1e: {  	v11 =	vimm.s32 $0x0;
	v2 =	vunpack.c.0.s8.s32 v2;
	v3 =	vunpack.c.0.s8.s32 v3;
	s23 =	simm.s32 $0x5;
	s18 =	sadd.s32 s6, s17;
	[dreg:$0x16] =	wrdreg s0  }
0x1f: {  	v9 =	vimm.s32 $0x8;
	v11 =	vsel vm5, $0xFFFFFFFF, v11;
	v4 =	vcombine.low v1, v0;
	s21 =	sadd.s32 s7, s17;
	s26 =	smax.u32 s13, $0x1;
	[dreg:$0xd] =	wrdreg s18  }
0x20: {  	v5 =	vcombine.low v3, v2;
	v1 =	vlaneseq.u32;
	v2 =	vimm.s32 $0xC;
	s28 =	sshrl.u32 s12, $0x3;
	s0 =	simm.s32 $0x20;
	[dreg:$0xe] =	wrdreg s21  }
0x21: {  	v10 =	vadd.s32 $0x1, v1;
	v3 =	vand.u32 $0xF, v4;
	v4 =	vand.u32 $0x3, v1;
	s17 =	simm.s32 $0x14C00;
	s12 =	simm.s32 $0x14B80;
	[dreg:$0x14] =	wrdreg s26  }
0x22: {  	[tilespmem:$0x1FFF0] =	vst v11;
	v5 =	vand.u32 $0xF, v5;
	v0 =	vmov s16;
	v6 =	vmul.u32 $0x4, v4;
	s18 =	sadd.s32 $0x60, s14;
	[dreg:$0x15] =	wrdreg s28;
	s26 =	simm.s32 $0x4  }
.LBB2_1:
0x23: {  	[dreg:$0x18] =	wrdreg s8  }
0x24: {  	s4 =	rddreg [dreg:$0x7]  }
0x25: {  	s8 =	rddreg [dreg:$0x8]  }
0x26: {  	s13 =	rddreg [dreg:$0x15]  }
0x27: {  	[spmem:s13], [sflag:s8] =	dma.local [hbm:s4], $0x2800  }
0x28: {  	_ =	swait.ge [sflag:s20], $0x2800  }
0x29: {  	[sflag:s20] =	ssyncset.done $0x0;
	s4 =	rddreg [dreg:$0x9]  }
0x2a: {  	s13 =	rddreg [dreg:$0x16];
	[sflag:s20] =	ssyncadd.s32 $0xFFFFD800  }
0x2b: {  	[spmem:s13], [sflag:s8] =	dma.local @!p0 [hbm:s4], $0x200  }
0x2c: {  	s8 =	simm.s32 @!p0 $0x7  }
0x2d: {  	_ =	swait.ge @!p0 [sflag:s8], $0x200  }
0x2e: {  	[sflag:s8] =	ssyncset.done @!p0 $0x0  }
0x2f: {  	[sflag:s8] =	ssyncadd.s32 @!p0 $0xFFFFFE00  }
0x30: {  	[bflag:$0x0] =	sbarrier.arrive $0xFFFF  }
0x31: {  	s13 =	rddreg [dreg:$0xa]  }
0x32: {  	[tilespmem:s29], [sflag:$0x1] =	stream.linear.gather [hbm4b:s13+s3], $0x20, $0x38;
	[tilespmem:$0x1D080] =	vst v63  }
0x33: {  	s14 =	rddreg [dreg:$0xb]  }
0x34: {  	[tilespmem:s30], [sflag:$0x1] =	stream.linear.gather [hbm4b:s14+s3], $0x20, $0x38;
	[tilespmem:$0x1D080] =	vst v63  }
0x35: {  	_ =	swait.ge [sflag:s31], $0x20  }
0x36: {  	[sflag:s31] =	ssyncset.done $0x0  }
0x37: {  	[sflag:s31] =	ssyncadd.s32 $0xFFFFFFE0  }
0x38: {  	_ =	swait.ge [sflag:s31], $0x20  }
0x39: {  	[sflag:s31] =	ssyncset.done $0x0  }
0x3a: {  	[sflag:s31] =	ssyncadd.s32 $0xFFFFFFE0  }
0x3b: {  	[tilespmem:s17], [sflag:$0x3] =	stream.indirect.gather [hbm4b:s5+s0], $0x80, s29, s0, $0xb8;
	[tilespmem:$0x1D080] =	vst v63  }
0x3c: {  	_ = 	snop  }
0x3d: {  	[tilespmem:s9], [sflag:$0x3] =	stream.indirect.gather [hbm4b:s5+s0], $0x80, s30, s0, $0xb8;
	[tilespmem:$0x1D080] =	vst v63  }
0x3e: {  	s15 =	rddreg [dreg:$0xd]  }
0x3f: {  	[tilespmem:s11], [sflag:$0x2] =	stream.linear.gather [hbm4b:s15+s3], $0x20, $0x38;
	[tilespmem:$0x1D080] =	vst v63  }
0x40: {  	s16 =	rddreg [dreg:$0xe]  }
0x41: {  	[tilespmem:s12], [sflag:$0x2] =	stream.linear.gather [hbm4b:s16+s3], $0x20, $0x38;
	[tilespmem:$0x1D080] =	vst v63  }
0x42: {  	s21 =	simm.s32 $0x18E00;
	s20 =	rddreg [dreg:$0x6]  }
0x43: {  	[tilespmem:s21], [sflag:$0x5] =	stream.linear.gather [hbm4b:s20+s3], $0x1000, $0x38;
	[tilespmem:$0x1D080] =	vst v63  }
0x44: {  	s24 =	simm.s32 $0x19E00  }
0x45: {  	[tilespmem:s24], [sflag:$0x5] =	stream.linear.gather [hbm4b:s20+s3], $0x1000, $0x38;
	[tilespmem:$0x1D080] =	vst v63  }
0x46: {  	s25 =	simm.s32 $0x1AE00  }
0x47: {  	[tilespmem:s25], [sflag:$0x6] =	stream.linear.gather [hbm4b:s20+s3], $0x1000, $0x38;
	[tilespmem:$0x1D080] =	vst v63  }
0x48: {  	s28 =	simm.s32 $0x1BE00  }
0x49: {  	[tilespmem:s28], [sflag:$0x6] =	stream.linear.gather [hbm4b:s20+s3], $0x1000, $0x38;
	[tilespmem:$0x1D080] =	vst v63  }
0x4a: {  	s20 =	simm.s32 $0x0  }
.LBB2_2:
0x4b: {  	_ =	swait.ge [sflag:s19], $0x20  }
0x4c: {  	[sflag:s19] =	ssyncset.done $0x0  }
0x4d: {  	[sflag:s19] =	ssyncadd.s32 $0xFFFFFFE0  }
0x4e: {  	_ =	swait.ge [sflag:s19], $0x20  }
0x4f: {  	[sflag:s19] =	ssyncset.done $0x0  }
0x50: {  	s4 =	simm.s32 $0x16C00;
	[sflag:s19] =	ssyncadd.s32 $0xFFFFFFE0  }
0x51: {  	[tilespmem:s4], [sflag:$0x4] =	stream.indirect.gather [hbm4b:s5+s0], $0x80, s11, s0, $0xb8;
	[tilespmem:$0x1D080] =	vst v63  }
0x52: {  	s15 =	simm.s32 $0x17C00  }
0x53: {  	[tilespmem:s15], [sflag:$0x4] =	stream.indirect.gather [hbm4b:s5+s0], $0x80, s12, s0, $0xb8;
	[tilespmem:$0x1D080] =	vst v63  }
0x54: {  	_ =	swait.ge [sflag:s22], $0x1000  }
0x55: {  	[sflag:s22] =	ssyncset.done $0x0  }
0x56: {  	[sflag:s22] =	ssyncadd.s32 $0xFFFFF000  }
0x57: {  	_ =	swait.ge [sflag:s22], $0x1000  }
0x58: {  	[sflag:s22] =	ssyncset.done $0x0  }
0x59: {  	[sflag:s22] =	ssyncadd.s32 $0xFFFFF000  }
0x5a: {  	_ =	swait.ge [sflag:s23], $0x1000  }
0x5b: {  	[sflag:s23] =	ssyncset.done $0x0  }
0x5c: {  	[sflag:s23] =	ssyncadd.s32 $0xFFFFF000  }
0x5d: {  	_ =	swait.ge [sflag:s23], $0x1000  }
0x5e: {  	[sflag:s23] =	ssyncset.done $0x0  }
0x5f: {  	[sflag:s23] =	ssyncadd.s32 $0xFFFFF000  }
0x60: {  	v11 =	vld [tilespmem:$0x14A80];
	_ =	sdelay $0x1  }
0x61: {  	v12 =	vld [tilespmem:$0x14A90];
	_ =	sdelay $0x1  }
0x62: {  	s21 =	sshll.u32 s20, $0x1  }
0x63: {  	s8 =	smin.u32 s21, $0x26F;
	v11 =	vsub.s32 v11, v0  }
0x64: {  	s8 =	sshll.u32 s8, $0x5;
	s16 =	rddreg [dreg:$0x17];
	[tilespmem:$0x18C00] =	vst v11;
	v11 =	vshrl.u32 v11, $0x5  }
0x65: {  	s8 =	sadd.s32 s8, s16;
	[tilespmem:$0x18C80] =	vst v11;
	v11 =	vsub.s32 v12, v0  }
0x66: {  	s8 =	sshrl.u32 s8, $0x3;
	[tilespmem:$0x18C10] =	vst v11;
	v11 =	vshrl.u32 v11, $0x5  }
0x67: {  	s13 =	sadd.s32 s6, s8;
	[tilespmem:$0x18C90] =	vst v11  }
0x68: {  	[tilespmem:s29], [sflag:$0x1] =	stream.linear.gather [hbm4b:s13+s3], $0x20, $0x38;
	[tilespmem:$0x1D080] =	vst v63  }
0x69: {  	s24 =	simm.s32 $0x14C80;
	s8 =	sadd.s32 s7, s8  }
0x6a: {  	[tilespmem:s30], [sflag:$0x1] =	stream.linear.gather [hbm4b:s8+s3], $0x20, $0x38;
	[tilespmem:$0x1D080] =	vst v63  }
0x6b: {  	v21 =	vld [tilespmem:s24+$0x0]  }
0x6c: {  	s25 =	simm.s32 $0x15C80;
	v16 =	vld [tilespmem:s24+$0x10]  }
0x6d: {  	v11 =	vld [tilespmem:s25+$0x0]  }
0x6e: {  	v13 =	vld [tilespmem:s24+$0x20]  }
0x6f: {  	v22 =	vld [tilespmem:s24+$0x30]  }
0x70: {  	v12 =	vld [tilespmem:s25+$0x20]  }
0x71: {  	v26 =	vld [tilespmem:s24+$0x40]  }
0x72: {  	v25 =	vld [tilespmem:s24+$0x50]  }
0x73: {  	v24 =	vld [tilespmem:s24+$0x60]  }
0x74: {  	v23 =	vld [tilespmem:s24+$0x70]  }
0x75: {  	v14 =	vld [tilespmem:s25+$0x40]  }
0x76: {  	v15 =	vld [tilespmem:s25+$0x50]  }
0x77: {  	v17 =	vld [tilespmem:s25+$0x60]  }
0x78: {  	v18 =	vld [tilespmem:s25+$0x70]  }
0x79: {  	v19 =	vld [tilespmem:s25+$0x30]  }
0x7a: {  	v20 =	vld [tilespmem:s25+$0x10]  }
0x7b: {  	v11 =	vmul.f32 v11, v21  }
0x7c: {  	v14 =	vmul.f32 v14, v26;
	v15 =	vmul.f32 v15, v25  }
0x7d: {  	v28 =	vld [tilespmem:s24+$0xFFFFFFC0];
	v17 =	vmul.f32 v17, v24;
	v18 =	vmul.f32 v18, v23  }
0x7e: {  	v31 =	vld [tilespmem:s24+$0xFFFFFFD0];
	v12 =	vmul.f32 v12, v13;
	v19 =	vmul.f32 v19, v22  }
0x7f: {  	v29 =	vld [tilespmem:s24+$0xFFFFFFE0];
	v20 =	vmul.f32 v20, v16;
	v14 =	vadd.f32 v15, v14;
	v15 =	vadd.f32 v18, v17  }
0x80: {  	v30 =	vld [tilespmem:s24+$0xFFFFFFF0];
	v12 =	vadd.f32 v19, v12  }
0x81: {  	v36 =	vld [tilespmem:s25+$0xFFFFFFE0];
	v11 =	vadd.f32 v20, v11;
	v18 =	vperm.xlane v14, v3;
	v19 =	vperm.xlane v15, v3  }
0x82: {  	v32 =	vld [tilespmem:s24+$0xFFFFFFA0];
	v27 =	vperm.xlane v12, v3  }
0x83: {  	v37 =	vld [tilespmem:s25+$0xFFFFFFA0];
	v33 =	vperm.xlane v11, v3;
	v14 =	vadd.f32 v18, v14;
	v15 =	vadd.f32 v19, v15  }
0x84: {  	v17 =	vld [tilespmem:s25+$0xFFFFFFC0];
	v12 =	vadd.f32 v27, v12  }
0x85: {  	v20 =	vld [tilespmem:s25+$0xFFFFFFD0];
	v11 =	vadd.f32 v33, v11;
	v19 =	vperm.xlane v14, v5;
	v27 =	vperm.xlane v15, v5  }
0x86: {  	v18 =	vld [tilespmem:s25+$0xFFFFFFF0];
	v34 =	vperm.xlane v12, v5  }
0x87: {  	v33 =	vld [tilespmem:s24+$0xFFFFFFB0];
	v35 =	vperm.xlane v11, v5;
	v14 =	vadd.f32 v19, v14;
	v15 =	vadd.f32 v27, v15  }
0x88: {  	v19 =	vld [tilespmem:s25+$0xFFFFFFB0];
	v12 =	vadd.f32 v34, v12  }
0x89: {  	v34 =	vld [tilespmem:s24+$0xFFFFFF80];
	v11 =	vadd.f32 v35, v11;
	v14 =	vperm.xlane v14, v6;
	v15 =	vperm.xlane v15, v6  }
0x8a: {  	v35 =	vld [tilespmem:s24+$0xFFFFFF90];
	v12 =	vperm.xlane v12, v6  }
0x8b: {  	v27 =	vld [tilespmem:s25+$0xFFFFFF80];
	v11 =	vperm.xlane v11, v6;
	v14 =	vsel vm2, v14, v15  }
0x8c: {  	v18 =	vmul.f32 v18, v30;
	v15 =	vld [tilespmem:s25+$0xFFFFFF90];
	v12 =	vsel vm1, v12, v14  }
0x8d: {  	v14 =	vmul.f32 v17, v28;
	v17 =	vmul.f32 v20, v31;
	v11 =	vsel vm5, v11, v12  }
0x8e: {  	s24 =	simm.s32 $0x15D80;
	v12 =	vmul.f32 v36, v29;
	v20 =	vperm.xlane v11, v3  }
0x8f: {  	v50 =	vmul.f32 v37, v32;
	v54 =	vld [tilespmem:s24+$0x20];
	v14 =	vadd.f32 v17, v14;
	v17 =	vmul.f32 v19, v33  }
0x90: {  	v57 =	vld [tilespmem:s24+$0x40];
	v12 =	vadd.f32 v18, v12;
	v18 =	vmul.f32 v27, v34;
	v11 =	vadd.f32 v11, v20  }
0x91: {  	v40 =	vld [tilespmem:s24+$0x50];
	v15 =	vmul.f32 v15, v35;
	v19 =	vperm.xlane v14, v3  }
0x92: {  	v41 =	vld [tilespmem:s24+$0x60];
	v17 =	vadd.f32 v17, v50;
	v27 =	vperm.xlane v12, v3;
	v20 =	vperm.xlane v11, v5  }
0x93: {  	v58 =	vld [tilespmem:s24+$0x70];
	v15 =	vadd.f32 v15, v18;
	v14 =	vadd.f32 v19, v14  }
0x94: {  	v42 =	vld [tilespmem:s24+$0x30];
	v18 =	vperm.xlane v17, v3;
	v19 =	vadd.f32 v11, v20;
	v20 =	vadd.f32 v27, v12  }
0x95: {  	s4 =	simm.s32 $0x14D80;
	v45 =	vld [tilespmem:s24+$0x10];
	v27 =	vperm.xlane v15, v3  }
0x96: {  	v18 =	vadd.f32 v18, v17;
	v11 =	vld [tilespmem:s4+$0x10];
	v17 =	vmul.f32 $2.000000030e-01, v19;
	v52 =	vperm.xlane v20, v5  }
0x97: {  	v12 =	vld [tilespmem:s4+$0x0];
	v51 =	vperm.xlane v14, v5;
	v15 =	vadd.f32 v27, v15;
	vm0 =	vgt.f32 v19, $0.0e+00  }
0x98: {  	v27 =	vld [tilespmem:s24+$0x0];
	v38 =	vperm.xlane v18, v5;
	v17 =	vsel vm0, v19, v17;
	v19 =	vadd.f32 v52, v20  }
0x99: {  	v36 =	vadd.f32 v51, v14;
	v14 =	vld [tilespmem:s4+$0x20];
	v20 =	vperm.xlane v15, v5  }
0x9a: {  	v18 =	vadd.f32 v38, v18;
	v53 =	vmul.f32 $1.442695020e+00, v17;
	v39 =	vperm.xlane v19, v6;
	v19 =	vld [tilespmem:s4+$0x40]  }
0x9b: {  	v36 =	vperm.xlane v36, v6;
	v45 =	vmul.f32 v45, v11;
	v15 =	vadd.f32 v20, v15;
	v20 =	vld [tilespmem:s4+$0x50]  }
0x9c: {  	v55 =	vperm.xlane v18, v6;
	v18 =	vld [tilespmem:s4+$0x60];
	(erf) = vpow2.f32 v53  }
0x9d: {  	v27 =	vmul.f32 v27, v12;
	v36 =	vsel vm2, v36, v39;
	v56 =	vperm.xlane v15, v6;
	v15 =	vld [tilespmem:s4+$0x70]  }
0x9e: {  	v17 =	vld [tilespmem:s4+$0x30];
	v36 =	vsel vm1, v55, v36  }
0x9f: {  	v38 =	vmul.f32 v54, v14;
	v27 =	vadd.f32 v45, v27;
	v36 =	vsel vm5, v56, v36  }
0xa0: {  	v39 =	vperm.xlane v36, v3;
	v37 =	vmul.f32 v57, v19  }
0xa1: {  	v40 =	vmul.f32 v40, v20;
	v49 =	vperm.xlane v27, v3  }
0xa2: {  	v41 =	vmul.f32 v41, v18;
	v36 =	vadd.f32 v36, v39;
	v39 =	vmul.f32 v58, v15  }
0xa3: {  	v42 =	vmul.f32 v42, v17;
	v37 =	vadd.f32 v40, v37;
	v27 =	vadd.f32 v49, v27  }
0xa4: {  	v43 =	vperm.xlane v36, v5;
	v39 =	vadd.f32 v39, v41  }
0xa5: {  	v38 =	vadd.f32 v42, v38;
	v60 =	vperm.xlane v37, v3;
	v54 =	vperm.xlane v27, v5;
	v44 =	vpop (erf)  }
0xa6: {  	s8 =	simm.s32 $0x0;
	v46 =	vperm.xlane v44, v7;
	v36 =	vadd.f32 v36, v43;
	v61 =	vperm.xlane v39, v3  }
0xa7: {  	s15 =	sand.u32 $0x10, s8;
	v37 =	vadd.f32 v60, v37;
	v63 =	vperm.xlane v44, v8;
	v56 =	vperm.xlane v44, v9  }
0xa8: {  	s16 =	simm.s32 $0x1;
	v43 =	vld [tilespmem:s15+$0x18C00];
	v27 =	vadd.f32 v54, v27;
	v59 =	vmul.f32 $2.000000030e-01, v36;
	v48 =	vmul.f32 v46, v21  }
0xa9: {  	v62 =	vmov s16;
	v21 =	vperm.xlane v38, v3;
	v52 =	vperm.xlane v37, v5  }
0xaa: {  	v49 =	vld [tilespmem:s24+$0xFFFFFFC0];
	v39 =	vadd.f32 v61, v39;
	v40 =	vmul.f32 v46, v16;
	v27 =	vperm.xlane v27, v6  }
0xab: {  	v60 =	vld [tilespmem:s24+$0xFFFFFFD0];
	vm0 =	vgt.f32 v36, $0.0e+00;
	v41 =	vmul.f32 v56, v26;
	v45 =	vmul.f32 v56, v25  }
0xac: {  	v61 =	vld [tilespmem:s24+$0xFFFFFFF0];
	v21 =	vadd.f32 v21, v38;
	v53 =	vperm.xlane v39, v5;
	v36 =	vsel vm0, v36, v59  }
0xad: {  	v37 =	vadd.f32 v52, v37;
	v52 =	vld [tilespmem:s24+$0xFFFFFFB0];
	v51 =	vperm.xlane v43, v62;
	v36 =	vmul.f32 $1.442695020e+00, v36  }
0xae: {  	v16 =	vperm.xlane v21, v5;
	v55 =	vadd.f32 v53, v39;
	v39 =	vmul.f32 v63, v13;
	v13 =	vld [tilespmem:s4+$0xFFFFFFC0]  }
0xaf: {  	v59 =	vperm.xlane v44, v2;
	v57 =	vshll.u32 v51, $0x2;
	v42 =	vshrl.u32 v51, $0x2;
	v51 =	vld [tilespmem:s24+$0xFFFFFFE0]  }
0xb0: {  	v37 =	vperm.xlane v37, v6;
	(erf) = vpow2.f32 v36;
	v16 =	vadd.f32 v16, v21;
	v21 =	vld [tilespmem:s4+$0xFFFFFFD0]  }
0xb1: {  	s14 =	sand.u32 $0xE, s8;
	v38 =	vperm.xlane v55, v6;
	v36 =	vand.u32 $0x7, v42;
	v42 =	vmul.f32 v59, v23;
	v23 =	vld [tilespmem:s4+$0xFFFFFFB0]  }
0xb2: {  	v47 =	vmov s14;
	v50 =	vmul.f32 v59, v24;
	v58 =	vperm.xlane v16, v6;
	v16 =	vld [tilespmem:s4+$0xFFFFFFE0]  }
0xb3: {  	vm14 =	veq.s32 v36, $0x5;
	v37 =	vsel vm2, v37, v38;
	v38 =	vmul.f32 v63, v22;
	v22 =	vld [tilespmem:s4+$0xFFFFFFF0]  }
0xb4: {  	v24 =	vld [tilespmem:s4+$0xFFFFFFA0];
	vm11 =	veq.s32 v36, $0x6;
	v49 =	vmul.f32 v49, v13;
	v26 =	vsel vm1, v58, v37  }
0xb5: {  	v63 =	vld [tilespmem:s24+$0xFFFFFFA0];
	v26 =	vsel vm5, v27, v26;
	v27 =	vand.u32 $0xC, v57;
	v46 =	vmul.f32 v60, v21  }
0xb6: {  	v25 =	vperm.xlane v26, v3;
	vm0 =	vlt.u32 v27, v10;
	v27 =	vadd.s32 $0x4, v27  }
0xb7: {  	vm3 =	vgt.u32 v27, v1;
	v27 =	vperm.xlane v44, v6;
	v51 =	vmul.f32 v51, v16  }
0xb8: {  	v44 =	vmul.f32 v61, v22;
	v46 =	vadd.f32 v46, v49;
	v61 =	vmul.f32 v52, v23  }
0xb9: {  	v25 =	vadd.f32 v26, v25;
	vm0 =	vmand vm0, vm3;
	v26 =	vperm.xlane v43, v47  }
0xba: {  	vm3 =	veq.s32 v36, $0x0;
	v47 =	vmul.f32 v63, v24;
	v27 =	vnsel vm0, $0x0, v27  }
0xbb: {  	vm0 =	veq.s32 v36, $0x7;
	v44 =	vadd.f32 v44, v51;
	v62 =	vperm.xlane v25, v5  }
0xbc: {  	v56 =	vld [tilespmem:s24+$0xFFFFFF80];
	v43 =	vshll.u32 v26, $0x2;
	v26 =	vshrl.u32 v26, $0x2;
	v53 =	vnsel vm0, $0x0, v27  }
0xbd: {  	v60 =	vld [tilespmem:s24+$0xFFFFFF90];
	v47 =	vadd.f32 v61, v47;
	v43 =	vand.u32 $0xC, v43;
	v54 =	vand.u32 $0x7, v26  }
0xbe: {  	v37 =	vadd.f32 v25, v62;
	v26 =	vadd.s32 $0x4, v43;
	v25 =	vld [tilespmem:s4+$0xFFFFFF80];
	vm0 =	vlt.u32 v43, v10  }
0xbf: {  	v62 =	vperm.xlane v46, v3;
	v61 =	vperm.xlane v47, v3;
	vm4 =	vgt.u32 v26, v1;
	v26 =	vld [tilespmem:s4+$0xFFFFFF90]  }
0xc0: {  	v43 =	vpop (erf);
	v55 =	vmul.f32 $2.000000030e-01, v37;
	vm0 =	vmand vm0, vm4;
	vm4 =	vgt.f32 v37, $0.0e+00  }
0xc1: {  	s28 =	simm.s32 $0x18E80;
	v46 =	vadd.f32 v62, v46;
	v47 =	vadd.f32 v61, v47;
	v57 =	vperm.xlane v43, v6  }
0xc2: {  	[tilespmem:s28+$0x0] =	vst v48;
	v48 =	vperm.xlane v43, v7;
	v59 =	vperm.xlane v43, v8;
	v55 =	vsel vm4, v37, v55  }
0xc3: {  	vm4 =	veq.s32 v36, $0x1;
	v62 =	vperm.xlane v46, v5;
	v63 =	vmul.f32 v56, v25  }
0xc4: {  	v57 =	vnsel vm0, $0x0, v57;
	v34 =	vmul.f32 v48, v34;
	v37 =	vmul.f32 v60, v26  }
0xc5: {  	vm0 =	veq.s32 v54, $0x0;
	v35 =	vmul.f32 v48, v35;
	v32 =	vmul.f32 v59, v32  }
0xc6: {  	[tilespmem:s28+$0x10] =	vst v40;
	v55 =	vmul.f32 $1.442695020e+00, v55;
	v60 =	vperm.xlane v44, v3;
	v49 =	vadd.f32 v37, v63  }
0xc7: {  	[tilespmem:s28+$0x40] =	vst v41;
	v33 =	vmul.f32 v59, v33;
	v52 =	vnsel vm0, $0x0, v57;
	vm0 =	veq.s32 v54, $0x1  }
0xc8: {  	[tilespmem:s28+$0x50] =	vst v45;
	v46 =	vadd.f32 v62, v46;
	v44 =	vadd.f32 v60, v44;
	v63 =	vperm.xlane v49, v3  }
0xc9: {  	[tilespmem:s28+$0x20] =	vst v39;
	v62 =	vperm.xlane v43, v9;
	v43 =	vperm.xlane v43, v2;
	v56 =	vnsel vm0, $0x0, v57  }
0xca: {  	[tilespmem:s28+$0x60] =	vst v50;
	vm0 =	veq.s32 v54, $0x2;
	v58 =	vperm.xlane v44, v5;
	v49 =	vadd.f32 v63, v49  }
0xcb: {  	[tilespmem:s28+$0xFFFFFFA0] =	vst v32;
	v32 =	vnsel vm3, $0x0, v27;
	(erf) = vpow2.f32 v55;
	v60 =	vperm.xlane v47, v5  }
0xcc: {  	[tilespmem:s28+$0x70] =	vst v42;
	v37 =	vnsel vm0, $0x0, v57;
	v61 =	vadd.f32 v58, v44;
	v50 =	vperm.xlane v49, v5  }
0xcd: {  	s13 =	simm.s32 $0x19E80;
	[tilespmem:s28+$0x30] =	vst v38;
	vm0 =	veq.s32 v54, $0x3;
	v46 =	vperm.xlane v46, v6;
	v63 =	vadd.f32 v60, v47  }
0xce: {  	[tilespmem:s13+$0x70] =	vst v53;
	v59 =	vmul.f32 v62, v28;
	v41 =	vperm.xlane v61, v6;
	v53 =	vadd.f32 v50, v49  }
0xcf: {  	[tilespmem:s28+$0xFFFFFF80] =	vst v34;
	v31 =	vmul.f32 v62, v31;
	v40 =	vnsel vm0, $0x0, v57;
	v45 =	vperm.xlane v63, v6  }
0xd0: {  	[tilespmem:s28+$0xFFFFFF90] =	vst v35;
	vm0 =	veq.s32 v54, $0x4;
	v41 =	vsel vm2, v46, v41;
	v34 =	vperm.xlane v53, v6  }
0xd1: {  	[tilespmem:s28+$0xFFFFFFB0] =	vst v33;
	v38 =	vnsel vm0, $0x0, v57;
	vm0 =	veq.s32 v54, $0x5;
	v58 =	vsel vm1, v45, v41  }
0xd2: {  	s15 =	simm.s32 $0x2;
	v62 =	vmul.f32 v43, v30;
	[tilespmem:s28+$0xFFFFFFC0] =	vst v59;
	v39 =	vnsel vm0, $0x0, v57;
	v60 =	vsel vm5, v34, v58  }
0xd3: {  	s16 =	sand.u32 $0xE, s15;
	[tilespmem:s28+$0xFFFFFFD0] =	vst v31;
	vm0 =	veq.s32 v54, $0x6;
	v61 =	vmul.f32 v43, v29;
	v63 =	vperm.xlane v60, v3  }
0xd4: {  	v35 =	vmov s16;
	[tilespmem:s28+$0xFFFFFFF0] =	vst v62;
	v28 =	vnsel vm0, $0x0, v57;
	vm0 =	veq.s32 v54, $0x7  }
0xd5: {  	v29 =	vnsel vm0, $0x0, v57;
	vm0 =	veq.s32 v36, $0x2;
	[tilespmem:s28+$0xFFFFFFE0] =	vst v61;
	v41 =	vadd.f32 v60, v63  }
0xd6: {  	s25 =	sand.u32 $0x10, s15;
	v30 =	vnsel vm4, $0x0, v27;
	v33 =	vnsel vm0, $0x0, v27;
	[tilespmem:s13+$0xFFFFFF80] =	vst v52;
	vm5 =	veq.s32 v36, $0x3  }
0xd7: {  	s14 =	simm.s32 $0x19E80;
	s16 =	simm.s32 $0x14E80;
	vm2 =	veq.s32 v36, $0x4;
	[tilespmem:s13+$0xFFFFFF90] =	vst v56;
	v34 =	vld [tilespmem:s25+$0x18C00];
	v31 =	vnsel vm5, $0x0, v27;
	v36 =	vperm.xlane v41, v5  }
.LBB2_3:
0xd8: {  	_ =	sdelay $0x5  }
0xd9: {  	s25 =	sadd.s32 $0x3, s8  }
0xda: {  	v42 =	vld [tilespmem:s16+$0x0];
	[tilespmem:s13+$0xFFFFFFA0] =	vst v37;
	v41 =	vadd.f32 v41, v36;
	v47 =	vmov s25  }
0xdb: {  	v44 =	vnsel vm2, $0x0, v27;
	v45 =	vld [tilespmem:s16+$0x10];
	[tilespmem:s13+$0xFFFFFFB0] =	vst v40;
	v37 =	vnsel vm11, $0x0, v27;
	v60 =	vperm.xlane v34, v47;
	v43 =	vpop (erf)  }
0xdc: {  	[tilespmem:s13+$0xFFFFFFC0] =	vst v38;
	v58 =	vld [tilespmem:s16+$0x20];
	v36 =	vnsel vm14, $0x0, v27;
	vm0 =	vgt.f32 v41, $0.0e+00;
	v46 =	vperm.xlane v43, v7  }
0xdd: {  	s24 =	sadd.s32 $0x100, s24;
	[tilespmem:s13+$0xFFFFFFD0] =	vst v39;
	v59 =	vld [tilespmem:s16+$0x30];
	v27 =	vmul.f32 $2.000000030e-01, v41;
	v47 =	vshll.u32 v60, $0x2;
	v48 =	vperm.xlane v43, v8  }
0xde: {  	[tilespmem:s13+$0xFFFFFFE0] =	vst v28;
	v40 =	vld [tilespmem:s24+$0x0];
	v47 =	vand.u32 $0xC, v47;
	v28 =	vperm.xlane v43, v9;
	v49 =	vmul.f32 v46, v12  }
0xdf: {  	s28 =	sadd.s32 $0x100, s28;
	[tilespmem:s14+$0xFFFFFFF0] =	vst v29;
	v27 =	vsel vm0, v41, v27;
	vm0 =	vlt.u32 v47, v10;
	v50 =	vmul.f32 v46, v11;
	v46 =	vld [tilespmem:s24+$0x20]  }
0xe0: {  	v51 =	vmul.f32 v48, v14;
	v63 =	vmul.f32 v28, v20;
	v20 =	vadd.s32 $0x4, v47;
	v47 =	vld [tilespmem:s16+$0xFFFFFFA0];
	[tilespmem:s28+$0x0] =	vst v49  }
0xe1: {  	v41 =	vshrl.u32 v60, $0x2;
	v60 =	vperm.xlane v34, v35;
	v17 =	vmul.f32 v48, v17;
	v61 =	vld [tilespmem:s16+$0x40];
	[tilespmem:s28+$0x10] =	vst v50  }
0xe2: {  	v62 =	vperm.xlane v43, v2;
	v11 =	vmov v45;
	v19 =	vmul.f32 v28, v19;
	v45 =	vld [tilespmem:s16+$0x50];
	[tilespmem:s28+$0x20] =	vst v51  }
0xe3: {  	v55 =	vperm.xlane v43, v6;
	v14 =	vmov v58;
	v58 =	vmul.f32 $1.442695020e+00, v27;
	v49 =	vld [tilespmem:s16+$0x60];
	[tilespmem:s28+$0x30] =	vst v17  }
0xe4: {  	v18 =	vmul.f32 v62, v18;
	v28 =	vand.u32 $0x7, v41;
	vm3 =	vgt.u32 v20, v1;
	v54 =	vld [tilespmem:s16+$0x70];
	[tilespmem:s28+$0x40] =	vst v19  }
0xe5: {  	v15 =	vmul.f32 v62, v15;
	vm0 =	vmand vm0, vm3;
	(erf) = vpow2.f32 v58;
	v56 =	vld [tilespmem:s24+$0x40];
	[tilespmem:s28+$0x50] =	vst v63  }
0xe6: {  	v27 =	vnsel vm0, $0x0, v55;
	vm0 =	veq.s32 v28, $0x7;
	v57 =	vld [tilespmem:s24+$0x50];
	[tilespmem:s28+$0x60] =	vst v18  }
0xe7: {  	s13 =	sadd.s32 $0x100, s13;
	v34 =	vshrl.u32 v60, $0x2;
	v17 =	vmov v59;
	v63 =	vnsel vm0, $0x0, v27;
	v59 =	vld [tilespmem:s24+$0x60];
	[tilespmem:s28+$0x70] =	vst v15  }
0xe8: {  	vm4 =	vcmask $0x2F20;
	v34 =	vand.u32 $0x7, v34;
	v48 =	vld [tilespmem:s24+$0x70];
	[tilespmem:s13+$0x70] =	vst v63  }
0xe9: {  	vm9 =	veq.s32 v34, $0x1;
	vm10 =	veq.s32 v34, $0x2;
	vm12 =	veq.s32 v34, $0x3;
	v18 =	vmovc v49;
	v49 =	vld [tilespmem:s24+$0x30]  }
0xea: {  	vm13 =	veq.s32 v34, $0x4;
	vm15 =	veq.s32 v34, $0x5;
	vm1 =	veq.s32 v28, $0x0;
	v51 =	vld [tilespmem:s24+$0x10]  }
0xeb: {  	v12 =	vmovc v42;
	vm6 =	veq.s32 v28, $0x1;
	vm5 =	veq.s32 v28, $0x2;
	vm7 =	veq.s32 v28, $0x3;
	[tilespmem:s14+$0x0] =	vst v32;
	v32 =	vld [tilespmem:s16+$0xFFFFFFC0]  }
0xec: {  	vm2 =	veq.s32 v28, $0x4;
	v40 =	vmul.f32 v40, v12;
	v50 =	vshll.u32 v60, $0x2;
	[tilespmem:s14+$0x10] =	vst v30;
	v30 =	vld [tilespmem:s16+$0xFFFFFFE0]  }
0xed: {  	vm3 =	vcmask $0x1F10;
	v29 =	vand.u32 $0xC, v50;
	v19 =	vmovc v61;
	v61 =	vimm.s32 $0x0;
	v15 =	vmovc v54;
	v54 =	vld [tilespmem:s24+$0xFFFFFFC0]  }
0xee: {  	v53 =	vmul.f32 v46, v14;
	vm0 =	vlt.u32 v29, v10;
	v62 =	vsel vm1, $0xFFFFFFFF, v61;
	[tilespmem:s14+$0x60] =	vst v37;
	v37 =	vld [tilespmem:s24+$0xFFFFFFE0];
	v42 =	vpop (erf)  }
0xef: {  	v55 =	vld [tilespmem:s24+$0xFFFFFFD0];
	v20 =	vmovc v45;
	v45 =	vadd.s32 $0x4, v29;
	v43 =	vmul.f32 v56, v19;
	v46 =	vperm.xlane v42, v7  }
0xf0: {  	v29 =	vld [tilespmem:s16+$0xFFFFFFD0];
	vm8 =	vgt.u32 v45, v1;
	[tilespmem:s14+$0x40] =	vst v44;
	v44 =	vperm.xlane v42, v8;
	v39 =	vmul.f32 v57, v20  }
0xf1: {  	vm1 =	vmand vm0, vm8;
	[tilespmem:s14+$0x30] =	vst v31;
	v31 =	vld [tilespmem:s16+$0xFFFFFFF0];
	v52 =	vmul.f32 v59, v18;
	v35 =	vmul.f32 v48, v15  }
0xf2: {  	v59 =	vld [tilespmem:s24+$0xFFFFFFF0];
	v39 =	vadd.f32 v39, v43;
	v41 =	vmul.f32 v49, v17;
	v38 =	vmul.f32 v51, v11  }
0xf3: {  	[tilespmem:$0x1FFE0] =	vst v62;
	v62 =	vld [tilespmem:s24+$0xFFFFFFA0];
	vm8 =	veq.s32 v34, $0x0;
	v61 =	vmul.f32 v54, v32;
	v37 =	vmul.f32 v37, v30  }
0xf4: {  	[tilespmem:s14+$0x20] =	vst v33;
	v33 =	vadd.f32 v35, v52;
	v57 =	vperm.xlane v39, v3;
	v52 =	vld [tilespmem:s16+$0xFFFFFF80];
	v56 =	vadd.f32 v41, v53  }
0xf5: {  	v35 =	vmul.f32 v55, v29;
	v38 =	vadd.f32 v38, v40;
	v40 =	vld [tilespmem:s16+$0xFFFFFFB0];
	v41 =	vperm.xlane v42, v2  }
0xf6: {  	v58 =	vperm.xlane v33, v3;
	v39 =	vadd.f32 v57, v39;
	v57 =	vld [tilespmem:s24+$0xFFFFFFB0];
	v45 =	vperm.xlane v56, v3  }
0xf7: {  	v43 =	vmul.f32 v59, v31;
	v59 =	vld [tilespmem:s24+$0xFFFFFF80];
	v35 =	vadd.f32 v35, v61;
	v60 =	vperm.xlane v38, v3  }
0xf8: {  	[tilespmem:s14+$0x50] =	vst v36;
	v33 =	vadd.f32 v58, v33;
	v63 =	vperm.xlane v39, v5;
	v36 =	vadd.f32 v45, v56  }
0xf9: {  	v38 =	vadd.f32 v60, v38;
	v45 =	vmul.f32 v62, v47;
	v62 =	vperm.xlane v35, v3  }
0xfa: {  	v48 =	vld [tilespmem:s16+$0xFFFFFF90];
	v37 =	vadd.f32 v43, v37;
	v56 =	vperm.xlane v33, v5;
	v58 =	vperm.xlane v36, v5  }
0xfb: {  	v60 =	vld [tilespmem:s24+$0xFFFFFF90];
	v39 =	vadd.f32 v63, v39;
	v53 =	vperm.xlane v38, v5;
	v61 =	vmul.f32 v57, v40  }
0xfc: {  	v54 =	vmul.f32 v59, v52;
	v35 =	vadd.f32 v62, v35;
	v57 =	vperm.xlane v37, v3  }
0xfd: {  	v33 =	vadd.f32 v56, v33;
	v39 =	vperm.xlane v39, v6;
	v36 =	vadd.f32 v58, v36  }
0xfe: {  	v38 =	vadd.f32 v53, v38;
	v63 =	vadd.f32 v61, v45;
	v59 =	vperm.xlane v35, v5  }
0xff: {  	v53 =	vld [tilespmem:$0x1FFF0];
	v37 =	vadd.f32 v57, v37;
	v57 =	vmul.f32 v44, v24;
	v33 =	vperm.xlane v33, v6  }
0x100: {  	vm0 =	veq.s32 v34, $0x6;
	v56 =	vmul.f32 v60, v48;
	v36 =	vperm.xlane v36, v6  }
0x101: {  	v38 =	vperm.xlane v38, v6;
	v58 =	vperm.xlane v63, v3;
	v35 =	vadd.f32 v59, v35  }
0x102: {  	v33 =	vsel vm4, v39, v33;
	v60 =	vadd.f32 v56, v54;
	v54 =	vmul.f32 v46, v25  }
0x103: {  	v56 =	vmul.f32 v46, v26;
	v33 =	vsel vm3, v36, v33;
	v36 =	vadd.f32 v58, v63  }
0x104: {  	v63 =	vperm.xlane v37, v5;
	v35 =	vperm.xlane v35, v6;
	vm11 =	vnez.u8 v53  }
0x105: {  	v58 =	vmul.f32 v44, v23;
	v62 =	vperm.xlane v60, v3;
	v33 =	vsel vm11, v38, v33  }
0x106: {  	[tilespmem:s28+$0xFFFFFFA0] =	vst v57;
	v38 =	vperm.xlane v42, v9;
	v53 =	vperm.xlane v36, v5;
	v37 =	vadd.f32 v63, v37  }
0x107: {  	[tilespmem:s28+$0xFFFFFF80] =	vst v54;
	v42 =	vperm.xlane v42, v6;
	v63 =	vmul.f32 v41, v22;
	v22 =	vmovc v31;
	v31 =	vnsel vm7, $0x0, v27  }
0x108: {  	[tilespmem:s28+$0xFFFFFF90] =	vst v56;
	v55 =	vperm.xlane v33, v3;
	v39 =	vadd.f32 v62, v60;
	v62 =	vmul.f32 v41, v16  }
0x109: {  	[tilespmem:s28+$0xFFFFFFB0] =	vst v58;
	v36 =	vadd.f32 v53, v36;
	v37 =	vperm.xlane v37, v6;
	v59 =	vnsel vm1, $0x0, v42  }
0x10a: {  	v60 =	vmul.f32 v38, v13;
	[tilespmem:s28+$0xFFFFFFF0] =	vst v63;
	v33 =	vadd.f32 v33, v55;
	v55 =	vperm.xlane v39, v5  }
0x10b: {  	v16 =	vmovc v30;
	v38 =	vmul.f32 v38, v21;
	vm1 =	veq.s32 v34, $0x7;
	v30 =	vnsel vm8, $0x0, v59;
	[tilespmem:s28+$0xFFFFFFE0] =	vst v62  }
0x10c: {  	v42 =	vnsel vm9, $0x0, v59;
	[tilespmem:s28+$0xFFFFFFC0] =	vst v60;
	v61 =	vperm.xlane v33, v5;
	v39 =	vadd.f32 v55, v39  }
0x10d: {  	v23 =	vmovc v40;
	v21 =	vmovc v29;
	v40 =	vnsel vm12, $0x0, v59;
	v29 =	vnsel vm1, $0x0, v59;
	v36 =	vperm.xlane v36, v6;
	[tilespmem:s28+$0xFFFFFFD0] =	vst v38  }
0x10e: {  	v35 =	vsel vm4, v35, v37;
	[tilespmem:s13+$0xFFFFFF80] =	vst v30;
	v30 =	vld [tilespmem:$0x1FFE0];
	v33 =	vadd.f32 v33, v61;
	v39 =	vperm.xlane v39, v6  }
0x10f: {  	s8 =	smov.u32 s15;
	s15 =	sadd.s32 $0x2, s15;
	v37 =	vnsel vm10, $0x0, v59;
	v38 =	vnsel vm13, $0x0, v59;
	v35 =	vsel vm3, v36, v35  }
0x110: {  	s4 =	sand.u32 $0xE, s15;
	p1 =	slt.u32 s15, $0x1E;
	v43 =	vmul.f32 $2.000000030e-01, v33;
	vm14 =	vgt.f32 v33, $0.0e+00;
	v61 =	vsel vm11, v39, v35  }
.Ltmp0:
0x111: {  	vm11 =	veq.s32 v28, $0x6;
	v35 =	vmov s4;
	v39 =	vperm.xlane v61, v3;
	(pc) =	sbr.rel @p1 .LBB2_3-.Ltmp0, $4  }
0x112: {  	v33 =	vsel vm14, v33, v43;
	vm14 =	veq.s32 v28, $0x5;
	v28 =	vnsel vm0, $0x0, v59  }
0x113: {  	vm0 =	vnez.u8 v30;
	v33 =	vmul.f32 $1.442695020e+00, v33;
	v41 =	vadd.f32 v61, v39  }
0x114: {  	s25 =	sand.u32 $0x10, s15;
	v24 =	vmovc v47;
	v13 =	vmovc v32;
	v30 =	vnsel vm6, $0x0, v27;
	v39 =	vnsel vm15, $0x0, v59;
	v32 =	vnsel vm0, $0x0, v27  }
0x115: {  	s14 =	smov.u32 s13;
	s16 =	sadd.s32 $0x100, s16;
	v25 =	vmovc v52;
	v26 =	vmovc v48;
	v34 =	vld [tilespmem:s25+$0x18C00];
	[tilespmem:s13+$0xFFFFFF90] =	vst v42;
	(erf) = vpow2.f32 v33;
	v36 =	vperm.xlane v41, v5;
	v33 =	vnsel vm5, $0x0, v27  }
0x116: {  	_ =	sdelay $0x6  }
0x117: {  	[tilespmem:s13+$0xFFFFFFA0] =	vst v37  }
0x118: {  	[tilespmem:s13+$0xFFFFFFB0] =	vst v40;
	v36 =	vadd.f32 v41, v36;
	v42 =	vpop (erf)  }
0x119: {  	[tilespmem:s13+$0xFFFFFFC0] =	vst v38;
	v59 =	vperm.xlane v42, v7  }
0x11a: {  	[tilespmem:s13+$0xFFFFFFD0] =	vst v39;
	v60 =	vmul.f32 $2.000000030e-01, v36  }
0x11b: {  	[tilespmem:s13+$0xFFFFFFE0] =	vst v28;
	vm0 =	vgt.f32 v36, $0.0e+00;
	v28 =	vperm.xlane v42, v9;
	v11 =	vmul.f32 v59, v11  }
0x11c: {  	s15 =	sadd.s32 $0x100, s28;
	[tilespmem:s14+$0x0] =	vst v32;
	v36 =	vsel vm0, v36, v60  }
0x11d: {  	[tilespmem:s15+$0x10] =	vst v11;
	v11 =	vmul.f32 v28, v19;
	v19 =	vmul.f32 $1.442695020e+00, v36  }
0x11e: {  	[tilespmem:s14+$0x10] =	vst v30;
	v62 =	vperm.xlane v42, v8;
	v12 =	vmul.f32 v59, v12  }
0x11f: {  	s4 =	sadd.s32 $0x3, s8;
	[tilespmem:s14+$0x20] =	vst v33;
	(erf) = vpow2.f32 v19  }
0x120: {  	v61 =	vmov s4;
	[tilespmem:s15+$0x0] =	vst v12;
	v12 =	vmul.f32 v62, v14  }
0x121: {  	[tilespmem:s14+$0x30] =	vst v31;
	v38 =	vperm.xlane v34, v61  }
0x122: {  	[tilespmem:s15+$0x20] =	vst v12;
	v12 =	vperm.xlane v42, v2  }
0x123: {  	[tilespmem:s14+$0xFFFFFFF0] =	vst v29;
	v17 =	vmul.f32 v62, v17;
	v20 =	vmul.f32 v28, v20;
	v14 =	vshll.u32 v38, $0x2  }
0x124: {  	v14 =	vand.u32 $0xC, v14;
	[tilespmem:s15+$0x40] =	vst v11;
	v11 =	vmul.f32 v12, v18;
	v12 =	vmul.f32 v12, v15  }
0x125: {  	[tilespmem:s15+$0x30] =	vst v17;
	vm0 =	vlt.u32 v14, v10;
	v14 =	vadd.s32 $0x4, v14  }
0x126: {  	v63 =	vshrl.u32 v38, $0x2;
	[tilespmem:s15+$0x50] =	vst v20;
	vm1 =	vgt.u32 v14, v1;
	v14 =	vperm.xlane v42, v6  }
0x127: {  	v17 =	vand.u32 $0x7, v63;
	vm0 =	vmand vm0, vm1;
	[tilespmem:s15+$0x60] =	vst v11  }
0x128: {  	v18 =	vnsel vm14, $0x0, v27;
	v11 =	vnsel vm0, $0x0, v14;
	vm0 =	veq.s32 v17, $0x7;
	[tilespmem:s15+$0x70] =	vst v12;
	v12 =	vpop (erf)  }
0x129: {  	s13 =	sadd.s32 $0x100, s13;
	[tilespmem:s14+$0x50] =	vst v18;
	v14 =	vnsel vm0, $0x0, v11;
	v15 =	vperm.xlane v12, v7  }
0x12a: {  	[tilespmem:s13+$0x70] =	vst v14;
	v14 =	vnsel vm2, $0x0, v27  }
0x12b: {  	[tilespmem:s14+$0x40] =	vst v14;
	v14 =	vnsel vm11, $0x0, v27;
	v18 =	vperm.xlane v12, v8;
	v19 =	vmul.f32 v15, v25  }
0x12c: {  	v20 =	vperm.xlane v34, v35;
	[tilespmem:s14+$0x60] =	vst v14;
	v14 =	vmul.f32 v15, v26  }
0x12d: {  	v15 =	vperm.xlane v12, v9;
	[tilespmem:s15+$0xFFFFFF80] =	vst v19;
	v19 =	vmul.f32 v18, v24  }
0x12e: {  	v24 =	vshll.u32 v20, $0x2;
	v20 =	vshrl.u32 v20, $0x2;
	[tilespmem:s15+$0xFFFFFF90] =	vst v14;
	v14 =	vmul.f32 v18, v23  }
0x12f: {  	v23 =	vperm.xlane v12, v2;
	v13 =	vmul.f32 v15, v13;
	v18 =	vand.u32 $0xC, v24;
	[tilespmem:s15+$0xFFFFFFA0] =	vst v19  }
0x130: {  	v15 =	vmul.f32 v15, v21;
	vm0 =	vlt.u32 v18, v10;
	v18 =	vadd.s32 $0x4, v18;
	[tilespmem:s15+$0xFFFFFFB0] =	vst v14  }
0x131: {  	v12 =	vperm.xlane v12, v6;
	v14 =	vmul.f32 v23, v16;
	[tilespmem:s15+$0xFFFFFFC0] =	vst v13;
	vm1 =	vgt.u32 v18, v1  }
0x132: {  	v13 =	vand.u32 $0x7, v20;
	v16 =	vmul.f32 v23, v22;
	[tilespmem:s15+$0xFFFFFFD0] =	vst v15;
	vm0 =	vmand vm0, vm1  }
0x133: {  	vm1 =	veq.s32 v13, $0x0;
	[tilespmem:s15+$0xFFFFFFE0] =	vst v14;
	v12 =	vnsel vm0, $0x0, v12  }
0x134: {  	[tilespmem:s15+$0xFFFFFFF0] =	vst v16;
	vm0 =	veq.s32 v13, $0x1;
	v14 =	vnsel vm1, $0x0, v12  }
0x135: {  	vm1 =	veq.s32 v13, $0x2;
	v15 =	vnsel vm0, $0x0, v12;
	[tilespmem:s13+$0xFFFFFF80] =	vst v14  }
0x136: {  	vm0 =	veq.s32 v13, $0x3;
	v14 =	vnsel vm1, $0x0, v12;
	[tilespmem:s13+$0xFFFFFF90] =	vst v15  }
0x137: {  	vm1 =	veq.s32 v13, $0x4;
	v15 =	vnsel vm0, $0x0, v12;
	[tilespmem:s13+$0xFFFFFFA0] =	vst v14  }
0x138: {  	vm0 =	veq.s32 v13, $0x5;
	v14 =	vnsel vm1, $0x0, v12;
	[tilespmem:s13+$0xFFFFFFB0] =	vst v15  }
0x139: {  	vm1 =	veq.s32 v13, $0x6;
	v15 =	vnsel vm0, $0x0, v12;
	[tilespmem:s13+$0xFFFFFFC0] =	vst v14  }
0x13a: {  	vm0 =	veq.s32 v13, $0x7;
	v13 =	vnsel vm1, $0x0, v12;
	[tilespmem:s13+$0xFFFFFFD0] =	vst v15  }
0x13b: {  	vm1 =	veq.s32 v17, $0x0;
	v12 =	vnsel vm0, $0x0, v12;
	[tilespmem:s13+$0xFFFFFFE0] =	vst v13  }
0x13c: {  	vm0 =	veq.s32 v17, $0x1;
	v13 =	vnsel vm1, $0x0, v11;
	[tilespmem:s13+$0xFFFFFFF0] =	vst v12  }
0x13d: {  	vm1 =	veq.s32 v17, $0x2;
	v12 =	vnsel vm0, $0x0, v11;
	[tilespmem:s13+$0x0] =	vst v13  }
0x13e: {  	vm0 =	veq.s32 v17, $0x3;
	v13 =	vnsel vm1, $0x0, v11;
	[tilespmem:s13+$0x10] =	vst v12  }
0x13f: {  	vm1 =	veq.s32 v17, $0x4;
	v12 =	vnsel vm0, $0x0, v11;
	[tilespmem:s13+$0x20] =	vst v13  }
0x140: {  	vm0 =	veq.s32 v17, $0x5;
	v13 =	vnsel vm1, $0x0, v11;
	[tilespmem:s13+$0x30] =	vst v12  }
0x141: {  	vm1 =	veq.s32 v17, $0x6;
	v12 =	vnsel vm0, $0x0, v11;
	[tilespmem:s13+$0x40] =	vst v13  }
0x142: {  	v11 =	vnsel vm1, $0x0, v11;
	[tilespmem:s13+$0x50] =	vst v12  }
0x143: {  	s14 =	simm.s32 $0x18E00;
	s15 =	simm.s32 $0x18C00;
	[tilespmem:s13+$0x60] =	vst v11  }
0x144: {  	[spmem:s1] =	stream.indirect.scatter.add.f32 [tilespmem:s14], [sflag:$0x5], $0x80, s15, s0, $0xb8;
	[tilespmem:$0x1D080] =	vst v63  }
0x145: {  	s16 =	simm.s32 $0x19E00;
	s24 =	simm.s32 $0x18C80  }
0x146: {  	[spmem:s2] =	stream.indirect.scatter.add.f32 [tilespmem:s16], [sflag:$0x5], $0x80, s24, s0, $0xb8;
	[tilespmem:$0x1D080] =	vst v63  }
0x147: {  	_ =	swait.ge [sflag:s31], $0x20  }
0x148: {  	[sflag:s31] =	ssyncset.done $0x0  }
0x149: {  	[sflag:s31] =	ssyncadd.s32 $0xFFFFFFE0  }
0x14a: {  	_ =	swait.ge [sflag:s31], $0x20  }
0x14b: {  	[sflag:s31] =	ssyncset.done $0x0  }
0x14c: {  	[sflag:s31] =	ssyncadd.s32 $0xFFFFFFE0  }
0x14d: {  	[tilespmem:s17], [sflag:$0x3] =	stream.indirect.gather [hbm4b:s5+s0], $0x80, s29, s0, $0xb8;
	[tilespmem:$0x1D080] =	vst v63  }
0x14e: {  	_ = 	snop  }
0x14f: {  	[tilespmem:s9], [sflag:$0x3] =	stream.indirect.gather [hbm4b:s5+s0], $0x80, s30, s0, $0xb8;
	[tilespmem:$0x1D080] =	vst v63  }
0x150: {  	_ =	swait.ge [sflag:s26], $0x1000  }
0x151: {  	[sflag:s26] =	ssyncset.done $0x0  }
0x152: {  	[sflag:s26] =	ssyncadd.s32 $0xFFFFF000  }
0x153: {  	_ =	swait.ge [sflag:s26], $0x1000  }
0x154: {  	[sflag:s26] =	ssyncset.done $0x0  }
0x155: {  	[sflag:s26] =	ssyncadd.s32 $0xFFFFF000  }
0x156: {  	_ =	swait.ge [sflag:s10], $0x1000  }
0x157: {  	[sflag:s10] =	ssyncset.done $0x0  }
0x158: {  	[sflag:s10] =	ssyncadd.s32 $0xFFFFF000  }
0x159: {  	_ =	swait.ge [sflag:s10], $0x1000  }
0x15a: {  	[sflag:s10] =	ssyncset.done $0x0  }
0x15b: {  	[sflag:s10] =	ssyncadd.s32 $0xFFFFF000  }
0x15c: {  	v11 =	vld [tilespmem:$0x14B80];
	_ =	sdelay $0x1  }
0x15d: {  	v12 =	vld [tilespmem:$0x14B90];
	_ =	sdelay $0x2  }
0x15e: {  	s25 =	smin.u32 s21, $0x26E;
	v11 =	vsub.s32 v11, v0  }
0x15f: {  	s4 =	sshll.u32 s25, $0x5;
	[tilespmem:$0x18D00] =	vst v11;
	v11 =	vshrl.u32 v11, $0x5  }
0x160: {  	s4 =	sadd.s32 s4, s18;
	[tilespmem:$0x18D80] =	vst v11;
	v11 =	vsub.s32 v12, v0  }
0x161: {  	s4 =	sshrl.u32 s4, $0x3;
	[tilespmem:$0x18D10] =	vst v11;
	v11 =	vshrl.u32 v11, $0x5  }
0x162: {  	s28 =	sadd.s32 s6, s4;
	[tilespmem:$0x18D90] =	vst v11  }
0x163: {  	[tilespmem:s11], [sflag:$0x2] =	stream.linear.gather [hbm4b:s28+s3], $0x20, $0x38;
	[tilespmem:$0x1D080] =	vst v63  }
0x164: {  	s8 =	simm.s32 $0x16C80;
	s4 =	sadd.s32 s7, s4  }
0x165: {  	[tilespmem:s12], [sflag:$0x2] =	stream.linear.gather [hbm4b:s4+s3], $0x20, $0x38;
	[tilespmem:$0x1D080] =	vst v63  }
0x166: {  	v13 =	vld [tilespmem:s8+$0x20]  }
0x167: {  	s13 =	simm.s32 $0x17C80;
	v22 =	vld [tilespmem:s8+$0x30]  }
0x168: {  	v12 =	vld [tilespmem:s13+$0x20]  }
0x169: {  	v26 =	vld [tilespmem:s8+$0x40]  }
0x16a: {  	v25 =	vld [tilespmem:s8+$0x50]  }
0x16b: {  	v24 =	vld [tilespmem:s8+$0x60]  }
0x16c: {  	v23 =	vld [tilespmem:s8+$0x70]  }
0x16d: {  	v14 =	vld [tilespmem:s13+$0x40]  }
0x16e: {  	v15 =	vld [tilespmem:s13+$0x50]  }
0x16f: {  	v17 =	vld [tilespmem:s13+$0x60]  }
0x170: {  	v18 =	vld [tilespmem:s13+$0x70]  }
0x171: {  	v19 =	vld [tilespmem:s13+$0x30];
	_ =	sdelay $0x1  }
0x172: {  	v21 =	vld [tilespmem:s8+$0x0]  }
0x173: {  	v16 =	vld [tilespmem:s8+$0x10];
	v14 =	vmul.f32 v14, v26;
	v15 =	vmul.f32 v15, v25  }
0x174: {  	v11 =	vld [tilespmem:s13+$0x0];
	v17 =	vmul.f32 v17, v24;
	v18 =	vmul.f32 v18, v23  }
0x175: {  	v20 =	vld [tilespmem:s13+$0x10];
	v12 =	vmul.f32 v12, v13;
	v19 =	vmul.f32 v19, v22  }
0x176: {  	v28 =	vld [tilespmem:s8+$0xFFFFFFC0];
	v14 =	vadd.f32 v15, v14;
	v15 =	vadd.f32 v18, v17  }
0x177: {  	v31 =	vld [tilespmem:s8+$0xFFFFFFD0];
	v12 =	vadd.f32 v19, v12  }
0x178: {  	v29 =	vld [tilespmem:s8+$0xFFFFFFE0];
	v18 =	vperm.xlane v14, v3;
	v19 =	vperm.xlane v15, v3  }
0x179: {  	v30 =	vld [tilespmem:s8+$0xFFFFFFF0];
	v11 =	vmul.f32 v11, v21;
	v27 =	vperm.xlane v12, v3  }
0x17a: {  	v40 =	vld [tilespmem:s13+$0xFFFFFFE0];
	v20 =	vmul.f32 v20, v16;
	v14 =	vadd.f32 v18, v14;
	v15 =	vadd.f32 v19, v15  }
0x17b: {  	v32 =	vld [tilespmem:s8+$0xFFFFFFA0];
	v12 =	vadd.f32 v27, v12  }
0x17c: {  	v33 =	vld [tilespmem:s8+$0xFFFFFFB0];
	v11 =	vadd.f32 v20, v11;
	v19 =	vperm.xlane v14, v5;
	v27 =	vperm.xlane v15, v5  }
0x17d: {  	v17 =	vld [tilespmem:s13+$0xFFFFFFC0];
	v42 =	vperm.xlane v12, v5  }
0x17e: {  	v20 =	vld [tilespmem:s13+$0xFFFFFFD0];
	v41 =	vperm.xlane v11, v3;
	v14 =	vadd.f32 v19, v14;
	v15 =	vadd.f32 v27, v15  }
0x17f: {  	v43 =	vld [tilespmem:s13+$0xFFFFFFA0];
	v12 =	vadd.f32 v42, v12  }
0x180: {  	v34 =	vld [tilespmem:s8+$0xFFFFFF80];
	v11 =	vadd.f32 v41, v11;
	v14 =	vperm.xlane v14, v6;
	v15 =	vperm.xlane v15, v6  }
0x181: {  	vm2 =	vcmask $0x2F20;
	v35 =	vld [tilespmem:s8+$0xFFFFFF90];
	v12 =	vperm.xlane v12, v6  }
0x182: {  	vm6 =	vcmask $0x1F10;
	v18 =	vld [tilespmem:s13+$0xFFFFFFF0];
	v44 =	vperm.xlane v11, v5;
	v14 =	vsel vm2, v14, v15  }
0x183: {  	v12 =	vsel vm6, v12, v14;
	v14 =	vmul.f32 v17, v28;
	v17 =	vmul.f32 v20, v31;
	v20 =	vld [tilespmem:$0x1FFF0]  }
0x184: {  	v19 =	vld [tilespmem:s13+$0xFFFFFFB0]  }
0x185: {  	v11 =	vadd.f32 v44, v11;
	v15 =	vld [tilespmem:s13+$0xFFFFFF90]  }
0x186: {  	v27 =	vld [tilespmem:s13+$0xFFFFFF80]  }
0x187: {  	v45 =	vmul.f32 v43, v32;
	v11 =	vperm.xlane v11, v6  }
0x188: {  	v18 =	vmul.f32 v18, v30;
	v14 =	vadd.f32 v17, v14;
	vm5 =	vnez.u8 v20  }
0x189: {  	s21 =	simm.s32 $0x17D80;
	v17 =	vmul.f32 v19, v33;
	v11 =	vsel vm5, v11, v12;
	v12 =	vmul.f32 v40, v29  }
0x18a: {  	v50 =	vld [tilespmem:s21+$0x20];
	v15 =	vmul.f32 v15, v35;
	v20 =	vperm.xlane v11, v3  }
0x18b: {  	v54 =	vld [tilespmem:s21+$0x40];
	v17 =	vadd.f32 v17, v45;
	v12 =	vadd.f32 v18, v12;
	v18 =	vmul.f32 v27, v34  }
0x18c: {  	v55 =	vld [tilespmem:s21+$0x50];
	v11 =	vadd.f32 v11, v20  }
0x18d: {  	v56 =	vld [tilespmem:s21+$0x60];
	v19 =	vperm.xlane v14, v3;
	v15 =	vadd.f32 v15, v18;
	v18 =	vperm.xlane v17, v3  }
0x18e: {  	v57 =	vld [tilespmem:s21+$0x70];
	v27 =	vperm.xlane v12, v3;
	v20 =	vperm.xlane v11, v5  }
0x18f: {  	v58 =	vld [tilespmem:s21+$0x30];
	v14 =	vadd.f32 v19, v14;
	v18 =	vadd.f32 v18, v17  }
0x190: {  	s14 =	simm.s32 $0x16D80;
	v45 =	vld [tilespmem:s21+$0x10];
	v19 =	vadd.f32 v11, v20;
	v20 =	vadd.f32 v27, v12;
	v27 =	vperm.xlane v15, v3  }
0x191: {  	v46 =	vperm.xlane v14, v5;
	v12 =	vld [tilespmem:s14+$0x0];
	v48 =	vperm.xlane v18, v5  }
0x192: {  	v11 =	vld [tilespmem:s14+$0x10];
	v17 =	vmul.f32 $2.000000030e-01, v19;
	v47 =	vperm.xlane v20, v5;
	v15 =	vadd.f32 v27, v15  }
0x193: {  	v36 =	vadd.f32 v46, v14;
	vm0 =	vgt.f32 v19, $0.0e+00;
	v27 =	vld [tilespmem:s21+$0x0];
	v18 =	vadd.f32 v48, v18  }
0x194: {  	v14 =	vld [tilespmem:s14+$0x20];
	v17 =	vsel vm0, v19, v17;
	v19 =	vadd.f32 v47, v20;
	v20 =	vperm.xlane v15, v5  }
0x195: {  	v49 =	vmul.f32 $1.442695020e+00, v17;
	v52 =	vperm.xlane v18, v6;
	v18 =	vld [tilespmem:s14+$0x60]  }
0x196: {  	v36 =	vperm.xlane v36, v6;
	v51 =	vperm.xlane v19, v6;
	v15 =	vadd.f32 v20, v15;
	v19 =	vld [tilespmem:s14+$0x40]  }
0x197: {  	v45 =	vmul.f32 v45, v11;
	v20 =	vld [tilespmem:s14+$0x50];
	(erf) = vpow2.f32 v49  }
0x198: {  	v27 =	vmul.f32 v27, v12;
	v36 =	vsel vm2, v36, v51;
	v53 =	vperm.xlane v15, v6;
	v15 =	vld [tilespmem:s14+$0x70]  }
0x199: {  	v17 =	vld [tilespmem:s14+$0x30];
	v36 =	vsel vm6, v52, v36  }
0x19a: {  	v38 =	vmul.f32 v50, v14;
	v27 =	vadd.f32 v45, v27;
	v36 =	vsel vm5, v53, v36  }
0x19b: {  	v39 =	vperm.xlane v36, v3;
	v37 =	vmul.f32 v54, v19  }
0x19c: {  	v40 =	vmul.f32 v55, v20;
	v49 =	vperm.xlane v27, v3  }
0x19d: {  	v41 =	vmul.f32 v56, v18;
	v36 =	vadd.f32 v36, v39;
	v39 =	vmul.f32 v57, v15  }
0x19e: {  	s24 =	simm.s32 $0x1;
	v42 =	vmul.f32 v58, v17;
	v37 =	vadd.f32 v40, v37;
	v27 =	vadd.f32 v49, v27  }
0x19f: {  	v62 =	vmov s24;
	v43 =	vperm.xlane v36, v5;
	v39 =	vadd.f32 v39, v41  }
0x1a0: {  	v38 =	vadd.f32 v42, v38;
	v60 =	vperm.xlane v37, v3;
	v54 =	vperm.xlane v27, v5;
	v44 =	vpop (erf)  }
0x1a1: {  	s8 =	simm.s32 $0x0;
	v46 =	vperm.xlane v44, v7;
	v36 =	vadd.f32 v36, v43;
	v61 =	vperm.xlane v39, v3  }
0x1a2: {  	s16 =	sand.u32 $0x10, s8;
	v37 =	vadd.f32 v60, v37;
	v63 =	vperm.xlane v44, v8;
	v56 =	vperm.xlane v44, v9  }
0x1a3: {  	v43 =	vld [tilespmem:s16+$0x18D00];
	v27 =	vadd.f32 v54, v27;
	v59 =	vmul.f32 $2.000000030e-01, v36;
	v48 =	vmul.f32 v46, v21  }
0x1a4: {  	vm0 =	vgt.f32 v36, $0.0e+00;
	v21 =	vperm.xlane v38, v3;
	v52 =	vperm.xlane v37, v5  }
0x1a5: {  	v49 =	vld [tilespmem:s21+$0xFFFFFFC0];
	v39 =	vadd.f32 v61, v39;
	v40 =	vmul.f32 v46, v16;
	v27 =	vperm.xlane v27, v6  }
0x1a6: {  	v60 =	vld [tilespmem:s21+$0xFFFFFFD0];
	v41 =	vmul.f32 v56, v26;
	v45 =	vmul.f32 v56, v25;
	v21 =	vadd.f32 v21, v38  }
0x1a7: {  	v61 =	vld [tilespmem:s21+$0xFFFFFFF0];
	v53 =	vperm.xlane v39, v5;
	v36 =	vsel vm0, v36, v59;
	v59 =	vperm.xlane v44, v2  }
0x1a8: {  	v37 =	vadd.f32 v52, v37;
	v52 =	vld [tilespmem:s21+$0xFFFFFFB0];
	v51 =	vperm.xlane v43, v62;
	v36 =	vmul.f32 $1.442695020e+00, v36  }
0x1a9: {  	v16 =	vperm.xlane v21, v5;
	v55 =	vadd.f32 v53, v39;
	v39 =	vmul.f32 v63, v13;
	v13 =	vld [tilespmem:s14+$0xFFFFFFC0]  }
0x1aa: {  	v37 =	vperm.xlane v37, v6;
	v50 =	vmul.f32 v59, v24;
	v24 =	vld [tilespmem:s14+$0xFFFFFFA0]  }
0x1ab: {  	s15 =	sand.u32 $0xE, s8;
	v57 =	vshll.u32 v51, $0x2;
	v42 =	vshrl.u32 v51, $0x2;
	v51 =	vld [tilespmem:s21+$0xFFFFFFE0];
	v16 =	vadd.f32 v16, v21  }
0x1ac: {  	v47 =	vmov s15;
	(erf) = vpow2.f32 v36;
	v38 =	vperm.xlane v55, v6;
	v21 =	vld [tilespmem:s14+$0xFFFFFFD0]  }
0x1ad: {  	v36 =	vand.u32 $0x7, v42;
	v42 =	vmul.f32 v59, v23;
	v58 =	vperm.xlane v16, v6;
	v16 =	vld [tilespmem:s14+$0xFFFFFFE0]  }
0x1ae: {  	vm3 =	veq.s32 v36, $0x0;
	v37 =	vsel vm2, v37, v38;
	v38 =	vmul.f32 v63, v22;
	v22 =	vld [tilespmem:s14+$0xFFFFFFF0]  }
0x1af: {  	v23 =	vld [tilespmem:s14+$0xFFFFFFB0];
	vm4 =	veq.s32 v36, $0x1;
	vm14 =	veq.s32 v36, $0x5;
	v26 =	vsel vm6, v58, v37  }
0x1b0: {  	v63 =	vld [tilespmem:s21+$0xFFFFFFA0];
	v49 =	vmul.f32 v49, v13;
	v26 =	vsel vm5, v27, v26;
	v27 =	vand.u32 $0xC, v57  }
0x1b1: {  	v46 =	vmul.f32 v60, v21;
	vm0 =	vlt.u32 v27, v10;
	v27 =	vadd.s32 $0x4, v27  }
0x1b2: {  	v25 =	vperm.xlane v26, v3;
	vm1 =	vgt.u32 v27, v1;
	v27 =	vperm.xlane v44, v6  }
0x1b3: {  	vm11 =	veq.s32 v36, $0x6;
	v51 =	vmul.f32 v51, v16;
	v44 =	vmul.f32 v61, v22  }
0x1b4: {  	v46 =	vadd.f32 v46, v49;
	v61 =	vmul.f32 v52, v23;
	v25 =	vadd.f32 v26, v25  }
0x1b5: {  	vm0 =	vmand vm0, vm1;
	v26 =	vperm.xlane v43, v47;
	v47 =	vmul.f32 v63, v24  }
0x1b6: {  	v27 =	vnsel vm0, $0x0, v27;
	vm0 =	veq.s32 v36, $0x7;
	v44 =	vadd.f32 v44, v51  }
0x1b7: {  	v56 =	vld [tilespmem:s21+$0xFFFFFF80];
	v62 =	vperm.xlane v25, v5;
	v43 =	vshll.u32 v26, $0x2;
	v26 =	vshrl.u32 v26, $0x2  }
0x1b8: {  	v60 =	vld [tilespmem:s21+$0xFFFFFF90];
	v53 =	vnsel vm0, $0x0, v27;
	v47 =	vadd.f32 v61, v47;
	v43 =	vand.u32 $0xC, v43  }
0x1b9: {  	v54 =	vand.u32 $0x7, v26;
	v37 =	vadd.f32 v25, v62;
	v26 =	vadd.s32 $0x4, v43;
	v25 =	vld [tilespmem:s14+$0xFFFFFF80]  }
0x1ba: {  	vm0 =	vlt.u32 v43, v10;
	v62 =	vperm.xlane v46, v3;
	vm1 =	vgt.u32 v26, v1;
	v26 =	vld [tilespmem:s14+$0xFFFFFF90]  }
0x1bb: {  	v61 =	vperm.xlane v47, v3;
	v43 =	vpop (erf);
	v55 =	vmul.f32 $2.000000030e-01, v37;
	vm0 =	vmand vm0, vm1  }
0x1bc: {  	s24 =	simm.s32 $0x1AE80;
	vm1 =	vgt.f32 v37, $0.0e+00;
	v46 =	vadd.f32 v62, v46;
	v57 =	vperm.xlane v43, v6  }
0x1bd: {  	[tilespmem:s24+$0x0] =	vst v48;
	v47 =	vadd.f32 v61, v47;
	v48 =	vperm.xlane v43, v7;
	v59 =	vperm.xlane v43, v8  }
0x1be: {  	v55 =	vsel vm1, v37, v55;
	v62 =	vperm.xlane v46, v5;
	vm1 =	veq.s32 v36, $0x3  }
0x1bf: {  	v57 =	vnsel vm0, $0x0, v57;
	v63 =	vmul.f32 v56, v25;
	v37 =	vmul.f32 v60, v26  }
0x1c0: {  	[tilespmem:s24+$0x10] =	vst v40;
	vm0 =	veq.s32 v54, $0x0;
	v34 =	vmul.f32 v48, v34;
	v35 =	vmul.f32 v48, v35  }
0x1c1: {  	[tilespmem:s24+$0x40] =	vst v41;
	v32 =	vmul.f32 v59, v32;
	v60 =	vperm.xlane v44, v3;
	v49 =	vadd.f32 v37, v63  }
0x1c2: {  	[tilespmem:s24+$0x50] =	vst v45;
	v55 =	vmul.f32 $1.442695020e+00, v55;
	v33 =	vmul.f32 v59, v33;
	v52 =	vnsel vm0, $0x0, v57  }
0x1c3: {  	[tilespmem:s24+$0x20] =	vst v39;
	vm0 =	veq.s32 v54, $0x1;
	v44 =	vadd.f32 v60, v44;
	v63 =	vperm.xlane v49, v3  }
0x1c4: {  	[tilespmem:s24+$0x60] =	vst v50;
	v46 =	vadd.f32 v62, v46;
	v62 =	vperm.xlane v43, v9;
	v43 =	vperm.xlane v43, v2  }
0x1c5: {  	[tilespmem:s24+$0x70] =	vst v42;
	v56 =	vnsel vm0, $0x0, v57;
	v58 =	vperm.xlane v44, v5;
	v49 =	vadd.f32 v63, v49  }
0x1c6: {  	s15 =	simm.s32 $0x2;
	vm0 =	veq.s32 v54, $0x2;
	[tilespmem:s24+$0xFFFFFFA0] =	vst v32;
	v32 =	vnsel vm3, $0x0, v27;
	v60 =	vperm.xlane v47, v5  }
0x1c7: {  	s28 =	sand.u32 $0xE, s15;
	[tilespmem:s24+$0x30] =	vst v38;
	(erf) = vpow2.f32 v55;
	v61 =	vadd.f32 v58, v44;
	v50 =	vperm.xlane v49, v5  }
0x1c8: {  	s13 =	simm.s32 $0x1BE80;
	[tilespmem:s24+$0xFFFFFF90] =	vst v35;
	v35 =	vmov s28;
	v37 =	vnsel vm0, $0x0, v57;
	v63 =	vadd.f32 v60, v47  }
0x1c9: {  	[tilespmem:s13+$0x70] =	vst v53;
	v46 =	vperm.xlane v46, v6;
	v41 =	vperm.xlane v61, v6;
	v53 =	vadd.f32 v50, v49  }
0x1ca: {  	vm0 =	veq.s32 v54, $0x3;
	v59 =	vmul.f32 v62, v28;
	v45 =	vperm.xlane v63, v6  }
0x1cb: {  	[tilespmem:s24+$0xFFFFFF80] =	vst v34;
	v31 =	vmul.f32 v62, v31;
	v41 =	vsel vm2, v46, v41;
	v34 =	vperm.xlane v53, v6  }
0x1cc: {  	[tilespmem:s24+$0xFFFFFFB0] =	vst v33;
	v40 =	vnsel vm0, $0x0, v57;
	vm0 =	veq.s32 v54, $0x4;
	v58 =	vsel vm6, v45, v41  }
0x1cd: {  	v62 =	vmul.f32 v43, v30;
	v38 =	vnsel vm0, $0x0, v57;
	[tilespmem:s24+$0xFFFFFFC0] =	vst v59;
	v60 =	vsel vm5, v34, v58  }
0x1ce: {  	vm0 =	veq.s32 v54, $0x5;
	[tilespmem:s24+$0xFFFFFFD0] =	vst v31;
	v61 =	vmul.f32 v43, v29;
	v63 =	vperm.xlane v60, v3  }
0x1cf: {  	v30 =	vnsel vm4, $0x0, v27;
	[tilespmem:s24+$0xFFFFFFF0] =	vst v62;
	v39 =	vnsel vm0, $0x0, v57;
	vm0 =	veq.s32 v54, $0x6  }
0x1d0: {  	v28 =	vnsel vm0, $0x0, v57;
	vm0 =	veq.s32 v54, $0x7;
	[tilespmem:s24+$0xFFFFFFE0] =	vst v61;
	v41 =	vadd.f32 v60, v63  }
0x1d1: {  	s25 =	sand.u32 $0x10, s15;
	vm4 =	veq.s32 v36, $0x4;
	v29 =	vnsel vm0, $0x0, v57;
	vm0 =	veq.s32 v36, $0x2;
	[tilespmem:s13+$0xFFFFFF80] =	vst v52  }
0x1d2: {  	s16 =	simm.s32 $0x16E80;
	s14 =	simm.s32 $0x1BE80;
	v31 =	vnsel vm1, $0x0, v27;
	v33 =	vnsel vm0, $0x0, v27;
	[tilespmem:s13+$0xFFFFFF90] =	vst v56;
	v34 =	vld [tilespmem:s25+$0x18D00];
	v36 =	vperm.xlane v41, v5  }
.LBB2_5:
0x1d3: {  	_ =	sdelay $0x4  }
0x1d4: {  	s4 =	sadd.s32 $0x3, s8  }
0x1d5: {  	v47 =	vmov s4  }
0x1d6: {  	v41 =	vadd.f32 v41, v36;
	v60 =	vperm.xlane v34, v47  }
0x1d7: {  	v42 =	vld [tilespmem:s16+$0x0];
	[tilespmem:s13+$0xFFFFFFA0] =	vst v37;
	v44 =	vnsel vm4, $0x0, v27;
	v37 =	vnsel vm11, $0x0, v27;
	v36 =	vnsel vm14, $0x0, v27;
	v43 =	vpop (erf)  }
0x1d8: {  	v45 =	vld [tilespmem:s16+$0x10];
	[tilespmem:s13+$0xFFFFFFB0] =	vst v40;
	v27 =	vmul.f32 $2.000000030e-01, v41;
	v47 =	vshll.u32 v60, $0x2;
	v46 =	vperm.xlane v43, v7  }
0x1d9: {  	v58 =	vld [tilespmem:s16+$0x20];
	[tilespmem:s13+$0xFFFFFFE0] =	vst v28;
	vm0 =	vgt.f32 v41, $0.0e+00;
	v47 =	vand.u32 $0xC, v47;
	v28 =	vperm.xlane v43, v9  }
0x1da: {  	s21 =	sadd.s32 $0x100, s21;
	[tilespmem:s13+$0xFFFFFFC0] =	vst v38;
	v59 =	vld [tilespmem:s16+$0x30];
	v27 =	vsel vm0, v41, v27;
	vm0 =	vlt.u32 v47, v10;
	v49 =	vmul.f32 v46, v12  }
0x1db: {  	[tilespmem:s13+$0xFFFFFFD0] =	vst v39;
	s24 =	sadd.s32 $0x100, s24;
	v40 =	vld [tilespmem:s21+$0x0];
	v48 =	vperm.xlane v43, v8;
	v63 =	vmul.f32 v28, v20;
	v20 =	vadd.s32 $0x4, v47  }
0x1dc: {  	v55 =	vperm.xlane v43, v6;
	v50 =	vmul.f32 v46, v11;
	v46 =	vld [tilespmem:s21+$0x20];
	vm1 =	vgt.u32 v20, v1;
	[tilespmem:s24+$0x0] =	vst v49  }
0x1dd: {  	[tilespmem:s14+$0xFFFFFFF0] =	vst v29;
	v51 =	vmul.f32 v48, v14;
	vm0 =	vmand vm0, vm1;
	v61 =	vld [tilespmem:s16+$0x40]  }
0x1de: {  	v17 =	vmul.f32 v48, v17;
	v14 =	vmovc v58;
	v58 =	vmul.f32 $1.442695020e+00, v27;
	[tilespmem:s24+$0x10] =	vst v50;
	v27 =	vnsel vm0, $0x0, v55;
	v55 =	vld [tilespmem:s21+$0xFFFFFFD0]  }
0x1df: {  	v62 =	vperm.xlane v43, v2;
	v11 =	vmov v45;
	v19 =	vmul.f32 v28, v19;
	v45 =	vld [tilespmem:s16+$0x50];
	[tilespmem:s24+$0x20] =	vst v51  }
0x1e0: {  	v49 =	vld [tilespmem:s16+$0x60];
	[tilespmem:s24+$0x30] =	vst v17  }
0x1e1: {  	v41 =	vshrl.u32 v60, $0x2;
	v18 =	vmul.f32 v62, v18;
	v54 =	vld [tilespmem:s16+$0x70];
	[tilespmem:s24+$0x40] =	vst v19  }
0x1e2: {  	v28 =	vand.u32 $0x7, v41;
	v15 =	vmul.f32 v62, v15;
	(erf) = vpow2.f32 v58;
	v56 =	vld [tilespmem:s21+$0x40];
	[tilespmem:s24+$0x50] =	vst v63  }
0x1e3: {  	v60 =	vperm.xlane v34, v35;
	vm0 =	veq.s32 v28, $0x7;
	v57 =	vld [tilespmem:s21+$0x50];
	[tilespmem:s24+$0x60] =	vst v18  }
0x1e4: {  	s13 =	sadd.s32 $0x100, s13;
	v17 =	vmov v59;
	v63 =	vnsel vm0, $0x0, v27;
	v59 =	vld [tilespmem:s21+$0x60];
	[tilespmem:s24+$0x70] =	vst v15  }
0x1e5: {  	v34 =	vshrl.u32 v60, $0x2;
	v48 =	vld [tilespmem:s21+$0x70];
	[tilespmem:s13+$0x70] =	vst v63  }
0x1e6: {  	vm3 =	vcmask $0x2F20;
	vm2 =	vcmask $0x1F10;
	v34 =	vand.u32 $0x7, v34;
	v18 =	vmovc v49;
	v49 =	vld [tilespmem:s21+$0x30]  }
0x1e7: {  	vm8 =	veq.s32 v34, $0x0;
	vm9 =	veq.s32 v34, $0x1;
	vm10 =	veq.s32 v34, $0x2;
	v51 =	vld [tilespmem:s21+$0x10]  }
0x1e8: {  	vm12 =	veq.s32 v34, $0x3;
	vm13 =	veq.s32 v34, $0x4;
	vm15 =	veq.s32 v34, $0x5;
	[tilespmem:s14+$0x0] =	vst v32;
	v32 =	vld [tilespmem:s16+$0xFFFFFFC0]  }
0x1e9: {  	v12 =	vmovc v42;
	vm6 =	veq.s32 v28, $0x1;
	vm5 =	veq.s32 v28, $0x2;
	v50 =	vshll.u32 v60, $0x2;
	[tilespmem:s14+$0x10] =	vst v30;
	v30 =	vld [tilespmem:s16+$0xFFFFFFE0]  }
0x1ea: {  	v40 =	vmul.f32 v40, v12;
	vm1 =	veq.s32 v28, $0x0;
	v29 =	vand.u32 $0xC, v50;
	v15 =	vmovc v54;
	v54 =	vld [tilespmem:s21+$0xFFFFFFC0]  }
0x1eb: {  	v53 =	vmul.f32 v46, v14;
	vm0 =	vlt.u32 v29, v10;
	v19 =	vmov v61;
	[tilespmem:s14+$0x60] =	vst v37;
	v37 =	vld [tilespmem:s21+$0xFFFFFFE0];
	v42 =	vpop (erf)  }
0x1ec: {  	v20 =	vmovc v45;
	v45 =	vadd.s32 $0x4, v29;
	v29 =	vld [tilespmem:s16+$0xFFFFFFD0];
	[tilespmem:s14+$0x30] =	vst v31;
	v43 =	vmul.f32 v56, v19;
	v46 =	vperm.xlane v42, v7  }
0x1ed: {  	v61 =	vimm.s32 $0x0;
	v31 =	vld [tilespmem:s16+$0xFFFFFFF0];
	[tilespmem:s14+$0x40] =	vst v44;
	v44 =	vperm.xlane v42, v8;
	v39 =	vmul.f32 v57, v20  }
0x1ee: {  	v62 =	vsel vm1, $0xFFFFFFFF, v61;
	v52 =	vmul.f32 v59, v18;
	v59 =	vld [tilespmem:s21+$0xFFFFFFF0];
	v35 =	vmul.f32 v48, v15  }
0x1ef: {  	v47 =	vld [tilespmem:s16+$0xFFFFFFA0];
	v39 =	vadd.f32 v39, v43;
	v41 =	vmul.f32 v49, v17;
	v38 =	vmul.f32 v51, v11  }
0x1f0: {  	vm7 =	veq.s32 v28, $0x3;
	[tilespmem:$0x1FFD0] =	vst v62;
	v62 =	vld [tilespmem:s21+$0xFFFFFFA0];
	v61 =	vmul.f32 v54, v32;
	v37 =	vmul.f32 v37, v30  }
0x1f1: {  	[tilespmem:s14+$0x20] =	vst v33;
	v33 =	vadd.f32 v35, v52;
	v57 =	vperm.xlane v39, v3;
	v35 =	vmul.f32 v55, v29;
	v52 =	vld [tilespmem:s16+$0xFFFFFF80]  }
0x1f2: {  	v56 =	vadd.f32 v41, v53;
	v38 =	vadd.f32 v38, v40;
	v40 =	vld [tilespmem:s16+$0xFFFFFFB0];
	v41 =	vperm.xlane v42, v2  }
0x1f3: {  	v58 =	vperm.xlane v33, v3;
	v39 =	vadd.f32 v57, v39;
	v57 =	vld [tilespmem:s21+$0xFFFFFFB0];
	v43 =	vmul.f32 v59, v31  }
0x1f4: {  	vm1 =	vgt.u32 v45, v1;
	v59 =	vld [tilespmem:s21+$0xFFFFFF80];
	v45 =	vperm.xlane v56, v3;
	v60 =	vperm.xlane v38, v3  }
0x1f5: {  	v35 =	vadd.f32 v35, v61;
	v33 =	vadd.f32 v58, v33;
	v63 =	vperm.xlane v39, v5  }
0x1f6: {  	[tilespmem:s14+$0x50] =	vst v36;
	v36 =	vadd.f32 v45, v56;
	v38 =	vadd.f32 v60, v38;
	v45 =	vmul.f32 v62, v47  }
0x1f7: {  	vm4 =	veq.s32 v28, $0x4;
	v48 =	vld [tilespmem:s16+$0xFFFFFF90];
	v62 =	vperm.xlane v35, v3;
	v56 =	vperm.xlane v33, v5  }
0x1f8: {  	v37 =	vadd.f32 v43, v37;
	v60 =	vld [tilespmem:s21+$0xFFFFFF90];
	v58 =	vperm.xlane v36, v5;
	v53 =	vperm.xlane v38, v5  }
0x1f9: {  	v39 =	vadd.f32 v63, v39;
	v61 =	vmul.f32 v57, v40;
	v54 =	vmul.f32 v59, v52  }
0x1fa: {  	v35 =	vadd.f32 v62, v35;
	v57 =	vperm.xlane v37, v3;
	v33 =	vadd.f32 v56, v33  }
0x1fb: {  	v39 =	vperm.xlane v39, v6;
	v36 =	vadd.f32 v58, v36;
	v38 =	vadd.f32 v53, v38  }
0x1fc: {  	v59 =	vperm.xlane v35, v5;
	v37 =	vadd.f32 v57, v37;
	v57 =	vmul.f32 v44, v24  }
0x1fd: {  	v63 =	vadd.f32 v61, v45;
	v53 =	vld [tilespmem:$0x1FFF0];
	v33 =	vperm.xlane v33, v6;
	v56 =	vmul.f32 v60, v48  }
0x1fe: {  	vm11 =	vmand vm0, vm1;
	v36 =	vperm.xlane v36, v6;
	v38 =	vperm.xlane v38, v6  }
0x1ff: {  	v58 =	vperm.xlane v63, v3;
	v35 =	vadd.f32 v59, v35;
	v33 =	vsel vm3, v39, v33  }
0x200: {  	v60 =	vadd.f32 v56, v54;
	v54 =	vmul.f32 v46, v25;
	v56 =	vmul.f32 v46, v26  }
0x201: {  	v33 =	vsel vm2, v36, v33;
	v36 =	vadd.f32 v58, v63;
	v63 =	vperm.xlane v37, v5  }
0x202: {  	v35 =	vperm.xlane v35, v6;
	v58 =	vmul.f32 v44, v23;
	vm14 =	vnez.u8 v53  }
0x203: {  	[tilespmem:s24+$0xFFFFFFA0] =	vst v57;
	v62 =	vperm.xlane v60, v3;
	v33 =	vsel vm14, v38, v33;
	v38 =	vperm.xlane v42, v9  }
0x204: {  	vm0 =	veq.s32 v34, $0x6;
	[tilespmem:s24+$0xFFFFFF80] =	vst v54;
	v53 =	vperm.xlane v36, v5;
	v42 =	vperm.xlane v42, v6  }
0x205: {  	[tilespmem:s24+$0xFFFFFF90] =	vst v56;
	v37 =	vadd.f32 v63, v37;
	v63 =	vmul.f32 v41, v22;
	v55 =	vperm.xlane v33, v3  }
0x206: {  	[tilespmem:s24+$0xFFFFFFB0] =	vst v58;
	v22 =	vmovc v31;
	v31 =	vnsel vm7, $0x0, v27;
	v39 =	vadd.f32 v62, v60;
	v62 =	vmul.f32 v41, v16  }
0x207: {  	v37 =	vperm.xlane v37, v6;
	v60 =	vmul.f32 v38, v13;
	[tilespmem:s24+$0xFFFFFFF0] =	vst v63;
	v33 =	vadd.f32 v33, v55  }
0x208: {  	v36 =	vadd.f32 v53, v36;
	v38 =	vmul.f32 v38, v21;
	v55 =	vperm.xlane v39, v5;
	[tilespmem:s24+$0xFFFFFFE0] =	vst v62  }
0x209: {  	v59 =	vnsel vm11, $0x0, v42;
	vm11 =	veq.s32 v28, $0x6;
	[tilespmem:s24+$0xFFFFFFC0] =	vst v60;
	v61 =	vperm.xlane v33, v5  }
0x20a: {  	v16 =	vmovc v30;
	v30 =	vnsel vm8, $0x0, v59;
	v42 =	vnsel vm9, $0x0, v59;
	[tilespmem:s24+$0xFFFFFFD0] =	vst v38;
	v39 =	vadd.f32 v55, v39  }
0x20b: {  	v23 =	vmovc v40;
	v40 =	vnsel vm12, $0x0, v59;
	v36 =	vperm.xlane v36, v6;
	[tilespmem:s13+$0xFFFFFF80] =	vst v30;
	v30 =	vld [tilespmem:$0x1FFD0];
	v33 =	vadd.f32 v33, v61  }
0x20c: {  	v35 =	vsel vm3, v35, v37;
	v37 =	vnsel vm10, $0x0, v59;
	v39 =	vperm.xlane v39, v6  }
0x20d: {  	s8 =	smov.u32 s15;
	s15 =	sadd.s32 $0x2, s15;
	v38 =	vnsel vm13, $0x0, v59;
	v35 =	vsel vm2, v36, v35;
	v43 =	vmul.f32 $2.000000030e-01, v33  }
0x20e: {  	s25 =	sand.u32 $0xE, s15;
	p1 =	slt.u32 s15, $0x1E;
	vm1 =	vgt.f32 v33, $0.0e+00;
	v61 =	vsel vm14, v39, v35;
	vm14 =	veq.s32 v28, $0x5  }
.Ltmp1:
0x20f: {  	v28 =	vnsel vm0, $0x0, v59;
	v35 =	vmov s25;
	v39 =	vperm.xlane v61, v3;
	(pc) =	sbr.rel @p1 .LBB2_5-.Ltmp1, $4  }
0x210: {  	vm0 =	vnez.u8 v30;
	v30 =	vnsel vm6, $0x0, v27;
	v33 =	vsel vm1, v33, v43  }
0x211: {  	v24 =	vmovc v47;
	vm1 =	veq.s32 v34, $0x7;
	v33 =	vmul.f32 $1.442695020e+00, v33;
	v41 =	vadd.f32 v61, v39  }
0x212: {  	s28 =	sand.u32 $0x10, s15;
	v13 =	vmovc v32;
	v21 =	vmovc v29;
	v32 =	vnsel vm0, $0x0, v27;
	v39 =	vnsel vm15, $0x0, v59;
	v29 =	vnsel vm1, $0x0, v59  }
0x213: {  	s14 =	smov.u32 s13;
	s16 =	sadd.s32 $0x100, s16;
	v25 =	vmovc v52;
	v26 =	vmovc v48;
	v34 =	vld [tilespmem:s28+$0x18D00];
	[tilespmem:s13+$0xFFFFFF90] =	vst v42;
	(erf) = vpow2.f32 v33;
	v36 =	vperm.xlane v41, v5;
	v33 =	vnsel vm5, $0x0, v27  }
0x214: {  	[tilespmem:s13+$0xFFFFFFA0] =	vst v37  }
0x215: {  	[tilespmem:s13+$0xFFFFFFB0] =	vst v40;
	v36 =	vadd.f32 v41, v36  }
0x216: {  	[tilespmem:s13+$0xFFFFFFC0] =	vst v38  }
0x217: {  	[tilespmem:s13+$0xFFFFFFD0] =	vst v39;
	v53 =	vmul.f32 $2.000000030e-01, v36  }
0x218: {  	[tilespmem:s13+$0xFFFFFFE0] =	vst v28;
	vm0 =	vgt.f32 v36, $0.0e+00  }
0x219: {  	[tilespmem:s14+$0x0] =	vst v32;
	v36 =	vsel vm0, v36, v53  }
0x21a: {  	[tilespmem:s14+$0x10] =	vst v30;
	v60 =	vmul.f32 $1.442695020e+00, v36  }
0x21b: {  	[tilespmem:s14+$0x20] =	vst v33  }
0x21c: {  	s4 =	sadd.s32 $0x3, s8;
	[tilespmem:s14+$0x30] =	vst v31;
	v42 =	vpop (erf);
	(erf) = vpow2.f32 v60  }
0x21d: {  	v32 =	vnsel vm4, $0x0, v27;
	v54 =	vmov s4;
	[tilespmem:s14+$0xFFFFFFF0] =	vst v29;
	v52 =	vperm.xlane v42, v7  }
0x21e: {  	v37 =	vnsel vm11, $0x0, v27;
	[tilespmem:s14+$0x40] =	vst v32;
	v38 =	vperm.xlane v34, v54  }
0x21f: {  	[tilespmem:s14+$0x60] =	vst v37;
	v36 =	vnsel vm14, $0x0, v27;
	v55 =	vperm.xlane v42, v8;
	v12 =	vmul.f32 v52, v12  }
0x220: {  	s15 =	sadd.s32 $0x100, s24;
	[tilespmem:s14+$0x50] =	vst v36;
	v11 =	vmul.f32 v52, v11  }
0x221: {  	v59 =	vshrl.u32 v38, $0x2;
	v56 =	vperm.xlane v42, v9;
	v57 =	vmul.f32 v55, v14;
	[tilespmem:s15+$0x0] =	vst v12  }
0x222: {  	v58 =	vshll.u32 v38, $0x2;
	v63 =	vand.u32 $0x7, v59;
	v17 =	vmul.f32 v55, v17;
	[tilespmem:s15+$0x10] =	vst v11  }
0x223: {  	v61 =	vperm.xlane v42, v2;
	v14 =	vand.u32 $0xC, v58;
	v11 =	vmul.f32 v56, v19;
	[tilespmem:s15+$0x20] =	vst v57  }
0x224: {  	v20 =	vmul.f32 v56, v20;
	vm0 =	vlt.u32 v14, v10;
	v14 =	vadd.s32 $0x4, v14;
	[tilespmem:s15+$0x30] =	vst v17  }
0x225: {  	v62 =	vperm.xlane v42, v6;
	vm1 =	vgt.u32 v14, v1;
	[tilespmem:s15+$0x40] =	vst v11;
	v11 =	vmul.f32 v61, v18;
	v30 =	vpop (erf)  }
0x226: {  	[tilespmem:s15+$0x50] =	vst v20;
	v12 =	vmul.f32 v61, v15;
	vm0 =	vmand vm0, vm1;
	v33 =	vperm.xlane v30, v7  }
0x227: {  	v40 =	vperm.xlane v34, v35;
	[tilespmem:s15+$0x60] =	vst v11;
	v11 =	vnsel vm0, $0x0, v62;
	vm0 =	veq.s32 v63, $0x7  }
0x228: {  	s16 =	sadd.s32 $0x100, s13;
	[tilespmem:s15+$0x70] =	vst v12;
	v28 =	vnsel vm0, $0x0, v11;
	v38 =	vperm.xlane v30, v8;
	v39 =	vmul.f32 v33, v25  }
0x229: {  	[tilespmem:s16+$0x70] =	vst v28;
	v41 =	vmul.f32 v33, v26  }
0x22a: {  	v44 =	vshll.u32 v40, $0x2;
	v42 =	vperm.xlane v30, v9;
	v43 =	vmul.f32 v38, v24;
	[tilespmem:s15+$0xFFFFFF80] =	vst v39  }
0x22b: {  	v46 =	vand.u32 $0xC, v44;
	v45 =	vmul.f32 v38, v23;
	[tilespmem:s15+$0xFFFFFF90] =	vst v41  }
0x22c: {  	v18 =	vadd.s32 $0x4, v46;
	v47 =	vperm.xlane v30, v2;
	v13 =	vmul.f32 v42, v13;
	[tilespmem:s15+$0xFFFFFFA0] =	vst v43  }
0x22d: {  	v20 =	vshrl.u32 v40, $0x2;
	vm1 =	vgt.u32 v18, v1;
	v15 =	vmul.f32 v42, v21;
	[tilespmem:s15+$0xFFFFFFB0] =	vst v45  }
0x22e: {  	vm0 =	vlt.u32 v46, v10;
	v12 =	vperm.xlane v30, v6;
	v48 =	vmul.f32 v47, v16;
	[tilespmem:s15+$0xFFFFFFC0] =	vst v13  }
0x22f: {  	v49 =	vand.u32 $0x7, v20;
	vm0 =	vmand vm0, vm1;
	v50 =	vmul.f32 v47, v22;
	[tilespmem:s15+$0xFFFFFFD0] =	vst v15  }
0x230: {  	vm1 =	veq.s32 v49, $0x0;
	v12 =	vnsel vm0, $0x0, v12;
	[tilespmem:s15+$0xFFFFFFE0] =	vst v48  }
0x231: {  	vm0 =	veq.s32 v49, $0x1;
	v51 =	vnsel vm1, $0x0, v12;
	[tilespmem:s15+$0xFFFFFFF0] =	vst v50  }
0x232: {  	vm1 =	veq.s32 v49, $0x2;
	v52 =	vnsel vm0, $0x0, v12;
	[tilespmem:s16+$0xFFFFFF80] =	vst v51  }
0x233: {  	vm0 =	veq.s32 v49, $0x3;
	v53 =	vnsel vm1, $0x0, v12;
	[tilespmem:s16+$0xFFFFFF90] =	vst v52  }
0x234: {  	vm1 =	veq.s32 v49, $0x4;
	v54 =	vnsel vm0, $0x0, v12;
	[tilespmem:s16+$0xFFFFFFA0] =	vst v53  }
0x235: {  	vm0 =	veq.s32 v49, $0x5;
	v55 =	vnsel vm1, $0x0, v12;
	[tilespmem:s16+$0xFFFFFFB0] =	vst v54  }
0x236: {  	vm1 =	veq.s32 v49, $0x6;
	v56 =	vnsel vm0, $0x0, v12;
	[tilespmem:s16+$0xFFFFFFC0] =	vst v55  }
0x237: {  	vm0 =	veq.s32 v49, $0x7;
	v57 =	vnsel vm1, $0x0, v12;
	[tilespmem:s16+$0xFFFFFFD0] =	vst v56  }
0x238: {  	vm1 =	veq.s32 v63, $0x0;
	v12 =	vnsel vm0, $0x0, v12;
	[tilespmem:s16+$0xFFFFFFE0] =	vst v57  }
0x239: {  	vm0 =	veq.s32 v63, $0x1;
	v58 =	vnsel vm1, $0x0, v11;
	[tilespmem:s16+$0xFFFFFFF0] =	vst v12  }
0x23a: {  	vm1 =	veq.s32 v63, $0x2;
	v59 =	vnsel vm0, $0x0, v11;
	[tilespmem:s16+$0x0] =	vst v58  }
0x23b: {  	vm0 =	veq.s32 v63, $0x3;
	v60 =	vnsel vm1, $0x0, v11;
	[tilespmem:s16+$0x10] =	vst v59  }
0x23c: {  	vm1 =	veq.s32 v63, $0x4;
	v61 =	vnsel vm0, $0x0, v11;
	[tilespmem:s16+$0x20] =	vst v60  }
0x23d: {  	vm0 =	veq.s32 v63, $0x5;
	v62 =	vnsel vm1, $0x0, v11;
	[tilespmem:s16+$0x30] =	vst v61  }
0x23e: {  	vm1 =	veq.s32 v63, $0x6;
	v63 =	vnsel vm0, $0x0, v11;
	[tilespmem:s16+$0x40] =	vst v62  }
0x23f: {  	v11 =	vnsel vm1, $0x0, v11;
	[tilespmem:s16+$0x50] =	vst v63  }
0x240: {  	s20 =	sadd.s32 $0x1, s20;
	[tilespmem:s16+$0x60] =	vst v11  }
0x241: {  	p1 =	sne.s32 s20, $0x139;
	v11 =	vld [tilespmem:$0x1FFF0]  }
.Ltmp2:
0x242: {  	_ = 	snop;
	(pc) =	sbr.rel @p1 .LBB2_2-.Ltmp2, $4  }
0x243: {  	s21 =	simm.s32 $0x1AE00;
	s24 =	simm.s32 $0x18D00  }
0x244: {  	[spmem:s1] =	stream.indirect.scatter.add.f32 [tilespmem:s21], [sflag:$0x6], $0x80, s24, s0, $0xb8;
	[tilespmem:$0x1D080] =	vst v63  }
0x245: {  	s25 =	simm.s32 $0x1BE00;
	s28 =	simm.s32 $0x18D80  }
0x246: {  	vm2 =	vcmask $0x2F20;
	vm1 =	vcmask $0x1F10;
	[spmem:s2] =	stream.indirect.scatter.add.f32 [tilespmem:s25], [sflag:$0x6], $0x80, s28, s0, $0xb8;
	vm5 =	vnez.u8 v11;
	[tilespmem:$0x1D080] =	vst v63  }
0x247: {  	_ =	swait.ge [sflag:s19], $0x20  }
0x248: {  	[sflag:s19] =	ssyncset.done $0x0  }
0x249: {  	[sflag:s19] =	ssyncadd.s32 $0xFFFFFFE0  }
0x24a: {  	_ =	swait.ge [sflag:s19], $0x20  }
0x24b: {  	[sflag:s19] =	ssyncset.done $0x0  }
0x24c: {  	[sflag:s19] =	ssyncadd.s32 $0xFFFFFFE0  }
0x24d: {  	_ =	swait.ge [sflag:s22], $0x1000  }
0x24e: {  	[sflag:s22] =	ssyncset.done $0x0  }
0x24f: {  	[sflag:s22] =	ssyncadd.s32 $0xFFFFF000  }
0x250: {  	_ =	swait.ge [sflag:s22], $0x1000  }
0x251: {  	[sflag:s22] =	ssyncset.done $0x0  }
0x252: {  	[sflag:s22] =	ssyncadd.s32 $0xFFFFF000  }
0x253: {  	_ =	swait.ge [sflag:s23], $0x1000  }
0x254: {  	[sflag:s23] =	ssyncset.done $0x0  }
0x255: {  	[sflag:s23] =	ssyncadd.s32 $0xFFFFF000  }
0x256: {  	_ =	swait.ge [sflag:s23], $0x1000  }
0x257: {  	[sflag:s23] =	ssyncset.done $0x0  }
0x258: {  	[sflag:s23] =	ssyncadd.s32 $0xFFFFF000  }
0x259: {  	_ =	swait.ge [sflag:s10], $0x1000  }
0x25a: {  	[sflag:s10] =	ssyncset.done $0x0  }
0x25b: {  	[sflag:s10] =	ssyncadd.s32 $0xFFFFF000  }
0x25c: {  	_ =	swait.ge [sflag:s10], $0x1000  }
0x25d: {  	[sflag:s10] =	ssyncset.done $0x0  }
0x25e: {  	[sflag:s10] =	ssyncadd.s32 $0xFFFFF000  }
0x25f: {  	s8 =	simm.s32 $0x0;
	[bflag:$0x0] =	sbarrier.arrive $0xFFFF  }
0x260: {  	s14 =	simm.s32 $0x1CE00;
	s20 =	simm.s32 $0x7;
	s4 =	rddreg [dreg:$0xc]  }
0x261: {  	[tilespmem:s14], [sflag:$0x7] =	stream.linear.gather [hbm4b:s4+s8], $0x80, $0x38;
	[tilespmem:$0x1D080] =	vst v63  }
0x262: {  	_ =	swait.ge [sflag:s20], $0x80  }
0x263: {  	[sflag:s20] =	ssyncset.done $0x0  }
0x264: {  	s13 =	simm.s32 $0x14C00;
	[sflag:s20] =	ssyncadd.s32 $0xFFFFFF80  }
0x265: {  	[tilespmem:s13], [sflag:$0x3] =	stream.indirect.gather [spmem:s1], $0x80, s14, s0, $0xb8;
	[tilespmem:$0x1D080] =	vst v63  }
0x266: {  	_ =	swait.ge [sflag:s22], $0x1000  }
0x267: {  	[sflag:s22] =	ssyncset.done $0x0  }
0x268: {  	s17 =	rddreg [dreg:$0x10];
	[sflag:s22] =	ssyncadd.s32 $0xFFFFF000  }
0x269: {  	[hbm4b:s17+s8] =	stream.linear.scatter [tilespmem:s13], [sflag:$0x7], $0x1000, $0x38;
	[tilespmem:$0x1D080] =	vst v63  }
0x26a: {  	_ =	swait.ge [sflag:s20], $0x1000  }
0x26b: {  	[sflag:s20] =	ssyncset.done $0x0  }
0x26c: {  	[sflag:s20] =	ssyncadd.s32 $0xFFFFF000  }
0x26d: {  	v11 =	vld [tilespmem:$0x1CE00]  }
0x26e: {  	v12 =	vld [tilespmem:$0x1CE10];
	_ =	sdelay $0x3  }
0x26f: {  	v11 =	vshrl.u32 v11, $0x5  }
0x270: {  	[tilespmem:$0x18C80] =	vst v11;
	v11 =	vshrl.u32 v12, $0x5  }
0x271: {  	s21 =	simm.s32 $0x18C80;
	[tilespmem:$0x18C90] =	vst v11  }
0x272: {  	[tilespmem:s9], [sflag:$0x3] =	stream.indirect.gather [spmem:s2], $0x80, s21, s0, $0xb8;
	[tilespmem:$0x1D080] =	vst v63  }
0x273: {  	_ =	swait.ge [sflag:s22], $0x1000  }
0x274: {  	s24 =	sand.u32 $0x40, s8;
	[sflag:s22] =	ssyncset.done $0x0  }
0x275: {  	s4 =	sshrl.u32 s24, $0x2;
	[sflag:s22] =	ssyncadd.s32 $0xFFFFF000  }
0x276: {  	v11 =	vld [tilespmem:s4+$0x1CE00];
	_ =	sdelay $0x2  }
0x277: {  	s25 =	sand.u32 $0xC, s8;
	v12 =	vshrl.u32 v1, $0x2  }
0x278: {  	v13 =	vor.u32 s25, v12  }
0x279: {  	v13 =	vperm.xlane v11, v13  }
0x27a: {  	v14 =	vmov s8;
	v11 =	vmul.u32 $0x80, v12  }
0x27b: {  	v14 =	vshll.u32 v14, $0x7;
	v13 =	vshll.u32 v13, $0x2  }
0x27c: {  	v14 =	vor.u32 v11, v14;
	v13 =	vand.u32 $0x7C, v13  }
0x27d: {  	v13 =	vor.u32 v14, v13  }
0x27e: {  	v13 =	vor.u32 v4, v13;
	_ =	sdelay $0x4  }
0x27f: {  	v13 =	vld.idx.msk [tilespmem:v13+s9+$0x0], $0xffff;
	_ =	sdelay $0x2  }
0x280: {  	s28 =	simm.s32 $0x10  }
0x281: {  	s15 =	sand.u32 $0x40, s28;
	s14 =	simm.s32 $0x20;
	s13 =	simm.s32 $0x1CE80  }
.LBB2_8:
0x282: {  	p1 =	sne.s32 s14, $0x70;
	s4 =	sshrl.u32 s15, $0x2;
	[tilespmem:s13+$0x0] =	vst v13  }
0x283: {  	v13 =	vld [tilespmem:s4+$0x1CE00];
	_ =	sdelay $0x1  }
0x284: {  	s8 =	sadd.s32 $0x4, s8  }
0x285: {  	s4 =	sand.u32 $0xC, s8  }
0x286: {  	v14 =	vor.u32 s4, v12  }
0x287: {  	v13 =	vperm.xlane v13, v14  }
0x288: {  	v14 =	vmov s8  }
0x289: {  	v14 =	vshll.u32 v14, $0x7;
	v13 =	vshll.u32 v13, $0x2  }
0x28a: {  	v14 =	vor.u32 v11, v14;
	v13 =	vand.u32 $0x7C, v13  }
0x28b: {  	v13 =	vor.u32 v14, v13  }
0x28c: {  	v13 =	vor.u32 v4, v13;
	_ =	sdelay $0x4  }
0x28d: {  	v13 =	vld.idx.msk [tilespmem:v13+s9+$0x0], $0xffff  }
.Ltmp3:
0x28e: {  	(pc) =	sbr.rel @p1 .LBB2_8-.Ltmp3, $2  }
0x28f: {  	_ =	sdelay $0x2  }
0x290: {  	s15 =	sand.u32 $0x40, s14;
	s14 =	sadd.s32 $0x10, s14;
	s13 =	sadd.s32 $0x10, s13  }
0x291: {  	s4 =	sshrl.u32 s15, $0x2;
	[tilespmem:s13+$0x0] =	vst v13  }
0x292: {  	v13 =	vld [tilespmem:s4+$0x1CE00];
	_ =	sdelay $0x1  }
0x293: {  	s28 =	sadd.s32 $0x4, s8  }
0x294: {  	s8 =	sand.u32 $0xC, s28  }
0x295: {  	v14 =	vor.u32 s8, v12  }
0x296: {  	v13 =	vperm.xlane v13, v14  }
0x297: {  	v14 =	vmov s28  }
0x298: {  	v14 =	vshll.u32 v14, $0x7;
	v13 =	vshll.u32 v13, $0x2  }
0x299: {  	v14 =	vor.u32 v11, v14;
	v13 =	vand.u32 $0x7C, v13  }
0x29a: {  	v13 =	vor.u32 v14, v13  }
0x29b: {  	v13 =	vor.u32 v4, v13;
	_ =	sdelay $0x4  }
0x29c: {  	v13 =	vld.idx.msk [tilespmem:v13+s9+$0x0], $0xffff;
	_ =	sdelay $0x3  }
0x29d: {  	s14 =	sadd.s32 $0x10, s13  }
0x29e: {  	s15 =	simm.s32 $0x14C00;
	s16 =	simm.s32 $0x1CE20;
	[tilespmem:s14+$0x0] =	vst v13  }
0x29f: {  	[tilespmem:s15], [sflag:$0x3] =	stream.indirect.gather [spmem:s1], $0x80, s16, s0, $0xb8;
	[tilespmem:$0x1D080] =	vst v63  }
0x2a0: {  	_ =	swait.ge [sflag:s22], $0x1000  }
0x2a1: {  	[sflag:s22] =	ssyncset.done $0x0  }
0x2a2: {  	s8 =	simm.s32 $0x0;
	s17 =	rddreg [dreg:$0x11];
	[sflag:s22] =	ssyncadd.s32 $0xFFFFF000  }
0x2a3: {  	[hbm4b:s17+s8] =	stream.linear.scatter [tilespmem:s15], [sflag:$0x7], $0x1000, $0x38;
	[tilespmem:$0x1D080] =	vst v63  }
0x2a4: {  	_ =	swait.ge [sflag:s20], $0x1000  }
0x2a5: {  	[sflag:s20] =	ssyncset.done $0x0  }
0x2a6: {  	[sflag:s20] =	ssyncadd.s32 $0xFFFFF000  }
0x2a7: {  	v13 =	vld [tilespmem:$0x1CE20]  }
0x2a8: {  	v14 =	vld [tilespmem:$0x1CE30];
	_ =	sdelay $0x3  }
0x2a9: {  	v13 =	vshrl.u32 v13, $0x5  }
0x2aa: {  	[tilespmem:$0x18C80] =	vst v13;
	v13 =	vshrl.u32 v14, $0x5  }
0x2ab: {  	s21 =	simm.s32 $0x18C80;
	[tilespmem:$0x18C90] =	vst v13  }
0x2ac: {  	[tilespmem:s9], [sflag:$0x3] =	stream.indirect.gather [spmem:s2], $0x80, s21, s0, $0xb8;
	[tilespmem:$0x1D080] =	vst v63  }
0x2ad: {  	_ =	swait.ge [sflag:s22], $0x1000  }
0x2ae: {  	s24 =	sand.u32 $0x40, s8;
	[sflag:s22] =	ssyncset.done $0x0  }
0x2af: {  	s4 =	sshrl.u32 s24, $0x2;
	[sflag:s22] =	ssyncadd.s32 $0xFFFFF000  }
0x2b0: {  	v13 =	vld [tilespmem:s4+$0x1CE20];
	_ =	sdelay $0x2  }
0x2b1: {  	s25 =	sand.u32 $0xC, s8  }
0x2b2: {  	v14 =	vor.u32 s25, v12  }
0x2b3: {  	v13 =	vperm.xlane v13, v14  }
0x2b4: {  	v14 =	vmov s8  }
0x2b5: {  	v14 =	vshll.u32 v14, $0x7;
	v13 =	vshll.u32 v13, $0x2  }
0x2b6: {  	v14 =	vor.u32 v11, v14;
	v13 =	vand.u32 $0x7C, v13  }
0x2b7: {  	v13 =	vor.u32 v14, v13  }
0x2b8: {  	v13 =	vor.u32 v4, v13;
	_ =	sdelay $0x4  }
0x2b9: {  	v13 =	vld.idx.msk [tilespmem:v13+s9+$0x0], $0xffff;
	_ =	sdelay $0x2  }
0x2ba: {  	s28 =	simm.s32 $0x10  }
0x2bb: {  	s13 =	simm.s32 $0x1CF00;
	s14 =	simm.s32 $0x20;
	s15 =	sand.u32 $0x40, s28  }
.LBB2_10:
0x2bc: {  	p1 =	sne.s32 s14, $0x70;
	s4 =	sshrl.u32 s15, $0x2;
	[tilespmem:s13+$0x0] =	vst v13  }
0x2bd: {  	v13 =	vld [tilespmem:s4+$0x1CE20];
	_ =	sdelay $0x1  }
0x2be: {  	s8 =	sadd.s32 $0x4, s8  }
0x2bf: {  	s4 =	sand.u32 $0xC, s8  }
0x2c0: {  	v14 =	vor.u32 s4, v12  }
0x2c1: {  	v13 =	vperm.xlane v13, v14  }
0x2c2: {  	v14 =	vmov s8  }
0x2c3: {  	v14 =	vshll.u32 v14, $0x7;
	v13 =	vshll.u32 v13, $0x2  }
0x2c4: {  	v14 =	vor.u32 v11, v14;
	v13 =	vand.u32 $0x7C, v13  }
0x2c5: {  	v13 =	vor.u32 v14, v13  }
0x2c6: {  	v13 =	vor.u32 v4, v13;
	_ =	sdelay $0x4  }
0x2c7: {  	v13 =	vld.idx.msk [tilespmem:v13+s9+$0x0], $0xffff  }
.Ltmp4:
0x2c8: {  	(pc) =	sbr.rel @p1 .LBB2_10-.Ltmp4, $2  }
0x2c9: {  	_ =	sdelay $0x2  }
0x2ca: {  	s15 =	sand.u32 $0x40, s14;
	s14 =	sadd.s32 $0x10, s14;
	s13 =	sadd.s32 $0x10, s13  }
0x2cb: {  	s4 =	sshrl.u32 s15, $0x2;
	[tilespmem:s13+$0x0] =	vst v13  }
0x2cc: {  	v13 =	vld [tilespmem:s4+$0x1CE20];
	_ =	sdelay $0x1  }
0x2cd: {  	s28 =	sadd.s32 $0x4, s8  }
0x2ce: {  	s8 =	sand.u32 $0xC, s28  }
0x2cf: {  	v14 =	vor.u32 s8, v12  }
0x2d0: {  	v13 =	vperm.xlane v13, v14  }
0x2d1: {  	v14 =	vmov s28  }
0x2d2: {  	v14 =	vshll.u32 v14, $0x7;
	v13 =	vshll.u32 v13, $0x2  }
0x2d3: {  	v14 =	vor.u32 v11, v14;
	v13 =	vand.u32 $0x7C, v13  }
0x2d4: {  	v13 =	vor.u32 v14, v13  }
0x2d5: {  	v13 =	vor.u32 v4, v13;
	_ =	sdelay $0x4  }
0x2d6: {  	v13 =	vld.idx.msk [tilespmem:v13+s9+$0x0], $0xffff;
	_ =	sdelay $0x3  }
0x2d7: {  	s14 =	sadd.s32 $0x10, s13  }
0x2d8: {  	s15 =	simm.s32 $0x14C00;
	s16 =	simm.s32 $0x1CE40;
	[tilespmem:s14+$0x0] =	vst v13  }
0x2d9: {  	[tilespmem:s15], [sflag:$0x3] =	stream.indirect.gather [spmem:s1], $0x80, s16, s0, $0xb8;
	[tilespmem:$0x1D080] =	vst v63  }
0x2da: {  	_ =	swait.ge [sflag:s22], $0x1000  }
0x2db: {  	[sflag:s22] =	ssyncset.done $0x0  }
0x2dc: {  	s8 =	simm.s32 $0x0;
	s17 =	rddreg [dreg:$0x12];
	[sflag:s22] =	ssyncadd.s32 $0xFFFFF000  }
0x2dd: {  	[hbm4b:s17+s8] =	stream.linear.scatter [tilespmem:s15], [sflag:$0x7], $0x1000, $0x38;
	[tilespmem:$0x1D080] =	vst v63  }
0x2de: {  	_ =	swait.ge [sflag:s20], $0x1000  }
0x2df: {  	[sflag:s20] =	ssyncset.done $0x0  }
0x2e0: {  	[sflag:s20] =	ssyncadd.s32 $0xFFFFF000  }
0x2e1: {  	v13 =	vld [tilespmem:$0x1CE40]  }
0x2e2: {  	v14 =	vld [tilespmem:$0x1CE50];
	_ =	sdelay $0x3  }
0x2e3: {  	v13 =	vshrl.u32 v13, $0x5  }
0x2e4: {  	[tilespmem:$0x18C80] =	vst v13;
	v13 =	vshrl.u32 v14, $0x5  }
0x2e5: {  	s21 =	simm.s32 $0x18C80;
	[tilespmem:$0x18C90] =	vst v13  }
0x2e6: {  	[tilespmem:s9], [sflag:$0x3] =	stream.indirect.gather [spmem:s2], $0x80, s21, s0, $0xb8;
	[tilespmem:$0x1D080] =	vst v63  }
0x2e7: {  	_ =	swait.ge [sflag:s22], $0x1000  }
0x2e8: {  	s24 =	sand.u32 $0x40, s8;
	[sflag:s22] =	ssyncset.done $0x0  }
0x2e9: {  	s4 =	sshrl.u32 s24, $0x2;
	[sflag:s22] =	ssyncadd.s32 $0xFFFFF000  }
0x2ea: {  	v13 =	vld [tilespmem:s4+$0x1CE40];
	_ =	sdelay $0x2  }
0x2eb: {  	s25 =	sand.u32 $0xC, s8  }
0x2ec: {  	v14 =	vor.u32 s25, v12  }
0x2ed: {  	v13 =	vperm.xlane v13, v14  }
0x2ee: {  	v14 =	vmov s8  }
0x2ef: {  	v14 =	vshll.u32 v14, $0x7;
	v13 =	vshll.u32 v13, $0x2  }
0x2f0: {  	v14 =	vor.u32 v11, v14;
	v13 =	vand.u32 $0x7C, v13  }
0x2f1: {  	v13 =	vor.u32 v14, v13  }
0x2f2: {  	v13 =	vor.u32 v4, v13;
	_ =	sdelay $0x4  }
0x2f3: {  	v13 =	vld.idx.msk [tilespmem:v13+s9+$0x0], $0xffff;
	_ =	sdelay $0x2  }
0x2f4: {  	s28 =	simm.s32 $0x10  }
0x2f5: {  	s13 =	simm.s32 $0x1CF80;
	s14 =	simm.s32 $0x20;
	s15 =	sand.u32 $0x40, s28  }
.LBB2_12:
0x2f6: {  	p1 =	sne.s32 s14, $0x70;
	s4 =	sshrl.u32 s15, $0x2;
	[tilespmem:s13+$0x0] =	vst v13  }
0x2f7: {  	v13 =	vld [tilespmem:s4+$0x1CE40];
	_ =	sdelay $0x1  }
0x2f8: {  	s8 =	sadd.s32 $0x4, s8  }
0x2f9: {  	s4 =	sand.u32 $0xC, s8  }
0x2fa: {  	v14 =	vor.u32 s4, v12  }
0x2fb: {  	v13 =	vperm.xlane v13, v14  }
0x2fc: {  	v14 =	vmov s8  }
0x2fd: {  	v14 =	vshll.u32 v14, $0x7;
	v13 =	vshll.u32 v13, $0x2  }
0x2fe: {  	v14 =	vor.u32 v11, v14;
	v13 =	vand.u32 $0x7C, v13  }
0x2ff: {  	v13 =	vor.u32 v14, v13  }
0x300: {  	v13 =	vor.u32 v4, v13;
	_ =	sdelay $0x4  }
0x301: {  	v13 =	vld.idx.msk [tilespmem:v13+s9+$0x0], $0xffff  }
.Ltmp5:
0x302: {  	(pc) =	sbr.rel @p1 .LBB2_12-.Ltmp5, $2  }
0x303: {  	_ =	sdelay $0x2  }
0x304: {  	s15 =	sand.u32 $0x40, s14;
	s14 =	sadd.s32 $0x10, s14;
	s13 =	sadd.s32 $0x10, s13  }
0x305: {  	s4 =	sshrl.u32 s15, $0x2;
	[tilespmem:s13+$0x0] =	vst v13  }
0x306: {  	v13 =	vld [tilespmem:s4+$0x1CE40];
	_ =	sdelay $0x1  }
0x307: {  	s28 =	sadd.s32 $0x4, s8  }
0x308: {  	s8 =	sand.u32 $0xC, s28  }
0x309: {  	v14 =	vor.u32 s8, v12  }
0x30a: {  	v13 =	vperm.xlane v13, v14  }
0x30b: {  	v14 =	vmov s28  }
0x30c: {  	v14 =	vshll.u32 v14, $0x7;
	v13 =	vshll.u32 v13, $0x2  }
0x30d: {  	v14 =	vor.u32 v11, v14;
	v13 =	vand.u32 $0x7C, v13  }
0x30e: {  	v13 =	vor.u32 v14, v13  }
0x30f: {  	v13 =	vor.u32 v4, v13;
	_ =	sdelay $0x4  }
0x310: {  	v13 =	vld.idx.msk [tilespmem:v13+s9+$0x0], $0xffff;
	_ =	sdelay $0x3  }
0x311: {  	s13 =	sadd.s32 $0x10, s13  }
0x312: {  	s14 =	simm.s32 $0x14C00;
	s15 =	simm.s32 $0x1CE60;
	[tilespmem:s13+$0x0] =	vst v13  }
0x313: {  	[tilespmem:s14], [sflag:$0x3] =	stream.indirect.gather [spmem:s1], $0x80, s15, s0, $0xb8;
	[tilespmem:$0x1D080] =	vst v63  }
0x314: {  	_ =	swait.ge [sflag:s22], $0x1000  }
0x315: {  	[sflag:s22] =	ssyncset.done $0x0  }
0x316: {  	s8 =	simm.s32 $0x0;
	s16 =	rddreg [dreg:$0x13];
	[sflag:s22] =	ssyncadd.s32 $0xFFFFF000  }
0x317: {  	[hbm4b:s16+s8] =	stream.linear.scatter [tilespmem:s14], [sflag:$0x7], $0x1000, $0x38;
	[tilespmem:$0x1D080] =	vst v63  }
0x318: {  	_ =	swait.ge [sflag:s20], $0x1000  }
0x319: {  	[sflag:s20] =	ssyncset.done $0x0  }
0x31a: {  	[sflag:s20] =	ssyncadd.s32 $0xFFFFF000  }
0x31b: {  	v13 =	vld [tilespmem:$0x1CE60]  }
0x31c: {  	v14 =	vld [tilespmem:$0x1CE70];
	_ =	sdelay $0x3  }
0x31d: {  	v13 =	vshrl.u32 v13, $0x5  }
0x31e: {  	[tilespmem:$0x18C80] =	vst v13;
	v13 =	vshrl.u32 v14, $0x5  }
0x31f: {  	s21 =	simm.s32 $0x18C80;
	[tilespmem:$0x18C90] =	vst v13  }
0x320: {  	[tilespmem:s9], [sflag:$0x3] =	stream.indirect.gather [spmem:s2], $0x80, s21, s0, $0xb8;
	[tilespmem:$0x1D080] =	vst v63  }
0x321: {  	_ =	swait.ge [sflag:s22], $0x1000  }
0x322: {  	s24 =	sand.u32 $0x40, s8;
	[sflag:s22] =	ssyncset.done $0x0  }
0x323: {  	s4 =	sshrl.u32 s24, $0x2;
	[sflag:s22] =	ssyncadd.s32 $0xFFFFF000  }
0x324: {  	v13 =	vld [tilespmem:s4+$0x1CE60];
	_ =	sdelay $0x2  }
0x325: {  	s25 =	sand.u32 $0xC, s8  }
0x326: {  	v14 =	vor.u32 s25, v12  }
0x327: {  	v13 =	vperm.xlane v13, v14  }
0x328: {  	v14 =	vmov s8  }
0x329: {  	v14 =	vshll.u32 v14, $0x7;
	v13 =	vshll.u32 v13, $0x2  }
0x32a: {  	v14 =	vor.u32 v11, v14;
	v13 =	vand.u32 $0x7C, v13  }
0x32b: {  	v13 =	vor.u32 v14, v13  }
0x32c: {  	v13 =	vor.u32 v4, v13;
	_ =	sdelay $0x4  }
0x32d: {  	v13 =	vld.idx.msk [tilespmem:v13+s9+$0x0], $0xffff;
	_ =	sdelay $0x2  }
0x32e: {  	s17 =	simm.s32 $0x14C00;
	s28 =	simm.s32 $0x10  }
0x32f: {  	s13 =	simm.s32 $0x1D000;
	s15 =	sand.u32 $0x40, s28;
	s14 =	simm.s32 $0x20  }
.LBB2_14:
0x330: {  	p1 =	sne.s32 s14, $0x70;
	s4 =	sshrl.u32 s15, $0x2;
	[tilespmem:s13+$0x0] =	vst v13  }
0x331: {  	v13 =	vld [tilespmem:s4+$0x1CE60];
	_ =	sdelay $0x1  }
0x332: {  	s8 =	sadd.s32 $0x4, s8  }
0x333: {  	s4 =	sand.u32 $0xC, s8  }
0x334: {  	v14 =	vor.u32 s4, v12  }
0x335: {  	v13 =	vperm.xlane v13, v14  }
0x336: {  	v14 =	vmov s8  }
0x337: {  	v14 =	vshll.u32 v14, $0x7;
	v13 =	vshll.u32 v13, $0x2  }
0x338: {  	v14 =	vor.u32 v11, v14;
	v13 =	vand.u32 $0x7C, v13  }
0x339: {  	v13 =	vor.u32 v14, v13  }
0x33a: {  	v13 =	vor.u32 v4, v13;
	_ =	sdelay $0x4  }
0x33b: {  	v13 =	vld.idx.msk [tilespmem:v13+s9+$0x0], $0xffff  }
.Ltmp6:
0x33c: {  	(pc) =	sbr.rel @p1 .LBB2_14-.Ltmp6, $2  }
0x33d: {  	_ =	sdelay $0x2  }
0x33e: {  	s15 =	sand.u32 $0x40, s14;
	s14 =	sadd.s32 $0x10, s14;
	s13 =	sadd.s32 $0x10, s13  }
0x33f: {  	s4 =	sshrl.u32 s15, $0x2;
	[tilespmem:s13+$0x0] =	vst v13  }
0x340: {  	v13 =	vld [tilespmem:s4+$0x1CE60];
	_ =	sdelay $0x1  }
0x341: {  	s14 =	sadd.s32 $0x4, s8  }
0x342: {  	s8 =	sand.u32 $0xC, s14  }
0x343: {  	v12 =	vor.u32 s8, v12  }
0x344: {  	v12 =	vperm.xlane v13, v12  }
0x345: {  	v63 =	vmov s14  }
0x346: {  	v13 =	vshll.u32 v63, $0x7;
	v12 =	vshll.u32 v12, $0x2  }
0x347: {  	v11 =	vor.u32 v11, v13;
	v12 =	vand.u32 $0x7C, v12  }
0x348: {  	v11 =	vor.u32 v11, v12  }
0x349: {  	v11 =	vor.u32 v4, v11;
	_ =	sdelay $0x4  }
0x34a: {  	v11 =	vld.idx.msk [tilespmem:v11+s9+$0x0], $0xffff;
	_ =	sdelay $0x3  }
0x34b: {  	s15 =	sadd.s32 $0x10, s13;
	s16 =	rddreg [dreg:$0xf]  }
0x34c: {  	s21 =	simm.s32 $0x80;
	s24 =	simm.s32 $0x100;
	s14 =	simm.s32 $0x1CE80;
	[tilespmem:s15+$0x0] =	vst v11  }
0x34d: {  	[hbm4b:s16+s21] =	stream.strided.scatter [tilespmem:s14], [sflag:$0x7], $0x200, s24, s21, $0x38;
	[tilespmem:$0x1D080] =	vst v63  }
0x34e: {  	_ =	swait.ge [sflag:s20], $0x200  }
0x34f: {  	s25 =	rddreg [dreg:$0x18]  }
0x350: {  	s28 =	rddreg [dreg:$0x14];
	s8 =	sadd.s32 $0x1, s25  }
0x351: {  	p1 =	sne.s32 s8, s28  }
.Ltmp7:
0x352: {  	_ = 	snop;
	(pc) =	sbr.rel @p1 .LBB2_1-.Ltmp7, $3  }
0x353: {  	_ =	sdelay $0x1  }
0x354: {  	[sflag:s20] =	ssyncset.done $0x0  }
0x355: {  	[sflag:s20] =	ssyncadd.s32 $0xFFFFFE00  }
0x356: {  	_ =	sfence.sel $0x180000  }
0x357: {  	[bflag:$0x0] =	sbarrier.arrive $0xFFFF  }
0x358: {  	_ =	strace $0x9000004A  }
0x359: {  	s0 =	stileid.u32;
	[bflag:$0x2] =	sbarrier.arrive $0xFFFF  }
0x35a: {  	p0 =	sne.s32 s0, $0x0;
	s0 =	rddreg [dreg:$0x5]  }
0x35b: {  	s0 =	sadd.s32 @!p0 $0x100000, s0  }
0x35c: {  	[sflag:s0] =	ssyncadd.tile.s32 @!p0 $0x1;
	_ =	shalt  }
.Lfunc_end2:
_tile_overlayer_lowered:
.L_overlay_start_2:
0x35d: {  	(tag) =	ssettag $0x2  }
0x35e: {  	s0 =	rddreg [dreg:$0x0];
	s2 =	stileid.u32  }
0x35f: {  	s1 =	rddreg [dreg:$0x1];
	p0 =	sne.s32 s2, $0x0  }
0x360: {  	s3 =	rddreg [dreg:$0x2];
	[bflag:$0x3] =	sbarrier.arrive $0xFFFF;
	s2 =	simm.s32 @!p0 $0x1C07  }
0x361: {  	[timem:s3], [sflag:s2] =	dma.local @!p0 [hbm:s0], s1  }
0x362: {  	s0 =	simm.s32 @!p0 $0x7  }
0x363: {  	_ =	swait.ge @!p0 [sflag:s0], s1  }
0x364: {  	s1 =	ssub.s32 @!p0 $0x0, s1;
	[sflag:s0] =	ssyncset.done @!p0 $0x0  }
0x365: {  	[sflag:s0] =	ssyncadd.s32 @!p0 s1  }
0x366: {  	[bflag:$0x3] =	sbarrier.arrive $0xFFFF  }
0x367: {  	_ =	shalt  }

// kernel: kernel.7.cloned.1.call-start
scs
__scs_entry_jumppad:
0x0: {  	(pc) =	sbr.rel $0x88, $3  }
0x1: {  	(tag) =	ssettag $0x0;
	lr =	simm.s32 $0x1  }
0x2: {  	[smem:$0x3F8F] =	sst lr;
	_ =	strace $0xD0000000  }
0x3: {  	_ = 	snop  }
0x4: {  	_ = 	snop  }
0x5: {  	_ = 	snop  }
0x6: {  	_ = 	snop  }
0x7: {  	_ = 	snop  }
__scs_overlays_trampoline_lowered:
0x8: {  	[smem:$0x3F9E] =	sst s0  }
0x9: {  	[smem:$0x3F9F] =	sst s1  }
0xa: {  	[smem:$0x3FA0] =	sst s2  }
0xb: {  	[smem:$0x3FA1] =	sst s3  }
0xc: {  	[smem:$0x3FA2] =	sst s4  }
0xd: {  	[smem:$0x3FA3] =	sst s5  }
0xe: {  	[smem:$0x3FA4] =	sst s6  }
0xf: {  	[smem:$0x3FA5] =	sst s7  }
0x10: {  	[smem:$0x3FA6] =	sst s8  }
0x11: {  	[smem:$0x3FA7] =	sst s9;
	s0 =	simm.s32 @!p0 $0x0  }
0x12: {  	s1 =	sld [smem:$0x3F8D];
	s0 =	simm.s32 @p0 $0x1  }
0x13: {  	[smem:$0x3FA8] =	sst s0;
	s0 =	simm.s32 @!p1 $0x0  }
0x14: {  	s2 =	sld [smem:$0x3F8C];
	s0 =	simm.s32 @p1 $0x1  }
0x15: {  	[smem:$0x3FA9] =	sst s0;
	s0 =	simm.s32 @!p2 $0x0  }
0x16: {  	s3 =	sld [smem:$0x3FDB];
	s0 =	simm.s32 @p2 $0x1  }
0x17: {  	s4 =	simm.s32 $0x1BF5;
	[smem:$0x3FAB] =	sst s0  }
0x18: {  	s0 =	sld [smem:$0x3F8E];
	_ =	swait.ge [sflag:s4], $0x0  }
0x19: {  	s7 =	sld [smem:$0x3F8F]  }
0x1a: {  	s8 =	sadd.s32 $0xFFFFE003, lr  }
0x1b: {  	s9 =	sadd.s32 $0xFFFFFEF7, lr;
	s5 =	simm.s32 $0xFFFFFFFF;
	p2 =	slt.u32 s8, $0xFFFFF086  }
0x1c: {  	p1 =	slt.u32 s9, $0xF7A;
	s5 =	simm.s32 @!p2 $0x0  }
0x1d: {  	s5 =	simm.s32 @p1 $0x1;
	p0 =	seq.s32 s7, s2  }
0x1e: {  	s7 =	smul.u32 @!p0 $0xF7A, s2;
	p2 =	seq.s32 @!p0 s5, $0x0  }
0x1f: {  	s9 =	smul.u32 $0xF7A, s1;
	s8 =	simm.s32 @!p0 $0x1BF5;
	p2 =	por !p2, p0  }
0x20: {  	[sflag:s8] =	ssyncset.s32 @!p0 $0xFFFFF086;
	s6 =	sadd.s32 @!p0 s3, s7;
	s7 =	simm.s32 @!p0 $0x108  }
0x21: {  	s3 =	sadd.s32 s3, s9;
	s6 =	sadd.s32 @!p0 $0x88, s6;
	s7 =	simm.s32 @p2 $0x1082  }
0x22: {  	[simem:s7], [sflag:s8] =	dma.local @!p0 [hbm:s6], $0xF7A  }
0x23: {  	s9 =	sor.u32 $0xD0000000, s2;
	s6 =	simm.s32 $0x108;
	_ =	swait.ge @!p0 [sflag:s8], $0x0  }
0x24: {  	s3 =	sadd.s32 $0x88, s3;
	s6 =	simm.s32 @!p1 $0x1082;
	[sflag:s4] =	ssyncset.s32 $0xFFFFF086  }
0x25: {  	[simem:s6], [sflag:s4] =	dma.local [hbm:s3], $0xF7A  }
0x26: {  	[smem:$0x3F8F] =	sst s1;
	(tag) =	ssettag s2;
	_ =	strace s9  }
0x27: {  	s1 =	sld [smem:$0x3F9F]  }
0x28: {  	s2 =	sld [smem:$0x3FA0]  }
0x29: {  	s4 =	sld [smem:$0x3FA2]  }
0x2a: {  	p0 =	seq.s32 s5, $0x0;
	s5 =	sld [smem:$0x3FA3]  }
0x2b: {  	s6 =	sld [smem:$0x3FA4]  }
0x2c: {  	s7 =	sld [smem:$0x3FA5]  }
0x2d: {  	s3 =	simm.s32 $0x108;
	s8 =	sld [smem:$0x3FA6]  }
0x2e: {  	s3 =	simm.s32 @!p0 $0x1082;
	s9 =	sld [smem:$0x3FA7]  }
0x2f: {  	lr =	sadd.s32 s0, s3;
	s0 =	sld [smem:$0x3F9E]  }
0x30: {  	s3 =	sld [smem:$0x3FA1]  }
0x31: {  	[smem:$0x3FAA] =	sst s10  }
0x32: {  	s10 =	sld [smem:$0x3FA8];
	_ =	sdelay $0x3  }
0x33: {  	p0 =	seq.s32 s10, $0x1;
	s10 =	sld [smem:$0x3FAA];
	_ =	sdelay $0x3  }
0x34: {  	[smem:$0x3FAA] =	sst s10  }
0x35: {  	s10 =	sld [smem:$0x3FA9];
	_ =	sdelay $0x3  }
0x36: {  	p1 =	seq.s32 s10, $0x1;
	s10 =	sld [smem:$0x3FAA];
	_ =	sdelay $0x3  }
0x37: {  	[smem:$0x3FAA] =	sst s10  }
0x38: {  	s10 =	sld [smem:$0x3FAB]  }
0x39: {  	_ = 	snop;
	(pc) =	sbr.ind lr, $3  }
0x3a: {  	_ = 	snop  }
0x3b: {  	_ = 	snop  }
0x3c: {  	p2 =	seq.s32 s10, $0x1;
	s10 =	sld [smem:$0x3FAA]  }
0x3d: {  	_ =	shalt  }
0x3e: {  	_ =	shalt  }
0x3f: {  	_ =	shalt  }
0x40: {  	_ =	shalt  }
0x41: {  	_ =	shalt  }
0x42: {  	_ =	shalt  }
0x43: {  	_ =	shalt  }
0x44: {  	_ =	shalt  }
0x45: {  	_ =	shalt  }
0x46: {  	_ =	shalt  }
0x47: {  	_ =	shalt  }
0x48: {  	_ =	shalt  }
0x49: {  	_ =	shalt  }
0x4a: {  	_ =	shalt  }
0x4b: {  	_ =	shalt  }
0x4c: {  	_ =	shalt  }
0x4d: {  	_ =	shalt  }
0x4e: {  	_ =	shalt  }
0x4f: {  	_ =	shalt  }
0x50: {  	_ =	shalt  }
0x51: {  	_ =	shalt  }
0x52: {  	_ =	shalt  }
0x53: {  	_ =	shalt  }
0x54: {  	_ =	shalt  }
0x55: {  	_ =	shalt  }
0x56: {  	_ =	shalt  }
0x57: {  	_ =	shalt  }
0x58: {  	_ =	shalt  }
0x59: {  	_ =	shalt  }
0x5a: {  	_ =	shalt  }
0x5b: {  	_ =	shalt  }
0x5c: {  	_ =	shalt  }
0x5d: {  	_ =	shalt  }
0x5e: {  	_ =	shalt  }
0x5f: {  	_ =	shalt  }
0x60: {  	_ =	shalt  }
0x61: {  	_ =	shalt  }
0x62: {  	_ =	shalt  }
0x63: {  	_ =	shalt  }
0x64: {  	_ =	shalt  }
0x65: {  	_ =	shalt  }
0x66: {  	_ =	shalt  }
0x67: {  	_ =	shalt  }
0x68: {  	_ =	shalt  }
0x69: {  	_ =	shalt  }
0x6a: {  	_ =	shalt  }
0x6b: {  	_ =	shalt  }
0x6c: {  	_ =	shalt  }
0x6d: {  	_ =	shalt  }
0x6e: {  	_ =	shalt  }
0x6f: {  	_ =	shalt  }
0x70: {  	_ =	shalt  }
0x71: {  	_ =	shalt  }
0x72: {  	_ =	shalt  }
0x73: {  	_ =	shalt  }
0x74: {  	_ =	shalt  }
0x75: {  	_ =	shalt  }
0x76: {  	_ =	shalt  }
0x77: {  	_ =	shalt  }
0x78: {  	_ =	shalt  }
0x79: {  	_ =	shalt  }
0x7a: {  	_ =	shalt  }
0x7b: {  	_ =	shalt  }
0x7c: {  	_ =	shalt  }
0x7d: {  	_ =	shalt  }
0x7e: {  	_ =	shalt  }
0x7f: {  	_ =	shalt  }
0x80: {  	_ =	shalt  }
0x81: {  	_ =	shalt  }
0x82: {  	_ =	shalt  }
0x83: {  	_ =	shalt  }
0x84: {  	_ =	shalt  }
0x85: {  	_ =	shalt  }
0x86: {  	_ =	shalt  }
0x87: {  	_ =	shalt  }
.Lfunc_end0:
.L_simem_size_0:
called_computation_lowered:
.L_overlay_start_0:
0x88: {  	s2 =	sld [smem:$0x3FD9]  }
0x89: {  	s3 =	sld [smem:$0x3FFE];
	_ =	sdelay $0x1  }
0x8a: {  	s1 =	srdreg.scid  }
0x8b: {  	s0 =	sand.u32 $0x1, s1  }
0x8c: {  	s14 =	sshll.u32 s0, $0xA;
	s2 =	sadd.s32 s3, s2  }
0x8d: {  	s2 =	sadd.s32 s2, s14  }
0x8e: {  	[smem:$0x3FB6] =	sst s2  }
0x8f: {  	_ = 	snop  }
0x90: {  	s2 =	sld [smem:$0x3FD0];
	_ =	sdelay $0x2  }
0x91: {  	s15 =	simm.s32 $0xA;
	s4 =	simm.s32 $0x10  }
0x92: {  	[smem:s4], [sflag:s15] =	dma.local [hbm:s2], $0x1  }
0x93: {  	_ =	swait.eq [sflag:s15], $0x1  }
0x94: {  	[sflag:s15] =	ssyncset.done $0x0  }
0x95: {  	[sflag:s15] =	ssyncadd.s32 $0xFFFFFFFF  }
0x96: {  	s16 =	sld [smem:$0x11];
	(tm) =	ssettm $0x1  }
0x97: {  	s17 =	sld [smem:$0x3FFB];
	_ =	sdelay $0x3  }
0x98: {  	_ =	strace s17  }
0x99: {  	s3 =	sld [smem:$0x3FFC];
	_ =	sdelay $0x3  }
0x9a: {  	_ =	strace s3  }
0x9b: {  	s3 =	sld [smem:$0x3FFD];
	_ =	sdelay $0x3  }
0x9c: {  	_ =	strace s3  }
0x9d: {  	_ =	strace $0x8FFFFFFF  }
0x9e: {  	s18 =	sld [smem:$0x3FDB];
	_ =	sdelay $0x1  }
0x9f: {  	s19 =	simm.s32 $_scs_section_size  }
0xa0: {  	s5 =	simm.s32 $_size__tile_overlayer_lowered;
	s6 =	simm.s32 $_tile_overlayer_lowered  }
0xa1: {  	s22 =	simm.s32 $0x1BFF;
	s21 =	sshll.u32 s6, $0x1;
	s3 =	sadd.s32 s19, s18  }
0xa2: {  	s7 =	simm.s32 $0x0;
	s20 =	sshll.u32 s5, $0x1;
	s5 =	sadd.s32 s21, s3  }
0xa3: {  	[timem:s7], [sflag:s22] =	dma.local [hbm:s5], s20  }
0xa4: {  	_ =	swait.ge [sflag:s22], s20  }
0xa5: {  	s4 =	ssub.s32 $0x0, s20;
	[sflag:s22] =	ssyncset.done $0x0  }
0xa6: {  	[sflag:s22] =	ssyncadd.s32 s4;
	_ =	sdelay $0x1  }
0xa7: {  	s23 =	simm.s32 $0x1B8B  }
0xa8: {  	_ =	swait.ge [sflag:s23], $0x1  }
0xa9: {  	[sflag:s23] =	ssyncset.done $0x0  }
0xaa: {  	s25 =	simm.s32 $0x1B8E;
	s24 =	sld [smem:$0x3FFE];
	[sflag:s23] =	ssyncadd.s32 $0xFFFFFFFF  }
0xab: {  	s26 =	simm.s32 $execute0_lowered;
	[smem:$0x3FD2] =	sst s25  }
0xac: {  	s5 =	sshll.u32 s26, $0x1;
	_ =	strace $0x80000046;
	[dreg:$0x1] =	wrdreg $0xFFFFFFFF  }
0xad: {  	s28 =	simm.s32 $_size_execute0_lowered;
	s3 =	sadd.s32 s3, s5;
	[dreg:$0x0] =	wrdreg $0x0  }
0xae: {  	s5 =	sshll.u32 s28, $0x1;
	[dreg:$0x2] =	wrdreg s3  }
0xaf: {  	[dreg:$0x3] =	wrdreg s5  }
0xb0: {  	[dreg:$0x4] =	wrdreg $0xC0  }
0xb1: {  	_ =	task [dreg:s7], $0x5FFFF  }
0xb2: {  	[dreg:$0x1] =	wrdreg $0xFFFFFFFF  }
0xb3: {  	[dreg:$0x0] =	wrdreg $0x60  }
0xb4: {  	[dreg:$0x2] =	wrdreg s24  }
0xb5: {  	[dreg:$0x3] =	wrdreg s16  }
0xb6: {  	[dreg:$0x4] =	wrdreg $0x9  }
0xb7: {  	_ =	task.clear_ibuf [dreg:s7], $0x5FFFF;
	_ =	strace $0x90000046  }
0xb8: {  	s29 =	simm.s32 $0x9;
	_ =	strace $0x80000048  }
0xb9: {  	_ =	swait.ge [sflag:s29], $0x1  }
0xba: {  	[sflag:s29] =	ssyncadd.s32 $0xFFFFFFFF  }
0xbb: {  	_ =	strace $0x90000048  }
0xbc: {  	_ =	sfence  }
0xbd: {  	s30 =	sld [smem:$0x0];
	_ =	sdelay $0x2  }
0xbe: {  	s31 =	sshll.u32 s1, $0xD;
	s1 =	sshrl.u32 s1, $0x2  }
0xbf: {  	s3 =	sand.u32 $0x4000, s31;
	s1 =	sadd.s32 s1, s30  }
0xc0: {  	s0 =	sor.u32 s3, s0;
	s1 =	sshll.u32 s1, $0x11  }
0xc1: {  	s0 =	sor.u32 s1, s0  }
0xc2: {  	s0 =	sadd.s32 $0x8F2B, s0  }
0xc3: {  	[sflag:s0] =	ssyncadd.remote.s32 $0x1  }
0xc4: {  	_ =	sfence.sel $0xFFFF  }
0xc5: {  	[dreg:$0x0] =	wrdreg $0xFFFFFFFF;
	(pc) =	sbr.abs _section_cstart, $3  }
0xc6: {  	[dreg:$0x1] =	wrdreg $0xFFFFFFFF  }
0xc7: {  	_ =	task.clear_ibuf [dreg:s7], $0x2FFFF;
	_ =	strace $0x9FFFFFFF  }
0xc8: {  	(tm) =	ssettm $0x7FFFFFFF  }
0xc9: {  	_ =	shalt  }
tec
execute0_lowered:
.L_overlay_start_1:
0x0: {  	(tag) =	ssettag $0x1  }
0x1: {  	s0 =	srdreg.scid  }
0x2: {  	s16 =	sand.u32 $0x1, s0  }
0x3: {  	s0 =	stileid.u32;
	s1 =	sshll.u32 s16, $0x4  }
0x4: {  	s8 =	rddreg [dreg:$0x0];
	s9 =	sor.u32 s0, s1  }
0x5: {  	s15 =	rddreg [dreg:$0x1];
	s2 =	simm.s32 $0x0;
	s17 =	smul.u32 $0x280, s9  }
0x6: {  	[smem:$0x7FF] =	sst s2  }
0x7: {  	s1 =	rddreg [dreg:$0x2];
	s3 =	sshrl.u32 s17, $0x3  }
0x8: {  	_ =	strace $0x80000047;
	s4 =	sadd.s32 s15, s3;
	s3 =	simm.s32 $0x2  }
0x9: {  	[tilespmem:s2], [sflag:$0x2] =	stream.linear.gather [hbm4b:s4+s2], $0x80, $0x38;
	[tilespmem:$0x4080] =	vst v63  }
0xa: {  	_ =	swait.ge [sflag:s3], $0x80  }
0xb: {  	s6 =	simm.s32 $0x80;
	[sflag:s3] =	ssyncset.done $0x0  }
0xc: {  	s7 =	simm.s32 $0x1;
	s5 =	sadd.s32 $0x2800, s8;
	[sflag:s3] =	ssyncadd.s32 $0xFFFFFF80  }
0xd: {  	[tilespmem:s6], [sflag:$0x1] =	stream.indirect.gather [hbm4b:s5+s6], $0x80, s2, s6, $0xb8;
	[tilespmem:$0x4080] =	vst v63  }
0xe: {  	s9 =	smul.u32 $0x2800, s9;
	_ =	swait.ge [sflag:s7], $0x4000  }
0xf: {  	s18 =	sadd.s32 $0x50A00, s8;
	[sflag:s7] =	ssyncset.done $0x0  }
0x10: {  	s8 =	sadd.s32 s18, s9;
	[sflag:s7] =	ssyncadd.s32 $0xFFFFC000  }
0x11: {  	[hbm4b:s8+s2] =	stream.linear.scatter [tilespmem:s6], [sflag:$0x2], $0x4000, $0x38;
	[tilespmem:$0x4080] =	vst v63  }
0x12: {  	s10 =	sadd.s32 $0x80, s17;
	_ =	swait.ge [sflag:s3], $0x4000  }
0x13: {  	s28 =	sshrl.u32 s10, $0x3;
	[sflag:s3] =	ssyncset.done $0x0  }
0x14: {  	s9 =	sadd.s32 s15, s28;
	[sflag:s3] =	ssyncadd.s32 $0xFFFFC000  }
0x15: {  	[tilespmem:s2], [sflag:$0x2] =	stream.linear.gather [hbm4b:s9+s2], $0x80, $0x38;
	[tilespmem:$0x4080] =	vst v63  }
0x16: {  	_ =	swait.ge [sflag:s3], $0x80  }
0x17: {  	[sflag:s3] =	ssyncset.done $0x0  }
0x18: {  	[sflag:s3] =	ssyncadd.s32 $0xFFFFFF80  }
0x19: {  	[tilespmem:s6], [sflag:$0x1] =	stream.indirect.gather [hbm4b:s5+s6], $0x80, s2, s6, $0xb8;
	[tilespmem:$0x4080] =	vst v63  }
0x1a: {  	_ =	swait.ge [sflag:s7], $0x4000  }
0x1b: {  	s10 =	sshll.u32 s10, $0x4;
	[sflag:s7] =	ssyncset.done $0x0  }
0x1c: {  	s10 =	sadd.s32 s18, s10;
	[sflag:s7] =	ssyncadd.s32 $0xFFFFC000  }
0x1d: {  	[hbm4b:s10+s2] =	stream.linear.scatter [tilespmem:s6], [sflag:$0x2], $0x4000, $0x38;
	[tilespmem:$0x4080] =	vst v63  }
0x1e: {  	s12 =	sadd.s32 $0x100, s17;
	_ =	swait.ge [sflag:s3], $0x4000  }
0x1f: {  	s11 =	sshrl.u32 s12, $0x3;
	[sflag:s3] =	ssyncset.done $0x0  }
0x20: {  	s11 =	sadd.s32 s15, s11;
	[sflag:s3] =	ssyncadd.s32 $0xFFFFC000  }
0x21: {  	[tilespmem:s2], [sflag:$0x2] =	stream.linear.gather [hbm4b:s11+s2], $0x80, $0x38;
	[tilespmem:$0x4080] =	vst v63  }
0x22: {  	_ =	swait.ge [sflag:s3], $0x80  }
0x23: {  	[sflag:s3] =	ssyncset.done $0x0  }
0x24: {  	[sflag:s3] =	ssyncadd.s32 $0xFFFFFF80  }
0x25: {  	[tilespmem:s6], [sflag:$0x1] =	stream.indirect.gather [hbm4b:s5+s6], $0x80, s2, s6, $0xb8;
	[tilespmem:$0x4080] =	vst v63  }
0x26: {  	_ =	swait.ge [sflag:s7], $0x4000  }
0x27: {  	s12 =	sshll.u32 s12, $0x4;
	[sflag:s7] =	ssyncset.done $0x0  }
0x28: {  	s12 =	sadd.s32 s18, s12;
	[sflag:s7] =	ssyncadd.s32 $0xFFFFC000  }
0x29: {  	[hbm4b:s12+s2] =	stream.linear.scatter [tilespmem:s6], [sflag:$0x2], $0x4000, $0x38;
	[tilespmem:$0x4080] =	vst v63  }
0x2a: {  	s14 =	sadd.s32 $0x180, s17;
	_ =	swait.ge [sflag:s3], $0x4000  }
0x2b: {  	s13 =	sshrl.u32 s14, $0x3;
	[sflag:s3] =	ssyncset.done $0x0  }
0x2c: {  	s13 =	sadd.s32 s15, s13;
	[sflag:s3] =	ssyncadd.s32 $0xFFFFC000  }
0x2d: {  	[tilespmem:s2], [sflag:$0x2] =	stream.linear.gather [hbm4b:s13+s2], $0x80, $0x38;
	[tilespmem:$0x4080] =	vst v63  }
0x2e: {  	_ =	swait.ge [sflag:s3], $0x80  }
0x2f: {  	[sflag:s3] =	ssyncset.done $0x0  }
0x30: {  	[sflag:s3] =	ssyncadd.s32 $0xFFFFFF80  }
0x31: {  	[tilespmem:s6], [sflag:$0x1] =	stream.indirect.gather [hbm4b:s5+s6], $0x80, s2, s6, $0xb8;
	[tilespmem:$0x4080] =	vst v63  }
0x32: {  	_ =	swait.ge [sflag:s7], $0x4000  }
0x33: {  	s14 =	sshll.u32 s14, $0x4;
	[sflag:s7] =	ssyncset.done $0x0  }
0x34: {  	s14 =	sadd.s32 s18, s14;
	[sflag:s7] =	ssyncadd.s32 $0xFFFFC000  }
0x35: {  	[hbm4b:s14+s2] =	stream.linear.scatter [tilespmem:s6], [sflag:$0x2], $0x4000, $0x38;
	[tilespmem:$0x4080] =	vst v63  }
0x36: {  	s17 =	sadd.s32 $0x200, s17;
	_ =	swait.ge [sflag:s3], $0x4000  }
0x37: {  	s19 =	sshrl.u32 s17, $0x3;
	[sflag:s3] =	ssyncset.done $0x0  }
0x38: {  	s16 =	ssub.s32 $0x2, s16;
	s15 =	sadd.s32 s15, s19;
	[sflag:s3] =	ssyncadd.s32 $0xFFFFC000  }
0x39: {  	[tilespmem:s2], [sflag:$0x2] =	stream.linear.gather [hbm4b:s15+s2], $0x80, $0x38;
	[tilespmem:$0x4080] =	vst v63  }
0x3a: {  	s29 =	sshrl.u32 s16, $0x1;
	_ =	swait.ge [sflag:s3], $0x80  }
0x3b: {  	s19 =	ssub.s32 s16, s29;
	[sflag:s3] =	ssyncset.done $0x0  }
0x3c: {  	s31 =	smax.u32 s19, $0x1;
	[sflag:s3] =	ssyncadd.s32 $0xFFFFFF80  }
0x3d: {  	[tilespmem:s6], [sflag:$0x1] =	stream.indirect.gather [hbm4b:s5+s6], $0x80, s2, s6, $0xb8;
	[tilespmem:$0x4080] =	vst v63  }
0x3e: {  	p0 =	sne.s32 s31, $0x1;
	_ =	swait.ge [sflag:s7], $0x4000  }
.Ltmp0:
0x3f: {  	s30 =	sshll.u32 s17, $0x4;
	[sflag:s7] =	ssyncset.done $0x0;
	(pc) =	sbr.rel @!p0 .LBB2_2-.Ltmp0, $4  }
0x40: {  	s16 =	sadd.s32 s18, s30;
	[sflag:s7] =	ssyncadd.s32 $0xFFFFC000  }
0x41: {  	[hbm4b:s16+s2] =	stream.linear.scatter [tilespmem:s6], [sflag:$0x2], $0x4000, $0x38;
	[tilespmem:$0x4080] =	vst v63  }
0x42: {  	_ =	swait.ge [sflag:s3], $0x4000  }
0x43: {  	s17 =	sadd.s32 $0xFFFFFFFF, s31;
	[sflag:s3] =	ssyncset.done $0x0  }
.LBB2_1:
0x44: {  	p0 =	sne.s32 s17, $0x1;
	s17 =	sadd.s32 $0xFFFFFFFF, s17;
	[sflag:s3] =	ssyncadd.s32 $0xFFFFC000  }
0x45: {  	[tilespmem:s2], [sflag:$0x2] =	stream.linear.gather [hbm4b:s4+s2], $0x80, $0x38;
	[tilespmem:$0x4080] =	vst v63  }
0x46: {  	_ =	swait.ge [sflag:s3], $0x80  }
0x47: {  	[sflag:s3] =	ssyncset.done $0x0  }
0x48: {  	[sflag:s3] =	ssyncadd.s32 $0xFFFFFF80  }
0x49: {  	[tilespmem:s6], [sflag:$0x1] =	stream.indirect.gather [hbm4b:s5+s6], $0x80, s2, s6, $0xb8;
	[tilespmem:$0x4080] =	vst v63  }
0x4a: {  	_ =	swait.ge [sflag:s7], $0x4000  }
0x4b: {  	[sflag:s7] =	ssyncset.done $0x0  }
0x4c: {  	[sflag:s7] =	ssyncadd.s32 $0xFFFFC000  }
0x4d: {  	[hbm4b:s8+s2] =	stream.linear.scatter [tilespmem:s6], [sflag:$0x2], $0x4000, $0x38;
	[tilespmem:$0x4080] =	vst v63  }
0x4e: {  	_ =	swait.ge [sflag:s3], $0x4000  }
0x4f: {  	[sflag:s3] =	ssyncset.done $0x0  }
0x50: {  	[sflag:s3] =	ssyncadd.s32 $0xFFFFC000  }
0x51: {  	[tilespmem:s2], [sflag:$0x2] =	stream.linear.gather [hbm4b:s9+s2], $0x80, $0x38;
	[tilespmem:$0x4080] =	vst v63  }
0x52: {  	_ =	swait.ge [sflag:s3], $0x80  }
0x53: {  	[sflag:s3] =	ssyncset.done $0x0  }
0x54: {  	[sflag:s3] =	ssyncadd.s32 $0xFFFFFF80  }
0x55: {  	[tilespmem:s6], [sflag:$0x1] =	stream.indirect.gather [hbm4b:s5+s6], $0x80, s2, s6, $0xb8;
	[tilespmem:$0x4080] =	vst v63  }
0x56: {  	_ =	swait.ge [sflag:s7], $0x4000  }
0x57: {  	[sflag:s7] =	ssyncset.done $0x0  }
0x58: {  	[sflag:s7] =	ssyncadd.s32 $0xFFFFC000  }
0x59: {  	[hbm4b:s10+s2] =	stream.linear.scatter [tilespmem:s6], [sflag:$0x2], $0x4000, $0x38;
	[tilespmem:$0x4080] =	vst v63  }
0x5a: {  	_ =	swait.ge [sflag:s3], $0x4000  }
0x5b: {  	[sflag:s3] =	ssyncset.done $0x0  }
0x5c: {  	[sflag:s3] =	ssyncadd.s32 $0xFFFFC000  }
0x5d: {  	[tilespmem:s2], [sflag:$0x2] =	stream.linear.gather [hbm4b:s11+s2], $0x80, $0x38;
	[tilespmem:$0x4080] =	vst v63  }
0x5e: {  	_ =	swait.ge [sflag:s3], $0x80  }
0x5f: {  	[sflag:s3] =	ssyncset.done $0x0  }
0x60: {  	[sflag:s3] =	ssyncadd.s32 $0xFFFFFF80  }
0x61: {  	[tilespmem:s6], [sflag:$0x1] =	stream.indirect.gather [hbm4b:s5+s6], $0x80, s2, s6, $0xb8;
	[tilespmem:$0x4080] =	vst v63  }
0x62: {  	_ =	swait.ge [sflag:s7], $0x4000  }
0x63: {  	[sflag:s7] =	ssyncset.done $0x0  }
0x64: {  	[sflag:s7] =	ssyncadd.s32 $0xFFFFC000  }
0x65: {  	[hbm4b:s12+s2] =	stream.linear.scatter [tilespmem:s6], [sflag:$0x2], $0x4000, $0x38;
	[tilespmem:$0x4080] =	vst v63  }
0x66: {  	_ =	swait.ge [sflag:s3], $0x4000  }
0x67: {  	[sflag:s3] =	ssyncset.done $0x0  }
0x68: {  	[sflag:s3] =	ssyncadd.s32 $0xFFFFC000  }
0x69: {  	[tilespmem:s2], [sflag:$0x2] =	stream.linear.gather [hbm4b:s13+s2], $0x80, $0x38;
	[tilespmem:$0x4080] =	vst v63  }
0x6a: {  	_ =	swait.ge [sflag:s3], $0x80  }
0x6b: {  	[sflag:s3] =	ssyncset.done $0x0  }
0x6c: {  	[sflag:s3] =	ssyncadd.s32 $0xFFFFFF80  }
0x6d: {  	[tilespmem:s6], [sflag:$0x1] =	stream.indirect.gather [hbm4b:s5+s6], $0x80, s2, s6, $0xb8;
	[tilespmem:$0x4080] =	vst v63  }
0x6e: {  	_ =	swait.ge [sflag:s7], $0x4000  }
0x6f: {  	[sflag:s7] =	ssyncset.done $0x0  }
0x70: {  	[sflag:s7] =	ssyncadd.s32 $0xFFFFC000  }
0x71: {  	[hbm4b:s14+s2] =	stream.linear.scatter [tilespmem:s6], [sflag:$0x2], $0x4000, $0x38;
	[tilespmem:$0x4080] =	vst v63  }
0x72: {  	_ =	swait.ge [sflag:s3], $0x4000  }
0x73: {  	[sflag:s3] =	ssyncset.done $0x0  }
0x74: {  	[sflag:s3] =	ssyncadd.s32 $0xFFFFC000  }
0x75: {  	[tilespmem:s2], [sflag:$0x2] =	stream.linear.gather [hbm4b:s15+s2], $0x80, $0x38;
	[tilespmem:$0x4080] =	vst v63  }
0x76: {  	_ =	swait.ge [sflag:s3], $0x80  }
0x77: {  	[sflag:s3] =	ssyncset.done $0x0  }
0x78: {  	[sflag:s3] =	ssyncadd.s32 $0xFFFFFF80  }
0x79: {  	[tilespmem:s6], [sflag:$0x1] =	stream.indirect.gather [hbm4b:s5+s6], $0x80, s2, s6, $0xb8;
	[tilespmem:$0x4080] =	vst v63  }
0x7a: {  	_ =	swait.ge [sflag:s7], $0x4000  }
.Ltmp1:
0x7b: {  	[sflag:s7] =	ssyncset.done $0x0;
	(pc) =	sbr.rel @p0 .LBB2_1-.Ltmp1, $4  }
0x7c: {  	[sflag:s7] =	ssyncadd.s32 $0xFFFFC000  }
0x7d: {  	[hbm4b:s16+s2] =	stream.linear.scatter [tilespmem:s6], [sflag:$0x2], $0x4000, $0x38;
	[tilespmem:$0x4080] =	vst v63  }
0x7e: {  	_ =	swait.ge [sflag:s3], $0x4000  }
0x7f: {  	[sflag:s3] =	ssyncset.done $0x0  }
.LBB2_2:
0x80: {  	[sflag:s3] =	ssyncadd.s32 $0xFFFFC000  }
0x81: {  	_ =	sfence.sel $0x180000  }
0x82: {  	[bflag:$0x0] =	sbarrier.arrive $0xFFFF  }
0x83: {  	p0 =	sne.s32 s0, $0x0;
	_ =	strace $0x90000047  }
0x84: {  	s0 =	sadd.s32 @!p0 $0x100000, s1;
	[bflag:$0x2] =	sbarrier.arrive $0xFFFF  }
0x85: {  	[sflag:s0] =	ssyncadd.tile.s32 @!p0 $0x1;
	_ =	shalt  }
.Lfunc_end2:
_tile_overlayer_lowered:
.L_overlay_start_2:
0x86: {  	(tag) =	ssettag $0x2  }
0x87: {  	s0 =	rddreg [dreg:$0x0];
	s2 =	stileid.u32  }
0x88: {  	s1 =	rddreg [dreg:$0x1];
	p0 =	sne.s32 s2, $0x0  }
0x89: {  	s3 =	rddreg [dreg:$0x2];
	[bflag:$0x3] =	sbarrier.arrive $0xFFFF;
	s2 =	simm.s32 @!p0 $0x1C02  }
0x8a: {  	[timem:s3], [sflag:s2] =	dma.local @!p0 [hbm:s0], s1  }
0x8b: {  	s0 =	simm.s32 @!p0 $0x2  }
0x8c: {  	_ =	swait.ge @!p0 [sflag:s0], s1  }
0x8d: {  	s1 =	ssub.s32 @!p0 $0x0, s1;
	[sflag:s0] =	ssyncset.done @!p0 $0x0  }
0x8e: {  	[sflag:s0] =	ssyncadd.s32 @!p0 s1  }
0x8f: {  	[bflag:$0x3] =	sbarrier.arrive $0xFFFF  }
0x90: {  	_ =	shalt  }

</sc_bundles>
